<compile_context>
chip_gen: v7x
topology: tpu7x:2x2x1
jax: 0.10.2.dev20260603
libtpu: 0.0.44.dev20260713+nightly
codegen_flags: <defaults>
</compile_context>

<pallas_src>
import functools

import jax
import jax.numpy as jnp
from jax import lax
from jax.experimental import pallas as pl
from jax.experimental.pallas import tpu as pltpu
from jax.experimental.pallas import tpu_sc as plsc

N = 10000
E = 320000
D_IN = 128
H1 = 128
H2 = 64

NC = 2
NS = 16
NW = NC * NS
CHUNK = 40
ET = E // NW
NCHUNK = ET // CHUNK
KBUF = 5
ROWS_PER_TILE = 640
NOUT = NS * ROWS_PER_TILE
ACC_ROWS = NOUT

_mesh = plsc.VectorSubcoreMesh(
    core_axis_name="c", subcore_axis_name="s", num_cores=NC, num_subcores=NS
)


def _zero_vmem(ref, rows, width):
    zv = jnp.zeros((16,), jnp.float32)
    lanes = width // 16

    def body(k, _):
        i = k // lanes
        j = k % lanes
        ref[i, pl.ds(j * 16, 16)] = zv
        return 0

    lax.fori_loop(0, rows * lanes, body, 0)


def _agg_body(width, g_hbm, src_hbm, dst_hbm, out_hbm, *scratch):
    srcv, dstv = scratch[0], scratch[1]
    bufs = scratch[2:2 + KBUF]
    acc = scratch[2 + KBUF]
    gsems = scratch[3 + KBUF:3 + 2 * KBUF]
    ssems = scratch[3 + 2 * KBUF:3 + 3 * KBUF]

    c = lax.axis_index("c")
    s = lax.axis_index("s")
    t = c * NS + s

    _zero_vmem(bufs[0], CHUNK, width)
    base = s * ROWS_PER_TILE
    for i in range(ROWS_PER_TILE // CHUNK):
        pltpu.sync_copy(bufs[0], acc.at[pl.ds(base + i * CHUNK, CHUNK)])

    pltpu.sync_copy(src_hbm.at[t], srcv)
    pltpu.sync_copy(dst_hbm.at[t], dstv)

    plsc.subcore_barrier()

    def g_start(j, b):
        pltpu.async_copy(g_hbm.at[srcv.at[j]], bufs[b], gsems[b])

    def g_wait(j, b):
        pltpu.make_async_copy(g_hbm.at[srcv.at[j]], bufs[b], gsems[b]).wait()

    def s_start(j, b):
        pltpu.async_copy(bufs[b], acc.at[dstv.at[j]], ssems[b], add=True)

    def s_wait(j, b):
        pltpu.make_async_copy(bufs[b], acc.at[dstv.at[j]], ssems[b]).wait()

    def step(j, b, fetch=True):
        g_wait(j, b)
        s_start(j, b)
        s_wait(j - 1, (b + KBUF - 1) % KBUF)
        if fetch:
            g_start(j + KBUF - 1, (b + KBUF - 1) % KBUF)

    for b in range(KBUF - 1):
        g_start(b, b)
    g_wait(0, 0)
    s_start(0, 0)
    g_start(KBUF - 1, KBUF - 1)
    for j in range(1, KBUF):
        step(j, j % KBUF)

    QHI = (NCHUNK - KBUF) // KBUF

    def blk(q, _):
        j0 = KBUF * q
        for b in range(KBUF):
            step(j0 + b, b)
        return 0

    lax.fori_loop(1, QHI, blk, 0)

    for j in range(KBUF * QHI, NCHUNK):
        step(j, j % KBUF, fetch=(j + KBUF - 1 < NCHUNK))
    s_wait(NCHUNK - 1, (NCHUNK - 1) % KBUF)

    plsc.subcore_barrier()

    r0 = s * ROWS_PER_TILE
    pltpu.sync_copy(acc.at[pl.ds(r0, ROWS_PER_TILE)],
                    out_hbm.at[c].at[pl.ds(r0, ROWS_PER_TILE)])


def _make_agg(width):
    scratch = [
        pltpu.VMEM((NCHUNK, CHUNK), jnp.int32),
        pltpu.VMEM((NCHUNK, CHUNK), jnp.int32),
    ]
    scratch += [pltpu.VMEM((CHUNK, width), jnp.float32)] * KBUF
    scratch += [pltpu.VMEM_SHARED((ACC_ROWS, width), jnp.float32)]
    scratch += [pltpu.SemaphoreType.DMA] * (2 * KBUF)
    return pl.kernel(
        functools.partial(_agg_body, width),
        out_type=jax.ShapeDtypeStruct((NC, NOUT, width), jnp.float32),
        mesh=_mesh,
        scratch_types=scratch,
        compiler_params=pltpu.CompilerParams(use_tc_tiling_on_sc=False),
        name=f"gcn_agg_{width}",
    )


def _deg_body(dst_hbm, out_hbm, dstv, ones_b, zbuf, acc, sem):
    c = lax.axis_index("c")
    s = lax.axis_index("s")
    t = c * NS + s

    _zero_vmem(zbuf, 128, 16)
    base = s * ROWS_PER_TILE
    for i in range(ROWS_PER_TILE // 128):
        pltpu.sync_copy(zbuf, acc.at[pl.ds(base + i * 128, 128)])

    ov = jnp.ones((16,), jnp.float32)

    def fill(k, _):
        ones_b[k, pl.ds(0, 16)] = ov
        return 0

    lax.fori_loop(0, CHUNK, fill, 0)

    pltpu.sync_copy(dst_hbm.at[t], dstv)

    plsc.subcore_barrier()

    W = 4

    def fire(j):
        pltpu.async_copy(ones_b, acc.at[dstv.at[j]], sem, add=True)

    def drain(j):
        pltpu.make_async_copy(ones_b, acc.at[dstv.at[j]], sem).wait()

    for j in range(W):
        fire(j)

    def chunk(j, _):
        fire(j)
        drain(j - W)
        return 0

    lax.fori_loop(W, NCHUNK, chunk, 0)
    for j in range(NCHUNK - W, NCHUNK):
        drain(j)

    plsc.subcore_barrier()

    r0 = s * ROWS_PER_TILE
    pltpu.sync_copy(acc.at[pl.ds(r0, ROWS_PER_TILE)],
                    out_hbm.at[c].at[pl.ds(r0, ROWS_PER_TILE)])


_deg_kernel = pl.kernel(
    _deg_body,
    out_type=jax.ShapeDtypeStruct((NC, NOUT, 16), jnp.float32),
    mesh=_mesh,
    scratch_types=[
        pltpu.VMEM((NCHUNK, CHUNK), jnp.int32),
        pltpu.VMEM((CHUNK, 16), jnp.float32),
        pltpu.VMEM((128, 16), jnp.float32),
        pltpu.VMEM_SHARED((ACC_ROWS, 16), jnp.float32),
        pltpu.SemaphoreType.DMA,
    ],
    compiler_params=pltpu.CompilerParams(use_tc_tiling_on_sc=False),
    name="gcn_deg",
)



BN = 1000


def _dinv(d0_ref, d1_ref):
    deg = d0_ref[0, :, 0:1] + d1_ref[0, :, 0:1] + 1.0
    return lax.rsqrt(deg)


def _tc1_body(x_ref, w_ref, d0_ref, d1_ref, g_ref):
    dinv = _dinv(d0_ref, d1_ref)
    h = jnp.dot(x_ref[...], w_ref[...], preferred_element_type=jnp.float32)
    g_ref[...] = h * dinv


def _tc2_body(a0_ref, a1_ref, g1_ref, d0_ref, d1_ref, w_ref, b_ref, g2_ref):
    dinv = _dinv(d0_ref, d1_ref)
    h1 = jnp.maximum(dinv * (a0_ref[0] + a1_ref[0] + g1_ref[...])
                     + b_ref[...], 0.0)
    h2 = jnp.dot(h1, w_ref[...], preferred_element_type=jnp.float32)
    g2_ref[...] = h2 * dinv


def _tc3_body(a0_ref, a1_ref, g2_ref, d0_ref, d1_ref, w_ref, b_ref, out_ref):
    dinv = _dinv(d0_ref, d1_ref)
    h2 = jnp.maximum(dinv * (a0_ref[0] + a1_ref[0] + g2_ref[...])
                     + b_ref[...], 0.0)
    red = jnp.sum(h2 * w_ref[...], axis=1, keepdims=True)
    out_ref[...] = jnp.broadcast_to(red, out_ref.shape)


def _row_spec(width):
    return pl.BlockSpec((BN, width), lambda i: (i, 0))


def _full_spec(a, b):
    return pl.BlockSpec((a, b), lambda i: (0, 0))


def kernel(x, edge_index, W1, b1, W2, b2, Wfc, bfc):
    srcp = edge_index[0].reshape(NW, NCHUNK, CHUNK)
    dstp = edge_index[1].reshape(NW, NCHUNK, CHUNK)

    degp = _deg_kernel(dstp)

    grid = (N // BN,)

    def deg_spec(c):
        return pl.BlockSpec((1, BN, 16), lambda i, c=c: (c, i, 0))

    def agg_spec(c, width):
        return pl.BlockSpec((1, BN, width), lambda i, c=c: (c, i, 0))

    g1 = pl.pallas_call(
        _tc1_body,
        grid=grid,
        in_specs=[
            _row_spec(D_IN),
            _full_spec(D_IN, H1),
            deg_spec(0),
            deg_spec(1),
        ],
        out_specs=_row_spec(H1),
        out_shape=jax.ShapeDtypeStruct((N, H1), jnp.float32),
    )(x, W1, degp, degp)

    agg1 = _make_agg(H1)(g1, srcp, dstp)

    g2 = pl.pallas_call(
        _tc2_body,
        grid=grid,
        in_specs=[
            agg_spec(0, H1),
            agg_spec(1, H1),
            _row_spec(H1),
            deg_spec(0),
            deg_spec(1),
            _full_spec(H1, H2),
            _full_spec(1, H1),
        ],
        out_specs=_row_spec(H2),
        out_shape=jax.ShapeDtypeStruct((N, H2), jnp.float32),
    )(agg1, agg1, g1, degp, degp, W2, b1.reshape(1, H1))

    agg2 = _make_agg(H2)(g2, srcp, dstp)

    out = pl.pallas_call(
        _tc3_body,
        grid=grid,
        in_specs=[
            agg_spec(0, H2),
            agg_spec(1, H2),
            _row_spec(H2),
            deg_spec(0),
            deg_spec(1),
            _full_spec(1, H2),
            _full_spec(1, H2),
        ],
        out_specs=_row_spec(8),
        out_shape=jax.ShapeDtypeStruct((N, 8), jnp.float32),
    )(agg2, agg2, g2, degp, degp, Wfc.reshape(1, H2), b2.reshape(1, H2))

    return out[:, 0] + bfc[0]

# --- scband reference (transcript-rebuilt; emitter-appended) ---
"""Pipeline reference for scband-protein-gcn-4123168604927 (READ-ONLY COPY).

The authoritative reference and input builder live on the scoring server;
editing this copy changes nothing except your own understanding.
"""

import jax, jax.numpy as jnp
import numpy as np

N = 10000
E = 320000
D_IN = 128
H1 = 128
H2 = 64

def setup_inputs(seed: int = 0):
    key = jax.random.key(seed)
    k1, k2, k3, k4, k5 = jax.random.split(key, 5)
    x = jax.random.normal(k1, (N, D_IN), dtype=jnp.float32)
    edge_index = jax.random.randint(k2, (2, E), 0, N, dtype=jnp.int32)
    W1 = jax.random.normal(k3, (D_IN, H1), dtype=jnp.float32) * 0.05
    b1 = jnp.zeros((H1,), dtype=jnp.float32)
    W2 = jax.random.normal(k4, (H1, H2), dtype=jnp.float32) * 0.05
    b2 = jnp.zeros((H2,), dtype=jnp.float32)
    Wfc = jax.random.normal(k5, (H2, 1), dtype=jnp.float32) * 0.05
    bfc = jnp.zeros((1,), dtype=jnp.float32)
    return {"x": x, "edge_index": edge_index, "W1": W1, "b1": b1, "W2": W2, "b2": b2, "Wfc": Wfc, "bfc": bfc}

def gcn_conv(x, src, dst, W, b):
    # PyG GCNConv: h = x @ W, then D^{-1/2} A_hat D^{-1/2} aggregation (self-loops already appended), bias after aggregation
    h = x @ W
    deg = jnp.zeros((N,), dtype=h.dtype).at[dst].add(1.0)
    dinv = jnp.where(deg > 0, jax.lax.rsqrt(deg), 0.0)
    norm = dinv[src] * dinv[dst]
    msg = norm[:, None] * h[src]
    out = jnp.zeros((N, W.shape[1]), dtype=h.dtype).at[dst].add(msg)
    return out + b

def reference(x, edge_index, W1, b1, W2, b2, Wfc, bfc):
    loop = jnp.arange(N, dtype=edge_index.dtype)
    src = jnp.concatenate([edge_index[0], loop])
    dst = jnp.concatenate([edge_index[1], loop])
    h = jax.nn.relu(gcn_conv(x, src, dst, W1, b1))
    # dropout(0.3) is identity in eval mode
    h = jax.nn.relu(gcn_conv(h, src, dst, W2, b2))
    return (h @ Wfc + bfc).reshape(-1)

if __name__ == "__main__":
    import jax
    _d = setup_inputs()
    print(jax.jit(kernel)(*tuple(_d.values())))

</pallas_src>

<mosaic_0001>
#map = affine_map<(d0, d1) -> (0, 0, 0)>
module attributes {stable_mosaic.version = 14 : i64} {
  func.func @gcn_deg(%arg0: i32, %arg1: i32, %arg2: memref<32x250x40xi32, #tpu.memory_space<hbm>>, %arg3: memref<2x10240x16xf32, #tpu.memory_space<hbm>>, %arg4: memref<250x40xi32, #tpu.memory_space<vmem>>, %arg5: memref<40x16xf32, #tpu.memory_space<vmem>>, %arg6: memref<128x16xf32, #tpu.memory_space<vmem>>, %arg7: memref<10240x16xf32, #tpu.memory_space<vmem_shared>>, %arg8: memref<!tpu.dma_semaphore, #tpu.memory_space<semaphore_mem>>) attributes {dimension_semantics = [#tpu.dimension_semantics<core_parallel>, #tpu.dimension_semantics<subcore_parallel>], iteration_bounds = array<i64: 2, 16>, scalar_prefetch = 0 : i64, scratch_operands = 5 : i64, tpu.core_type = #tpu.core_type<sc_vector_subcore>, window_params = [{transform_indices = #map}, {transform_indices = #map}]} {
    %mul3A = arith.constant 16 : i32
    %mul3A_0 = arith.muli %arg0, %mul3A : i32
    %add3A = arith.addi %mul3A_0, %arg1 : i32
    %broadcast_in_dim3A = arith.constant 0.000000e+00 : f32
    %broadcast_in_dim3A_1 = vector.broadcast %broadcast_in_dim3A : f32 to vector<16xf32>
    %scan3A = arith.constant 0 : i32
    %scan3A_2 = arith.constant 0 : i32
    %scan3A_3 = arith.constant 128 : i32
    %scan3A_4 = arith.addi %scan3A_2, %scan3A_3 : i32
    %scan3A_5 = arith.constant 1 : i32
    %scan3A_6 = scf.for %scan3A_93 = %scan3A_2 to %scan3A_4 step %scan3A_5 iter_args(%scan3A_94 = %scan3A) -> (i32)  : i32 {
      %jit3A = arith.constant 1 : i32
      %div3A = arith.divsi %scan3A_93, %jit3A : i32
      %sign3A = arith.constant 0 : i32
      %sign3A_95 = arith.cmpi sgt, %scan3A_93, %sign3A : i32
      %sign3A_96 = arith.extui %sign3A_95 : i1 to i32
      %sign3A_97 = arith.constant 0 : i32
      %sign3A_98 = arith.cmpi slt, %scan3A_93, %sign3A_97 : i32
      %sign3A_99 = arith.extui %sign3A_98 : i1 to i32
      %sign3A_100 = arith.subi %sign3A_96, %sign3A_99 : i32
      %sign3A_101 = arith.constant 0 : i32
      %sign3A_102 = arith.cmpi sgt, %jit3A, %sign3A_101 : i32
      %sign3A_103 = arith.extui %sign3A_102 : i1 to i32
      %sign3A_104 = arith.constant 0 : i32
      %sign3A_105 = arith.cmpi slt, %jit3A, %sign3A_104 : i32
      %sign3A_106 = arith.extui %sign3A_105 : i1 to i32
      %sign3A_107 = arith.subi %sign3A_103, %sign3A_106 : i32
      %ne3A = arith.cmpi ne, %sign3A_100, %sign3A_107 : i32
      %rem3A = arith.remsi %scan3A_93, %jit3A : i32
      %ne3A_108 = arith.constant 0 : i32
      %ne3A_109 = arith.cmpi ne, %rem3A, %ne3A_108 : i32
      %and3A = arith.andi %ne3A, %ne3A_109 : i1
      %sub3A = arith.constant 1 : i32
      %sub3A_110 = arith.subi %div3A, %sub3A : i32
      %select_n3A = arith.select %and3A, %sub3A_110, %div3A : i32
      %jit3A_111 = arith.constant 1 : i32
      %eq3A = arith.constant 0 : i32
      %eq3A_112 = arith.cmpi eq, %jit3A_111, %eq3A : i32
      %jit3A_113 = arith.constant 1 : i32
      %select_n3A_114 = arith.select %eq3A_112, %jit3A_113, %jit3A_111 : i32
      %rem3A_115 = arith.remsi %scan3A_93, %select_n3A_114 : i32
      %ne3A_116 = arith.constant 0 : i32
      %ne3A_117 = arith.cmpi ne, %rem3A_115, %ne3A_116 : i32
      %lt3A = arith.constant 0 : i32
      %lt3A_118 = arith.cmpi slt, %rem3A_115, %lt3A : i32
      %lt3A_119 = arith.constant 0 : i32
      %lt3A_120 = arith.cmpi slt, %select_n3A_114, %lt3A_119 : i32
      %ne3A_121 = arith.xori %lt3A_118, %lt3A_120 : i1
      %and3A_122 = arith.andi %ne3A_121, %ne3A_117 : i1
      %add3A_123 = arith.addi %rem3A_115, %select_n3A_114 : i32
      %select_n3A_124 = arith.select %and3A_122, %add3A_123, %rem3A_115 : i32
      %mul3A_125 = arith.constant 16 : i32
      %mul3A_126 = arith.muli %select_n3A_124, %mul3A_125 : i32
      %swap3A = arith.index_cast %select_n3A : i32 to index
      %swap3A_127 = arith.index_cast %mul3A_126 : i32 to index
      %swap3A_128 = tpu.vector_load %arg6[%swap3A, %swap3A_127] {strides = array<i32>} : memref<128x16xf32, #tpu.memory_space<vmem>>, vector<1x16xf32>,
      %swap3A_129 = vector.shape_cast %swap3A_128 : vector<1x16xf32> to vector<16xf32>
      %swap3A_130 = vector.shape_cast %broadcast_in_dim3A_1 : vector<16xf32> to vector<1x16xf32>
      tpu.vector_store %arg6[%swap3A, %swap3A_127], %swap3A_130 {strides = array<i32>} : memref<128x16xf32, #tpu.memory_space<vmem>>, vector<1x16xf32>,
      %scan3A_131 = arith.constant 0 : i32
      scf.yield %scan3A_131 : i32
    }
    %scan3A_7 = arith.constant 128 : i32
    %mul3A_8 = arith.constant 640 : i32
    %mul3A_9 = arith.muli %arg1, %mul3A_8 : i32
    %add3A_10 = arith.constant 0 : i32
    %add3A_11 = arith.addi %mul3A_9, %add3A_10 : i32
    "tpu.region"() ({
      %run_scoped3A = tpu.sem_alloc : memref<!tpu.dma_semaphore, #tpu.memory_space<semaphore_mem>>
      %dma_start3A_93 = arith.constant 0 : i32
      %dma_start3A_94 = tpu.memref_slice %arg7[%add3A_11, %dma_start3A_93] : memref<10240x16xf32, #tpu.memory_space<vmem_shared>> -> memref<128x16xf32, #tpu.memory_space<vmem_shared>>
      %dma_start3A_95 = arith.constant 0 : i32
      %dma_start3A_96 = tpu.memref_slice %arg7[%add3A_11, %dma_start3A_95] : memref<10240x16xf32, #tpu.memory_space<vmem_shared>> -> memref<128x16xf32, #tpu.memory_space<vmem_shared>>
      tpu.enqueue_dma source(%arg6 : memref<128x16xf32, #tpu.memory_space<vmem>>) target(%dma_start3A_96 : memref<128x16xf32, #tpu.memory_space<vmem_shared>>) target_semaphore(%run_scoped3A : memref<!tpu.dma_semaphore, #tpu.memory_space<semaphore_mem>>)
      %dma_wait3A_97 = arith.constant 0 : i32
      %dma_wait3A_98 = tpu.memref_slice %arg7[%add3A_11, %dma_wait3A_97] : memref<10240x16xf32, #tpu.memory_space<vmem_shared>> -> memref<128x16xf32, #tpu.memory_space<vmem_shared>>
      %dma_wait3A_99 = arith.constant 0 : i32
      %dma_wait3A_100 = tpu.memref_slice %arg7[%add3A_11, %dma_wait3A_99] : memref<10240x16xf32, #tpu.memory_space<vmem_shared>> -> memref<128x16xf32, #tpu.memory_space<vmem_shared>>
      tpu.wait_dma2 semaphore(%run_scoped3A : memref<!tpu.dma_semaphore, #tpu.memory_space<semaphore_mem>>) src(%arg6 : memref<128x16xf32, #tpu.memory_space<vmem>>) dst(%dma_wait3A_100 : memref<128x16xf32, #tpu.memory_space<vmem_shared>>)
      tpu.yield
    }) : () -> ()
    %add3A_12 = arith.constant 128 : i32
    %add3A_13 = arith.addi %mul3A_9, %add3A_12 : i32
    "tpu.region"() ({
      %run_scoped3A = tpu.sem_alloc : memref<!tpu.dma_semaphore, #tpu.memory_space<semaphore_mem>>
      %dma_start3A_93 = arith.constant 0 : i32
      %dma_start3A_94 = tpu.memref_slice %arg7[%add3A_13, %dma_start3A_93] : memref<10240x16xf32, #tpu.memory_space<vmem_shared>> -> memref<128x16xf32, #tpu.memory_space<vmem_shared>>
      %dma_start3A_95 = arith.constant 0 : i32
      %dma_start3A_96 = tpu.memref_slice %arg7[%add3A_13, %dma_start3A_95] : memref<10240x16xf32, #tpu.memory_space<vmem_shared>> -> memref<128x16xf32, #tpu.memory_space<vmem_shared>>
      tpu.enqueue_dma source(%arg6 : memref<128x16xf32, #tpu.memory_space<vmem>>) target(%dma_start3A_96 : memref<128x16xf32, #tpu.memory_space<vmem_shared>>) target_semaphore(%run_scoped3A : memref<!tpu.dma_semaphore, #tpu.memory_space<semaphore_mem>>)
      %dma_wait3A_97 = arith.constant 0 : i32
      %dma_wait3A_98 = tpu.memref_slice %arg7[%add3A_13, %dma_wait3A_97] : memref<10240x16xf32, #tpu.memory_space<vmem_shared>> -> memref<128x16xf32, #tpu.memory_space<vmem_shared>>
      %dma_wait3A_99 = arith.constant 0 : i32
      %dma_wait3A_100 = tpu.memref_slice %arg7[%add3A_13, %dma_wait3A_99] : memref<10240x16xf32, #tpu.memory_space<vmem_shared>> -> memref<128x16xf32, #tpu.memory_space<vmem_shared>>
      tpu.wait_dma2 semaphore(%run_scoped3A : memref<!tpu.dma_semaphore, #tpu.memory_space<semaphore_mem>>) src(%arg6 : memref<128x16xf32, #tpu.memory_space<vmem>>) dst(%dma_wait3A_100 : memref<128x16xf32, #tpu.memory_space<vmem_shared>>)
      tpu.yield
    }) : () -> ()
    %add3A_14 = arith.constant 256 : i32
    %add3A_15 = arith.addi %mul3A_9, %add3A_14 : i32
    "tpu.region"() ({
      %run_scoped3A = tpu.sem_alloc : memref<!tpu.dma_semaphore, #tpu.memory_space<semaphore_mem>>
      %dma_start3A_93 = arith.constant 0 : i32
      %dma_start3A_94 = tpu.memref_slice %arg7[%add3A_15, %dma_start3A_93] : memref<10240x16xf32, #tpu.memory_space<vmem_shared>> -> memref<128x16xf32, #tpu.memory_space<vmem_shared>>
      %dma_start3A_95 = arith.constant 0 : i32
      %dma_start3A_96 = tpu.memref_slice %arg7[%add3A_15, %dma_start3A_95] : memref<10240x16xf32, #tpu.memory_space<vmem_shared>> -> memref<128x16xf32, #tpu.memory_space<vmem_shared>>
      tpu.enqueue_dma source(%arg6 : memref<128x16xf32, #tpu.memory_space<vmem>>) target(%dma_start3A_96 : memref<128x16xf32, #tpu.memory_space<vmem_shared>>) target_semaphore(%run_scoped3A : memref<!tpu.dma_semaphore, #tpu.memory_space<semaphore_mem>>)
      %dma_wait3A_97 = arith.constant 0 : i32
      %dma_wait3A_98 = tpu.memref_slice %arg7[%add3A_15, %dma_wait3A_97] : memref<10240x16xf32, #tpu.memory_space<vmem_shared>> -> memref<128x16xf32, #tpu.memory_space<vmem_shared>>
      %dma_wait3A_99 = arith.constant 0 : i32
      %dma_wait3A_100 = tpu.memref_slice %arg7[%add3A_15, %dma_wait3A_99] : memref<10240x16xf32, #tpu.memory_space<vmem_shared>> -> memref<128x16xf32, #tpu.memory_space<vmem_shared>>
      tpu.wait_dma2 semaphore(%run_scoped3A : memref<!tpu.dma_semaphore, #tpu.memory_space<semaphore_mem>>) src(%arg6 : memref<128x16xf32, #tpu.memory_space<vmem>>) dst(%dma_wait3A_100 : memref<128x16xf32, #tpu.memory_space<vmem_shared>>)
      tpu.yield
    }) : () -> ()
    %add3A_16 = arith.constant 384 : i32
    %add3A_17 = arith.addi %mul3A_9, %add3A_16 : i32
    "tpu.region"() ({
      %run_scoped3A = tpu.sem_alloc : memref<!tpu.dma_semaphore, #tpu.memory_space<semaphore_mem>>
      %dma_start3A_93 = arith.constant 0 : i32
      %dma_start3A_94 = tpu.memref_slice %arg7[%add3A_17, %dma_start3A_93] : memref<10240x16xf32, #tpu.memory_space<vmem_shared>> -> memref<128x16xf32, #tpu.memory_space<vmem_shared>>
      %dma_start3A_95 = arith.constant 0 : i32
      %dma_start3A_96 = tpu.memref_slice %arg7[%add3A_17, %dma_start3A_95] : memref<10240x16xf32, #tpu.memory_space<vmem_shared>> -> memref<128x16xf32, #tpu.memory_space<vmem_shared>>
      tpu.enqueue_dma source(%arg6 : memref<128x16xf32, #tpu.memory_space<vmem>>) target(%dma_start3A_96 : memref<128x16xf32, #tpu.memory_space<vmem_shared>>) target_semaphore(%run_scoped3A : memref<!tpu.dma_semaphore, #tpu.memory_space<semaphore_mem>>)
      %dma_wait3A_97 = arith.constant 0 : i32
      %dma_wait3A_98 = tpu.memref_slice %arg7[%add3A_17, %dma_wait3A_97] : memref<10240x16xf32, #tpu.memory_space<vmem_shared>> -> memref<128x16xf32, #tpu.memory_space<vmem_shared>>
      %dma_wait3A_99 = arith.constant 0 : i32
      %dma_wait3A_100 = tpu.memref_slice %arg7[%add3A_17, %dma_wait3A_99] : memref<10240x16xf32, #tpu.memory_space<vmem_shared>> -> memref<128x16xf32, #tpu.memory_space<vmem_shared>>
      tpu.wait_dma2 semaphore(%run_scoped3A : memref<!tpu.dma_semaphore, #tpu.memory_space<semaphore_mem>>) src(%arg6 : memref<128x16xf32, #tpu.memory_space<vmem>>) dst(%dma_wait3A_100 : memref<128x16xf32, #tpu.memory_space<vmem_shared>>)
      tpu.yield
    }) : () -> ()
    %add3A_18 = arith.constant 512 : i32
    %add3A_19 = arith.addi %mul3A_9, %add3A_18 : i32
    "tpu.region"() ({
      %run_scoped3A = tpu.sem_alloc : memref<!tpu.dma_semaphore, #tpu.memory_space<semaphore_mem>>
      %dma_start3A_93 = arith.constant 0 : i32
      %dma_start3A_94 = tpu.memref_slice %arg7[%add3A_19, %dma_start3A_93] : memref<10240x16xf32, #tpu.memory_space<vmem_shared>> -> memref<128x16xf32, #tpu.memory_space<vmem_shared>>
      %dma_start3A_95 = arith.constant 0 : i32
      %dma_start3A_96 = tpu.memref_slice %arg7[%add3A_19, %dma_start3A_95] : memref<10240x16xf32, #tpu.memory_space<vmem_shared>> -> memref<128x16xf32, #tpu.memory_space<vmem_shared>>
      tpu.enqueue_dma source(%arg6 : memref<128x16xf32, #tpu.memory_space<vmem>>) target(%dma_start3A_96 : memref<128x16xf32, #tpu.memory_space<vmem_shared>>) target_semaphore(%run_scoped3A : memref<!tpu.dma_semaphore, #tpu.memory_space<semaphore_mem>>)
      %dma_wait3A_97 = arith.constant 0 : i32
      %dma_wait3A_98 = tpu.memref_slice %arg7[%add3A_19, %dma_wait3A_97] : memref<10240x16xf32, #tpu.memory_space<vmem_shared>> -> memref<128x16xf32, #tpu.memory_space<vmem_shared>>
      %dma_wait3A_99 = arith.constant 0 : i32
      %dma_wait3A_100 = tpu.memref_slice %arg7[%add3A_19, %dma_wait3A_99] : memref<10240x16xf32, #tpu.memory_space<vmem_shared>> -> memref<128x16xf32, #tpu.memory_space<vmem_shared>>
      tpu.wait_dma2 semaphore(%run_scoped3A : memref<!tpu.dma_semaphore, #tpu.memory_space<semaphore_mem>>) src(%arg6 : memref<128x16xf32, #tpu.memory_space<vmem>>) dst(%dma_wait3A_100 : memref<128x16xf32, #tpu.memory_space<vmem_shared>>)
      tpu.yield
    }) : () -> ()
    %broadcast_in_dim3A_20 = arith.constant 1.000000e+00 : f32
    %broadcast_in_dim3A_21 = vector.broadcast %broadcast_in_dim3A_20 : f32 to vector<16xf32>
    %scan3A_22 = arith.constant 0 : i32
    %scan3A_23 = arith.constant 0 : i32
    %scan3A_24 = arith.constant 40 : i32
    %scan3A_25 = arith.addi %scan3A_23, %scan3A_24 : i32
    %scan3A_26 = arith.constant 1 : i32
    %scan3A_27 = scf.for %scan3A_93 = %scan3A_23 to %scan3A_25 step %scan3A_26 iter_args(%scan3A_94 = %scan3A_22) -> (i32)  : i32 {
      %swap3A = arith.index_cast %scan3A_93 : i32 to index
      %swap3A_95 = arith.constant 0 : index
      %swap3A_96 = tpu.vector_load %arg5[%swap3A, %swap3A_95] {strides = array<i32>} : memref<40x16xf32, #tpu.memory_space<vmem>>, vector<1x16xf32>,
      %swap3A_97 = vector.shape_cast %swap3A_96 : vector<1x16xf32> to vector<16xf32>
      %swap3A_98 = vector.shape_cast %broadcast_in_dim3A_21 : vector<16xf32> to vector<1x16xf32>
      tpu.vector_store %arg5[%swap3A, %swap3A_95], %swap3A_98 {strides = array<i32>} : memref<40x16xf32, #tpu.memory_space<vmem>>, vector<1x16xf32>,
      %scan3A_99 = arith.constant 0 : i32
      scf.yield %scan3A_99 : i32
    }
    %scan3A_28 = arith.constant 40 : i32
    "tpu.region"() ({
      %run_scoped3A = tpu.sem_alloc : memref<!tpu.dma_semaphore, #tpu.memory_space<semaphore_mem>>
      %dma_start3A_93 = arith.constant 0 : i32
      %dma_start3A_94 = arith.constant 0 : i32
      %dma_start3A_95 = tpu.memref_slice %arg2[%add3A, %dma_start3A_93, %dma_start3A_94] : memref<32x250x40xi32, #tpu.memory_space<hbm>> -> memref<1x250x40xi32, #tpu.memory_space<hbm>>
      %dma_start3A_96 = tpu.memref_squeeze %dma_start3A_95 : memref<1x250x40xi32, #tpu.memory_space<hbm>> -> memref<250x40xi32, #tpu.memory_space<hbm>>
      %dma_start3A_97 = arith.constant 0 : i32
      %dma_start3A_98 = arith.constant 0 : i32
      %dma_start3A_99 = tpu.memref_slice %arg2[%add3A, %dma_start3A_97, %dma_start3A_98] : memref<32x250x40xi32, #tpu.memory_space<hbm>> -> memref<1x250x40xi32, #tpu.memory_space<hbm>>
      %dma_start3A_100 = tpu.memref_squeeze %dma_start3A_99 : memref<1x250x40xi32, #tpu.memory_space<hbm>> -> memref<250x40xi32, #tpu.memory_space<hbm>>
      tpu.enqueue_dma source(%dma_start3A_100 : memref<250x40xi32, #tpu.memory_space<hbm>>) target(%arg4 : memref<250x40xi32, #tpu.memory_space<vmem>>) target_semaphore(%run_scoped3A : memref<!tpu.dma_semaphore, #tpu.memory_space<semaphore_mem>>)
      %dma_wait3A_101 = arith.constant 0 : i32
      %dma_wait3A_102 = arith.constant 0 : i32
      %dma_wait3A_103 = tpu.memref_slice %arg2[%add3A, %dma_wait3A_101, %dma_wait3A_102] : memref<32x250x40xi32, #tpu.memory_space<hbm>> -> memref<1x250x40xi32, #tpu.memory_space<hbm>>
      %dma_wait3A_104 = tpu.memref_squeeze %dma_wait3A_103 : memref<1x250x40xi32, #tpu.memory_space<hbm>> -> memref<250x40xi32, #tpu.memory_space<hbm>>
      %dma_wait3A_105 = arith.constant 0 : i32
      %dma_wait3A_106 = arith.constant 0 : i32
      %dma_wait3A_107 = tpu.memref_slice %arg2[%add3A, %dma_wait3A_105, %dma_wait3A_106] : memref<32x250x40xi32, #tpu.memory_space<hbm>> -> memref<1x250x40xi32, #tpu.memory_space<hbm>>
      %dma_wait3A_108 = tpu.memref_squeeze %dma_wait3A_107 : memref<1x250x40xi32, #tpu.memory_space<hbm>> -> memref<250x40xi32, #tpu.memory_space<hbm>>
      tpu.wait_dma2 semaphore(%run_scoped3A : memref<!tpu.dma_semaphore, #tpu.memory_space<semaphore_mem>>) src(%dma_wait3A_108 : memref<250x40xi32, #tpu.memory_space<hbm>>) dst(%arg4 : memref<250x40xi32, #tpu.memory_space<vmem>>)
      tpu.yield
    }) : () -> ()
    %barrier3A = arith.constant 0 : index
    tpu.barrier barrier_id(%barrier3A)
    %dma_start3A = arith.constant 0 : i32
    %dma_start3A_29 = arith.constant 0 : i32
    %dma_start3A_30 = tpu.memref_slice %arg4[%dma_start3A, %dma_start3A_29] : memref<250x40xi32, #tpu.memory_space<vmem>> -> memref<1x40xi32, #tpu.memory_space<vmem>>
    %dma_start3A_31 = tpu.memref_squeeze %dma_start3A_30 : memref<1x40xi32, #tpu.memory_space<vmem>> -> memref<40xi32, #tpu.memory_space<vmem>>
    %dma_start3A_32 = arith.constant 0 : i32
    %dma_start3A_33 = arith.constant 0 : i32
    %dma_start3A_34 = tpu.memref_slice %arg7[%dma_start3A_32, %dma_start3A_33] : memref<10240x16xf32, #tpu.memory_space<vmem_shared>> -> memref<10240x16xf32, #tpu.memory_space<vmem_shared>>
    tpu.enqueue_indirect_dma source(%arg5 : memref<40x16xf32, #tpu.memory_space<vmem>>) target(%dma_start3A_34 : memref<10240x16xf32, #tpu.memory_space<vmem_shared>>) offsets(%dma_start3A_31 : memref<40xi32, #tpu.memory_space<vmem>>) semaphore(%arg8 : memref<!tpu.dma_semaphore, #tpu.memory_space<semaphore_mem>>) {add = true}
    %dma_start3A_35 = arith.constant 1 : i32
    %dma_start3A_36 = arith.constant 0 : i32
    %dma_start3A_37 = tpu.memref_slice %arg4[%dma_start3A_35, %dma_start3A_36] : memref<250x40xi32, #tpu.memory_space<vmem>> -> memref<1x40xi32, #tpu.memory_space<vmem>>
    %dma_start3A_38 = tpu.memref_squeeze %dma_start3A_37 : memref<1x40xi32, #tpu.memory_space<vmem>> -> memref<40xi32, #tpu.memory_space<vmem>>
    %dma_start3A_39 = arith.constant 0 : i32
    %dma_start3A_40 = arith.constant 0 : i32
    %dma_start3A_41 = tpu.memref_slice %arg7[%dma_start3A_39, %dma_start3A_40] : memref<10240x16xf32, #tpu.memory_space<vmem_shared>> -> memref<10240x16xf32, #tpu.memory_space<vmem_shared>>
    tpu.enqueue_indirect_dma source(%arg5 : memref<40x16xf32, #tpu.memory_space<vmem>>) target(%dma_start3A_41 : memref<10240x16xf32, #tpu.memory_space<vmem_shared>>) offsets(%dma_start3A_38 : memref<40xi32, #tpu.memory_space<vmem>>) semaphore(%arg8 : memref<!tpu.dma_semaphore, #tpu.memory_space<semaphore_mem>>) {add = true}
    %dma_start3A_42 = arith.constant 2 : i32
    %dma_start3A_43 = arith.constant 0 : i32
    %dma_start3A_44 = tpu.memref_slice %arg4[%dma_start3A_42, %dma_start3A_43] : memref<250x40xi32, #tpu.memory_space<vmem>> -> memref<1x40xi32, #tpu.memory_space<vmem>>
    %dma_start3A_45 = tpu.memref_squeeze %dma_start3A_44 : memref<1x40xi32, #tpu.memory_space<vmem>> -> memref<40xi32, #tpu.memory_space<vmem>>
    %dma_start3A_46 = arith.constant 0 : i32
    %dma_start3A_47 = arith.constant 0 : i32
    %dma_start3A_48 = tpu.memref_slice %arg7[%dma_start3A_46, %dma_start3A_47] : memref<10240x16xf32, #tpu.memory_space<vmem_shared>> -> memref<10240x16xf32, #tpu.memory_space<vmem_shared>>
    tpu.enqueue_indirect_dma source(%arg5 : memref<40x16xf32, #tpu.memory_space<vmem>>) target(%dma_start3A_48 : memref<10240x16xf32, #tpu.memory_space<vmem_shared>>) offsets(%dma_start3A_45 : memref<40xi32, #tpu.memory_space<vmem>>) semaphore(%arg8 : memref<!tpu.dma_semaphore, #tpu.memory_space<semaphore_mem>>) {add = true}
    %dma_start3A_49 = arith.constant 3 : i32
    %dma_start3A_50 = arith.constant 0 : i32
    %dma_start3A_51 = tpu.memref_slice %arg4[%dma_start3A_49, %dma_start3A_50] : memref<250x40xi32, #tpu.memory_space<vmem>> -> memref<1x40xi32, #tpu.memory_space<vmem>>
    %dma_start3A_52 = tpu.memref_squeeze %dma_start3A_51 : memref<1x40xi32, #tpu.memory_space<vmem>> -> memref<40xi32, #tpu.memory_space<vmem>>
    %dma_start3A_53 = arith.constant 0 : i32
    %dma_start3A_54 = arith.constant 0 : i32
    %dma_start3A_55 = tpu.memref_slice %arg7[%dma_start3A_53, %dma_start3A_54] : memref<10240x16xf32, #tpu.memory_space<vmem_shared>> -> memref<10240x16xf32, #tpu.memory_space<vmem_shared>>
    tpu.enqueue_indirect_dma source(%arg5 : memref<40x16xf32, #tpu.memory_space<vmem>>) target(%dma_start3A_55 : memref<10240x16xf32, #tpu.memory_space<vmem_shared>>) offsets(%dma_start3A_52 : memref<40xi32, #tpu.memory_space<vmem>>) semaphore(%arg8 : memref<!tpu.dma_semaphore, #tpu.memory_space<semaphore_mem>>) {add = true}
    %scan3A_56 = arith.constant 0 : i32
    %scan3A_57 = arith.constant 4 : i32
    %scan3A_58 = arith.constant 246 : i32
    %scan3A_59 = arith.addi %scan3A_57, %scan3A_58 : i32
    %scan3A_60 = arith.constant 1 : i32
    %scan3A_61 = scf.for %scan3A_93 = %scan3A_57 to %scan3A_59 step %scan3A_60 iter_args(%scan3A_94 = %scan3A_56) -> (i32)  : i32 {
      %dma_start3A_95 = arith.constant 0 : i32
      %dma_start3A_96 = tpu.memref_slice %arg4[%scan3A_93, %dma_start3A_95] : memref<250x40xi32, #tpu.memory_space<vmem>> -> memref<1x40xi32, #tpu.memory_space<vmem>>
      %dma_start3A_97 = tpu.memref_squeeze %dma_start3A_96 : memref<1x40xi32, #tpu.memory_space<vmem>> -> memref<40xi32, #tpu.memory_space<vmem>>
      %dma_start3A_98 = arith.constant 0 : i32
      %dma_start3A_99 = arith.constant 0 : i32
      %dma_start3A_100 = tpu.memref_slice %arg7[%dma_start3A_98, %dma_start3A_99] : memref<10240x16xf32, #tpu.memory_space<vmem_shared>> -> memref<10240x16xf32, #tpu.memory_space<vmem_shared>>
      tpu.enqueue_indirect_dma source(%arg5 : memref<40x16xf32, #tpu.memory_space<vmem>>) target(%dma_start3A_100 : memref<10240x16xf32, #tpu.memory_space<vmem_shared>>) offsets(%dma_start3A_97 : memref<40xi32, #tpu.memory_space<vmem>>) semaphore(%arg8 : memref<!tpu.dma_semaphore, #tpu.memory_space<semaphore_mem>>) {add = true}
      %sub3A = arith.constant 4 : i32
      %sub3A_101 = arith.subi %scan3A_93, %sub3A : i32
      %dma_wait3A_102 = arith.constant 0 : i32
      %dma_wait3A_103 = tpu.memref_slice %arg4[%sub3A_101, %dma_wait3A_102] : memref<250x40xi32, #tpu.memory_space<vmem>> -> memref<1x40xi32, #tpu.memory_space<vmem>>
      %dma_wait3A_104 = tpu.memref_squeeze %dma_wait3A_103 : memref<1x40xi32, #tpu.memory_space<vmem>> -> memref<40xi32, #tpu.memory_space<vmem>>
      %dma_wait3A_105 = arith.constant 0 : i32
      %dma_wait3A_106 = arith.constant 0 : i32
      %dma_wait3A_107 = tpu.memref_slice %arg7[%dma_wait3A_105, %dma_wait3A_106] : memref<10240x16xf32, #tpu.memory_space<vmem_shared>> -> memref<10240x16xf32, #tpu.memory_space<vmem_shared>>
      tpu.wait_indirect_dma semaphore(%arg8 : memref<!tpu.dma_semaphore, #tpu.memory_space<semaphore_mem>>) src(%arg5 : memref<40x16xf32, #tpu.memory_space<vmem>>) dst(%dma_wait3A_107 : memref<10240x16xf32, #tpu.memory_space<vmem_shared>>)
      %scan3A_108 = arith.constant 0 : i32
      scf.yield %scan3A_108 : i32
    }
    %scan3A_62 = arith.constant 246 : i32
    %dma_wait3A = arith.constant 246 : i32
    %dma_wait3A_63 = arith.constant 0 : i32
    %dma_wait3A_64 = tpu.memref_slice %arg4[%dma_wait3A, %dma_wait3A_63] : memref<250x40xi32, #tpu.memory_space<vmem>> -> memref<1x40xi32, #tpu.memory_space<vmem>>
    %dma_wait3A_65 = tpu.memref_squeeze %dma_wait3A_64 : memref<1x40xi32, #tpu.memory_space<vmem>> -> memref<40xi32, #tpu.memory_space<vmem>>
    %dma_wait3A_66 = arith.constant 0 : i32
    %dma_wait3A_67 = arith.constant 0 : i32
    %dma_wait3A_68 = tpu.memref_slice %arg7[%dma_wait3A_66, %dma_wait3A_67] : memref<10240x16xf32, #tpu.memory_space<vmem_shared>> -> memref<10240x16xf32, #tpu.memory_space<vmem_shared>>
    tpu.wait_indirect_dma semaphore(%arg8 : memref<!tpu.dma_semaphore, #tpu.memory_space<semaphore_mem>>) src(%arg5 : memref<40x16xf32, #tpu.memory_space<vmem>>) dst(%dma_wait3A_68 : memref<10240x16xf32, #tpu.memory_space<vmem_shared>>)
    %dma_wait3A_69 = arith.constant 247 : i32
    %dma_wait3A_70 = arith.constant 0 : i32
    %dma_wait3A_71 = tpu.memref_slice %arg4[%dma_wait3A_69, %dma_wait3A_70] : memref<250x40xi32, #tpu.memory_space<vmem>> -> memref<1x40xi32, #tpu.memory_space<vmem>>
    %dma_wait3A_72 = tpu.memref_squeeze %dma_wait3A_71 : memref<1x40xi32, #tpu.memory_space<vmem>> -> memref<40xi32, #tpu.memory_space<vmem>>
    %dma_wait3A_73 = arith.constant 0 : i32
    %dma_wait3A_74 = arith.constant 0 : i32
    %dma_wait3A_75 = tpu.memref_slice %arg7[%dma_wait3A_73, %dma_wait3A_74] : memref<10240x16xf32, #tpu.memory_space<vmem_shared>> -> memref<10240x16xf32, #tpu.memory_space<vmem_shared>>
    tpu.wait_indirect_dma semaphore(%arg8 : memref<!tpu.dma_semaphore, #tpu.memory_space<semaphore_mem>>) src(%arg5 : memref<40x16xf32, #tpu.memory_space<vmem>>) dst(%dma_wait3A_75 : memref<10240x16xf32, #tpu.memory_space<vmem_shared>>)
    %dma_wait3A_76 = arith.constant 248 : i32
    %dma_wait3A_77 = arith.constant 0 : i32
    %dma_wait3A_78 = tpu.memref_slice %arg4[%dma_wait3A_76, %dma_wait3A_77] : memref<250x40xi32, #tpu.memory_space<vmem>> -> memref<1x40xi32, #tpu.memory_space<vmem>>
    %dma_wait3A_79 = tpu.memref_squeeze %dma_wait3A_78 : memref<1x40xi32, #tpu.memory_space<vmem>> -> memref<40xi32, #tpu.memory_space<vmem>>
    %dma_wait3A_80 = arith.constant 0 : i32
    %dma_wait3A_81 = arith.constant 0 : i32
    %dma_wait3A_82 = tpu.memref_slice %arg7[%dma_wait3A_80, %dma_wait3A_81] : memref<10240x16xf32, #tpu.memory_space<vmem_shared>> -> memref<10240x16xf32, #tpu.memory_space<vmem_shared>>
    tpu.wait_indirect_dma semaphore(%arg8 : memref<!tpu.dma_semaphore, #tpu.memory_space<semaphore_mem>>) src(%arg5 : memref<40x16xf32, #tpu.memory_space<vmem>>) dst(%dma_wait3A_82 : memref<10240x16xf32, #tpu.memory_space<vmem_shared>>)
    %dma_wait3A_83 = arith.constant 249 : i32
    %dma_wait3A_84 = arith.constant 0 : i32
    %dma_wait3A_85 = tpu.memref_slice %arg4[%dma_wait3A_83, %dma_wait3A_84] : memref<250x40xi32, #tpu.memory_space<vmem>> -> memref<1x40xi32, #tpu.memory_space<vmem>>
    %dma_wait3A_86 = tpu.memref_squeeze %dma_wait3A_85 : memref<1x40xi32, #tpu.memory_space<vmem>> -> memref<40xi32, #tpu.memory_space<vmem>>
    %dma_wait3A_87 = arith.constant 0 : i32
    %dma_wait3A_88 = arith.constant 0 : i32
    %dma_wait3A_89 = tpu.memref_slice %arg7[%dma_wait3A_87, %dma_wait3A_88] : memref<10240x16xf32, #tpu.memory_space<vmem_shared>> -> memref<10240x16xf32, #tpu.memory_space<vmem_shared>>
    tpu.wait_indirect_dma semaphore(%arg8 : memref<!tpu.dma_semaphore, #tpu.memory_space<semaphore_mem>>) src(%arg5 : memref<40x16xf32, #tpu.memory_space<vmem>>) dst(%dma_wait3A_89 : memref<10240x16xf32, #tpu.memory_space<vmem_shared>>)
    %barrier3A_90 = arith.constant 0 : index
    tpu.barrier barrier_id(%barrier3A_90)
    %mul3A_91 = arith.constant 640 : i32
    %mul3A_92 = arith.muli %arg1, %mul3A_91 : i32
    "tpu.region"() ({
      %run_scoped3A = tpu.sem_alloc : memref<!tpu.dma_semaphore, #tpu.memory_space<semaphore_mem>>
      %dma_start3A_93 = arith.constant 0 : i32
      %dma_start3A_94 = arith.constant 0 : i32
      %dma_start3A_95 = tpu.memref_slice %arg3[%arg0, %dma_start3A_93, %dma_start3A_94] : memref<2x10240x16xf32, #tpu.memory_space<hbm>> -> memref<1x10240x16xf32, #tpu.memory_space<hbm>>
      %dma_start3A_96 = tpu.memref_squeeze %dma_start3A_95 : memref<1x10240x16xf32, #tpu.memory_space<hbm>> -> memref<10240x16xf32, #tpu.memory_space<hbm>>
      %dma_start3A_97 = arith.constant 0 : i32
      %dma_start3A_98 = tpu.memref_slice %dma_start3A_96[%mul3A_92, %dma_start3A_97] : memref<10240x16xf32, #tpu.memory_space<hbm>> -> memref<640x16xf32, #tpu.memory_space<hbm>>
      %dma_start3A_99 = arith.constant 0 : i32
      %dma_start3A_100 = tpu.memref_slice %arg7[%mul3A_92, %dma_start3A_99] : memref<10240x16xf32, #tpu.memory_space<vmem_shared>> -> memref<640x16xf32, #tpu.memory_space<vmem_shared>>
      tpu.enqueue_dma source(%dma_start3A_100 : memref<640x16xf32, #tpu.memory_space<vmem_shared>>) target(%dma_start3A_98 : memref<640x16xf32, #tpu.memory_space<hbm>>) target_semaphore(%run_scoped3A : memref<!tpu.dma_semaphore, #tpu.memory_space<semaphore_mem>>)
      %dma_wait3A_101 = arith.constant 0 : i32
      %dma_wait3A_102 = arith.constant 0 : i32
      %dma_wait3A_103 = tpu.memref_slice %arg3[%arg0, %dma_wait3A_101, %dma_wait3A_102] : memref<2x10240x16xf32, #tpu.memory_space<hbm>> -> memref<1x10240x16xf32, #tpu.memory_space<hbm>>
      %dma_wait3A_104 = tpu.memref_squeeze %dma_wait3A_103 : memref<1x10240x16xf32, #tpu.memory_space<hbm>> -> memref<10240x16xf32, #tpu.memory_space<hbm>>
      %dma_wait3A_105 = arith.constant 0 : i32
      %dma_wait3A_106 = tpu.memref_slice %dma_wait3A_104[%mul3A_92, %dma_wait3A_105] : memref<10240x16xf32, #tpu.memory_space<hbm>> -> memref<640x16xf32, #tpu.memory_space<hbm>>
      %dma_wait3A_107 = arith.constant 0 : i32
      %dma_wait3A_108 = tpu.memref_slice %arg7[%mul3A_92, %dma_wait3A_107] : memref<10240x16xf32, #tpu.memory_space<vmem_shared>> -> memref<640x16xf32, #tpu.memory_space<vmem_shared>>
      tpu.wait_dma2 semaphore(%run_scoped3A : memref<!tpu.dma_semaphore, #tpu.memory_space<semaphore_mem>>) src(%dma_wait3A_108 : memref<640x16xf32, #tpu.memory_space<vmem_shared>>) dst(%dma_wait3A_106 : memref<640x16xf32, #tpu.memory_space<hbm>>)
      tpu.yield
    }) : () -> ()
    return
  }
}

#map = affine_map<(d0, d1) -> (0, 0)>
#map1 = affine_map<(d0, d1) -> (0, 0, 0)>
module attributes {stable_mosaic.version = 14 : i64} {
  func.func @gcn_agg_64(%arg0: i32, %arg1: i32, %arg2: memref<10000x64xf32, #tpu.memory_space<hbm>>, %arg3: memref<32x250x40xi32, #tpu.memory_space<hbm>>, %arg4: memref<32x250x40xi32, #tpu.memory_space<hbm>>, %arg5: memref<2x10240x64xf32, #tpu.memory_space<hbm>>, %arg6: memref<250x40xi32, #tpu.memory_space<vmem>>, %arg7: memref<250x40xi32, #tpu.memory_space<vmem>>, %arg8: memref<40x64xf32, #tpu.memory_space<vmem>>, %arg9: memref<40x64xf32, #tpu.memory_space<vmem>>, %arg10: memref<40x64xf32, #tpu.memory_space<vmem>>, %arg11: memref<40x64xf32, #tpu.memory_space<vmem>>, %arg12: memref<40x64xf32, #tpu.memory_space<vmem>>, %arg13: memref<10240x64xf32, #tpu.memory_space<vmem_shared>>, %arg14: memref<!tpu.dma_semaphore, #tpu.memory_space<semaphore_mem>>, %arg15: memref<!tpu.dma_semaphore, #tpu.memory_space<semaphore_mem>>, %arg16: memref<!tpu.dma_semaphore, #tpu.memory_space<semaphore_mem>>, %arg17: memref<!tpu.dma_semaphore, #tpu.memory_space<semaphore_mem>>, %arg18: memref<!tpu.dma_semaphore, #tpu.memory_space<semaphore_mem>>, %arg19: memref<!tpu.dma_semaphore, #tpu.memory_space<semaphore_mem>>, %arg20: memref<!tpu.dma_semaphore, #tpu.memory_space<semaphore_mem>>, %arg21: memref<!tpu.dma_semaphore, #tpu.memory_space<semaphore_mem>>, %arg22: memref<!tpu.dma_semaphore, #tpu.memory_space<semaphore_mem>>, %arg23: memref<!tpu.dma_semaphore, #tpu.memory_space<semaphore_mem>>) attributes {dimension_semantics = [#tpu.dimension_semantics<core_parallel>, #tpu.dimension_semantics<subcore_parallel>], iteration_bounds = array<i64: 2, 16>, scalar_prefetch = 0 : i64, scratch_operands = 18 : i64, tpu.core_type = #tpu.core_type<sc_vector_subcore>, window_params = [{transform_indices = #map}, {transform_indices = #map1}, {transform_indices = #map1}, {transform_indices = #map1}]} {
    %mul3A = arith.constant 16 : i32
    %mul3A_0 = arith.muli %arg0, %mul3A : i32
    %add3A = arith.addi %mul3A_0, %arg1 : i32
    %broadcast_in_dim3A = arith.constant 0.000000e+00 : f32
    %broadcast_in_dim3A_1 = vector.broadcast %broadcast_in_dim3A : f32 to vector<16xf32>
    %scan3A = arith.constant 0 : i32
    %scan3A_2 = arith.constant 0 : i32
    %scan3A_3 = arith.constant 160 : i32
    %scan3A_4 = arith.addi %scan3A_2, %scan3A_3 : i32
    %scan3A_5 = arith.constant 1 : i32
    %scan3A_6 = scf.for %scan3A_330 = %scan3A_2 to %scan3A_4 step %scan3A_5 iter_args(%scan3A_331 = %scan3A) -> (i32)  : i32 {
      %jit3A = arith.constant 4 : i32
      %div3A = arith.divsi %scan3A_330, %jit3A : i32
      %sign3A = arith.constant 0 : i32
      %sign3A_332 = arith.cmpi sgt, %scan3A_330, %sign3A : i32
      %sign3A_333 = arith.extui %sign3A_332 : i1 to i32
      %sign3A_334 = arith.constant 0 : i32
      %sign3A_335 = arith.cmpi slt, %scan3A_330, %sign3A_334 : i32
      %sign3A_336 = arith.extui %sign3A_335 : i1 to i32
      %sign3A_337 = arith.subi %sign3A_333, %sign3A_336 : i32
      %sign3A_338 = arith.constant 0 : i32
      %sign3A_339 = arith.cmpi sgt, %jit3A, %sign3A_338 : i32
      %sign3A_340 = arith.extui %sign3A_339 : i1 to i32
      %sign3A_341 = arith.constant 0 : i32
      %sign3A_342 = arith.cmpi slt, %jit3A, %sign3A_341 : i32
      %sign3A_343 = arith.extui %sign3A_342 : i1 to i32
      %sign3A_344 = arith.subi %sign3A_340, %sign3A_343 : i32
      %ne3A = arith.cmpi ne, %sign3A_337, %sign3A_344 : i32
      %rem3A = arith.remsi %scan3A_330, %jit3A : i32
      %ne3A_345 = arith.constant 0 : i32
      %ne3A_346 = arith.cmpi ne, %rem3A, %ne3A_345 : i32
      %and3A = arith.andi %ne3A, %ne3A_346 : i1
      %sub3A = arith.constant 1 : i32
      %sub3A_347 = arith.subi %div3A, %sub3A : i32
      %select_n3A = arith.select %and3A, %sub3A_347, %div3A : i32
      %jit3A_348 = arith.constant 4 : i32
      %eq3A = arith.constant 0 : i32
      %eq3A_349 = arith.cmpi eq, %jit3A_348, %eq3A : i32
      %jit3A_350 = arith.constant 1 : i32
      %select_n3A_351 = arith.select %eq3A_349, %jit3A_350, %jit3A_348 : i32
      %rem3A_352 = arith.remsi %scan3A_330, %select_n3A_351 : i32
      %ne3A_353 = arith.constant 0 : i32
      %ne3A_354 = arith.cmpi ne, %rem3A_352, %ne3A_353 : i32
      %lt3A = arith.constant 0 : i32
      %lt3A_355 = arith.cmpi slt, %rem3A_352, %lt3A : i32
      %lt3A_356 = arith.constant 0 : i32
      %lt3A_357 = arith.cmpi slt, %select_n3A_351, %lt3A_356 : i32
      %ne3A_358 = arith.xori %lt3A_355, %lt3A_357 : i1
      %and3A_359 = arith.andi %ne3A_358, %ne3A_354 : i1
      %add3A_360 = arith.addi %rem3A_352, %select_n3A_351 : i32
      %select_n3A_361 = arith.select %and3A_359, %add3A_360, %rem3A_352 : i32
      %mul3A_362 = arith.constant 16 : i32
      %mul3A_363 = arith.muli %select_n3A_361, %mul3A_362 : i32
      %swap3A = arith.index_cast %select_n3A : i32 to index
      %swap3A_364 = arith.index_cast %mul3A_363 : i32 to index
      %swap3A_365 = tpu.vector_load %arg8[%swap3A, %swap3A_364] {strides = array<i32>} : memref<40x64xf32, #tpu.memory_space<vmem>>, vector<1x16xf32>,
      %swap3A_366 = vector.shape_cast %swap3A_365 : vector<1x16xf32> to vector<16xf32>
      %swap3A_367 = vector.shape_cast %broadcast_in_dim3A_1 : vector<16xf32> to vector<1x16xf32>
      tpu.vector_store %arg8[%swap3A, %swap3A_364], %swap3A_367 {strides = array<i32>} : memref<40x64xf32, #tpu.memory_space<vmem>>, vector<1x16xf32>,
      %scan3A_368 = arith.constant 0 : i32
      scf.yield %scan3A_368 : i32
    }
    %scan3A_7 = arith.constant 160 : i32
    %mul3A_8 = arith.constant 640 : i32
    %mul3A_9 = arith.muli %arg1, %mul3A_8 : i32
    %add3A_10 = arith.constant 0 : i32
    %add3A_11 = arith.addi %mul3A_9, %add3A_10 : i32
    "tpu.region"() ({
      %run_scoped3A = tpu.sem_alloc : memref<!tpu.dma_semaphore, #tpu.memory_space<semaphore_mem>>
      %dma_start3A_330 = arith.constant 0 : i32
      %dma_start3A_331 = tpu.memref_slice %arg13[%add3A_11, %dma_start3A_330] : memref<10240x64xf32, #tpu.memory_space<vmem_shared>> -> memref<40x64xf32, #tpu.memory_space<vmem_shared>>
      %dma_start3A_332 = arith.constant 0 : i32
      %dma_start3A_333 = tpu.memref_slice %arg13[%add3A_11, %dma_start3A_332] : memref<10240x64xf32, #tpu.memory_space<vmem_shared>> -> memref<40x64xf32, #tpu.memory_space<vmem_shared>>
      tpu.enqueue_dma source(%arg8 : memref<40x64xf32, #tpu.memory_space<vmem>>) target(%dma_start3A_333 : memref<40x64xf32, #tpu.memory_space<vmem_shared>>) target_semaphore(%run_scoped3A : memref<!tpu.dma_semaphore, #tpu.memory_space<semaphore_mem>>)
      %dma_wait3A_334 = arith.constant 0 : i32
      %dma_wait3A_335 = tpu.memref_slice %arg13[%add3A_11, %dma_wait3A_334] : memref<10240x64xf32, #tpu.memory_space<vmem_shared>> -> memref<40x64xf32, #tpu.memory_space<vmem_shared>>
      %dma_wait3A_336 = arith.constant 0 : i32
      %dma_wait3A_337 = tpu.memref_slice %arg13[%add3A_11, %dma_wait3A_336] : memref<10240x64xf32, #tpu.memory_space<vmem_shared>> -> memref<40x64xf32, #tpu.memory_space<vmem_shared>>
      tpu.wait_dma2 semaphore(%run_scoped3A : memref<!tpu.dma_semaphore, #tpu.memory_space<semaphore_mem>>) src(%arg8 : memref<40x64xf32, #tpu.memory_space<vmem>>) dst(%dma_wait3A_337 : memref<40x64xf32, #tpu.memory_space<vmem_shared>>)
      tpu.yield
    }) : () -> ()
    %add3A_12 = arith.constant 40 : i32
    %add3A_13 = arith.addi %mul3A_9, %add3A_12 : i32
    "tpu.region"() ({
      %run_scoped3A = tpu.sem_alloc : memref<!tpu.dma_semaphore, #tpu.memory_space<semaphore_mem>>
      %dma_start3A_330 = arith.constant 0 : i32
      %dma_start3A_331 = tpu.memref_slice %arg13[%add3A_13, %dma_start3A_330] : memref<10240x64xf32, #tpu.memory_space<vmem_shared>> -> memref<40x64xf32, #tpu.memory_space<vmem_shared>>
      %dma_start3A_332 = arith.constant 0 : i32
      %dma_start3A_333 = tpu.memref_slice %arg13[%add3A_13, %dma_start3A_332] : memref<10240x64xf32, #tpu.memory_space<vmem_shared>> -> memref<40x64xf32, #tpu.memory_space<vmem_shared>>
      tpu.enqueue_dma source(%arg8 : memref<40x64xf32, #tpu.memory_space<vmem>>) target(%dma_start3A_333 : memref<40x64xf32, #tpu.memory_space<vmem_shared>>) target_semaphore(%run_scoped3A : memref<!tpu.dma_semaphore, #tpu.memory_space<semaphore_mem>>)
      %dma_wait3A_334 = arith.constant 0 : i32
      %dma_wait3A_335 = tpu.memref_slice %arg13[%add3A_13, %dma_wait3A_334] : memref<10240x64xf32, #tpu.memory_space<vmem_shared>> -> memref<40x64xf32, #tpu.memory_space<vmem_shared>>
      %dma_wait3A_336 = arith.constant 0 : i32
      %dma_wait3A_337 = tpu.memref_slice %arg13[%add3A_13, %dma_wait3A_336] : memref<10240x64xf32, #tpu.memory_space<vmem_shared>> -> memref<40x64xf32, #tpu.memory_space<vmem_shared>>
      tpu.wait_dma2 semaphore(%run_scoped3A : memref<!tpu.dma_semaphore, #tpu.memory_space<semaphore_mem>>) src(%arg8 : memref<40x64xf32, #tpu.memory_space<vmem>>) dst(%dma_wait3A_337 : memref<40x64xf32, #tpu.memory_space<vmem_shared>>)
      tpu.yield
    }) : () -> ()
    %add3A_14 = arith.constant 80 : i32
    %add3A_15 = arith.addi %mul3A_9, %add3A_14 : i32
    "tpu.region"() ({
      %run_scoped3A = tpu.sem_alloc : memref<!tpu.dma_semaphore, #tpu.memory_space<semaphore_mem>>
      %dma_start3A_330 = arith.constant 0 : i32
      %dma_start3A_331 = tpu.memref_slice %arg13[%add3A_15, %dma_start3A_330] : memref<10240x64xf32, #tpu.memory_space<vmem_shared>> -> memref<40x64xf32, #tpu.memory_space<vmem_shared>>
      %dma_start3A_332 = arith.constant 0 : i32
      %dma_start3A_333 = tpu.memref_slice %arg13[%add3A_15, %dma_start3A_332] : memref<10240x64xf32, #tpu.memory_space<vmem_shared>> -> memref<40x64xf32, #tpu.memory_space<vmem_shared>>
      tpu.enqueue_dma source(%arg8 : memref<40x64xf32, #tpu.memory_space<vmem>>) target(%dma_start3A_333 : memref<40x64xf32, #tpu.memory_space<vmem_shared>>) target_semaphore(%run_scoped3A : memref<!tpu.dma_semaphore, #tpu.memory_space<semaphore_mem>>)
      %dma_wait3A_334 = arith.constant 0 : i32
      %dma_wait3A_335 = tpu.memref_slice %arg13[%add3A_15, %dma_wait3A_334] : memref<10240x64xf32, #tpu.memory_space<vmem_shared>> -> memref<40x64xf32, #tpu.memory_space<vmem_shared>>
      %dma_wait3A_336 = arith.constant 0 : i32
      %dma_wait3A_337 = tpu.memref_slice %arg13[%add3A_15, %dma_wait3A_336] : memref<10240x64xf32, #tpu.memory_space<vmem_shared>> -> memref<40x64xf32, #tpu.memory_space<vmem_shared>>
      tpu.wait_dma2 semaphore(%run_scoped3A : memref<!tpu.dma_semaphore, #tpu.memory_space<semaphore_mem>>) src(%arg8 : memref<40x64xf32, #tpu.memory_space<vmem>>) dst(%dma_wait3A_337 : memref<40x64xf32, #tpu.memory_space<vmem_shared>>)
      tpu.yield
    }) : () -> ()
    %add3A_16 = arith.constant 120 : i32
    %add3A_17 = arith.addi %mul3A_9, %add3A_16 : i32
    "tpu.region"() ({
      %run_scoped3A = tpu.sem_alloc : memref<!tpu.dma_semaphore, #tpu.memory_space<semaphore_mem>>
      %dma_start3A_330 = arith.constant 0 : i32
      %dma_start3A_331 = tpu.memref_slice %arg13[%add3A_17, %dma_start3A_330] : memref<10240x64xf32, #tpu.memory_space<vmem_shared>> -> memref<40x64xf32, #tpu.memory_space<vmem_shared>>
      %dma_start3A_332 = arith.constant 0 : i32
      %dma_start3A_333 = tpu.memref_slice %arg13[%add3A_17, %dma_start3A_332] : memref<10240x64xf32, #tpu.memory_space<vmem_shared>> -> memref<40x64xf32, #tpu.memory_space<vmem_shared>>
      tpu.enqueue_dma source(%arg8 : memref<40x64xf32, #tpu.memory_space<vmem>>) target(%dma_start3A_333 : memref<40x64xf32, #tpu.memory_space<vmem_shared>>) target_semaphore(%run_scoped3A : memref<!tpu.dma_semaphore, #tpu.memory_space<semaphore_mem>>)
      %dma_wait3A_334 = arith.constant 0 : i32
      %dma_wait3A_335 = tpu.memref_slice %arg13[%add3A_17, %dma_wait3A_334] : memref<10240x64xf32, #tpu.memory_space<vmem_shared>> -> memref<40x64xf32, #tpu.memory_space<vmem_shared>>
      %dma_wait3A_336 = arith.constant 0 : i32
      %dma_wait3A_337 = tpu.memref_slice %arg13[%add3A_17, %dma_wait3A_336] : memref<10240x64xf32, #tpu.memory_space<vmem_shared>> -> memref<40x64xf32, #tpu.memory_space<vmem_shared>>
      tpu.wait_dma2 semaphore(%run_scoped3A : memref<!tpu.dma_semaphore, #tpu.memory_space<semaphore_mem>>) src(%arg8 : memref<40x64xf32, #tpu.memory_space<vmem>>) dst(%dma_wait3A_337 : memref<40x64xf32, #tpu.memory_space<vmem_shared>>)
      tpu.yield
    }) : () -> ()
    %add3A_18 = arith.constant 160 : i32
    %add3A_19 = arith.addi %mul3A_9, %add3A_18 : i32
    "tpu.region"() ({
      %run_scoped3A = tpu.sem_alloc : memref<!tpu.dma_semaphore, #tpu.memory_space<semaphore_mem>>
      %dma_start3A_330 = arith.constant 0 : i32
      %dma_start3A_331 = tpu.memref_slice %arg13[%add3A_19, %dma_start3A_330] : memref<10240x64xf32, #tpu.memory_space<vmem_shared>> -> memref<40x64xf32, #tpu.memory_space<vmem_shared>>
      %dma_start3A_332 = arith.constant 0 : i32
      %dma_start3A_333 = tpu.memref_slice %arg13[%add3A_19, %dma_start3A_332] : memref<10240x64xf32, #tpu.memory_space<vmem_shared>> -> memref<40x64xf32, #tpu.memory_space<vmem_shared>>
      tpu.enqueue_dma source(%arg8 : memref<40x64xf32, #tpu.memory_space<vmem>>) target(%dma_start3A_333 : memref<40x64xf32, #tpu.memory_space<vmem_shared>>) target_semaphore(%run_scoped3A : memref<!tpu.dma_semaphore, #tpu.memory_space<semaphore_mem>>)
      %dma_wait3A_334 = arith.constant 0 : i32
      %dma_wait3A_335 = tpu.memref_slice %arg13[%add3A_19, %dma_wait3A_334] : memref<10240x64xf32, #tpu.memory_space<vmem_shared>> -> memref<40x64xf32, #tpu.memory_space<vmem_shared>>
      %dma_wait3A_336 = arith.constant 0 : i32
      %dma_wait3A_337 = tpu.memref_slice %arg13[%add3A_19, %dma_wait3A_336] : memref<10240x64xf32, #tpu.memory_space<vmem_shared>> -> memref<40x64xf32, #tpu.memory_space<vmem_shared>>
      tpu.wait_dma2 semaphore(%run_scoped3A : memref<!tpu.dma_semaphore, #tpu.memory_space<semaphore_mem>>) src(%arg8 : memref<40x64xf32, #tpu.memory_space<vmem>>) dst(%dma_wait3A_337 : memref<40x64xf32, #tpu.memory_space<vmem_shared>>)
      tpu.yield
    }) : () -> ()
    %add3A_20 = arith.constant 200 : i32
    %add3A_21 = arith.addi %mul3A_9, %add3A_20 : i32
    "tpu.region"() ({
      %run_scoped3A = tpu.sem_alloc : memref<!tpu.dma_semaphore, #tpu.memory_space<semaphore_mem>>
      %dma_start3A_330 = arith.constant 0 : i32
      %dma_start3A_331 = tpu.memref_slice %arg13[%add3A_21, %dma_start3A_330] : memref<10240x64xf32, #tpu.memory_space<vmem_shared>> -> memref<40x64xf32, #tpu.memory_space<vmem_shared>>
      %dma_start3A_332 = arith.constant 0 : i32
      %dma_start3A_333 = tpu.memref_slice %arg13[%add3A_21, %dma_start3A_332] : memref<10240x64xf32, #tpu.memory_space<vmem_shared>> -> memref<40x64xf32, #tpu.memory_space<vmem_shared>>
      tpu.enqueue_dma source(%arg8 : memref<40x64xf32, #tpu.memory_space<vmem>>) target(%dma_start3A_333 : memref<40x64xf32, #tpu.memory_space<vmem_shared>>) target_semaphore(%run_scoped3A : memref<!tpu.dma_semaphore, #tpu.memory_space<semaphore_mem>>)
      %dma_wait3A_334 = arith.constant 0 : i32
      %dma_wait3A_335 = tpu.memref_slice %arg13[%add3A_21, %dma_wait3A_334] : memref<10240x64xf32, #tpu.memory_space<vmem_shared>> -> memref<40x64xf32, #tpu.memory_space<vmem_shared>>
      %dma_wait3A_336 = arith.constant 0 : i32
      %dma_wait3A_337 = tpu.memref_slice %arg13[%add3A_21, %dma_wait3A_336] : memref<10240x64xf32, #tpu.memory_space<vmem_shared>> -> memref<40x64xf32, #tpu.memory_space<vmem_shared>>
      tpu.wait_dma2 semaphore(%run_scoped3A : memref<!tpu.dma_semaphore, #tpu.memory_space<semaphore_mem>>) src(%arg8 : memref<40x64xf32, #tpu.memory_space<vmem>>) dst(%dma_wait3A_337 : memref<40x64xf32, #tpu.memory_space<vmem_shared>>)
      tpu.yield
    }) : () -> ()
    %add3A_22 = arith.constant 240 : i32
    %add3A_23 = arith.addi %mul3A_9, %add3A_22 : i32
    "tpu.region"() ({
      %run_scoped3A = tpu.sem_alloc : memref<!tpu.dma_semaphore, #tpu.memory_space<semaphore_mem>>
      %dma_start3A_330 = arith.constant 0 : i32
      %dma_start3A_331 = tpu.memref_slice %arg13[%add3A_23, %dma_start3A_330] : memref<10240x64xf32, #tpu.memory_space<vmem_shared>> -> memref<40x64xf32, #tpu.memory_space<vmem_shared>>
      %dma_start3A_332 = arith.constant 0 : i32
      %dma_start3A_333 = tpu.memref_slice %arg13[%add3A_23, %dma_start3A_332] : memref<10240x64xf32, #tpu.memory_space<vmem_shared>> -> memref<40x64xf32, #tpu.memory_space<vmem_shared>>
      tpu.enqueue_dma source(%arg8 : memref<40x64xf32, #tpu.memory_space<vmem>>) target(%dma_start3A_333 : memref<40x64xf32, #tpu.memory_space<vmem_shared>>) target_semaphore(%run_scoped3A : memref<!tpu.dma_semaphore, #tpu.memory_space<semaphore_mem>>)
      %dma_wait3A_334 = arith.constant 0 : i32
      %dma_wait3A_335 = tpu.memref_slice %arg13[%add3A_23, %dma_wait3A_334] : memref<10240x64xf32, #tpu.memory_space<vmem_shared>> -> memref<40x64xf32, #tpu.memory_space<vmem_shared>>
      %dma_wait3A_336 = arith.constant 0 : i32
      %dma_wait3A_337 = tpu.memref_slice %arg13[%add3A_23, %dma_wait3A_336] : memref<10240x64xf32, #tpu.memory_space<vmem_shared>> -> memref<40x64xf32, #tpu.memory_space<vmem_shared>>
      tpu.wait_dma2 semaphore(%run_scoped3A : memref<!tpu.dma_semaphore, #tpu.memory_space<semaphore_mem>>) src(%arg8 : memref<40x64xf32, #tpu.memory_space<vmem>>) dst(%dma_wait3A_337 : memref<40x64xf32, #tpu.memory_space<vmem_shared>>)
      tpu.yield
    }) : () -> ()
    %add3A_24 = arith.constant 280 : i32
    %add3A_25 = arith.addi %mul3A_9, %add3A_24 : i32
    "tpu.region"() ({
      %run_scoped3A = tpu.sem_alloc : memref<!tpu.dma_semaphore, #tpu.memory_space<semaphore_mem>>
      %dma_start3A_330 = arith.constant 0 : i32
      %dma_start3A_331 = tpu.memref_slice %arg13[%add3A_25, %dma_start3A_330] : memref<10240x64xf32, #tpu.memory_space<vmem_shared>> -> memref<40x64xf32, #tpu.memory_space<vmem_shared>>
      %dma_start3A_332 = arith.constant 0 : i32
      %dma_start3A_333 = tpu.memref_slice %arg13[%add3A_25, %dma_start3A_332] : memref<10240x64xf32, #tpu.memory_space<vmem_shared>> -> memref<40x64xf32, #tpu.memory_space<vmem_shared>>
      tpu.enqueue_dma source(%arg8 : memref<40x64xf32, #tpu.memory_space<vmem>>) target(%dma_start3A_333 : memref<40x64xf32, #tpu.memory_space<vmem_shared>>) target_semaphore(%run_scoped3A : memref<!tpu.dma_semaphore, #tpu.memory_space<semaphore_mem>>)
      %dma_wait3A_334 = arith.constant 0 : i32
      %dma_wait3A_335 = tpu.memref_slice %arg13[%add3A_25, %dma_wait3A_334] : memref<10240x64xf32, #tpu.memory_space<vmem_shared>> -> memref<40x64xf32, #tpu.memory_space<vmem_shared>>
      %dma_wait3A_336 = arith.constant 0 : i32
      %dma_wait3A_337 = tpu.memref_slice %arg13[%add3A_25, %dma_wait3A_336] : memref<10240x64xf32, #tpu.memory_space<vmem_shared>> -> memref<40x64xf32, #tpu.memory_space<vmem_shared>>
      tpu.wait_dma2 semaphore(%run_scoped3A : memref<!tpu.dma_semaphore, #tpu.memory_space<semaphore_mem>>) src(%arg8 : memref<40x64xf32, #tpu.memory_space<vmem>>) dst(%dma_wait3A_337 : memref<40x64xf32, #tpu.memory_space<vmem_shared>>)
      tpu.yield
    }) : () -> ()
    %add3A_26 = arith.constant 320 : i32
    %add3A_27 = arith.addi %mul3A_9, %add3A_26 : i32
    "tpu.region"() ({
      %run_scoped3A = tpu.sem_alloc : memref<!tpu.dma_semaphore, #tpu.memory_space<semaphore_mem>>
      %dma_start3A_330 = arith.constant 0 : i32
      %dma_start3A_331 = tpu.memref_slice %arg13[%add3A_27, %dma_start3A_330] : memref<10240x64xf32, #tpu.memory_space<vmem_shared>> -> memref<40x64xf32, #tpu.memory_space<vmem_shared>>
      %dma_start3A_332 = arith.constant 0 : i32
      %dma_start3A_333 = tpu.memref_slice %arg13[%add3A_27, %dma_start3A_332] : memref<10240x64xf32, #tpu.memory_space<vmem_shared>> -> memref<40x64xf32, #tpu.memory_space<vmem_shared>>
      tpu.enqueue_dma source(%arg8 : memref<40x64xf32, #tpu.memory_space<vmem>>) target(%dma_start3A_333 : memref<40x64xf32, #tpu.memory_space<vmem_shared>>) target_semaphore(%run_scoped3A : memref<!tpu.dma_semaphore, #tpu.memory_space<semaphore_mem>>)
      %dma_wait3A_334 = arith.constant 0 : i32
      %dma_wait3A_335 = tpu.memref_slice %arg13[%add3A_27, %dma_wait3A_334] : memref<10240x64xf32, #tpu.memory_space<vmem_shared>> -> memref<40x64xf32, #tpu.memory_space<vmem_shared>>
      %dma_wait3A_336 = arith.constant 0 : i32
      %dma_wait3A_337 = tpu.memref_slice %arg13[%add3A_27, %dma_wait3A_336] : memref<10240x64xf32, #tpu.memory_space<vmem_shared>> -> memref<40x64xf32, #tpu.memory_space<vmem_shared>>
      tpu.wait_dma2 semaphore(%run_scoped3A : memref<!tpu.dma_semaphore, #tpu.memory_space<semaphore_mem>>) src(%arg8 : memref<40x64xf32, #tpu.memory_space<vmem>>) dst(%dma_wait3A_337 : memref<40x64xf32, #tpu.memory_space<vmem_shared>>)
      tpu.yield
    }) : () -> ()
    %add3A_28 = arith.constant 360 : i32
    %add3A_29 = arith.addi %mul3A_9, %add3A_28 : i32
    "tpu.region"() ({
      %run_scoped3A = tpu.sem_alloc : memref<!tpu.dma_semaphore, #tpu.memory_space<semaphore_mem>>
      %dma_start3A_330 = arith.constant 0 : i32
      %dma_start3A_331 = tpu.memref_slice %arg13[%add3A_29, %dma_start3A_330] : memref<10240x64xf32, #tpu.memory_space<vmem_shared>> -> memref<40x64xf32, #tpu.memory_space<vmem_shared>>
      %dma_start3A_332 = arith.constant 0 : i32
      %dma_start3A_333 = tpu.memref_slice %arg13[%add3A_29, %dma_start3A_332] : memref<10240x64xf32, #tpu.memory_space<vmem_shared>> -> memref<40x64xf32, #tpu.memory_space<vmem_shared>>
      tpu.enqueue_dma source(%arg8 : memref<40x64xf32, #tpu.memory_space<vmem>>) target(%dma_start3A_333 : memref<40x64xf32, #tpu.memory_space<vmem_shared>>) target_semaphore(%run_scoped3A : memref<!tpu.dma_semaphore, #tpu.memory_space<semaphore_mem>>)
      %dma_wait3A_334 = arith.constant 0 : i32
      %dma_wait3A_335 = tpu.memref_slice %arg13[%add3A_29, %dma_wait3A_334] : memref<10240x64xf32, #tpu.memory_space<vmem_shared>> -> memref<40x64xf32, #tpu.memory_space<vmem_shared>>
      %dma_wait3A_336 = arith.constant 0 : i32
      %dma_wait3A_337 = tpu.memref_slice %arg13[%add3A_29, %dma_wait3A_336] : memref<10240x64xf32, #tpu.memory_space<vmem_shared>> -> memref<40x64xf32, #tpu.memory_space<vmem_shared>>
      tpu.wait_dma2 semaphore(%run_scoped3A : memref<!tpu.dma_semaphore, #tpu.memory_space<semaphore_mem>>) src(%arg8 : memref<40x64xf32, #tpu.memory_space<vmem>>) dst(%dma_wait3A_337 : memref<40x64xf32, #tpu.memory_space<vmem_shared>>)
      tpu.yield
    }) : () -> ()
    %add3A_30 = arith.constant 400 : i32
    %add3A_31 = arith.addi %mul3A_9, %add3A_30 : i32
    "tpu.region"() ({
      %run_scoped3A = tpu.sem_alloc : memref<!tpu.dma_semaphore, #tpu.memory_space<semaphore_mem>>
      %dma_start3A_330 = arith.constant 0 : i32
      %dma_start3A_331 = tpu.memref_slice %arg13[%add3A_31, %dma_start3A_330] : memref<10240x64xf32, #tpu.memory_space<vmem_shared>> -> memref<40x64xf32, #tpu.memory_space<vmem_shared>>
      %dma_start3A_332 = arith.constant 0 : i32
      %dma_start3A_333 = tpu.memref_slice %arg13[%add3A_31, %dma_start3A_332] : memref<10240x64xf32, #tpu.memory_space<vmem_shared>> -> memref<40x64xf32, #tpu.memory_space<vmem_shared>>
      tpu.enqueue_dma source(%arg8 : memref<40x64xf32, #tpu.memory_space<vmem>>) target(%dma_start3A_333 : memref<40x64xf32, #tpu.memory_space<vmem_shared>>) target_semaphore(%run_scoped3A : memref<!tpu.dma_semaphore, #tpu.memory_space<semaphore_mem>>)
      %dma_wait3A_334 = arith.constant 0 : i32
      %dma_wait3A_335 = tpu.memref_slice %arg13[%add3A_31, %dma_wait3A_334] : memref<10240x64xf32, #tpu.memory_space<vmem_shared>> -> memref<40x64xf32, #tpu.memory_space<vmem_shared>>
      %dma_wait3A_336 = arith.constant 0 : i32
      %dma_wait3A_337 = tpu.memref_slice %arg13[%add3A_31, %dma_wait3A_336] : memref<10240x64xf32, #tpu.memory_space<vmem_shared>> -> memref<40x64xf32, #tpu.memory_space<vmem_shared>>
      tpu.wait_dma2 semaphore(%run_scoped3A : memref<!tpu.dma_semaphore, #tpu.memory_space<semaphore_mem>>) src(%arg8 : memref<40x64xf32, #tpu.memory_space<vmem>>) dst(%dma_wait3A_337 : memref<40x64xf32, #tpu.memory_space<vmem_shared>>)
      tpu.yield
    }) : () -> ()
    %add3A_32 = arith.constant 440 : i32
    %add3A_33 = arith.addi %mul3A_9, %add3A_32 : i32
    "tpu.region"() ({
      %run_scoped3A = tpu.sem_alloc : memref<!tpu.dma_semaphore, #tpu.memory_space<semaphore_mem>>
      %dma_start3A_330 = arith.constant 0 : i32
      %dma_start3A_331 = tpu.memref_slice %arg13[%add3A_33, %dma_start3A_330] : memref<10240x64xf32, #tpu.memory_space<vmem_shared>> -> memref<40x64xf32, #tpu.memory_space<vmem_shared>>
      %dma_start3A_332 = arith.constant 0 : i32
      %dma_start3A_333 = tpu.memref_slice %arg13[%add3A_33, %dma_start3A_332] : memref<10240x64xf32, #tpu.memory_space<vmem_shared>> -> memref<40x64xf32, #tpu.memory_space<vmem_shared>>
      tpu.enqueue_dma source(%arg8 : memref<40x64xf32, #tpu.memory_space<vmem>>) target(%dma_start3A_333 : memref<40x64xf32, #tpu.memory_space<vmem_shared>>) target_semaphore(%run_scoped3A : memref<!tpu.dma_semaphore, #tpu.memory_space<semaphore_mem>>)
      %dma_wait3A_334 = arith.constant 0 : i32
      %dma_wait3A_335 = tpu.memref_slice %arg13[%add3A_33, %dma_wait3A_334] : memref<10240x64xf32, #tpu.memory_space<vmem_shared>> -> memref<40x64xf32, #tpu.memory_space<vmem_shared>>
      %dma_wait3A_336 = arith.constant 0 : i32
      %dma_wait3A_337 = tpu.memref_slice %arg13[%add3A_33, %dma_wait3A_336] : memref<10240x64xf32, #tpu.memory_space<vmem_shared>> -> memref<40x64xf32, #tpu.memory_space<vmem_shared>>
      tpu.wait_dma2 semaphore(%run_scoped3A : memref<!tpu.dma_semaphore, #tpu.memory_space<semaphore_mem>>) src(%arg8 : memref<40x64xf32, #tpu.memory_space<vmem>>) dst(%dma_wait3A_337 : memref<40x64xf32, #tpu.memory_space<vmem_shared>>)
      tpu.yield
    }) : () -> ()
    %add3A_34 = arith.constant 480 : i32
    %add3A_35 = arith.addi %mul3A_9, %add3A_34 : i32
    "tpu.region"() ({
      %run_scoped3A = tpu.sem_alloc : memref<!tpu.dma_semaphore, #tpu.memory_space<semaphore_mem>>
      %dma_start3A_330 = arith.constant 0 : i32
      %dma_start3A_331 = tpu.memref_slice %arg13[%add3A_35, %dma_start3A_330] : memref<10240x64xf32, #tpu.memory_space<vmem_shared>> -> memref<40x64xf32, #tpu.memory_space<vmem_shared>>
      %dma_start3A_332 = arith.constant 0 : i32
      %dma_start3A_333 = tpu.memref_slice %arg13[%add3A_35, %dma_start3A_332] : memref<10240x64xf32, #tpu.memory_space<vmem_shared>> -> memref<40x64xf32, #tpu.memory_space<vmem_shared>>
      tpu.enqueue_dma source(%arg8 : memref<40x64xf32, #tpu.memory_space<vmem>>) target(%dma_start3A_333 : memref<40x64xf32, #tpu.memory_space<vmem_shared>>) target_semaphore(%run_scoped3A : memref<!tpu.dma_semaphore, #tpu.memory_space<semaphore_mem>>)
      %dma_wait3A_334 = arith.constant 0 : i32
      %dma_wait3A_335 = tpu.memref_slice %arg13[%add3A_35, %dma_wait3A_334] : memref<10240x64xf32, #tpu.memory_space<vmem_shared>> -> memref<40x64xf32, #tpu.memory_space<vmem_shared>>
      %dma_wait3A_336 = arith.constant 0 : i32
      %dma_wait3A_337 = tpu.memref_slice %arg13[%add3A_35, %dma_wait3A_336] : memref<10240x64xf32, #tpu.memory_space<vmem_shared>> -> memref<40x64xf32, #tpu.memory_space<vmem_shared>>
      tpu.wait_dma2 semaphore(%run_scoped3A : memref<!tpu.dma_semaphore, #tpu.memory_space<semaphore_mem>>) src(%arg8 : memref<40x64xf32, #tpu.memory_space<vmem>>) dst(%dma_wait3A_337 : memref<40x64xf32, #tpu.memory_space<vmem_shared>>)
      tpu.yield
    }) : () -> ()
    %add3A_36 = arith.constant 520 : i32
    %add3A_37 = arith.addi %mul3A_9, %add3A_36 : i32
    "tpu.region"() ({
      %run_scoped3A = tpu.sem_alloc : memref<!tpu.dma_semaphore, #tpu.memory_space<semaphore_mem>>
      %dma_start3A_330 = arith.constant 0 : i32
      %dma_start3A_331 = tpu.memref_slice %arg13[%add3A_37, %dma_start3A_330] : memref<10240x64xf32, #tpu.memory_space<vmem_shared>> -> memref<40x64xf32, #tpu.memory_space<vmem_shared>>
      %dma_start3A_332 = arith.constant 0 : i32
      %dma_start3A_333 = tpu.memref_slice %arg13[%add3A_37, %dma_start3A_332] : memref<10240x64xf32, #tpu.memory_space<vmem_shared>> -> memref<40x64xf32, #tpu.memory_space<vmem_shared>>
      tpu.enqueue_dma source(%arg8 : memref<40x64xf32, #tpu.memory_space<vmem>>) target(%dma_start3A_333 : memref<40x64xf32, #tpu.memory_space<vmem_shared>>) target_semaphore(%run_scoped3A : memref<!tpu.dma_semaphore, #tpu.memory_space<semaphore_mem>>)
      %dma_wait3A_334 = arith.constant 0 : i32
      %dma_wait3A_335 = tpu.memref_slice %arg13[%add3A_37, %dma_wait3A_334] : memref<10240x64xf32, #tpu.memory_space<vmem_shared>> -> memref<40x64xf32, #tpu.memory_space<vmem_shared>>
      %dma_wait3A_336 = arith.constant 0 : i32
      %dma_wait3A_337 = tpu.memref_slice %arg13[%add3A_37, %dma_wait3A_336] : memref<10240x64xf32, #tpu.memory_space<vmem_shared>> -> memref<40x64xf32, #tpu.memory_space<vmem_shared>>
      tpu.wait_dma2 semaphore(%run_scoped3A : memref<!tpu.dma_semaphore, #tpu.memory_space<semaphore_mem>>) src(%arg8 : memref<40x64xf32, #tpu.memory_space<vmem>>) dst(%dma_wait3A_337 : memref<40x64xf32, #tpu.memory_space<vmem_shared>>)
      tpu.yield
    }) : () -> ()
    %add3A_38 = arith.constant 560 : i32
    %add3A_39 = arith.addi %mul3A_9, %add3A_38 : i32
    "tpu.region"() ({
      %run_scoped3A = tpu.sem_alloc : memref<!tpu.dma_semaphore, #tpu.memory_space<semaphore_mem>>
      %dma_start3A_330 = arith.constant 0 : i32
      %dma_start3A_331 = tpu.memref_slice %arg13[%add3A_39, %dma_start3A_330] : memref<10240x64xf32, #tpu.memory_space<vmem_shared>> -> memref<40x64xf32, #tpu.memory_space<vmem_shared>>
      %dma_start3A_332 = arith.constant 0 : i32
      %dma_start3A_333 = tpu.memref_slice %arg13[%add3A_39, %dma_start3A_332] : memref<10240x64xf32, #tpu.memory_space<vmem_shared>> -> memref<40x64xf32, #tpu.memory_space<vmem_shared>>
      tpu.enqueue_dma source(%arg8 : memref<40x64xf32, #tpu.memory_space<vmem>>) target(%dma_start3A_333 : memref<40x64xf32, #tpu.memory_space<vmem_shared>>) target_semaphore(%run_scoped3A : memref<!tpu.dma_semaphore, #tpu.memory_space<semaphore_mem>>)
      %dma_wait3A_334 = arith.constant 0 : i32
      %dma_wait3A_335 = tpu.memref_slice %arg13[%add3A_39, %dma_wait3A_334] : memref<10240x64xf32, #tpu.memory_space<vmem_shared>> -> memref<40x64xf32, #tpu.memory_space<vmem_shared>>
      %dma_wait3A_336 = arith.constant 0 : i32
      %dma_wait3A_337 = tpu.memref_slice %arg13[%add3A_39, %dma_wait3A_336] : memref<10240x64xf32, #tpu.memory_space<vmem_shared>> -> memref<40x64xf32, #tpu.memory_space<vmem_shared>>
      tpu.wait_dma2 semaphore(%run_scoped3A : memref<!tpu.dma_semaphore, #tpu.memory_space<semaphore_mem>>) src(%arg8 : memref<40x64xf32, #tpu.memory_space<vmem>>) dst(%dma_wait3A_337 : memref<40x64xf32, #tpu.memory_space<vmem_shared>>)
      tpu.yield
    }) : () -> ()
    %add3A_40 = arith.constant 600 : i32
    %add3A_41 = arith.addi %mul3A_9, %add3A_40 : i32
    "tpu.region"() ({
      %run_scoped3A = tpu.sem_alloc : memref<!tpu.dma_semaphore, #tpu.memory_space<semaphore_mem>>
      %dma_start3A_330 = arith.constant 0 : i32
      %dma_start3A_331 = tpu.memref_slice %arg13[%add3A_41, %dma_start3A_330] : memref<10240x64xf32, #tpu.memory_space<vmem_shared>> -> memref<40x64xf32, #tpu.memory_space<vmem_shared>>
      %dma_start3A_332 = arith.constant 0 : i32
      %dma_start3A_333 = tpu.memref_slice %arg13[%add3A_41, %dma_start3A_332] : memref<10240x64xf32, #tpu.memory_space<vmem_shared>> -> memref<40x64xf32, #tpu.memory_space<vmem_shared>>
      tpu.enqueue_dma source(%arg8 : memref<40x64xf32, #tpu.memory_space<vmem>>) target(%dma_start3A_333 : memref<40x64xf32, #tpu.memory_space<vmem_shared>>) target_semaphore(%run_scoped3A : memref<!tpu.dma_semaphore, #tpu.memory_space<semaphore_mem>>)
      %dma_wait3A_334 = arith.constant 0 : i32
      %dma_wait3A_335 = tpu.memref_slice %arg13[%add3A_41, %dma_wait3A_334] : memref<10240x64xf32, #tpu.memory_space<vmem_shared>> -> memref<40x64xf32, #tpu.memory_space<vmem_shared>>
      %dma_wait3A_336 = arith.constant 0 : i32
      %dma_wait3A_337 = tpu.memref_slice %arg13[%add3A_41, %dma_wait3A_336] : memref<10240x64xf32, #tpu.memory_space<vmem_shared>> -> memref<40x64xf32, #tpu.memory_space<vmem_shared>>
      tpu.wait_dma2 semaphore(%run_scoped3A : memref<!tpu.dma_semaphore, #tpu.memory_space<semaphore_mem>>) src(%arg8 : memref<40x64xf32, #tpu.memory_space<vmem>>) dst(%dma_wait3A_337 : memref<40x64xf32, #tpu.memory_space<vmem_shared>>)
      tpu.yield
    }) : () -> ()
    "tpu.region"() ({
      %run_scoped3A = tpu.sem_alloc : memref<!tpu.dma_semaphore, #tpu.memory_space<semaphore_mem>>
      %dma_start3A_330 = arith.constant 0 : i32
      %dma_start3A_331 = arith.constant 0 : i32
      %dma_start3A_332 = tpu.memref_slice %arg3[%add3A, %dma_start3A_330, %dma_start3A_331] : memref<32x250x40xi32, #tpu.memory_space<hbm>> -> memref<1x250x40xi32, #tpu.memory_space<hbm>>
      %dma_start3A_333 = tpu.memref_squeeze %dma_start3A_332 : memref<1x250x40xi32, #tpu.memory_space<hbm>> -> memref<250x40xi32, #tpu.memory_space<hbm>>
      %dma_start3A_334 = arith.constant 0 : i32
      %dma_start3A_335 = arith.constant 0 : i32
      %dma_start3A_336 = tpu.memref_slice %arg3[%add3A, %dma_start3A_334, %dma_start3A_335] : memref<32x250x40xi32, #tpu.memory_space<hbm>> -> memref<1x250x40xi32, #tpu.memory_space<hbm>>
      %dma_start3A_337 = tpu.memref_squeeze %dma_start3A_336 : memref<1x250x40xi32, #tpu.memory_space<hbm>> -> memref<250x40xi32, #tpu.memory_space<hbm>>
      tpu.enqueue_dma source(%dma_start3A_337 : memref<250x40xi32, #tpu.memory_space<hbm>>) target(%arg6 : memref<250x40xi32, #tpu.memory_space<vmem>>) target_semaphore(%run_scoped3A : memref<!tpu.dma_semaphore, #tpu.memory_space<semaphore_mem>>)
      %dma_wait3A_338 = arith.constant 0 : i32
      %dma_wait3A_339 = arith.constant 0 : i32
      %dma_wait3A_340 = tpu.memref_slice %arg3[%add3A, %dma_wait3A_338, %dma_wait3A_339] : memref<32x250x40xi32, #tpu.memory_space<hbm>> -> memref<1x250x40xi32, #tpu.memory_space<hbm>>
      %dma_wait3A_341 = tpu.memref_squeeze %dma_wait3A_340 : memref<1x250x40xi32, #tpu.memory_space<hbm>> -> memref<250x40xi32, #tpu.memory_space<hbm>>
      %dma_wait3A_342 = arith.constant 0 : i32
      %dma_wait3A_343 = arith.constant 0 : i32
      %dma_wait3A_344 = tpu.memref_slice %arg3[%add3A, %dma_wait3A_342, %dma_wait3A_343] : memref<32x250x40xi32, #tpu.memory_space<hbm>> -> memref<1x250x40xi32, #tpu.memory_space<hbm>>
      %dma_wait3A_345 = tpu.memref_squeeze %dma_wait3A_344 : memref<1x250x40xi32, #tpu.memory_space<hbm>> -> memref<250x40xi32, #tpu.memory_space<hbm>>
      tpu.wait_dma2 semaphore(%run_scoped3A : memref<!tpu.dma_semaphore, #tpu.memory_space<semaphore_mem>>) src(%dma_wait3A_345 : memref<250x40xi32, #tpu.memory_space<hbm>>) dst(%arg6 : memref<250x40xi32, #tpu.memory_space<vmem>>)
      tpu.yield
    }) : () -> ()
    "tpu.region"() ({
      %run_scoped3A = tpu.sem_alloc : memref<!tpu.dma_semaphore, #tpu.memory_space<semaphore_mem>>
      %dma_start3A_330 = arith.constant 0 : i32
      %dma_start3A_331 = arith.constant 0 : i32
      %dma_start3A_332 = tpu.memref_slice %arg4[%add3A, %dma_start3A_330, %dma_start3A_331] : memref<32x250x40xi32, #tpu.memory_space<hbm>> -> memref<1x250x40xi32, #tpu.memory_space<hbm>>
      %dma_start3A_333 = tpu.memref_squeeze %dma_start3A_332 : memref<1x250x40xi32, #tpu.memory_space<hbm>> -> memref<250x40xi32, #tpu.memory_space<hbm>>
      %dma_start3A_334 = arith.constant 0 : i32
      %dma_start3A_335 = arith.constant 0 : i32
      %dma_start3A_336 = tpu.memref_slice %arg4[%add3A, %dma_start3A_334, %dma_start3A_335] : memref<32x250x40xi32, #tpu.memory_space<hbm>> -> memref<1x250x40xi32, #tpu.memory_space<hbm>>
      %dma_start3A_337 = tpu.memref_squeeze %dma_start3A_336 : memref<1x250x40xi32, #tpu.memory_space<hbm>> -> memref<250x40xi32, #tpu.memory_space<hbm>>
      tpu.enqueue_dma source(%dma_start3A_337 : memref<250x40xi32, #tpu.memory_space<hbm>>) target(%arg7 : memref<250x40xi32, #tpu.memory_space<vmem>>) target_semaphore(%run_scoped3A : memref<!tpu.dma_semaphore, #tpu.memory_space<semaphore_mem>>)
      %dma_wait3A_338 = arith.constant 0 : i32
      %dma_wait3A_339 = arith.constant 0 : i32
      %dma_wait3A_340 = tpu.memref_slice %arg4[%add3A, %dma_wait3A_338, %dma_wait3A_339] : memref<32x250x40xi32, #tpu.memory_space<hbm>> -> memref<1x250x40xi32, #tpu.memory_space<hbm>>
      %dma_wait3A_341 = tpu.memref_squeeze %dma_wait3A_340 : memref<1x250x40xi32, #tpu.memory_space<hbm>> -> memref<250x40xi32, #tpu.memory_space<hbm>>
      %dma_wait3A_342 = arith.constant 0 : i32
      %dma_wait3A_343 = arith.constant 0 : i32
      %dma_wait3A_344 = tpu.memref_slice %arg4[%add3A, %dma_wait3A_342, %dma_wait3A_343] : memref<32x250x40xi32, #tpu.memory_space<hbm>> -> memref<1x250x40xi32, #tpu.memory_space<hbm>>
      %dma_wait3A_345 = tpu.memref_squeeze %dma_wait3A_344 : memref<1x250x40xi32, #tpu.memory_space<hbm>> -> memref<250x40xi32, #tpu.memory_space<hbm>>
      tpu.wait_dma2 semaphore(%run_scoped3A : memref<!tpu.dma_semaphore, #tpu.memory_space<semaphore_mem>>) src(%dma_wait3A_345 : memref<250x40xi32, #tpu.memory_space<hbm>>) dst(%arg7 : memref<250x40xi32, #tpu.memory_space<vmem>>)
      tpu.yield
    }) : () -> ()
    %barrier3A = arith.constant 0 : index
    tpu.barrier barrier_id(%barrier3A)
    %dma_start3A = arith.constant 0 : i32
    %dma_start3A_42 = arith.constant 0 : i32
    %dma_start3A_43 = tpu.memref_slice %arg6[%dma_start3A, %dma_start3A_42] : memref<250x40xi32, #tpu.memory_space<vmem>> -> memref<1x40xi32, #tpu.memory_space<vmem>>
    %dma_start3A_44 = tpu.memref_squeeze %dma_start3A_43 : memref<1x40xi32, #tpu.memory_space<vmem>> -> memref<40xi32, #tpu.memory_space<vmem>>
    %dma_start3A_45 = arith.constant 0 : i32
    %dma_start3A_46 = arith.constant 0 : i32
    %dma_start3A_47 = tpu.memref_slice %arg2[%dma_start3A_45, %dma_start3A_46] : memref<10000x64xf32, #tpu.memory_space<hbm>> -> memref<10000x64xf32, #tpu.memory_space<hbm>>
    tpu.enqueue_indirect_dma source(%dma_start3A_47 : memref<10000x64xf32, #tpu.memory_space<hbm>>) target(%arg8 : memref<40x64xf32, #tpu.memory_space<vmem>>) offsets(%dma_start3A_44 : memref<40xi32, #tpu.memory_space<vmem>>) semaphore(%arg14 : memref<!tpu.dma_semaphore, #tpu.memory_space<semaphore_mem>>)
    %dma_start3A_48 = arith.constant 1 : i32
    %dma_start3A_49 = arith.constant 0 : i32
    %dma_start3A_50 = tpu.memref_slice %arg6[%dma_start3A_48, %dma_start3A_49] : memref<250x40xi32, #tpu.memory_space<vmem>> -> memref<1x40xi32, #tpu.memory_space<vmem>>
    %dma_start3A_51 = tpu.memref_squeeze %dma_start3A_50 : memref<1x40xi32, #tpu.memory_space<vmem>> -> memref<40xi32, #tpu.memory_space<vmem>>
    %dma_start3A_52 = arith.constant 0 : i32
    %dma_start3A_53 = arith.constant 0 : i32
    %dma_start3A_54 = tpu.memref_slice %arg2[%dma_start3A_52, %dma_start3A_53] : memref<10000x64xf32, #tpu.memory_space<hbm>> -> memref<10000x64xf32, #tpu.memory_space<hbm>>
    tpu.enqueue_indirect_dma source(%dma_start3A_54 : memref<10000x64xf32, #tpu.memory_space<hbm>>) target(%arg9 : memref<40x64xf32, #tpu.memory_space<vmem>>) offsets(%dma_start3A_51 : memref<40xi32, #tpu.memory_space<vmem>>) semaphore(%arg15 : memref<!tpu.dma_semaphore, #tpu.memory_space<semaphore_mem>>)
    %dma_start3A_55 = arith.constant 2 : i32
    %dma_start3A_56 = arith.constant 0 : i32
    %dma_start3A_57 = tpu.memref_slice %arg6[%dma_start3A_55, %dma_start3A_56] : memref<250x40xi32, #tpu.memory_space<vmem>> -> memref<1x40xi32, #tpu.memory_space<vmem>>
    %dma_start3A_58 = tpu.memref_squeeze %dma_start3A_57 : memref<1x40xi32, #tpu.memory_space<vmem>> -> memref<40xi32, #tpu.memory_space<vmem>>
    %dma_start3A_59 = arith.constant 0 : i32
    %dma_start3A_60 = arith.constant 0 : i32
    %dma_start3A_61 = tpu.memref_slice %arg2[%dma_start3A_59, %dma_start3A_60] : memref<10000x64xf32, #tpu.memory_space<hbm>> -> memref<10000x64xf32, #tpu.memory_space<hbm>>
    tpu.enqueue_indirect_dma source(%dma_start3A_61 : memref<10000x64xf32, #tpu.memory_space<hbm>>) target(%arg10 : memref<40x64xf32, #tpu.memory_space<vmem>>) offsets(%dma_start3A_58 : memref<40xi32, #tpu.memory_space<vmem>>) semaphore(%arg16 : memref<!tpu.dma_semaphore, #tpu.memory_space<semaphore_mem>>)
    %dma_start3A_62 = arith.constant 3 : i32
    %dma_start3A_63 = arith.constant 0 : i32
    %dma_start3A_64 = tpu.memref_slice %arg6[%dma_start3A_62, %dma_start3A_63] : memref<250x40xi32, #tpu.memory_space<vmem>> -> memref<1x40xi32, #tpu.memory_space<vmem>>
    %dma_start3A_65 = tpu.memref_squeeze %dma_start3A_64 : memref<1x40xi32, #tpu.memory_space<vmem>> -> memref<40xi32, #tpu.memory_space<vmem>>
    %dma_start3A_66 = arith.constant 0 : i32
    %dma_start3A_67 = arith.constant 0 : i32
    %dma_start3A_68 = tpu.memref_slice %arg2[%dma_start3A_66, %dma_start3A_67] : memref<10000x64xf32, #tpu.memory_space<hbm>> -> memref<10000x64xf32, #tpu.memory_space<hbm>>
    tpu.enqueue_indirect_dma source(%dma_start3A_68 : memref<10000x64xf32, #tpu.memory_space<hbm>>) target(%arg11 : memref<40x64xf32, #tpu.memory_space<vmem>>) offsets(%dma_start3A_65 : memref<40xi32, #tpu.memory_space<vmem>>) semaphore(%arg17 : memref<!tpu.dma_semaphore, #tpu.memory_space<semaphore_mem>>)
    %dma_wait3A = arith.constant 0 : i32
    %dma_wait3A_69 = arith.constant 0 : i32
    %dma_wait3A_70 = tpu.memref_slice %arg6[%dma_wait3A, %dma_wait3A_69] : memref<250x40xi32, #tpu.memory_space<vmem>> -> memref<1x40xi32, #tpu.memory_space<vmem>>
    %dma_wait3A_71 = tpu.memref_squeeze %dma_wait3A_70 : memref<1x40xi32, #tpu.memory_space<vmem>> -> memref<40xi32, #tpu.memory_space<vmem>>
    %dma_wait3A_72 = arith.constant 0 : i32
    %dma_wait3A_73 = arith.constant 0 : i32
    %dma_wait3A_74 = tpu.memref_slice %arg2[%dma_wait3A_72, %dma_wait3A_73] : memref<10000x64xf32, #tpu.memory_space<hbm>> -> memref<10000x64xf32, #tpu.memory_space<hbm>>
    tpu.wait_indirect_dma semaphore(%arg14 : memref<!tpu.dma_semaphore, #tpu.memory_space<semaphore_mem>>) src(%dma_wait3A_74 : memref<10000x64xf32, #tpu.memory_space<hbm>>) dst(%arg8 : memref<40x64xf32, #tpu.memory_space<vmem>>)
    %dma_start3A_75 = arith.constant 0 : i32
    %dma_start3A_76 = arith.constant 0 : i32
    %dma_start3A_77 = tpu.memref_slice %arg7[%dma_start3A_75, %dma_start3A_76] : memref<250x40xi32, #tpu.memory_space<vmem>> -> memref<1x40xi32, #tpu.memory_space<vmem>>
    %dma_start3A_78 = tpu.memref_squeeze %dma_start3A_77 : memref<1x40xi32, #tpu.memory_space<vmem>> -> memref<40xi32, #tpu.memory_space<vmem>>
    %dma_start3A_79 = arith.constant 0 : i32
    %dma_start3A_80 = arith.constant 0 : i32
    %dma_start3A_81 = tpu.memref_slice %arg13[%dma_start3A_79, %dma_start3A_80] : memref<10240x64xf32, #tpu.memory_space<vmem_shared>> -> memref<10240x64xf32, #tpu.memory_space<vmem_shared>>
    tpu.enqueue_indirect_dma source(%arg8 : memref<40x64xf32, #tpu.memory_space<vmem>>) target(%dma_start3A_81 : memref<10240x64xf32, #tpu.memory_space<vmem_shared>>) offsets(%dma_start3A_78 : memref<40xi32, #tpu.memory_space<vmem>>) semaphore(%arg19 : memref<!tpu.dma_semaphore, #tpu.memory_space<semaphore_mem>>) {add = true}
    %dma_start3A_82 = arith.constant 4 : i32
    %dma_start3A_83 = arith.constant 0 : i32
    %dma_start3A_84 = tpu.memref_slice %arg6[%dma_start3A_82, %dma_start3A_83] : memref<250x40xi32, #tpu.memory_space<vmem>> -> memref<1x40xi32, #tpu.memory_space<vmem>>
    %dma_start3A_85 = tpu.memref_squeeze %dma_start3A_84 : memref<1x40xi32, #tpu.memory_space<vmem>> -> memref<40xi32, #tpu.memory_space<vmem>>
    %dma_start3A_86 = arith.constant 0 : i32
    %dma_start3A_87 = arith.constant 0 : i32
    %dma_start3A_88 = tpu.memref_slice %arg2[%dma_start3A_86, %dma_start3A_87] : memref<10000x64xf32, #tpu.memory_space<hbm>> -> memref<10000x64xf32, #tpu.memory_space<hbm>>
    tpu.enqueue_indirect_dma source(%dma_start3A_88 : memref<10000x64xf32, #tpu.memory_space<hbm>>) target(%arg12 : memref<40x64xf32, #tpu.memory_space<vmem>>) offsets(%dma_start3A_85 : memref<40xi32, #tpu.memory_space<vmem>>) semaphore(%arg18 : memref<!tpu.dma_semaphore, #tpu.memory_space<semaphore_mem>>)
    %dma_wait3A_89 = arith.constant 1 : i32
    %dma_wait3A_90 = arith.constant 0 : i32
    %dma_wait3A_91 = tpu.memref_slice %arg6[%dma_wait3A_89, %dma_wait3A_90] : memref<250x40xi32, #tpu.memory_space<vmem>> -> memref<1x40xi32, #tpu.memory_space<vmem>>
    %dma_wait3A_92 = tpu.memref_squeeze %dma_wait3A_91 : memref<1x40xi32, #tpu.memory_space<vmem>> -> memref<40xi32, #tpu.memory_space<vmem>>
    %dma_wait3A_93 = arith.constant 0 : i32
    %dma_wait3A_94 = arith.constant 0 : i32
    %dma_wait3A_95 = tpu.memref_slice %arg2[%dma_wait3A_93, %dma_wait3A_94] : memref<10000x64xf32, #tpu.memory_space<hbm>> -> memref<10000x64xf32, #tpu.memory_space<hbm>>
    tpu.wait_indirect_dma semaphore(%arg15 : memref<!tpu.dma_semaphore, #tpu.memory_space<semaphore_mem>>) src(%dma_wait3A_95 : memref<10000x64xf32, #tpu.memory_space<hbm>>) dst(%arg9 : memref<40x64xf32, #tpu.memory_space<vmem>>)
    %dma_start3A_96 = arith.constant 1 : i32
    %dma_start3A_97 = arith.constant 0 : i32
    %dma_start3A_98 = tpu.memref_slice %arg7[%dma_start3A_96, %dma_start3A_97] : memref<250x40xi32, #tpu.memory_space<vmem>> -> memref<1x40xi32, #tpu.memory_space<vmem>>
    %dma_start3A_99 = tpu.memref_squeeze %dma_start3A_98 : memref<1x40xi32, #tpu.memory_space<vmem>> -> memref<40xi32, #tpu.memory_space<vmem>>
    %dma_start3A_100 = arith.constant 0 : i32
    %dma_start3A_101 = arith.constant 0 : i32
    %dma_start3A_102 = tpu.memref_slice %arg13[%dma_start3A_100, %dma_start3A_101] : memref<10240x64xf32, #tpu.memory_space<vmem_shared>> -> memref<10240x64xf32, #tpu.memory_space<vmem_shared>>
    tpu.enqueue_indirect_dma source(%arg9 : memref<40x64xf32, #tpu.memory_space<vmem>>) target(%dma_start3A_102 : memref<10240x64xf32, #tpu.memory_space<vmem_shared>>) offsets(%dma_start3A_99 : memref<40xi32, #tpu.memory_space<vmem>>) semaphore(%arg20 : memref<!tpu.dma_semaphore, #tpu.memory_space<semaphore_mem>>) {add = true}
    %dma_wait3A_103 = arith.constant 0 : i32
    %dma_wait3A_104 = arith.constant 0 : i32
    %dma_wait3A_105 = tpu.memref_slice %arg7[%dma_wait3A_103, %dma_wait3A_104] : memref<250x40xi32, #tpu.memory_space<vmem>> -> memref<1x40xi32, #tpu.memory_space<vmem>>
    %dma_wait3A_106 = tpu.memref_squeeze %dma_wait3A_105 : memref<1x40xi32, #tpu.memory_space<vmem>> -> memref<40xi32, #tpu.memory_space<vmem>>
    %dma_wait3A_107 = arith.constant 0 : i32
    %dma_wait3A_108 = arith.constant 0 : i32
    %dma_wait3A_109 = tpu.memref_slice %arg13[%dma_wait3A_107, %dma_wait3A_108] : memref<10240x64xf32, #tpu.memory_space<vmem_shared>> -> memref<10240x64xf32, #tpu.memory_space<vmem_shared>>
    tpu.wait_indirect_dma semaphore(%arg19 : memref<!tpu.dma_semaphore, #tpu.memory_space<semaphore_mem>>) src(%arg8 : memref<40x64xf32, #tpu.memory_space<vmem>>) dst(%dma_wait3A_109 : memref<10240x64xf32, #tpu.memory_space<vmem_shared>>)
    %dma_start3A_110 = arith.constant 5 : i32
    %dma_start3A_111 = arith.constant 0 : i32
    %dma_start3A_112 = tpu.memref_slice %arg6[%dma_start3A_110, %dma_start3A_111] : memref<250x40xi32, #tpu.memory_space<vmem>> -> memref<1x40xi32, #tpu.memory_space<vmem>>
    %dma_start3A_113 = tpu.memref_squeeze %dma_start3A_112 : memref<1x40xi32, #tpu.memory_space<vmem>> -> memref<40xi32, #tpu.memory_space<vmem>>
    %dma_start3A_114 = arith.constant 0 : i32
    %dma_start3A_115 = arith.constant 0 : i32
    %dma_start3A_116 = tpu.memref_slice %arg2[%dma_start3A_114, %dma_start3A_115] : memref<10000x64xf32, #tpu.memory_space<hbm>> -> memref<10000x64xf32, #tpu.memory_space<hbm>>
    tpu.enqueue_indirect_dma source(%dma_start3A_116 : memref<10000x64xf32, #tpu.memory_space<hbm>>) target(%arg8 : memref<40x64xf32, #tpu.memory_space<vmem>>) offsets(%dma_start3A_113 : memref<40xi32, #tpu.memory_space<vmem>>) semaphore(%arg14 : memref<!tpu.dma_semaphore, #tpu.memory_space<semaphore_mem>>)
    %dma_wait3A_117 = arith.constant 2 : i32
    %dma_wait3A_118 = arith.constant 0 : i32
    %dma_wait3A_119 = tpu.memref_slice %arg6[%dma_wait3A_117, %dma_wait3A_118] : memref<250x40xi32, #tpu.memory_space<vmem>> -> memref<1x40xi32, #tpu.memory_space<vmem>>
    %dma_wait3A_120 = tpu.memref_squeeze %dma_wait3A_119 : memref<1x40xi32, #tpu.memory_space<vmem>> -> memref<40xi32, #tpu.memory_space<vmem>>
    %dma_wait3A_121 = arith.constant 0 : i32
    %dma_wait3A_122 = arith.constant 0 : i32
    %dma_wait3A_123 = tpu.memref_slice %arg2[%dma_wait3A_121, %dma_wait3A_122] : memref<10000x64xf32, #tpu.memory_space<hbm>> -> memref<10000x64xf32, #tpu.memory_space<hbm>>
    tpu.wait_indirect_dma semaphore(%arg16 : memref<!tpu.dma_semaphore, #tpu.memory_space<semaphore_mem>>) src(%dma_wait3A_123 : memref<10000x64xf32, #tpu.memory_space<hbm>>) dst(%arg10 : memref<40x64xf32, #tpu.memory_space<vmem>>)
    %dma_start3A_124 = arith.constant 2 : i32
    %dma_start3A_125 = arith.constant 0 : i32
    %dma_start3A_126 = tpu.memref_slice %arg7[%dma_start3A_124, %dma_start3A_125] : memref<250x40xi32, #tpu.memory_space<vmem>> -> memref<1x40xi32, #tpu.memory_space<vmem>>
    %dma_start3A_127 = tpu.memref_squeeze %dma_start3A_126 : memref<1x40xi32, #tpu.memory_space<vmem>> -> memref<40xi32, #tpu.memory_space<vmem>>
    %dma_start3A_128 = arith.constant 0 : i32
    %dma_start3A_129 = arith.constant 0 : i32
    %dma_start3A_130 = tpu.memref_slice %arg13[%dma_start3A_128, %dma_start3A_129] : memref<10240x64xf32, #tpu.memory_space<vmem_shared>> -> memref<10240x64xf32, #tpu.memory_space<vmem_shared>>
    tpu.enqueue_indirect_dma source(%arg10 : memref<40x64xf32, #tpu.memory_space<vmem>>) target(%dma_start3A_130 : memref<10240x64xf32, #tpu.memory_space<vmem_shared>>) offsets(%dma_start3A_127 : memref<40xi32, #tpu.memory_space<vmem>>) semaphore(%arg21 : memref<!tpu.dma_semaphore, #tpu.memory_space<semaphore_mem>>) {add = true}
    %dma_wait3A_131 = arith.constant 1 : i32
    %dma_wait3A_132 = arith.constant 0 : i32
    %dma_wait3A_133 = tpu.memref_slice %arg7[%dma_wait3A_131, %dma_wait3A_132] : memref<250x40xi32, #tpu.memory_space<vmem>> -> memref<1x40xi32, #tpu.memory_space<vmem>>
    %dma_wait3A_134 = tpu.memref_squeeze %dma_wait3A_133 : memref<1x40xi32, #tpu.memory_space<vmem>> -> memref<40xi32, #tpu.memory_space<vmem>>
    %dma_wait3A_135 = arith.constant 0 : i32
    %dma_wait3A_136 = arith.constant 0 : i32
    %dma_wait3A_137 = tpu.memref_slice %arg13[%dma_wait3A_135, %dma_wait3A_136] : memref<10240x64xf32, #tpu.memory_space<vmem_shared>> -> memref<10240x64xf32, #tpu.memory_space<vmem_shared>>
    tpu.wait_indirect_dma semaphore(%arg20 : memref<!tpu.dma_semaphore, #tpu.memory_space<semaphore_mem>>) src(%arg9 : memref<40x64xf32, #tpu.memory_space<vmem>>) dst(%dma_wait3A_137 : memref<10240x64xf32, #tpu.memory_space<vmem_shared>>)
    %dma_start3A_138 = arith.constant 6 : i32
    %dma_start3A_139 = arith.constant 0 : i32
    %dma_start3A_140 = tpu.memref_slice %arg6[%dma_start3A_138, %dma_start3A_139] : memref<250x40xi32, #tpu.memory_space<vmem>> -> memref<1x40xi32, #tpu.memory_space<vmem>>
    %dma_start3A_141 = tpu.memref_squeeze %dma_start3A_140 : memref<1x40xi32, #tpu.memory_space<vmem>> -> memref<40xi32, #tpu.memory_space<vmem>>
    %dma_start3A_142 = arith.constant 0 : i32
    %dma_start3A_143 = arith.constant 0 : i32
    %dma_start3A_144 = tpu.memref_slice %arg2[%dma_start3A_142, %dma_start3A_143] : memref<10000x64xf32, #tpu.memory_space<hbm>> -> memref<10000x64xf32, #tpu.memory_space<hbm>>
    tpu.enqueue_indirect_dma source(%dma_start3A_144 : memref<10000x64xf32, #tpu.memory_space<hbm>>) target(%arg9 : memref<40x64xf32, #tpu.memory_space<vmem>>) offsets(%dma_start3A_141 : memref<40xi32, #tpu.memory_space<vmem>>) semaphore(%arg15 : memref<!tpu.dma_semaphore, #tpu.memory_space<semaphore_mem>>)
    %dma_wait3A_145 = arith.constant 3 : i32
    %dma_wait3A_146 = arith.constant 0 : i32
    %dma_wait3A_147 = tpu.memref_slice %arg6[%dma_wait3A_145, %dma_wait3A_146] : memref<250x40xi32, #tpu.memory_space<vmem>> -> memref<1x40xi32, #tpu.memory_space<vmem>>
    %dma_wait3A_148 = tpu.memref_squeeze %dma_wait3A_147 : memref<1x40xi32, #tpu.memory_space<vmem>> -> memref<40xi32, #tpu.memory_space<vmem>>
    %dma_wait3A_149 = arith.constant 0 : i32
    %dma_wait3A_150 = arith.constant 0 : i32
    %dma_wait3A_151 = tpu.memref_slice %arg2[%dma_wait3A_149, %dma_wait3A_150] : memref<10000x64xf32, #tpu.memory_space<hbm>> -> memref<10000x64xf32, #tpu.memory_space<hbm>>
    tpu.wait_indirect_dma semaphore(%arg17 : memref<!tpu.dma_semaphore, #tpu.memory_space<semaphore_mem>>) src(%dma_wait3A_151 : memref<10000x64xf32, #tpu.memory_space<hbm>>) dst(%arg11 : memref<40x64xf32, #tpu.memory_space<vmem>>)
    %dma_start3A_152 = arith.constant 3 : i32
    %dma_start3A_153 = arith.constant 0 : i32
    %dma_start3A_154 = tpu.memref_slice %arg7[%dma_start3A_152, %dma_start3A_153] : memref<250x40xi32, #tpu.memory_space<vmem>> -> memref<1x40xi32, #tpu.memory_space<vmem>>
    %dma_start3A_155 = tpu.memref_squeeze %dma_start3A_154 : memref<1x40xi32, #tpu.memory_space<vmem>> -> memref<40xi32, #tpu.memory_space<vmem>>
    %dma_start3A_156 = arith.constant 0 : i32
    %dma_start3A_157 = arith.constant 0 : i32
    %dma_start3A_158 = tpu.memref_slice %arg13[%dma_start3A_156, %dma_start3A_157] : memref<10240x64xf32, #tpu.memory_space<vmem_shared>> -> memref<10240x64xf32, #tpu.memory_space<vmem_shared>>
    tpu.enqueue_indirect_dma source(%arg11 : memref<40x64xf32, #tpu.memory_space<vmem>>) target(%dma_start3A_158 : memref<10240x64xf32, #tpu.memory_space<vmem_shared>>) offsets(%dma_start3A_155 : memref<40xi32, #tpu.memory_space<vmem>>) semaphore(%arg22 : memref<!tpu.dma_semaphore, #tpu.memory_space<semaphore_mem>>) {add = true}
    %dma_wait3A_159 = arith.constant 2 : i32
    %dma_wait3A_160 = arith.constant 0 : i32
    %dma_wait3A_161 = tpu.memref_slice %arg7[%dma_wait3A_159, %dma_wait3A_160] : memref<250x40xi32, #tpu.memory_space<vmem>> -> memref<1x40xi32, #tpu.memory_space<vmem>>
    %dma_wait3A_162 = tpu.memref_squeeze %dma_wait3A_161 : memref<1x40xi32, #tpu.memory_space<vmem>> -> memref<40xi32, #tpu.memory_space<vmem>>
    %dma_wait3A_163 = arith.constant 0 : i32
    %dma_wait3A_164 = arith.constant 0 : i32
    %dma_wait3A_165 = tpu.memref_slice %arg13[%dma_wait3A_163, %dma_wait3A_164] : memref<10240x64xf32, #tpu.memory_space<vmem_shared>> -> memref<10240x64xf32, #tpu.memory_space<vmem_shared>>
    tpu.wait_indirect_dma semaphore(%arg21 : memref<!tpu.dma_semaphore, #tpu.memory_space<semaphore_mem>>) src(%arg10 : memref<40x64xf32, #tpu.memory_space<vmem>>) dst(%dma_wait3A_165 : memref<10240x64xf32, #tpu.memory_space<vmem_shared>>)
    %dma_start3A_166 = arith.constant 7 : i32
    %dma_start3A_167 = arith.constant 0 : i32
    %dma_start3A_168 = tpu.memref_slice %arg6[%dma_start3A_166, %dma_start3A_167] : memref<250x40xi32, #tpu.memory_space<vmem>> -> memref<1x40xi32, #tpu.memory_space<vmem>>
    %dma_start3A_169 = tpu.memref_squeeze %dma_start3A_168 : memref<1x40xi32, #tpu.memory_space<vmem>> -> memref<40xi32, #tpu.memory_space<vmem>>
    %dma_start3A_170 = arith.constant 0 : i32
    %dma_start3A_171 = arith.constant 0 : i32
    %dma_start3A_172 = tpu.memref_slice %arg2[%dma_start3A_170, %dma_start3A_171] : memref<10000x64xf32, #tpu.memory_space<hbm>> -> memref<10000x64xf32, #tpu.memory_space<hbm>>
    tpu.enqueue_indirect_dma source(%dma_start3A_172 : memref<10000x64xf32, #tpu.memory_space<hbm>>) target(%arg10 : memref<40x64xf32, #tpu.memory_space<vmem>>) offsets(%dma_start3A_169 : memref<40xi32, #tpu.memory_space<vmem>>) semaphore(%arg16 : memref<!tpu.dma_semaphore, #tpu.memory_space<semaphore_mem>>)
    %dma_wait3A_173 = arith.constant 4 : i32
    %dma_wait3A_174 = arith.constant 0 : i32
    %dma_wait3A_175 = tpu.memref_slice %arg6[%dma_wait3A_173, %dma_wait3A_174] : memref<250x40xi32, #tpu.memory_space<vmem>> -> memref<1x40xi32, #tpu.memory_space<vmem>>
    %dma_wait3A_176 = tpu.memref_squeeze %dma_wait3A_175 : memref<1x40xi32, #tpu.memory_space<vmem>> -> memref<40xi32, #tpu.memory_space<vmem>>
    %dma_wait3A_177 = arith.constant 0 : i32
    %dma_wait3A_178 = arith.constant 0 : i32
    %dma_wait3A_179 = tpu.memref_slice %arg2[%dma_wait3A_177, %dma_wait3A_178] : memref<10000x64xf32, #tpu.memory_space<hbm>> -> memref<10000x64xf32, #tpu.memory_space<hbm>>
    tpu.wait_indirect_dma semaphore(%arg18 : memref<!tpu.dma_semaphore, #tpu.memory_space<semaphore_mem>>) src(%dma_wait3A_179 : memref<10000x64xf32, #tpu.memory_space<hbm>>) dst(%arg12 : memref<40x64xf32, #tpu.memory_space<vmem>>)
    %dma_start3A_180 = arith.constant 4 : i32
    %dma_start3A_181 = arith.constant 0 : i32
    %dma_start3A_182 = tpu.memref_slice %arg7[%dma_start3A_180, %dma_start3A_181] : memref<250x40xi32, #tpu.memory_space<vmem>> -> memref<1x40xi32, #tpu.memory_space<vmem>>
    %dma_start3A_183 = tpu.memref_squeeze %dma_start3A_182 : memref<1x40xi32, #tpu.memory_space<vmem>> -> memref<40xi32, #tpu.memory_space<vmem>>
    %dma_start3A_184 = arith.constant 0 : i32
    %dma_start3A_185 = arith.constant 0 : i32
    %dma_start3A_186 = tpu.memref_slice %arg13[%dma_start3A_184, %dma_start3A_185] : memref<10240x64xf32, #tpu.memory_space<vmem_shared>> -> memref<10240x64xf32, #tpu.memory_space<vmem_shared>>
    tpu.enqueue_indirect_dma source(%arg12 : memref<40x64xf32, #tpu.memory_space<vmem>>) target(%dma_start3A_186 : memref<10240x64xf32, #tpu.memory_space<vmem_shared>>) offsets(%dma_start3A_183 : memref<40xi32, #tpu.memory_space<vmem>>) semaphore(%arg23 : memref<!tpu.dma_semaphore, #tpu.memory_space<semaphore_mem>>) {add = true}
    %dma_wait3A_187 = arith.constant 3 : i32
    %dma_wait3A_188 = arith.constant 0 : i32
    %dma_wait3A_189 = tpu.memref_slice %arg7[%dma_wait3A_187, %dma_wait3A_188] : memref<250x40xi32, #tpu.memory_space<vmem>> -> memref<1x40xi32, #tpu.memory_space<vmem>>
    %dma_wait3A_190 = tpu.memref_squeeze %dma_wait3A_189 : memref<1x40xi32, #tpu.memory_space<vmem>> -> memref<40xi32, #tpu.memory_space<vmem>>
    %dma_wait3A_191 = arith.constant 0 : i32
    %dma_wait3A_192 = arith.constant 0 : i32
    %dma_wait3A_193 = tpu.memref_slice %arg13[%dma_wait3A_191, %dma_wait3A_192] : memref<10240x64xf32, #tpu.memory_space<vmem_shared>> -> memref<10240x64xf32, #tpu.memory_space<vmem_shared>>
    tpu.wait_indirect_dma semaphore(%arg22 : memref<!tpu.dma_semaphore, #tpu.memory_space<semaphore_mem>>) src(%arg11 : memref<40x64xf32, #tpu.memory_space<vmem>>) dst(%dma_wait3A_193 : memref<10240x64xf32, #tpu.memory_space<vmem_shared>>)
    %dma_start3A_194 = arith.constant 8 : i32
    %dma_start3A_195 = arith.constant 0 : i32
    %dma_start3A_196 = tpu.memref_slice %arg6[%dma_start3A_194, %dma_start3A_195] : memref<250x40xi32, #tpu.memory_space<vmem>> -> memref<1x40xi32, #tpu.memory_space<vmem>>
    %dma_start3A_197 = tpu.memref_squeeze %dma_start3A_196 : memref<1x40xi32, #tpu.memory_space<vmem>> -> memref<40xi32, #tpu.memory_space<vmem>>
    %dma_start3A_198 = arith.constant 0 : i32
    %dma_start3A_199 = arith.constant 0 : i32
    %dma_start3A_200 = tpu.memref_slice %arg2[%dma_start3A_198, %dma_start3A_199] : memref<10000x64xf32, #tpu.memory_space<hbm>> -> memref<10000x64xf32, #tpu.memory_space<hbm>>
    tpu.enqueue_indirect_dma source(%dma_start3A_200 : memref<10000x64xf32, #tpu.memory_space<hbm>>) target(%arg11 : memref<40x64xf32, #tpu.memory_space<vmem>>) offsets(%dma_start3A_197 : memref<40xi32, #tpu.memory_space<vmem>>) semaphore(%arg17 : memref<!tpu.dma_semaphore, #tpu.memory_space<semaphore_mem>>)
    %scan3A_201 = arith.constant 0 : i32
    %scan3A_202 = arith.constant 1 : i32
    %scan3A_203 = arith.constant 48 : i32
    %scan3A_204 = arith.addi %scan3A_202, %scan3A_203 : i32
    %scan3A_205 = arith.constant 1 : i32
    %scan3A_206 = scf.for %scan3A_330 = %scan3A_202 to %scan3A_204 step %scan3A_205 iter_args(%scan3A_331 = %scan3A_201) -> (i32)  : i32 {
      %mul3A_332 = arith.constant 5 : i32
      %mul3A_333 = arith.muli %mul3A_332, %scan3A_330 : i32
      %add3A_334 = arith.constant 0 : i32
      %add3A_335 = arith.addi %mul3A_333, %add3A_334 : i32
      %dma_wait3A_336 = arith.constant 0 : i32
      %dma_wait3A_337 = tpu.memref_slice %arg6[%add3A_335, %dma_wait3A_336] : memref<250x40xi32, #tpu.memory_space<vmem>> -> memref<1x40xi32, #tpu.memory_space<vmem>>
      %dma_wait3A_338 = tpu.memref_squeeze %dma_wait3A_337 : memref<1x40xi32, #tpu.memory_space<vmem>> -> memref<40xi32, #tpu.memory_space<vmem>>
      %dma_wait3A_339 = arith.constant 0 : i32
      %dma_wait3A_340 = arith.constant 0 : i32
      %dma_wait3A_341 = tpu.memref_slice %arg2[%dma_wait3A_339, %dma_wait3A_340] : memref<10000x64xf32, #tpu.memory_space<hbm>> -> memref<10000x64xf32, #tpu.memory_space<hbm>>
      tpu.wait_indirect_dma semaphore(%arg14 : memref<!tpu.dma_semaphore, #tpu.memory_space<semaphore_mem>>) src(%dma_wait3A_341 : memref<10000x64xf32, #tpu.memory_space<hbm>>) dst(%arg8 : memref<40x64xf32, #tpu.memory_space<vmem>>)
      %dma_start3A_342 = arith.constant 0 : i32
      %dma_start3A_343 = tpu.memref_slice %arg7[%add3A_335, %dma_start3A_342] : memref<250x40xi32, #tpu.memory_space<vmem>> -> memref<1x40xi32, #tpu.memory_space<vmem>>
      %dma_start3A_344 = tpu.memref_squeeze %dma_start3A_343 : memref<1x40xi32, #tpu.memory_space<vmem>> -> memref<40xi32, #tpu.memory_space<vmem>>
      %dma_start3A_345 = arith.constant 0 : i32
      %dma_start3A_346 = arith.constant 0 : i32
      %dma_start3A_347 = tpu.memref_slice %arg13[%dma_start3A_345, %dma_start3A_346] : memref<10240x64xf32, #tpu.memory_space<vmem_shared>> -> memref<10240x64xf32, #tpu.memory_space<vmem_shared>>
      tpu.enqueue_indirect_dma source(%arg8 : memref<40x64xf32, #tpu.memory_space<vmem>>) target(%dma_start3A_347 : memref<10240x64xf32, #tpu.memory_space<vmem_shared>>) offsets(%dma_start3A_344 : memref<40xi32, #tpu.memory_space<vmem>>) semaphore(%arg19 : memref<!tpu.dma_semaphore, #tpu.memory_space<semaphore_mem>>) {add = true}
      %sub3A = arith.constant 1 : i32
      %sub3A_348 = arith.subi %add3A_335, %sub3A : i32
      %dma_wait3A_349 = arith.constant 0 : i32
      %dma_wait3A_350 = tpu.memref_slice %arg7[%sub3A_348, %dma_wait3A_349] : memref<250x40xi32, #tpu.memory_space<vmem>> -> memref<1x40xi32, #tpu.memory_space<vmem>>
      %dma_wait3A_351 = tpu.memref_squeeze %dma_wait3A_350 : memref<1x40xi32, #tpu.memory_space<vmem>> -> memref<40xi32, #tpu.memory_space<vmem>>
      %dma_wait3A_352 = arith.constant 0 : i32
      %dma_wait3A_353 = arith.constant 0 : i32
      %dma_wait3A_354 = tpu.memref_slice %arg13[%dma_wait3A_352, %dma_wait3A_353] : memref<10240x64xf32, #tpu.memory_space<vmem_shared>> -> memref<10240x64xf32, #tpu.memory_space<vmem_shared>>
      tpu.wait_indirect_dma semaphore(%arg23 : memref<!tpu.dma_semaphore, #tpu.memory_space<semaphore_mem>>) src(%arg12 : memref<40x64xf32, #tpu.memory_space<vmem>>) dst(%dma_wait3A_354 : memref<10240x64xf32, #tpu.memory_space<vmem_shared>>)
      %add3A_355 = arith.constant 5 : i32
      %add3A_356 = arith.addi %add3A_335, %add3A_355 : i32
      %sub3A_357 = arith.constant 1 : i32
      %sub3A_358 = arith.subi %add3A_356, %sub3A_357 : i32
      %dma_start3A_359 = arith.constant 0 : i32
      %dma_start3A_360 = tpu.memref_slice %arg6[%sub3A_358, %dma_start3A_359] : memref<250x40xi32, #tpu.memory_space<vmem>> -> memref<1x40xi32, #tpu.memory_space<vmem>>
      %dma_start3A_361 = tpu.memref_squeeze %dma_start3A_360 : memref<1x40xi32, #tpu.memory_space<vmem>> -> memref<40xi32, #tpu.memory_space<vmem>>
      %dma_start3A_362 = arith.constant 0 : i32
      %dma_start3A_363 = arith.constant 0 : i32
      %dma_start3A_364 = tpu.memref_slice %arg2[%dma_start3A_362, %dma_start3A_363] : memref<10000x64xf32, #tpu.memory_space<hbm>> -> memref<10000x64xf32, #tpu.memory_space<hbm>>
      tpu.enqueue_indirect_dma source(%dma_start3A_364 : memref<10000x64xf32, #tpu.memory_space<hbm>>) target(%arg12 : memref<40x64xf32, #tpu.memory_space<vmem>>) offsets(%dma_start3A_361 : memref<40xi32, #tpu.memory_space<vmem>>) semaphore(%arg18 : memref<!tpu.dma_semaphore, #tpu.memory_space<semaphore_mem>>)
      %add3A_365 = arith.constant 1 : i32
      %add3A_366 = arith.addi %mul3A_333, %add3A_365 : i32
      %dma_wait3A_367 = arith.constant 0 : i32
      %dma_wait3A_368 = tpu.memref_slice %arg6[%add3A_366, %dma_wait3A_367] : memref<250x40xi32, #tpu.memory_space<vmem>> -> memref<1x40xi32, #tpu.memory_space<vmem>>
      %dma_wait3A_369 = tpu.memref_squeeze %dma_wait3A_368 : memref<1x40xi32, #tpu.memory_space<vmem>> -> memref<40xi32, #tpu.memory_space<vmem>>
      %dma_wait3A_370 = arith.constant 0 : i32
      %dma_wait3A_371 = arith.constant 0 : i32
      %dma_wait3A_372 = tpu.memref_slice %arg2[%dma_wait3A_370, %dma_wait3A_371] : memref<10000x64xf32, #tpu.memory_space<hbm>> -> memref<10000x64xf32, #tpu.memory_space<hbm>>
      tpu.wait_indirect_dma semaphore(%arg15 : memref<!tpu.dma_semaphore, #tpu.memory_space<semaphore_mem>>) src(%dma_wait3A_372 : memref<10000x64xf32, #tpu.memory_space<hbm>>) dst(%arg9 : memref<40x64xf32, #tpu.memory_space<vmem>>)
      %dma_start3A_373 = arith.constant 0 : i32
      %dma_start3A_374 = tpu.memref_slice %arg7[%add3A_366, %dma_start3A_373] : memref<250x40xi32, #tpu.memory_space<vmem>> -> memref<1x40xi32, #tpu.memory_space<vmem>>
      %dma_start3A_375 = tpu.memref_squeeze %dma_start3A_374 : memref<1x40xi32, #tpu.memory_space<vmem>> -> memref<40xi32, #tpu.memory_space<vmem>>
      %dma_start3A_376 = arith.constant 0 : i32
      %dma_start3A_377 = arith.constant 0 : i32
      %dma_start3A_378 = tpu.memref_slice %arg13[%dma_start3A_376, %dma_start3A_377] : memref<10240x64xf32, #tpu.memory_space<vmem_shared>> -> memref<10240x64xf32, #tpu.memory_space<vmem_shared>>
      tpu.enqueue_indirect_dma source(%arg9 : memref<40x64xf32, #tpu.memory_space<vmem>>) target(%dma_start3A_378 : memref<10240x64xf32, #tpu.memory_space<vmem_shared>>) offsets(%dma_start3A_375 : memref<40xi32, #tpu.memory_space<vmem>>) semaphore(%arg20 : memref<!tpu.dma_semaphore, #tpu.memory_space<semaphore_mem>>) {add = true}
      %sub3A_379 = arith.constant 1 : i32
      %sub3A_380 = arith.subi %add3A_366, %sub3A_379 : i32
      %dma_wait3A_381 = arith.constant 0 : i32
      %dma_wait3A_382 = tpu.memref_slice %arg7[%sub3A_380, %dma_wait3A_381] : memref<250x40xi32, #tpu.memory_space<vmem>> -> memref<1x40xi32, #tpu.memory_space<vmem>>
      %dma_wait3A_383 = tpu.memref_squeeze %dma_wait3A_382 : memref<1x40xi32, #tpu.memory_space<vmem>> -> memref<40xi32, #tpu.memory_space<vmem>>
      %dma_wait3A_384 = arith.constant 0 : i32
      %dma_wait3A_385 = arith.constant 0 : i32
      %dma_wait3A_386 = tpu.memref_slice %arg13[%dma_wait3A_384, %dma_wait3A_385] : memref<10240x64xf32, #tpu.memory_space<vmem_shared>> -> memref<10240x64xf32, #tpu.memory_space<vmem_shared>>
      tpu.wait_indirect_dma semaphore(%arg19 : memref<!tpu.dma_semaphore, #tpu.memory_space<semaphore_mem>>) src(%arg8 : memref<40x64xf32, #tpu.memory_space<vmem>>) dst(%dma_wait3A_386 : memref<10240x64xf32, #tpu.memory_space<vmem_shared>>)
      %add3A_387 = arith.constant 5 : i32
      %add3A_388 = arith.addi %add3A_366, %add3A_387 : i32
      %sub3A_389 = arith.constant 1 : i32
      %sub3A_390 = arith.subi %add3A_388, %sub3A_389 : i32
      %dma_start3A_391 = arith.constant 0 : i32
      %dma_start3A_392 = tpu.memref_slice %arg6[%sub3A_390, %dma_start3A_391] : memref<250x40xi32, #tpu.memory_space<vmem>> -> memref<1x40xi32, #tpu.memory_space<vmem>>
      %dma_start3A_393 = tpu.memref_squeeze %dma_start3A_392 : memref<1x40xi32, #tpu.memory_space<vmem>> -> memref<40xi32, #tpu.memory_space<vmem>>
      %dma_start3A_394 = arith.constant 0 : i32
      %dma_start3A_395 = arith.constant 0 : i32
      %dma_start3A_396 = tpu.memref_slice %arg2[%dma_start3A_394, %dma_start3A_395] : memref<10000x64xf32, #tpu.memory_space<hbm>> -> memref<10000x64xf32, #tpu.memory_space<hbm>>
      tpu.enqueue_indirect_dma source(%dma_start3A_396 : memref<10000x64xf32, #tpu.memory_space<hbm>>) target(%arg8 : memref<40x64xf32, #tpu.memory_space<vmem>>) offsets(%dma_start3A_393 : memref<40xi32, #tpu.memory_space<vmem>>) semaphore(%arg14 : memref<!tpu.dma_semaphore, #tpu.memory_space<semaphore_mem>>)
      %add3A_397 = arith.constant 2 : i32
      %add3A_398 = arith.addi %mul3A_333, %add3A_397 : i32
      %dma_wait3A_399 = arith.constant 0 : i32
      %dma_wait3A_400 = tpu.memref_slice %arg6[%add3A_398, %dma_wait3A_399] : memref<250x40xi32, #tpu.memory_space<vmem>> -> memref<1x40xi32, #tpu.memory_space<vmem>>
      %dma_wait3A_401 = tpu.memref_squeeze %dma_wait3A_400 : memref<1x40xi32, #tpu.memory_space<vmem>> -> memref<40xi32, #tpu.memory_space<vmem>>
      %dma_wait3A_402 = arith.constant 0 : i32
      %dma_wait3A_403 = arith.constant 0 : i32
      %dma_wait3A_404 = tpu.memref_slice %arg2[%dma_wait3A_402, %dma_wait3A_403] : memref<10000x64xf32, #tpu.memory_space<hbm>> -> memref<10000x64xf32, #tpu.memory_space<hbm>>
      tpu.wait_indirect_dma semaphore(%arg16 : memref<!tpu.dma_semaphore, #tpu.memory_space<semaphore_mem>>) src(%dma_wait3A_404 : memref<10000x64xf32, #tpu.memory_space<hbm>>) dst(%arg10 : memref<40x64xf32, #tpu.memory_space<vmem>>)
      %dma_start3A_405 = arith.constant 0 : i32
      %dma_start3A_406 = tpu.memref_slice %arg7[%add3A_398, %dma_start3A_405] : memref<250x40xi32, #tpu.memory_space<vmem>> -> memref<1x40xi32, #tpu.memory_space<vmem>>
      %dma_start3A_407 = tpu.memref_squeeze %dma_start3A_406 : memref<1x40xi32, #tpu.memory_space<vmem>> -> memref<40xi32, #tpu.memory_space<vmem>>
      %dma_start3A_408 = arith.constant 0 : i32
      %dma_start3A_409 = arith.constant 0 : i32
      %dma_start3A_410 = tpu.memref_slice %arg13[%dma_start3A_408, %dma_start3A_409] : memref<10240x64xf32, #tpu.memory_space<vmem_shared>> -> memref<10240x64xf32, #tpu.memory_space<vmem_shared>>
      tpu.enqueue_indirect_dma source(%arg10 : memref<40x64xf32, #tpu.memory_space<vmem>>) target(%dma_start3A_410 : memref<10240x64xf32, #tpu.memory_space<vmem_shared>>) offsets(%dma_start3A_407 : memref<40xi32, #tpu.memory_space<vmem>>) semaphore(%arg21 : memref<!tpu.dma_semaphore, #tpu.memory_space<semaphore_mem>>) {add = true}
      %sub3A_411 = arith.constant 1 : i32
      %sub3A_412 = arith.subi %add3A_398, %sub3A_411 : i32
      %dma_wait3A_413 = arith.constant 0 : i32
      %dma_wait3A_414 = tpu.memref_slice %arg7[%sub3A_412, %dma_wait3A_413] : memref<250x40xi32, #tpu.memory_space<vmem>> -> memref<1x40xi32, #tpu.memory_space<vmem>>
      %dma_wait3A_415 = tpu.memref_squeeze %dma_wait3A_414 : memref<1x40xi32, #tpu.memory_space<vmem>> -> memref<40xi32, #tpu.memory_space<vmem>>
      %dma_wait3A_416 = arith.constant 0 : i32
      %dma_wait3A_417 = arith.constant 0 : i32
      %dma_wait3A_418 = tpu.memref_slice %arg13[%dma_wait3A_416, %dma_wait3A_417] : memref<10240x64xf32, #tpu.memory_space<vmem_shared>> -> memref<10240x64xf32, #tpu.memory_space<vmem_shared>>
      tpu.wait_indirect_dma semaphore(%arg20 : memref<!tpu.dma_semaphore, #tpu.memory_space<semaphore_mem>>) src(%arg9 : memref<40x64xf32, #tpu.memory_space<vmem>>) dst(%dma_wait3A_418 : memref<10240x64xf32, #tpu.memory_space<vmem_shared>>)
      %add3A_419 = arith.constant 5 : i32
      %add3A_420 = arith.addi %add3A_398, %add3A_419 : i32
      %sub3A_421 = arith.constant 1 : i32
      %sub3A_422 = arith.subi %add3A_420, %sub3A_421 : i32
      %dma_start3A_423 = arith.constant 0 : i32
      %dma_start3A_424 = tpu.memref_slice %arg6[%sub3A_422, %dma_start3A_423] : memref<250x40xi32, #tpu.memory_space<vmem>> -> memref<1x40xi32, #tpu.memory_space<vmem>>
      %dma_start3A_425 = tpu.memref_squeeze %dma_start3A_424 : memref<1x40xi32, #tpu.memory_space<vmem>> -> memref<40xi32, #tpu.memory_space<vmem>>
      %dma_start3A_426 = arith.constant 0 : i32
      %dma_start3A_427 = arith.constant 0 : i32
      %dma_start3A_428 = tpu.memref_slice %arg2[%dma_start3A_426, %dma_start3A_427] : memref<10000x64xf32, #tpu.memory_space<hbm>> -> memref<10000x64xf32, #tpu.memory_space<hbm>>
      tpu.enqueue_indirect_dma source(%dma_start3A_428 : memref<10000x64xf32, #tpu.memory_space<hbm>>) target(%arg9 : memref<40x64xf32, #tpu.memory_space<vmem>>) offsets(%dma_start3A_425 : memref<40xi32, #tpu.memory_space<vmem>>) semaphore(%arg15 : memref<!tpu.dma_semaphore, #tpu.memory_space<semaphore_mem>>)
      %add3A_429 = arith.constant 3 : i32
      %add3A_430 = arith.addi %mul3A_333, %add3A_429 : i32
      %dma_wait3A_431 = arith.constant 0 : i32
      %dma_wait3A_432 = tpu.memref_slice %arg6[%add3A_430, %dma_wait3A_431] : memref<250x40xi32, #tpu.memory_space<vmem>> -> memref<1x40xi32, #tpu.memory_space<vmem>>
      %dma_wait3A_433 = tpu.memref_squeeze %dma_wait3A_432 : memref<1x40xi32, #tpu.memory_space<vmem>> -> memref<40xi32, #tpu.memory_space<vmem>>
      %dma_wait3A_434 = arith.constant 0 : i32
      %dma_wait3A_435 = arith.constant 0 : i32
      %dma_wait3A_436 = tpu.memref_slice %arg2[%dma_wait3A_434, %dma_wait3A_435] : memref<10000x64xf32, #tpu.memory_space<hbm>> -> memref<10000x64xf32, #tpu.memory_space<hbm>>
      tpu.wait_indirect_dma semaphore(%arg17 : memref<!tpu.dma_semaphore, #tpu.memory_space<semaphore_mem>>) src(%dma_wait3A_436 : memref<10000x64xf32, #tpu.memory_space<hbm>>) dst(%arg11 : memref<40x64xf32, #tpu.memory_space<vmem>>)
      %dma_start3A_437 = arith.constant 0 : i32
      %dma_start3A_438 = tpu.memref_slice %arg7[%add3A_430, %dma_start3A_437] : memref<250x40xi32, #tpu.memory_space<vmem>> -> memref<1x40xi32, #tpu.memory_space<vmem>>
      %dma_start3A_439 = tpu.memref_squeeze %dma_start3A_438 : memref<1x40xi32, #tpu.memory_space<vmem>> -> memref<40xi32, #tpu.memory_space<vmem>>
      %dma_start3A_440 = arith.constant 0 : i32
      %dma_start3A_441 = arith.constant 0 : i32
      %dma_start3A_442 = tpu.memref_slice %arg13[%dma_start3A_440, %dma_start3A_441] : memref<10240x64xf32, #tpu.memory_space<vmem_shared>> -> memref<10240x64xf32, #tpu.memory_space<vmem_shared>>
      tpu.enqueue_indirect_dma source(%arg11 : memref<40x64xf32, #tpu.memory_space<vmem>>) target(%dma_start3A_442 : memref<10240x64xf32, #tpu.memory_space<vmem_shared>>) offsets(%dma_start3A_439 : memref<40xi32, #tpu.memory_space<vmem>>) semaphore(%arg22 : memref<!tpu.dma_semaphore, #tpu.memory_space<semaphore_mem>>) {add = true}
      %sub3A_443 = arith.constant 1 : i32
      %sub3A_444 = arith.subi %add3A_430, %sub3A_443 : i32
      %dma_wait3A_445 = arith.constant 0 : i32
      %dma_wait3A_446 = tpu.memref_slice %arg7[%sub3A_444, %dma_wait3A_445] : memref<250x40xi32, #tpu.memory_space<vmem>> -> memref<1x40xi32, #tpu.memory_space<vmem>>
      %dma_wait3A_447 = tpu.memref_squeeze %dma_wait3A_446 : memref<1x40xi32, #tpu.memory_space<vmem>> -> memref<40xi32, #tpu.memory_space<vmem>>
      %dma_wait3A_448 = arith.constant 0 : i32
      %dma_wait3A_449 = arith.constant 0 : i32
      %dma_wait3A_450 = tpu.memref_slice %arg13[%dma_wait3A_448, %dma_wait3A_449] : memref<10240x64xf32, #tpu.memory_space<vmem_shared>> -> memref<10240x64xf32, #tpu.memory_space<vmem_shared>>
      tpu.wait_indirect_dma semaphore(%arg21 : memref<!tpu.dma_semaphore, #tpu.memory_space<semaphore_mem>>) src(%arg10 : memref<40x64xf32, #tpu.memory_space<vmem>>) dst(%dma_wait3A_450 : memref<10240x64xf32, #tpu.memory_space<vmem_shared>>)
      %add3A_451 = arith.constant 5 : i32
      %add3A_452 = arith.addi %add3A_430, %add3A_451 : i32
      %sub3A_453 = arith.constant 1 : i32
      %sub3A_454 = arith.subi %add3A_452, %sub3A_453 : i32
      %dma_start3A_455 = arith.constant 0 : i32
      %dma_start3A_456 = tpu.memref_slice %arg6[%sub3A_454, %dma_start3A_455] : memref<250x40xi32, #tpu.memory_space<vmem>> -> memref<1x40xi32, #tpu.memory_space<vmem>>
      %dma_start3A_457 = tpu.memref_squeeze %dma_start3A_456 : memref<1x40xi32, #tpu.memory_space<vmem>> -> memref<40xi32, #tpu.memory_space<vmem>>
      %dma_start3A_458 = arith.constant 0 : i32
      %dma_start3A_459 = arith.constant 0 : i32
      %dma_start3A_460 = tpu.memref_slice %arg2[%dma_start3A_458, %dma_start3A_459] : memref<10000x64xf32, #tpu.memory_space<hbm>> -> memref<10000x64xf32, #tpu.memory_space<hbm>>
      tpu.enqueue_indirect_dma source(%dma_start3A_460 : memref<10000x64xf32, #tpu.memory_space<hbm>>) target(%arg10 : memref<40x64xf32, #tpu.memory_space<vmem>>) offsets(%dma_start3A_457 : memref<40xi32, #tpu.memory_space<vmem>>) semaphore(%arg16 : memref<!tpu.dma_semaphore, #tpu.memory_space<semaphore_mem>>)
      %add3A_461 = arith.constant 4 : i32
      %add3A_462 = arith.addi %mul3A_333, %add3A_461 : i32
      %dma_wait3A_463 = arith.constant 0 : i32
      %dma_wait3A_464 = tpu.memref_slice %arg6[%add3A_462, %dma_wait3A_463] : memref<250x40xi32, #tpu.memory_space<vmem>> -> memref<1x40xi32, #tpu.memory_space<vmem>>
      %dma_wait3A_465 = tpu.memref_squeeze %dma_wait3A_464 : memref<1x40xi32, #tpu.memory_space<vmem>> -> memref<40xi32, #tpu.memory_space<vmem>>
      %dma_wait3A_466 = arith.constant 0 : i32
      %dma_wait3A_467 = arith.constant 0 : i32
      %dma_wait3A_468 = tpu.memref_slice %arg2[%dma_wait3A_466, %dma_wait3A_467] : memref<10000x64xf32, #tpu.memory_space<hbm>> -> memref<10000x64xf32, #tpu.memory_space<hbm>>
      tpu.wait_indirect_dma semaphore(%arg18 : memref<!tpu.dma_semaphore, #tpu.memory_space<semaphore_mem>>) src(%dma_wait3A_468 : memref<10000x64xf32, #tpu.memory_space<hbm>>) dst(%arg12 : memref<40x64xf32, #tpu.memory_space<vmem>>)
      %dma_start3A_469 = arith.constant 0 : i32
      %dma_start3A_470 = tpu.memref_slice %arg7[%add3A_462, %dma_start3A_469] : memref<250x40xi32, #tpu.memory_space<vmem>> -> memref<1x40xi32, #tpu.memory_space<vmem>>
      %dma_start3A_471 = tpu.memref_squeeze %dma_start3A_470 : memref<1x40xi32, #tpu.memory_space<vmem>> -> memref<40xi32, #tpu.memory_space<vmem>>
      %dma_start3A_472 = arith.constant 0 : i32
      %dma_start3A_473 = arith.constant 0 : i32
      %dma_start3A_474 = tpu.memref_slice %arg13[%dma_start3A_472, %dma_start3A_473] : memref<10240x64xf32, #tpu.memory_space<vmem_shared>> -> memref<10240x64xf32, #tpu.memory_space<vmem_shared>>
      tpu.enqueue_indirect_dma source(%arg12 : memref<40x64xf32, #tpu.memory_space<vmem>>) target(%dma_start3A_474 : memref<10240x64xf32, #tpu.memory_space<vmem_shared>>) offsets(%dma_start3A_471 : memref<40xi32, #tpu.memory_space<vmem>>) semaphore(%arg23 : memref<!tpu.dma_semaphore, #tpu.memory_space<semaphore_mem>>) {add = true}
      %sub3A_475 = arith.constant 1 : i32
      %sub3A_476 = arith.subi %add3A_462, %sub3A_475 : i32
      %dma_wait3A_477 = arith.constant 0 : i32
      %dma_wait3A_478 = tpu.memref_slice %arg7[%sub3A_476, %dma_wait3A_477] : memref<250x40xi32, #tpu.memory_space<vmem>> -> memref<1x40xi32, #tpu.memory_space<vmem>>
      %dma_wait3A_479 = tpu.memref_squeeze %dma_wait3A_478 : memref<1x40xi32, #tpu.memory_space<vmem>> -> memref<40xi32, #tpu.memory_space<vmem>>
      %dma_wait3A_480 = arith.constant 0 : i32
      %dma_wait3A_481 = arith.constant 0 : i32
      %dma_wait3A_482 = tpu.memref_slice %arg13[%dma_wait3A_480, %dma_wait3A_481] : memref<10240x64xf32, #tpu.memory_space<vmem_shared>> -> memref<10240x64xf32, #tpu.memory_space<vmem_shared>>
      tpu.wait_indirect_dma semaphore(%arg22 : memref<!tpu.dma_semaphore, #tpu.memory_space<semaphore_mem>>) src(%arg11 : memref<40x64xf32, #tpu.memory_space<vmem>>) dst(%dma_wait3A_482 : memref<10240x64xf32, #tpu.memory_space<vmem_shared>>)
      %add3A_483 = arith.constant 5 : i32
      %add3A_484 = arith.addi %add3A_462, %add3A_483 : i32
      %sub3A_485 = arith.constant 1 : i32
      %sub3A_486 = arith.subi %add3A_484, %sub3A_485 : i32
      %dma_start3A_487 = arith.constant 0 : i32
      %dma_start3A_488 = tpu.memref_slice %arg6[%sub3A_486, %dma_start3A_487] : memref<250x40xi32, #tpu.memory_space<vmem>> -> memref<1x40xi32, #tpu.memory_space<vmem>>
      %dma_start3A_489 = tpu.memref_squeeze %dma_start3A_488 : memref<1x40xi32, #tpu.memory_space<vmem>> -> memref<40xi32, #tpu.memory_space<vmem>>
      %dma_start3A_490 = arith.constant 0 : i32
      %dma_start3A_491 = arith.constant 0 : i32
      %dma_start3A_492 = tpu.memref_slice %arg2[%dma_start3A_490, %dma_start3A_491] : memref<10000x64xf32, #tpu.memory_space<hbm>> -> memref<10000x64xf32, #tpu.memory_space<hbm>>
      tpu.enqueue_indirect_dma source(%dma_start3A_492 : memref<10000x64xf32, #tpu.memory_space<hbm>>) target(%arg11 : memref<40x64xf32, #tpu.memory_space<vmem>>) offsets(%dma_start3A_489 : memref<40xi32, #tpu.memory_space<vmem>>) semaphore(%arg17 : memref<!tpu.dma_semaphore, #tpu.memory_space<semaphore_mem>>)
      %scan3A_493 = arith.constant 0 : i32
      scf.yield %scan3A_493 : i32
    }
    %scan3A_207 = arith.constant 48 : i32
    %dma_wait3A_208 = arith.constant 245 : i32
    %dma_wait3A_209 = arith.constant 0 : i32
    %dma_wait3A_210 = tpu.memref_slice %arg6[%dma_wait3A_208, %dma_wait3A_209] : memref<250x40xi32, #tpu.memory_space<vmem>> -> memref<1x40xi32, #tpu.memory_space<vmem>>
    %dma_wait3A_211 = tpu.memref_squeeze %dma_wait3A_210 : memref<1x40xi32, #tpu.memory_space<vmem>> -> memref<40xi32, #tpu.memory_space<vmem>>
    %dma_wait3A_212 = arith.constant 0 : i32
    %dma_wait3A_213 = arith.constant 0 : i32
    %dma_wait3A_214 = tpu.memref_slice %arg2[%dma_wait3A_212, %dma_wait3A_213] : memref<10000x64xf32, #tpu.memory_space<hbm>> -> memref<10000x64xf32, #tpu.memory_space<hbm>>
    tpu.wait_indirect_dma semaphore(%arg14 : memref<!tpu.dma_semaphore, #tpu.memory_space<semaphore_mem>>) src(%dma_wait3A_214 : memref<10000x64xf32, #tpu.memory_space<hbm>>) dst(%arg8 : memref<40x64xf32, #tpu.memory_space<vmem>>)
    %dma_start3A_215 = arith.constant 245 : i32
    %dma_start3A_216 = arith.constant 0 : i32
    %dma_start3A_217 = tpu.memref_slice %arg7[%dma_start3A_215, %dma_start3A_216] : memref<250x40xi32, #tpu.memory_space<vmem>> -> memref<1x40xi32, #tpu.memory_space<vmem>>
    %dma_start3A_218 = tpu.memref_squeeze %dma_start3A_217 : memref<1x40xi32, #tpu.memory_space<vmem>> -> memref<40xi32, #tpu.memory_space<vmem>>
    %dma_start3A_219 = arith.constant 0 : i32
    %dma_start3A_220 = arith.constant 0 : i32
    %dma_start3A_221 = tpu.memref_slice %arg13[%dma_start3A_219, %dma_start3A_220] : memref<10240x64xf32, #tpu.memory_space<vmem_shared>> -> memref<10240x64xf32, #tpu.memory_space<vmem_shared>>
    tpu.enqueue_indirect_dma source(%arg8 : memref<40x64xf32, #tpu.memory_space<vmem>>) target(%dma_start3A_221 : memref<10240x64xf32, #tpu.memory_space<vmem_shared>>) offsets(%dma_start3A_218 : memref<40xi32, #tpu.memory_space<vmem>>) semaphore(%arg19 : memref<!tpu.dma_semaphore, #tpu.memory_space<semaphore_mem>>) {add = true}
    %dma_wait3A_222 = arith.constant 244 : i32
    %dma_wait3A_223 = arith.constant 0 : i32
    %dma_wait3A_224 = tpu.memref_slice %arg7[%dma_wait3A_222, %dma_wait3A_223] : memref<250x40xi32, #tpu.memory_space<vmem>> -> memref<1x40xi32, #tpu.memory_space<vmem>>
    %dma_wait3A_225 = tpu.memref_squeeze %dma_wait3A_224 : memref<1x40xi32, #tpu.memory_space<vmem>> -> memref<40xi32, #tpu.memory_space<vmem>>
    %dma_wait3A_226 = arith.constant 0 : i32
    %dma_wait3A_227 = arith.constant 0 : i32
    %dma_wait3A_228 = tpu.memref_slice %arg13[%dma_wait3A_226, %dma_wait3A_227] : memref<10240x64xf32, #tpu.memory_space<vmem_shared>> -> memref<10240x64xf32, #tpu.memory_space<vmem_shared>>
    tpu.wait_indirect_dma semaphore(%arg23 : memref<!tpu.dma_semaphore, #tpu.memory_space<semaphore_mem>>) src(%arg12 : memref<40x64xf32, #tpu.memory_space<vmem>>) dst(%dma_wait3A_228 : memref<10240x64xf32, #tpu.memory_space<vmem_shared>>)
    %dma_start3A_229 = arith.constant 249 : i32
    %dma_start3A_230 = arith.constant 0 : i32
    %dma_start3A_231 = tpu.memref_slice %arg6[%dma_start3A_229, %dma_start3A_230] : memref<250x40xi32, #tpu.memory_space<vmem>> -> memref<1x40xi32, #tpu.memory_space<vmem>>
    %dma_start3A_232 = tpu.memref_squeeze %dma_start3A_231 : memref<1x40xi32, #tpu.memory_space<vmem>> -> memref<40xi32, #tpu.memory_space<vmem>>
    %dma_start3A_233 = arith.constant 0 : i32
    %dma_start3A_234 = arith.constant 0 : i32
    %dma_start3A_235 = tpu.memref_slice %arg2[%dma_start3A_233, %dma_start3A_234] : memref<10000x64xf32, #tpu.memory_space<hbm>> -> memref<10000x64xf32, #tpu.memory_space<hbm>>
    tpu.enqueue_indirect_dma source(%dma_start3A_235 : memref<10000x64xf32, #tpu.memory_space<hbm>>) target(%arg12 : memref<40x64xf32, #tpu.memory_space<vmem>>) offsets(%dma_start3A_232 : memref<40xi32, #tpu.memory_space<vmem>>) semaphore(%arg18 : memref<!tpu.dma_semaphore, #tpu.memory_space<semaphore_mem>>)
    %dma_wait3A_236 = arith.constant 246 : i32
    %dma_wait3A_237 = arith.constant 0 : i32
    %dma_wait3A_238 = tpu.memref_slice %arg6[%dma_wait3A_236, %dma_wait3A_237] : memref<250x40xi32, #tpu.memory_space<vmem>> -> memref<1x40xi32, #tpu.memory_space<vmem>>
    %dma_wait3A_239 = tpu.memref_squeeze %dma_wait3A_238 : memref<1x40xi32, #tpu.memory_space<vmem>> -> memref<40xi32, #tpu.memory_space<vmem>>
    %dma_wait3A_240 = arith.constant 0 : i32
    %dma_wait3A_241 = arith.constant 0 : i32
    %dma_wait3A_242 = tpu.memref_slice %arg2[%dma_wait3A_240, %dma_wait3A_241] : memref<10000x64xf32, #tpu.memory_space<hbm>> -> memref<10000x64xf32, #tpu.memory_space<hbm>>
    tpu.wait_indirect_dma semaphore(%arg15 : memref<!tpu.dma_semaphore, #tpu.memory_space<semaphore_mem>>) src(%dma_wait3A_242 : memref<10000x64xf32, #tpu.memory_space<hbm>>) dst(%arg9 : memref<40x64xf32, #tpu.memory_space<vmem>>)
    %dma_start3A_243 = arith.constant 246 : i32
    %dma_start3A_244 = arith.constant 0 : i32
    %dma_start3A_245 = tpu.memref_slice %arg7[%dma_start3A_243, %dma_start3A_244] : memref<250x40xi32, #tpu.memory_space<vmem>> -> memref<1x40xi32, #tpu.memory_space<vmem>>
    %dma_start3A_246 = tpu.memref_squeeze %dma_start3A_245 : memref<1x40xi32, #tpu.memory_space<vmem>> -> memref<40xi32, #tpu.memory_space<vmem>>
    %dma_start3A_247 = arith.constant 0 : i32
    %dma_start3A_248 = arith.constant 0 : i32
    %dma_start3A_249 = tpu.memref_slice %arg13[%dma_start3A_247, %dma_start3A_248] : memref<10240x64xf32, #tpu.memory_space<vmem_shared>> -> memref<10240x64xf32, #tpu.memory_space<vmem_shared>>
    tpu.enqueue_indirect_dma source(%arg9 : memref<40x64xf32, #tpu.memory_space<vmem>>) target(%dma_start3A_249 : memref<10240x64xf32, #tpu.memory_space<vmem_shared>>) offsets(%dma_start3A_246 : memref<40xi32, #tpu.memory_space<vmem>>) semaphore(%arg20 : memref<!tpu.dma_semaphore, #tpu.memory_space<semaphore_mem>>) {add = true}
    %dma_wait3A_250 = arith.constant 245 : i32
    %dma_wait3A_251 = arith.constant 0 : i32
    %dma_wait3A_252 = tpu.memref_slice %arg7[%dma_wait3A_250, %dma_wait3A_251] : memref<250x40xi32, #tpu.memory_space<vmem>> -> memref<1x40xi32, #tpu.memory_space<vmem>>
    %dma_wait3A_253 = tpu.memref_squeeze %dma_wait3A_252 : memref<1x40xi32, #tpu.memory_space<vmem>> -> memref<40xi32, #tpu.memory_space<vmem>>
    %dma_wait3A_254 = arith.constant 0 : i32
    %dma_wait3A_255 = arith.constant 0 : i32
    %dma_wait3A_256 = tpu.memref_slice %arg13[%dma_wait3A_254, %dma_wait3A_255] : memref<10240x64xf32, #tpu.memory_space<vmem_shared>> -> memref<10240x64xf32, #tpu.memory_space<vmem_shared>>
    tpu.wait_indirect_dma semaphore(%arg19 : memref<!tpu.dma_semaphore, #tpu.memory_space<semaphore_mem>>) src(%arg8 : memref<40x64xf32, #tpu.memory_space<vmem>>) dst(%dma_wait3A_256 : memref<10240x64xf32, #tpu.memory_space<vmem_shared>>)
    %dma_wait3A_257 = arith.constant 247 : i32
    %dma_wait3A_258 = arith.constant 0 : i32
    %dma_wait3A_259 = tpu.memref_slice %arg6[%dma_wait3A_257, %dma_wait3A_258] : memref<250x40xi32, #tpu.memory_space<vmem>> -> memref<1x40xi32, #tpu.memory_space<vmem>>
    %dma_wait3A_260 = tpu.memref_squeeze %dma_wait3A_259 : memref<1x40xi32, #tpu.memory_space<vmem>> -> memref<40xi32, #tpu.memory_space<vmem>>
    %dma_wait3A_261 = arith.constant 0 : i32
    %dma_wait3A_262 = arith.constant 0 : i32
    %dma_wait3A_263 = tpu.memref_slice %arg2[%dma_wait3A_261, %dma_wait3A_262] : memref<10000x64xf32, #tpu.memory_space<hbm>> -> memref<10000x64xf32, #tpu.memory_space<hbm>>
    tpu.wait_indirect_dma semaphore(%arg16 : memref<!tpu.dma_semaphore, #tpu.memory_space<semaphore_mem>>) src(%dma_wait3A_263 : memref<10000x64xf32, #tpu.memory_space<hbm>>) dst(%arg10 : memref<40x64xf32, #tpu.memory_space<vmem>>)
    %dma_start3A_264 = arith.constant 247 : i32
    %dma_start3A_265 = arith.constant 0 : i32
    %dma_start3A_266 = tpu.memref_slice %arg7[%dma_start3A_264, %dma_start3A_265] : memref<250x40xi32, #tpu.memory_space<vmem>> -> memref<1x40xi32, #tpu.memory_space<vmem>>
    %dma_start3A_267 = tpu.memref_squeeze %dma_start3A_266 : memref<1x40xi32, #tpu.memory_space<vmem>> -> memref<40xi32, #tpu.memory_space<vmem>>
    %dma_start3A_268 = arith.constant 0 : i32
    %dma_start3A_269 = arith.constant 0 : i32
    %dma_start3A_270 = tpu.memref_slice %arg13[%dma_start3A_268, %dma_start3A_269] : memref<10240x64xf32, #tpu.memory_space<vmem_shared>> -> memref<10240x64xf32, #tpu.memory_space<vmem_shared>>
    tpu.enqueue_indirect_dma source(%arg10 : memref<40x64xf32, #tpu.memory_space<vmem>>) target(%dma_start3A_270 : memref<10240x64xf32, #tpu.memory_space<vmem_shared>>) offsets(%dma_start3A_267 : memref<40xi32, #tpu.memory_space<vmem>>) semaphore(%arg21 : memref<!tpu.dma_semaphore, #tpu.memory_space<semaphore_mem>>) {add = true}
    %dma_wait3A_271 = arith.constant 246 : i32
    %dma_wait3A_272 = arith.constant 0 : i32
    %dma_wait3A_273 = tpu.memref_slice %arg7[%dma_wait3A_271, %dma_wait3A_272] : memref<250x40xi32, #tpu.memory_space<vmem>> -> memref<1x40xi32, #tpu.memory_space<vmem>>
    %dma_wait3A_274 = tpu.memref_squeeze %dma_wait3A_273 : memref<1x40xi32, #tpu.memory_space<vmem>> -> memref<40xi32, #tpu.memory_space<vmem>>
    %dma_wait3A_275 = arith.constant 0 : i32
    %dma_wait3A_276 = arith.constant 0 : i32
    %dma_wait3A_277 = tpu.memref_slice %arg13[%dma_wait3A_275, %dma_wait3A_276] : memref<10240x64xf32, #tpu.memory_space<vmem_shared>> -> memref<10240x64xf32, #tpu.memory_space<vmem_shared>>
    tpu.wait_indirect_dma semaphore(%arg20 : memref<!tpu.dma_semaphore, #tpu.memory_space<semaphore_mem>>) src(%arg9 : memref<40x64xf32, #tpu.memory_space<vmem>>) dst(%dma_wait3A_277 : memref<10240x64xf32, #tpu.memory_space<vmem_shared>>)
    %dma_wait3A_278 = arith.constant 248 : i32
    %dma_wait3A_279 = arith.constant 0 : i32
    %dma_wait3A_280 = tpu.memref_slice %arg6[%dma_wait3A_278, %dma_wait3A_279] : memref<250x40xi32, #tpu.memory_space<vmem>> -> memref<1x40xi32, #tpu.memory_space<vmem>>
    %dma_wait3A_281 = tpu.memref_squeeze %dma_wait3A_280 : memref<1x40xi32, #tpu.memory_space<vmem>> -> memref<40xi32, #tpu.memory_space<vmem>>
    %dma_wait3A_282 = arith.constant 0 : i32
    %dma_wait3A_283 = arith.constant 0 : i32
    %dma_wait3A_284 = tpu.memref_slice %arg2[%dma_wait3A_282, %dma_wait3A_283] : memref<10000x64xf32, #tpu.memory_space<hbm>> -> memref<10000x64xf32, #tpu.memory_space<hbm>>
    tpu.wait_indirect_dma semaphore(%arg17 : memref<!tpu.dma_semaphore, #tpu.memory_space<semaphore_mem>>) src(%dma_wait3A_284 : memref<10000x64xf32, #tpu.memory_space<hbm>>) dst(%arg11 : memref<40x64xf32, #tpu.memory_space<vmem>>)
    %dma_start3A_285 = arith.constant 248 : i32
    %dma_start3A_286 = arith.constant 0 : i32
    %dma_start3A_287 = tpu.memref_slice %arg7[%dma_start3A_285, %dma_start3A_286] : memref<250x40xi32, #tpu.memory_space<vmem>> -> memref<1x40xi32, #tpu.memory_space<vmem>>
    %dma_start3A_288 = tpu.memref_squeeze %dma_start3A_287 : memref<1x40xi32, #tpu.memory_space<vmem>> -> memref<40xi32, #tpu.memory_space<vmem>>
    %dma_start3A_289 = arith.constant 0 : i32
    %dma_start3A_290 = arith.constant 0 : i32
    %dma_start3A_291 = tpu.memref_slice %arg13[%dma_start3A_289, %dma_start3A_290] : memref<10240x64xf32, #tpu.memory_space<vmem_shared>> -> memref<10240x64xf32, #tpu.memory_space<vmem_shared>>
    tpu.enqueue_indirect_dma source(%arg11 : memref<40x64xf32, #tpu.memory_space<vmem>>) target(%dma_start3A_291 : memref<10240x64xf32, #tpu.memory_space<vmem_shared>>) offsets(%dma_start3A_288 : memref<40xi32, #tpu.memory_space<vmem>>) semaphore(%arg22 : memref<!tpu.dma_semaphore, #tpu.memory_space<semaphore_mem>>) {add = true}
    %dma_wait3A_292 = arith.constant 247 : i32
    %dma_wait3A_293 = arith.constant 0 : i32
    %dma_wait3A_294 = tpu.memref_slice %arg7[%dma_wait3A_292, %dma_wait3A_293] : memref<250x40xi32, #tpu.memory_space<vmem>> -> memref<1x40xi32, #tpu.memory_space<vmem>>
    %dma_wait3A_295 = tpu.memref_squeeze %dma_wait3A_294 : memref<1x40xi32, #tpu.memory_space<vmem>> -> memref<40xi32, #tpu.memory_space<vmem>>
    %dma_wait3A_296 = arith.constant 0 : i32
    %dma_wait3A_297 = arith.constant 0 : i32
    %dma_wait3A_298 = tpu.memref_slice %arg13[%dma_wait3A_296, %dma_wait3A_297] : memref<10240x64xf32, #tpu.memory_space<vmem_shared>> -> memref<10240x64xf32, #tpu.memory_space<vmem_shared>>
    tpu.wait_indirect_dma semaphore(%arg21 : memref<!tpu.dma_semaphore, #tpu.memory_space<semaphore_mem>>) src(%arg10 : memref<40x64xf32, #tpu.memory_space<vmem>>) dst(%dma_wait3A_298 : memref<10240x64xf32, #tpu.memory_space<vmem_shared>>)
    %dma_wait3A_299 = arith.constant 249 : i32
    %dma_wait3A_300 = arith.constant 0 : i32
    %dma_wait3A_301 = tpu.memref_slice %arg6[%dma_wait3A_299, %dma_wait3A_300] : memref<250x40xi32, #tpu.memory_space<vmem>> -> memref<1x40xi32, #tpu.memory_space<vmem>>
    %dma_wait3A_302 = tpu.memref_squeeze %dma_wait3A_301 : memref<1x40xi32, #tpu.memory_space<vmem>> -> memref<40xi32, #tpu.memory_space<vmem>>
    %dma_wait3A_303 = arith.constant 0 : i32
    %dma_wait3A_304 = arith.constant 0 : i32
    %dma_wait3A_305 = tpu.memref_slice %arg2[%dma_wait3A_303, %dma_wait3A_304] : memref<10000x64xf32, #tpu.memory_space<hbm>> -> memref<10000x64xf32, #tpu.memory_space<hbm>>
    tpu.wait_indirect_dma semaphore(%arg18 : memref<!tpu.dma_semaphore, #tpu.memory_space<semaphore_mem>>) src(%dma_wait3A_305 : memref<10000x64xf32, #tpu.memory_space<hbm>>) dst(%arg12 : memref<40x64xf32, #tpu.memory_space<vmem>>)
    %dma_start3A_306 = arith.constant 249 : i32
    %dma_start3A_307 = arith.constant 0 : i32
    %dma_start3A_308 = tpu.memref_slice %arg7[%dma_start3A_306, %dma_start3A_307] : memref<250x40xi32, #tpu.memory_space<vmem>> -> memref<1x40xi32, #tpu.memory_space<vmem>>
    %dma_start3A_309 = tpu.memref_squeeze %dma_start3A_308 : memref<1x40xi32, #tpu.memory_space<vmem>> -> memref<40xi32, #tpu.memory_space<vmem>>
    %dma_start3A_310 = arith.constant 0 : i32
    %dma_start3A_311 = arith.constant 0 : i32
    %dma_start3A_312 = tpu.memref_slice %arg13[%dma_start3A_310, %dma_start3A_311] : memref<10240x64xf32, #tpu.memory_space<vmem_shared>> -> memref<10240x64xf32, #tpu.memory_space<vmem_shared>>
    tpu.enqueue_indirect_dma source(%arg12 : memref<40x64xf32, #tpu.memory_space<vmem>>) target(%dma_start3A_312 : memref<10240x64xf32, #tpu.memory_space<vmem_shared>>) offsets(%dma_start3A_309 : memref<40xi32, #tpu.memory_space<vmem>>) semaphore(%arg23 : memref<!tpu.dma_semaphore, #tpu.memory_space<semaphore_mem>>) {add = true}
    %dma_wait3A_313 = arith.constant 248 : i32
    %dma_wait3A_314 = arith.constant 0 : i32
    %dma_wait3A_315 = tpu.memref_slice %arg7[%dma_wait3A_313, %dma_wait3A_314] : memref<250x40xi32, #tpu.memory_space<vmem>> -> memref<1x40xi32, #tpu.memory_space<vmem>>
    %dma_wait3A_316 = tpu.memref_squeeze %dma_wait3A_315 : memref<1x40xi32, #tpu.memory_space<vmem>> -> memref<40xi32, #tpu.memory_space<vmem>>
    %dma_wait3A_317 = arith.constant 0 : i32
    %dma_wait3A_318 = arith.constant 0 : i32
    %dma_wait3A_319 = tpu.memref_slice %arg13[%dma_wait3A_317, %dma_wait3A_318] : memref<10240x64xf32, #tpu.memory_space<vmem_shared>> -> memref<10240x64xf32, #tpu.memory_space<vmem_shared>>
    tpu.wait_indirect_dma semaphore(%arg22 : memref<!tpu.dma_semaphore, #tpu.memory_space<semaphore_mem>>) src(%arg11 : memref<40x64xf32, #tpu.memory_space<vmem>>) dst(%dma_wait3A_319 : memref<10240x64xf32, #tpu.memory_space<vmem_shared>>)
    %dma_wait3A_320 = arith.constant 249 : i32
    %dma_wait3A_321 = arith.constant 0 : i32
    %dma_wait3A_322 = tpu.memref_slice %arg7[%dma_wait3A_320, %dma_wait3A_321] : memref<250x40xi32, #tpu.memory_space<vmem>> -> memref<1x40xi32, #tpu.memory_space<vmem>>
    %dma_wait3A_323 = tpu.memref_squeeze %dma_wait3A_322 : memref<1x40xi32, #tpu.memory_space<vmem>> -> memref<40xi32, #tpu.memory_space<vmem>>
    %dma_wait3A_324 = arith.constant 0 : i32
    %dma_wait3A_325 = arith.constant 0 : i32
    %dma_wait3A_326 = tpu.memref_slice %arg13[%dma_wait3A_324, %dma_wait3A_325] : memref<10240x64xf32, #tpu.memory_space<vmem_shared>> -> memref<10240x64xf32, #tpu.memory_space<vmem_shared>>
    tpu.wait_indirect_dma semaphore(%arg23 : memref<!tpu.dma_semaphore, #tpu.memory_space<semaphore_mem>>) src(%arg12 : memref<40x64xf32, #tpu.memory_space<vmem>>) dst(%dma_wait3A_326 : memref<10240x64xf32, #tpu.memory_space<vmem_shared>>)
    %barrier3A_327 = arith.constant 0 : index
    tpu.barrier barrier_id(%barrier3A_327)
    %mul3A_328 = arith.constant 640 : i32
    %mul3A_329 = arith.muli %arg1, %mul3A_328 : i32
    "tpu.region"() ({
      %run_scoped3A = tpu.sem_alloc : memref<!tpu.dma_semaphore, #tpu.memory_space<semaphore_mem>>
      %dma_start3A_330 = arith.constant 0 : i32
      %dma_start3A_331 = arith.constant 0 : i32
      %dma_start3A_332 = tpu.memref_slice %arg5[%arg0, %dma_start3A_330, %dma_start3A_331] : memref<2x10240x64xf32, #tpu.memory_space<hbm>> -> memref<1x10240x64xf32, #tpu.memory_space<hbm>>
      %dma_start3A_333 = tpu.memref_squeeze %dma_start3A_332 : memref<1x10240x64xf32, #tpu.memory_space<hbm>> -> memref<10240x64xf32, #tpu.memory_space<hbm>>
      %dma_start3A_334 = arith.constant 0 : i32
      %dma_start3A_335 = tpu.memref_slice %dma_start3A_333[%mul3A_329, %dma_start3A_334] : memref<10240x64xf32, #tpu.memory_space<hbm>> -> memref<640x64xf32, #tpu.memory_space<hbm>>
      %dma_start3A_336 = arith.constant 0 : i32
      %dma_start3A_337 = tpu.memref_slice %arg13[%mul3A_329, %dma_start3A_336] : memref<10240x64xf32, #tpu.memory_space<vmem_shared>> -> memref<640x64xf32, #tpu.memory_space<vmem_shared>>
      tpu.enqueue_dma source(%dma_start3A_337 : memref<640x64xf32, #tpu.memory_space<vmem_shared>>) target(%dma_start3A_335 : memref<640x64xf32, #tpu.memory_space<hbm>>) target_semaphore(%run_scoped3A : memref<!tpu.dma_semaphore, #tpu.memory_space<semaphore_mem>>)
      %dma_wait3A_338 = arith.constant 0 : i32
      %dma_wait3A_339 = arith.constant 0 : i32
      %dma_wait3A_340 = tpu.memref_slice %arg5[%arg0, %dma_wait3A_338, %dma_wait3A_339] : memref<2x10240x64xf32, #tpu.memory_space<hbm>> -> memref<1x10240x64xf32, #tpu.memory_space<hbm>>
      %dma_wait3A_341 = tpu.memref_squeeze %dma_wait3A_340 : memref<1x10240x64xf32, #tpu.memory_space<hbm>> -> memref<10240x64xf32, #tpu.memory_space<hbm>>
      %dma_wait3A_342 = arith.constant 0 : i32
      %dma_wait3A_343 = tpu.memref_slice %dma_wait3A_341[%mul3A_329, %dma_wait3A_342] : memref<10240x64xf32, #tpu.memory_space<hbm>> -> memref<640x64xf32, #tpu.memory_space<hbm>>
      %dma_wait3A_344 = arith.constant 0 : i32
      %dma_wait3A_345 = tpu.memref_slice %arg13[%mul3A_329, %dma_wait3A_344] : memref<10240x64xf32, #tpu.memory_space<vmem_shared>> -> memref<640x64xf32, #tpu.memory_space<vmem_shared>>
      tpu.wait_dma2 semaphore(%run_scoped3A : memref<!tpu.dma_semaphore, #tpu.memory_space<semaphore_mem>>) src(%dma_wait3A_345 : memref<640x64xf32, #tpu.memory_space<vmem_shared>>) dst(%dma_wait3A_343 : memref<640x64xf32, #tpu.memory_space<hbm>>)
      tpu.yield
    }) : () -> ()
    return
  }
}

#map = affine_map<(d0, d1) -> (0, 0)>
#map1 = affine_map<(d0, d1) -> (0, 0, 0)>
module attributes {stable_mosaic.version = 14 : i64} {
  func.func @gcn_agg_128(%arg0: i32, %arg1: i32, %arg2: memref<10000x128xf32, #tpu.memory_space<hbm>>, %arg3: memref<32x250x40xi32, #tpu.memory_space<hbm>>, %arg4: memref<32x250x40xi32, #tpu.memory_space<hbm>>, %arg5: memref<2x10240x128xf32, #tpu.memory_space<hbm>>, %arg6: memref<250x40xi32, #tpu.memory_space<vmem>>, %arg7: memref<250x40xi32, #tpu.memory_space<vmem>>, %arg8: memref<40x128xf32, #tpu.memory_space<vmem>>, %arg9: memref<40x128xf32, #tpu.memory_space<vmem>>, %arg10: memref<40x128xf32, #tpu.memory_space<vmem>>, %arg11: memref<40x128xf32, #tpu.memory_space<vmem>>, %arg12: memref<40x128xf32, #tpu.memory_space<vmem>>, %arg13: memref<10240x128xf32, #tpu.memory_space<vmem_shared>>, %arg14: memref<!tpu.dma_semaphore, #tpu.memory_space<semaphore_mem>>, %arg15: memref<!tpu.dma_semaphore, #tpu.memory_space<semaphore_mem>>, %arg16: memref<!tpu.dma_semaphore, #tpu.memory_space<semaphore_mem>>, %arg17: memref<!tpu.dma_semaphore, #tpu.memory_space<semaphore_mem>>, %arg18: memref<!tpu.dma_semaphore, #tpu.memory_space<semaphore_mem>>, %arg19: memref<!tpu.dma_semaphore, #tpu.memory_space<semaphore_mem>>, %arg20: memref<!tpu.dma_semaphore, #tpu.memory_space<semaphore_mem>>, %arg21: memref<!tpu.dma_semaphore, #tpu.memory_space<semaphore_mem>>, %arg22: memref<!tpu.dma_semaphore, #tpu.memory_space<semaphore_mem>>, %arg23: memref<!tpu.dma_semaphore, #tpu.memory_space<semaphore_mem>>) attributes {dimension_semantics = [#tpu.dimension_semantics<core_parallel>, #tpu.dimension_semantics<subcore_parallel>], iteration_bounds = array<i64: 2, 16>, scalar_prefetch = 0 : i64, scratch_operands = 18 : i64, tpu.core_type = #tpu.core_type<sc_vector_subcore>, window_params = [{transform_indices = #map}, {transform_indices = #map1}, {transform_indices = #map1}, {transform_indices = #map1}]} {
    %mul3A = arith.constant 16 : i32
    %mul3A_0 = arith.muli %arg0, %mul3A : i32
    %add3A = arith.addi %mul3A_0, %arg1 : i32
    %broadcast_in_dim3A = arith.constant 0.000000e+00 : f32
    %broadcast_in_dim3A_1 = vector.broadcast %broadcast_in_dim3A : f32 to vector<16xf32>
    %scan3A = arith.constant 0 : i32
    %scan3A_2 = arith.constant 0 : i32
    %scan3A_3 = arith.constant 320 : i32
    %scan3A_4 = arith.addi %scan3A_2, %scan3A_3 : i32
    %scan3A_5 = arith.constant 1 : i32
    %scan3A_6 = scf.for %scan3A_330 = %scan3A_2 to %scan3A_4 step %scan3A_5 iter_args(%scan3A_331 = %scan3A) -> (i32)  : i32 {
      %jit3A = arith.constant 8 : i32
      %div3A = arith.divsi %scan3A_330, %jit3A : i32
      %sign3A = arith.constant 0 : i32
      %sign3A_332 = arith.cmpi sgt, %scan3A_330, %sign3A : i32
      %sign3A_333 = arith.extui %sign3A_332 : i1 to i32
      %sign3A_334 = arith.constant 0 : i32
      %sign3A_335 = arith.cmpi slt, %scan3A_330, %sign3A_334 : i32
      %sign3A_336 = arith.extui %sign3A_335 : i1 to i32
      %sign3A_337 = arith.subi %sign3A_333, %sign3A_336 : i32
      %sign3A_338 = arith.constant 0 : i32
      %sign3A_339 = arith.cmpi sgt, %jit3A, %sign3A_338 : i32
      %sign3A_340 = arith.extui %sign3A_339 : i1 to i32
      %sign3A_341 = arith.constant 0 : i32
      %sign3A_342 = arith.cmpi slt, %jit3A, %sign3A_341 : i32
      %sign3A_343 = arith.extui %sign3A_342 : i1 to i32
      %sign3A_344 = arith.subi %sign3A_340, %sign3A_343 : i32
      %ne3A = arith.cmpi ne, %sign3A_337, %sign3A_344 : i32
      %rem3A = arith.remsi %scan3A_330, %jit3A : i32
      %ne3A_345 = arith.constant 0 : i32
      %ne3A_346 = arith.cmpi ne, %rem3A, %ne3A_345 : i32
      %and3A = arith.andi %ne3A, %ne3A_346 : i1
      %sub3A = arith.constant 1 : i32
      %sub3A_347 = arith.subi %div3A, %sub3A : i32
      %select_n3A = arith.select %and3A, %sub3A_347, %div3A : i32
      %jit3A_348 = arith.constant 8 : i32
      %eq3A = arith.constant 0 : i32
      %eq3A_349 = arith.cmpi eq, %jit3A_348, %eq3A : i32
      %jit3A_350 = arith.constant 1 : i32
      %select_n3A_351 = arith.select %eq3A_349, %jit3A_350, %jit3A_348 : i32
      %rem3A_352 = arith.remsi %scan3A_330, %select_n3A_351 : i32
      %ne3A_353 = arith.constant 0 : i32
      %ne3A_354 = arith.cmpi ne, %rem3A_352, %ne3A_353 : i32
      %lt3A = arith.constant 0 : i32
      %lt3A_355 = arith.cmpi slt, %rem3A_352, %lt3A : i32
      %lt3A_356 = arith.constant 0 : i32
      %lt3A_357 = arith.cmpi slt, %select_n3A_351, %lt3A_356 : i32
      %ne3A_358 = arith.xori %lt3A_355, %lt3A_357 : i1
      %and3A_359 = arith.andi %ne3A_358, %ne3A_354 : i1
      %add3A_360 = arith.addi %rem3A_352, %select_n3A_351 : i32
      %select_n3A_361 = arith.select %and3A_359, %add3A_360, %rem3A_352 : i32
      %mul3A_362 = arith.constant 16 : i32
      %mul3A_363 = arith.muli %select_n3A_361, %mul3A_362 : i32
      %swap3A = arith.index_cast %select_n3A : i32 to index
      %swap3A_364 = arith.index_cast %mul3A_363 : i32 to index
      %swap3A_365 = tpu.vector_load %arg8[%swap3A, %swap3A_364] {strides = array<i32>} : memref<40x128xf32, #tpu.memory_space<vmem>>, vector<1x16xf32>,
      %swap3A_366 = vector.shape_cast %swap3A_365 : vector<1x16xf32> to vector<16xf32>
      %swap3A_367 = vector.shape_cast %broadcast_in_dim3A_1 : vector<16xf32> to vector<1x16xf32>
      tpu.vector_store %arg8[%swap3A, %swap3A_364], %swap3A_367 {strides = array<i32>} : memref<40x128xf32, #tpu.memory_space<vmem>>, vector<1x16xf32>,
      %scan3A_368 = arith.constant 0 : i32
      scf.yield %scan3A_368 : i32
    }
    %scan3A_7 = arith.constant 320 : i32
    %mul3A_8 = arith.constant 640 : i32
    %mul3A_9 = arith.muli %arg1, %mul3A_8 : i32
    %add3A_10 = arith.constant 0 : i32
    %add3A_11 = arith.addi %mul3A_9, %add3A_10 : i32
    "tpu.region"() ({
      %run_scoped3A = tpu.sem_alloc : memref<!tpu.dma_semaphore, #tpu.memory_space<semaphore_mem>>
      %dma_start3A_330 = arith.constant 0 : i32
      %dma_start3A_331 = tpu.memref_slice %arg13[%add3A_11, %dma_start3A_330] : memref<10240x128xf32, #tpu.memory_space<vmem_shared>> -> memref<40x128xf32, #tpu.memory_space<vmem_shared>>
      %dma_start3A_332 = arith.constant 0 : i32
      %dma_start3A_333 = tpu.memref_slice %arg13[%add3A_11, %dma_start3A_332] : memref<10240x128xf32, #tpu.memory_space<vmem_shared>> -> memref<40x128xf32, #tpu.memory_space<vmem_shared>>
      tpu.enqueue_dma source(%arg8 : memref<40x128xf32, #tpu.memory_space<vmem>>) target(%dma_start3A_333 : memref<40x128xf32, #tpu.memory_space<vmem_shared>>) target_semaphore(%run_scoped3A : memref<!tpu.dma_semaphore, #tpu.memory_space<semaphore_mem>>)
      %dma_wait3A_334 = arith.constant 0 : i32
      %dma_wait3A_335 = tpu.memref_slice %arg13[%add3A_11, %dma_wait3A_334] : memref<10240x128xf32, #tpu.memory_space<vmem_shared>> -> memref<40x128xf32, #tpu.memory_space<vmem_shared>>
      %dma_wait3A_336 = arith.constant 0 : i32
      %dma_wait3A_337 = tpu.memref_slice %arg13[%add3A_11, %dma_wait3A_336] : memref<10240x128xf32, #tpu.memory_space<vmem_shared>> -> memref<40x128xf32, #tpu.memory_space<vmem_shared>>
      tpu.wait_dma2 semaphore(%run_scoped3A : memref<!tpu.dma_semaphore, #tpu.memory_space<semaphore_mem>>) src(%arg8 : memref<40x128xf32, #tpu.memory_space<vmem>>) dst(%dma_wait3A_337 : memref<40x128xf32, #tpu.memory_space<vmem_shared>>)
      tpu.yield
    }) : () -> ()
    %add3A_12 = arith.constant 40 : i32
    %add3A_13 = arith.addi %mul3A_9, %add3A_12 : i32
    "tpu.region"() ({
      %run_scoped3A = tpu.sem_alloc : memref<!tpu.dma_semaphore, #tpu.memory_space<semaphore_mem>>
      %dma_start3A_330 = arith.constant 0 : i32
      %dma_start3A_331 = tpu.memref_slice %arg13[%add3A_13, %dma_start3A_330] : memref<10240x128xf32, #tpu.memory_space<vmem_shared>> -> memref<40x128xf32, #tpu.memory_space<vmem_shared>>
      %dma_start3A_332 = arith.constant 0 : i32
      %dma_start3A_333 = tpu.memref_slice %arg13[%add3A_13, %dma_start3A_332] : memref<10240x128xf32, #tpu.memory_space<vmem_shared>> -> memref<40x128xf32, #tpu.memory_space<vmem_shared>>
      tpu.enqueue_dma source(%arg8 : memref<40x128xf32, #tpu.memory_space<vmem>>) target(%dma_start3A_333 : memref<40x128xf32, #tpu.memory_space<vmem_shared>>) target_semaphore(%run_scoped3A : memref<!tpu.dma_semaphore, #tpu.memory_space<semaphore_mem>>)
      %dma_wait3A_334 = arith.constant 0 : i32
      %dma_wait3A_335 = tpu.memref_slice %arg13[%add3A_13, %dma_wait3A_334] : memref<10240x128xf32, #tpu.memory_space<vmem_shared>> -> memref<40x128xf32, #tpu.memory_space<vmem_shared>>
      %dma_wait3A_336 = arith.constant 0 : i32
      %dma_wait3A_337 = tpu.memref_slice %arg13[%add3A_13, %dma_wait3A_336] : memref<10240x128xf32, #tpu.memory_space<vmem_shared>> -> memref<40x128xf32, #tpu.memory_space<vmem_shared>>
      tpu.wait_dma2 semaphore(%run_scoped3A : memref<!tpu.dma_semaphore, #tpu.memory_space<semaphore_mem>>) src(%arg8 : memref<40x128xf32, #tpu.memory_space<vmem>>) dst(%dma_wait3A_337 : memref<40x128xf32, #tpu.memory_space<vmem_shared>>)
      tpu.yield
    }) : () -> ()
    %add3A_14 = arith.constant 80 : i32
    %add3A_15 = arith.addi %mul3A_9, %add3A_14 : i32
    "tpu.region"() ({
      %run_scoped3A = tpu.sem_alloc : memref<!tpu.dma_semaphore, #tpu.memory_space<semaphore_mem>>
      %dma_start3A_330 = arith.constant 0 : i32
      %dma_start3A_331 = tpu.memref_slice %arg13[%add3A_15, %dma_start3A_330] : memref<10240x128xf32, #tpu.memory_space<vmem_shared>> -> memref<40x128xf32, #tpu.memory_space<vmem_shared>>
      %dma_start3A_332 = arith.constant 0 : i32
      %dma_start3A_333 = tpu.memref_slice %arg13[%add3A_15, %dma_start3A_332] : memref<10240x128xf32, #tpu.memory_space<vmem_shared>> -> memref<40x128xf32, #tpu.memory_space<vmem_shared>>
      tpu.enqueue_dma source(%arg8 : memref<40x128xf32, #tpu.memory_space<vmem>>) target(%dma_start3A_333 : memref<40x128xf32, #tpu.memory_space<vmem_shared>>) target_semaphore(%run_scoped3A : memref<!tpu.dma_semaphore, #tpu.memory_space<semaphore_mem>>)
      %dma_wait3A_334 = arith.constant 0 : i32
      %dma_wait3A_335 = tpu.memref_slice %arg13[%add3A_15, %dma_wait3A_334] : memref<10240x128xf32, #tpu.memory_space<vmem_shared>> -> memref<40x128xf32, #tpu.memory_space<vmem_shared>>
      %dma_wait3A_336 = arith.constant 0 : i32
      %dma_wait3A_337 = tpu.memref_slice %arg13[%add3A_15, %dma_wait3A_336] : memref<10240x128xf32, #tpu.memory_space<vmem_shared>> -> memref<40x128xf32, #tpu.memory_space<vmem_shared>>
      tpu.wait_dma2 semaphore(%run_scoped3A : memref<!tpu.dma_semaphore, #tpu.memory_space<semaphore_mem>>) src(%arg8 : memref<40x128xf32, #tpu.memory_space<vmem>>) dst(%dma_wait3A_337 : memref<40x128xf32, #tpu.memory_space<vmem_shared>>)
      tpu.yield
    }) : () -> ()
    %add3A_16 = arith.constant 120 : i32
    %add3A_17 = arith.addi %mul3A_9, %add3A_16 : i32
    "tpu.region"() ({
      %run_scoped3A = tpu.sem_alloc : memref<!tpu.dma_semaphore, #tpu.memory_space<semaphore_mem>>
      %dma_start3A_330 = arith.constant 0 : i32
      %dma_start3A_331 = tpu.memref_slice %arg13[%add3A_17, %dma_start3A_330] : memref<10240x128xf32, #tpu.memory_space<vmem_shared>> -> memref<40x128xf32, #tpu.memory_space<vmem_shared>>
      %dma_start3A_332 = arith.constant 0 : i32
      %dma_start3A_333 = tpu.memref_slice %arg13[%add3A_17, %dma_start3A_332] : memref<10240x128xf32, #tpu.memory_space<vmem_shared>> -> memref<40x128xf32, #tpu.memory_space<vmem_shared>>
      tpu.enqueue_dma source(%arg8 : memref<40x128xf32, #tpu.memory_space<vmem>>) target(%dma_start3A_333 : memref<40x128xf32, #tpu.memory_space<vmem_shared>>) target_semaphore(%run_scoped3A : memref<!tpu.dma_semaphore, #tpu.memory_space<semaphore_mem>>)
      %dma_wait3A_334 = arith.constant 0 : i32
      %dma_wait3A_335 = tpu.memref_slice %arg13[%add3A_17, %dma_wait3A_334] : memref<10240x128xf32, #tpu.memory_space<vmem_shared>> -> memref<40x128xf32, #tpu.memory_space<vmem_shared>>
      %dma_wait3A_336 = arith.constant 0 : i32
      %dma_wait3A_337 = tpu.memref_slice %arg13[%add3A_17, %dma_wait3A_336] : memref<10240x128xf32, #tpu.memory_space<vmem_shared>> -> memref<40x128xf32, #tpu.memory_space<vmem_shared>>
      tpu.wait_dma2 semaphore(%run_scoped3A : memref<!tpu.dma_semaphore, #tpu.memory_space<semaphore_mem>>) src(%arg8 : memref<40x128xf32, #tpu.memory_space<vmem>>) dst(%dma_wait3A_337 : memref<40x128xf32, #tpu.memory_space<vmem_shared>>)
      tpu.yield
    }) : () -> ()
    %add3A_18 = arith.constant 160 : i32
    %add3A_19 = arith.addi %mul3A_9, %add3A_18 : i32
    "tpu.region"() ({
      %run_scoped3A = tpu.sem_alloc : memref<!tpu.dma_semaphore, #tpu.memory_space<semaphore_mem>>
      %dma_start3A_330 = arith.constant 0 : i32
      %dma_start3A_331 = tpu.memref_slice %arg13[%add3A_19, %dma_start3A_330] : memref<10240x128xf32, #tpu.memory_space<vmem_shared>> -> memref<40x128xf32, #tpu.memory_space<vmem_shared>>
      %dma_start3A_332 = arith.constant 0 : i32
      %dma_start3A_333 = tpu.memref_slice %arg13[%add3A_19, %dma_start3A_332] : memref<10240x128xf32, #tpu.memory_space<vmem_shared>> -> memref<40x128xf32, #tpu.memory_space<vmem_shared>>
      tpu.enqueue_dma source(%arg8 : memref<40x128xf32, #tpu.memory_space<vmem>>) target(%dma_start3A_333 : memref<40x128xf32, #tpu.memory_space<vmem_shared>>) target_semaphore(%run_scoped3A : memref<!tpu.dma_semaphore, #tpu.memory_space<semaphore_mem>>)
      %dma_wait3A_334 = arith.constant 0 : i32
      %dma_wait3A_335 = tpu.memref_slice %arg13[%add3A_19, %dma_wait3A_334] : memref<10240x128xf32, #tpu.memory_space<vmem_shared>> -> memref<40x128xf32, #tpu.memory_space<vmem_shared>>
      %dma_wait3A_336 = arith.constant 0 : i32
      %dma_wait3A_337 = tpu.memref_slice %arg13[%add3A_19, %dma_wait3A_336] : memref<10240x128xf32, #tpu.memory_space<vmem_shared>> -> memref<40x128xf32, #tpu.memory_space<vmem_shared>>
      tpu.wait_dma2 semaphore(%run_scoped3A : memref<!tpu.dma_semaphore, #tpu.memory_space<semaphore_mem>>) src(%arg8 : memref<40x128xf32, #tpu.memory_space<vmem>>) dst(%dma_wait3A_337 : memref<40x128xf32, #tpu.memory_space<vmem_shared>>)
      tpu.yield
    }) : () -> ()
    %add3A_20 = arith.constant 200 : i32
    %add3A_21 = arith.addi %mul3A_9, %add3A_20 : i32
    "tpu.region"() ({
      %run_scoped3A = tpu.sem_alloc : memref<!tpu.dma_semaphore, #tpu.memory_space<semaphore_mem>>
      %dma_start3A_330 = arith.constant 0 : i32
      %dma_start3A_331 = tpu.memref_slice %arg13[%add3A_21, %dma_start3A_330] : memref<10240x128xf32, #tpu.memory_space<vmem_shared>> -> memref<40x128xf32, #tpu.memory_space<vmem_shared>>
      %dma_start3A_332 = arith.constant 0 : i32
      %dma_start3A_333 = tpu.memref_slice %arg13[%add3A_21, %dma_start3A_332] : memref<10240x128xf32, #tpu.memory_space<vmem_shared>> -> memref<40x128xf32, #tpu.memory_space<vmem_shared>>
      tpu.enqueue_dma source(%arg8 : memref<40x128xf32, #tpu.memory_space<vmem>>) target(%dma_start3A_333 : memref<40x128xf32, #tpu.memory_space<vmem_shared>>) target_semaphore(%run_scoped3A : memref<!tpu.dma_semaphore, #tpu.memory_space<semaphore_mem>>)
      %dma_wait3A_334 = arith.constant 0 : i32
      %dma_wait3A_335 = tpu.memref_slice %arg13[%add3A_21, %dma_wait3A_334] : memref<10240x128xf32, #tpu.memory_space<vmem_shared>> -> memref<40x128xf32, #tpu.memory_space<vmem_shared>>
      %dma_wait3A_336 = arith.constant 0 : i32
      %dma_wait3A_337 = tpu.memref_slice %arg13[%add3A_21, %dma_wait3A_336] : memref<10240x128xf32, #tpu.memory_space<vmem_shared>> -> memref<40x128xf32, #tpu.memory_space<vmem_shared>>
      tpu.wait_dma2 semaphore(%run_scoped3A : memref<!tpu.dma_semaphore, #tpu.memory_space<semaphore_mem>>) src(%arg8 : memref<40x128xf32, #tpu.memory_space<vmem>>) dst(%dma_wait3A_337 : memref<40x128xf32, #tpu.memory_space<vmem_shared>>)
      tpu.yield
    }) : () -> ()
    %add3A_22 = arith.constant 240 : i32
    %add3A_23 = arith.addi %mul3A_9, %add3A_22 : i32
    "tpu.region"() ({
      %run_scoped3A = tpu.sem_alloc : memref<!tpu.dma_semaphore, #tpu.memory_space<semaphore_mem>>
      %dma_start3A_330 = arith.constant 0 : i32
      %dma_start3A_331 = tpu.memref_slice %arg13[%add3A_23, %dma_start3A_330] : memref<10240x128xf32, #tpu.memory_space<vmem_shared>> -> memref<40x128xf32, #tpu.memory_space<vmem_shared>>
      %dma_start3A_332 = arith.constant 0 : i32
      %dma_start3A_333 = tpu.memref_slice %arg13[%add3A_23, %dma_start3A_332] : memref<10240x128xf32, #tpu.memory_space<vmem_shared>> -> memref<40x128xf32, #tpu.memory_space<vmem_shared>>
      tpu.enqueue_dma source(%arg8 : memref<40x128xf32, #tpu.memory_space<vmem>>) target(%dma_start3A_333 : memref<40x128xf32, #tpu.memory_space<vmem_shared>>) target_semaphore(%run_scoped3A : memref<!tpu.dma_semaphore, #tpu.memory_space<semaphore_mem>>)
      %dma_wait3A_334 = arith.constant 0 : i32
      %dma_wait3A_335 = tpu.memref_slice %arg13[%add3A_23, %dma_wait3A_334] : memref<10240x128xf32, #tpu.memory_space<vmem_shared>> -> memref<40x128xf32, #tpu.memory_space<vmem_shared>>
      %dma_wait3A_336 = arith.constant 0 : i32
      %dma_wait3A_337 = tpu.memref_slice %arg13[%add3A_23, %dma_wait3A_336] : memref<10240x128xf32, #tpu.memory_space<vmem_shared>> -> memref<40x128xf32, #tpu.memory_space<vmem_shared>>
      tpu.wait_dma2 semaphore(%run_scoped3A : memref<!tpu.dma_semaphore, #tpu.memory_space<semaphore_mem>>) src(%arg8 : memref<40x128xf32, #tpu.memory_space<vmem>>) dst(%dma_wait3A_337 : memref<40x128xf32, #tpu.memory_space<vmem_shared>>)
      tpu.yield
    }) : () -> ()
    %add3A_24 = arith.constant 280 : i32
    %add3A_25 = arith.addi %mul3A_9, %add3A_24 : i32
    "tpu.region"() ({
      %run_scoped3A = tpu.sem_alloc : memref<!tpu.dma_semaphore, #tpu.memory_space<semaphore_mem>>
      %dma_start3A_330 = arith.constant 0 : i32
      %dma_start3A_331 = tpu.memref_slice %arg13[%add3A_25, %dma_start3A_330] : memref<10240x128xf32, #tpu.memory_space<vmem_shared>> -> memref<40x128xf32, #tpu.memory_space<vmem_shared>>
      %dma_start3A_332 = arith.constant 0 : i32
      %dma_start3A_333 = tpu.memref_slice %arg13[%add3A_25, %dma_start3A_332] : memref<10240x128xf32, #tpu.memory_space<vmem_shared>> -> memref<40x128xf32, #tpu.memory_space<vmem_shared>>
      tpu.enqueue_dma source(%arg8 : memref<40x128xf32, #tpu.memory_space<vmem>>) target(%dma_start3A_333 : memref<40x128xf32, #tpu.memory_space<vmem_shared>>) target_semaphore(%run_scoped3A : memref<!tpu.dma_semaphore, #tpu.memory_space<semaphore_mem>>)
      %dma_wait3A_334 = arith.constant 0 : i32
      %dma_wait3A_335 = tpu.memref_slice %arg13[%add3A_25, %dma_wait3A_334] : memref<10240x128xf32, #tpu.memory_space<vmem_shared>> -> memref<40x128xf32, #tpu.memory_space<vmem_shared>>
      %dma_wait3A_336 = arith.constant 0 : i32
      %dma_wait3A_337 = tpu.memref_slice %arg13[%add3A_25, %dma_wait3A_336] : memref<10240x128xf32, #tpu.memory_space<vmem_shared>> -> memref<40x128xf32, #tpu.memory_space<vmem_shared>>
      tpu.wait_dma2 semaphore(%run_scoped3A : memref<!tpu.dma_semaphore, #tpu.memory_space<semaphore_mem>>) src(%arg8 : memref<40x128xf32, #tpu.memory_space<vmem>>) dst(%dma_wait3A_337 : memref<40x128xf32, #tpu.memory_space<vmem_shared>>)
      tpu.yield
    }) : () -> ()
    %add3A_26 = arith.constant 320 : i32
    %add3A_27 = arith.addi %mul3A_9, %add3A_26 : i32
    "tpu.region"() ({
      %run_scoped3A = tpu.sem_alloc : memref<!tpu.dma_semaphore, #tpu.memory_space<semaphore_mem>>
      %dma_start3A_330 = arith.constant 0 : i32
      %dma_start3A_331 = tpu.memref_slice %arg13[%add3A_27, %dma_start3A_330] : memref<10240x128xf32, #tpu.memory_space<vmem_shared>> -> memref<40x128xf32, #tpu.memory_space<vmem_shared>>
      %dma_start3A_332 = arith.constant 0 : i32
      %dma_start3A_333 = tpu.memref_slice %arg13[%add3A_27, %dma_start3A_332] : memref<10240x128xf32, #tpu.memory_space<vmem_shared>> -> memref<40x128xf32, #tpu.memory_space<vmem_shared>>
      tpu.enqueue_dma source(%arg8 : memref<40x128xf32, #tpu.memory_space<vmem>>) target(%dma_start3A_333 : memref<40x128xf32, #tpu.memory_space<vmem_shared>>) target_semaphore(%run_scoped3A : memref<!tpu.dma_semaphore, #tpu.memory_space<semaphore_mem>>)
      %dma_wait3A_334 = arith.constant 0 : i32
      %dma_wait3A_335 = tpu.memref_slice %arg13[%add3A_27, %dma_wait3A_334] : memref<10240x128xf32, #tpu.memory_space<vmem_shared>> -> memref<40x128xf32, #tpu.memory_space<vmem_shared>>
      %dma_wait3A_336 = arith.constant 0 : i32
      %dma_wait3A_337 = tpu.memref_slice %arg13[%add3A_27, %dma_wait3A_336] : memref<10240x128xf32, #tpu.memory_space<vmem_shared>> -> memref<40x128xf32, #tpu.memory_space<vmem_shared>>
      tpu.wait_dma2 semaphore(%run_scoped3A : memref<!tpu.dma_semaphore, #tpu.memory_space<semaphore_mem>>) src(%arg8 : memref<40x128xf32, #tpu.memory_space<vmem>>) dst(%dma_wait3A_337 : memref<40x128xf32, #tpu.memory_space<vmem_shared>>)
      tpu.yield
    }) : () -> ()
    %add3A_28 = arith.constant 360 : i32
    %add3A_29 = arith.addi %mul3A_9, %add3A_28 : i32
    "tpu.region"() ({
      %run_scoped3A = tpu.sem_alloc : memref<!tpu.dma_semaphore, #tpu.memory_space<semaphore_mem>>
      %dma_start3A_330 = arith.constant 0 : i32
      %dma_start3A_331 = tpu.memref_slice %arg13[%add3A_29, %dma_start3A_330] : memref<10240x128xf32, #tpu.memory_space<vmem_shared>> -> memref<40x128xf32, #tpu.memory_space<vmem_shared>>
      %dma_start3A_332 = arith.constant 0 : i32
      %dma_start3A_333 = tpu.memref_slice %arg13[%add3A_29, %dma_start3A_332] : memref<10240x128xf32, #tpu.memory_space<vmem_shared>> -> memref<40x128xf32, #tpu.memory_space<vmem_shared>>
      tpu.enqueue_dma source(%arg8 : memref<40x128xf32, #tpu.memory_space<vmem>>) target(%dma_start3A_333 : memref<40x128xf32, #tpu.memory_space<vmem_shared>>) target_semaphore(%run_scoped3A : memref<!tpu.dma_semaphore, #tpu.memory_space<semaphore_mem>>)
      %dma_wait3A_334 = arith.constant 0 : i32
      %dma_wait3A_335 = tpu.memref_slice %arg13[%add3A_29, %dma_wait3A_334] : memref<10240x128xf32, #tpu.memory_space<vmem_shared>> -> memref<40x128xf32, #tpu.memory_space<vmem_shared>>
      %dma_wait3A_336 = arith.constant 0 : i32
      %dma_wait3A_337 = tpu.memref_slice %arg13[%add3A_29, %dma_wait3A_336] : memref<10240x128xf32, #tpu.memory_space<vmem_shared>> -> memref<40x128xf32, #tpu.memory_space<vmem_shared>>
      tpu.wait_dma2 semaphore(%run_scoped3A : memref<!tpu.dma_semaphore, #tpu.memory_space<semaphore_mem>>) src(%arg8 : memref<40x128xf32, #tpu.memory_space<vmem>>) dst(%dma_wait3A_337 : memref<40x128xf32, #tpu.memory_space<vmem_shared>>)
      tpu.yield
    }) : () -> ()
    %add3A_30 = arith.constant 400 : i32
    %add3A_31 = arith.addi %mul3A_9, %add3A_30 : i32
    "tpu.region"() ({
      %run_scoped3A = tpu.sem_alloc : memref<!tpu.dma_semaphore, #tpu.memory_space<semaphore_mem>>
      %dma_start3A_330 = arith.constant 0 : i32
      %dma_start3A_331 = tpu.memref_slice %arg13[%add3A_31, %dma_start3A_330] : memref<10240x128xf32, #tpu.memory_space<vmem_shared>> -> memref<40x128xf32, #tpu.memory_space<vmem_shared>>
      %dma_start3A_332 = arith.constant 0 : i32
      %dma_start3A_333 = tpu.memref_slice %arg13[%add3A_31, %dma_start3A_332] : memref<10240x128xf32, #tpu.memory_space<vmem_shared>> -> memref<40x128xf32, #tpu.memory_space<vmem_shared>>
      tpu.enqueue_dma source(%arg8 : memref<40x128xf32, #tpu.memory_space<vmem>>) target(%dma_start3A_333 : memref<40x128xf32, #tpu.memory_space<vmem_shared>>) target_semaphore(%run_scoped3A : memref<!tpu.dma_semaphore, #tpu.memory_space<semaphore_mem>>)
      %dma_wait3A_334 = arith.constant 0 : i32
      %dma_wait3A_335 = tpu.memref_slice %arg13[%add3A_31, %dma_wait3A_334] : memref<10240x128xf32, #tpu.memory_space<vmem_shared>> -> memref<40x128xf32, #tpu.memory_space<vmem_shared>>
      %dma_wait3A_336 = arith.constant 0 : i32
      %dma_wait3A_337 = tpu.memref_slice %arg13[%add3A_31, %dma_wait3A_336] : memref<10240x128xf32, #tpu.memory_space<vmem_shared>> -> memref<40x128xf32, #tpu.memory_space<vmem_shared>>
      tpu.wait_dma2 semaphore(%run_scoped3A : memref<!tpu.dma_semaphore, #tpu.memory_space<semaphore_mem>>) src(%arg8 : memref<40x128xf32, #tpu.memory_space<vmem>>) dst(%dma_wait3A_337 : memref<40x128xf32, #tpu.memory_space<vmem_shared>>)
      tpu.yield
    }) : () -> ()
    %add3A_32 = arith.constant 440 : i32
    %add3A_33 = arith.addi %mul3A_9, %add3A_32 : i32
    "tpu.region"() ({
      %run_scoped3A = tpu.sem_alloc : memref<!tpu.dma_semaphore, #tpu.memory_space<semaphore_mem>>
      %dma_start3A_330 = arith.constant 0 : i32
      %dma_start3A_331 = tpu.memref_slice %arg13[%add3A_33, %dma_start3A_330] : memref<10240x128xf32, #tpu.memory_space<vmem_shared>> -> memref<40x128xf32, #tpu.memory_space<vmem_shared>>
      %dma_start3A_332 = arith.constant 0 : i32
      %dma_start3A_333 = tpu.memref_slice %arg13[%add3A_33, %dma_start3A_332] : memref<10240x128xf32, #tpu.memory_space<vmem_shared>> -> memref<40x128xf32, #tpu.memory_space<vmem_shared>>
      tpu.enqueue_dma source(%arg8 : memref<40x128xf32, #tpu.memory_space<vmem>>) target(%dma_start3A_333 : memref<40x128xf32, #tpu.memory_space<vmem_shared>>) target_semaphore(%run_scoped3A : memref<!tpu.dma_semaphore, #tpu.memory_space<semaphore_mem>>)
      %dma_wait3A_334 = arith.constant 0 : i32
      %dma_wait3A_335 = tpu.memref_slice %arg13[%add3A_33, %dma_wait3A_334] : memref<10240x128xf32, #tpu.memory_space<vmem_shared>> -> memref<40x128xf32, #tpu.memory_space<vmem_shared>>
      %dma_wait3A_336 = arith.constant 0 : i32
      %dma_wait3A_337 = tpu.memref_slice %arg13[%add3A_33, %dma_wait3A_336] : memref<10240x128xf32, #tpu.memory_space<vmem_shared>> -> memref<40x128xf32, #tpu.memory_space<vmem_shared>>
      tpu.wait_dma2 semaphore(%run_scoped3A : memref<!tpu.dma_semaphore, #tpu.memory_space<semaphore_mem>>) src(%arg8 : memref<40x128xf32, #tpu.memory_space<vmem>>) dst(%dma_wait3A_337 : memref<40x128xf32, #tpu.memory_space<vmem_shared>>)
      tpu.yield
    }) : () -> ()
    %add3A_34 = arith.constant 480 : i32
    %add3A_35 = arith.addi %mul3A_9, %add3A_34 : i32
    "tpu.region"() ({
      %run_scoped3A = tpu.sem_alloc : memref<!tpu.dma_semaphore, #tpu.memory_space<semaphore_mem>>
      %dma_start3A_330 = arith.constant 0 : i32
      %dma_start3A_331 = tpu.memref_slice %arg13[%add3A_35, %dma_start3A_330] : memref<10240x128xf32, #tpu.memory_space<vmem_shared>> -> memref<40x128xf32, #tpu.memory_space<vmem_shared>>
      %dma_start3A_332 = arith.constant 0 : i32
      %dma_start3A_333 = tpu.memref_slice %arg13[%add3A_35, %dma_start3A_332] : memref<10240x128xf32, #tpu.memory_space<vmem_shared>> -> memref<40x128xf32, #tpu.memory_space<vmem_shared>>
      tpu.enqueue_dma source(%arg8 : memref<40x128xf32, #tpu.memory_space<vmem>>) target(%dma_start3A_333 : memref<40x128xf32, #tpu.memory_space<vmem_shared>>) target_semaphore(%run_scoped3A : memref<!tpu.dma_semaphore, #tpu.memory_space<semaphore_mem>>)
      %dma_wait3A_334 = arith.constant 0 : i32
      %dma_wait3A_335 = tpu.memref_slice %arg13[%add3A_35, %dma_wait3A_334] : memref<10240x128xf32, #tpu.memory_space<vmem_shared>> -> memref<40x128xf32, #tpu.memory_space<vmem_shared>>
      %dma_wait3A_336 = arith.constant 0 : i32
      %dma_wait3A_337 = tpu.memref_slice %arg13[%add3A_35, %dma_wait3A_336] : memref<10240x128xf32, #tpu.memory_space<vmem_shared>> -> memref<40x128xf32, #tpu.memory_space<vmem_shared>>
      tpu.wait_dma2 semaphore(%run_scoped3A : memref<!tpu.dma_semaphore, #tpu.memory_space<semaphore_mem>>) src(%arg8 : memref<40x128xf32, #tpu.memory_space<vmem>>) dst(%dma_wait3A_337 : memref<40x128xf32, #tpu.memory_space<vmem_shared>>)
      tpu.yield
    }) : () -> ()
    %add3A_36 = arith.constant 520 : i32
    %add3A_37 = arith.addi %mul3A_9, %add3A_36 : i32
    "tpu.region"() ({
      %run_scoped3A = tpu.sem_alloc : memref<!tpu.dma_semaphore, #tpu.memory_space<semaphore_mem>>
      %dma_start3A_330 = arith.constant 0 : i32
      %dma_start3A_331 = tpu.memref_slice %arg13[%add3A_37, %dma_start3A_330] : memref<10240x128xf32, #tpu.memory_space<vmem_shared>> -> memref<40x128xf32, #tpu.memory_space<vmem_shared>>
      %dma_start3A_332 = arith.constant 0 : i32
      %dma_start3A_333 = tpu.memref_slice %arg13[%add3A_37, %dma_start3A_332] : memref<10240x128xf32, #tpu.memory_space<vmem_shared>> -> memref<40x128xf32, #tpu.memory_space<vmem_shared>>
      tpu.enqueue_dma source(%arg8 : memref<40x128xf32, #tpu.memory_space<vmem>>) target(%dma_start3A_333 : memref<40x128xf32, #tpu.memory_space<vmem_shared>>) target_semaphore(%run_scoped3A : memref<!tpu.dma_semaphore, #tpu.memory_space<semaphore_mem>>)
      %dma_wait3A_334 = arith.constant 0 : i32
      %dma_wait3A_335 = tpu.memref_slice %arg13[%add3A_37, %dma_wait3A_334] : memref<10240x128xf32, #tpu.memory_space<vmem_shared>> -> memref<40x128xf32, #tpu.memory_space<vmem_shared>>
      %dma_wait3A_336 = arith.constant 0 : i32
      %dma_wait3A_337 = tpu.memref_slice %arg13[%add3A_37, %dma_wait3A_336] : memref<10240x128xf32, #tpu.memory_space<vmem_shared>> -> memref<40x128xf32, #tpu.memory_space<vmem_shared>>
      tpu.wait_dma2 semaphore(%run_scoped3A : memref<!tpu.dma_semaphore, #tpu.memory_space<semaphore_mem>>) src(%arg8 : memref<40x128xf32, #tpu.memory_space<vmem>>) dst(%dma_wait3A_337 : memref<40x128xf32, #tpu.memory_space<vmem_shared>>)
      tpu.yield
    }) : () -> ()
    %add3A_38 = arith.constant 560 : i32
    %add3A_39 = arith.addi %mul3A_9, %add3A_38 : i32
    "tpu.region"() ({
      %run_scoped3A = tpu.sem_alloc : memref<!tpu.dma_semaphore, #tpu.memory_space<semaphore_mem>>
      %dma_start3A_330 = arith.constant 0 : i32
      %dma_start3A_331 = tpu.memref_slice %arg13[%add3A_39, %dma_start3A_330] : memref<10240x128xf32, #tpu.memory_space<vmem_shared>> -> memref<40x128xf32, #tpu.memory_space<vmem_shared>>
      %dma_start3A_332 = arith.constant 0 : i32
      %dma_start3A_333 = tpu.memref_slice %arg13[%add3A_39, %dma_start3A_332] : memref<10240x128xf32, #tpu.memory_space<vmem_shared>> -> memref<40x128xf32, #tpu.memory_space<vmem_shared>>
      tpu.enqueue_dma source(%arg8 : memref<40x128xf32, #tpu.memory_space<vmem>>) target(%dma_start3A_333 : memref<40x128xf32, #tpu.memory_space<vmem_shared>>) target_semaphore(%run_scoped3A : memref<!tpu.dma_semaphore, #tpu.memory_space<semaphore_mem>>)
      %dma_wait3A_334 = arith.constant 0 : i32
      %dma_wait3A_335 = tpu.memref_slice %arg13[%add3A_39, %dma_wait3A_334] : memref<10240x128xf32, #tpu.memory_space<vmem_shared>> -> memref<40x128xf32, #tpu.memory_space<vmem_shared>>
      %dma_wait3A_336 = arith.constant 0 : i32
      %dma_wait3A_337 = tpu.memref_slice %arg13[%add3A_39, %dma_wait3A_336] : memref<10240x128xf32, #tpu.memory_space<vmem_shared>> -> memref<40x128xf32, #tpu.memory_space<vmem_shared>>
      tpu.wait_dma2 semaphore(%run_scoped3A : memref<!tpu.dma_semaphore, #tpu.memory_space<semaphore_mem>>) src(%arg8 : memref<40x128xf32, #tpu.memory_space<vmem>>) dst(%dma_wait3A_337 : memref<40x128xf32, #tpu.memory_space<vmem_shared>>)
      tpu.yield
    }) : () -> ()
    %add3A_40 = arith.constant 600 : i32
    %add3A_41 = arith.addi %mul3A_9, %add3A_40 : i32
    "tpu.region"() ({
      %run_scoped3A = tpu.sem_alloc : memref<!tpu.dma_semaphore, #tpu.memory_space<semaphore_mem>>
      %dma_start3A_330 = arith.constant 0 : i32
      %dma_start3A_331 = tpu.memref_slice %arg13[%add3A_41, %dma_start3A_330] : memref<10240x128xf32, #tpu.memory_space<vmem_shared>> -> memref<40x128xf32, #tpu.memory_space<vmem_shared>>
      %dma_start3A_332 = arith.constant 0 : i32
      %dma_start3A_333 = tpu.memref_slice %arg13[%add3A_41, %dma_start3A_332] : memref<10240x128xf32, #tpu.memory_space<vmem_shared>> -> memref<40x128xf32, #tpu.memory_space<vmem_shared>>
      tpu.enqueue_dma source(%arg8 : memref<40x128xf32, #tpu.memory_space<vmem>>) target(%dma_start3A_333 : memref<40x128xf32, #tpu.memory_space<vmem_shared>>) target_semaphore(%run_scoped3A : memref<!tpu.dma_semaphore, #tpu.memory_space<semaphore_mem>>)
      %dma_wait3A_334 = arith.constant 0 : i32
      %dma_wait3A_335 = tpu.memref_slice %arg13[%add3A_41, %dma_wait3A_334] : memref<10240x128xf32, #tpu.memory_space<vmem_shared>> -> memref<40x128xf32, #tpu.memory_space<vmem_shared>>
      %dma_wait3A_336 = arith.constant 0 : i32
      %dma_wait3A_337 = tpu.memref_slice %arg13[%add3A_41, %dma_wait3A_336] : memref<10240x128xf32, #tpu.memory_space<vmem_shared>> -> memref<40x128xf32, #tpu.memory_space<vmem_shared>>
      tpu.wait_dma2 semaphore(%run_scoped3A : memref<!tpu.dma_semaphore, #tpu.memory_space<semaphore_mem>>) src(%arg8 : memref<40x128xf32, #tpu.memory_space<vmem>>) dst(%dma_wait3A_337 : memref<40x128xf32, #tpu.memory_space<vmem_shared>>)
      tpu.yield
    }) : () -> ()
    "tpu.region"() ({
      %run_scoped3A = tpu.sem_alloc : memref<!tpu.dma_semaphore, #tpu.memory_space<semaphore_mem>>
      %dma_start3A_330 = arith.constant 0 : i32
      %dma_start3A_331 = arith.constant 0 : i32
      %dma_start3A_332 = tpu.memref_slice %arg3[%add3A, %dma_start3A_330, %dma_start3A_331] : memref<32x250x40xi32, #tpu.memory_space<hbm>> -> memref<1x250x40xi32, #tpu.memory_space<hbm>>
      %dma_start3A_333 = tpu.memref_squeeze %dma_start3A_332 : memref<1x250x40xi32, #tpu.memory_space<hbm>> -> memref<250x40xi32, #tpu.memory_space<hbm>>
      %dma_start3A_334 = arith.constant 0 : i32
      %dma_start3A_335 = arith.constant 0 : i32
      %dma_start3A_336 = tpu.memref_slice %arg3[%add3A, %dma_start3A_334, %dma_start3A_335] : memref<32x250x40xi32, #tpu.memory_space<hbm>> -> memref<1x250x40xi32, #tpu.memory_space<hbm>>
      %dma_start3A_337 = tpu.memref_squeeze %dma_start3A_336 : memref<1x250x40xi32, #tpu.memory_space<hbm>> -> memref<250x40xi32, #tpu.memory_space<hbm>>
      tpu.enqueue_dma source(%dma_start3A_337 : memref<250x40xi32, #tpu.memory_space<hbm>>) target(%arg6 : memref<250x40xi32, #tpu.memory_space<vmem>>) target_semaphore(%run_scoped3A : memref<!tpu.dma_semaphore, #tpu.memory_space<semaphore_mem>>)
      %dma_wait3A_338 = arith.constant 0 : i32
      %dma_wait3A_339 = arith.constant 0 : i32
      %dma_wait3A_340 = tpu.memref_slice %arg3[%add3A, %dma_wait3A_338, %dma_wait3A_339] : memref<32x250x40xi32, #tpu.memory_space<hbm>> -> memref<1x250x40xi32, #tpu.memory_space<hbm>>
      %dma_wait3A_341 = tpu.memref_squeeze %dma_wait3A_340 : memref<1x250x40xi32, #tpu.memory_space<hbm>> -> memref<250x40xi32, #tpu.memory_space<hbm>>
      %dma_wait3A_342 = arith.constant 0 : i32
      %dma_wait3A_343 = arith.constant 0 : i32
      %dma_wait3A_344 = tpu.memref_slice %arg3[%add3A, %dma_wait3A_342, %dma_wait3A_343] : memref<32x250x40xi32, #tpu.memory_space<hbm>> -> memref<1x250x40xi32, #tpu.memory_space<hbm>>
      %dma_wait3A_345 = tpu.memref_squeeze %dma_wait3A_344 : memref<1x250x40xi32, #tpu.memory_space<hbm>> -> memref<250x40xi32, #tpu.memory_space<hbm>>
      tpu.wait_dma2 semaphore(%run_scoped3A : memref<!tpu.dma_semaphore, #tpu.memory_space<semaphore_mem>>) src(%dma_wait3A_345 : memref<250x40xi32, #tpu.memory_space<hbm>>) dst(%arg6 : memref<250x40xi32, #tpu.memory_space<vmem>>)
      tpu.yield
    }) : () -> ()
    "tpu.region"() ({
      %run_scoped3A = tpu.sem_alloc : memref<!tpu.dma_semaphore, #tpu.memory_space<semaphore_mem>>
      %dma_start3A_330 = arith.constant 0 : i32
      %dma_start3A_331 = arith.constant 0 : i32
      %dma_start3A_332 = tpu.memref_slice %arg4[%add3A, %dma_start3A_330, %dma_start3A_331] : memref<32x250x40xi32, #tpu.memory_space<hbm>> -> memref<1x250x40xi32, #tpu.memory_space<hbm>>
      %dma_start3A_333 = tpu.memref_squeeze %dma_start3A_332 : memref<1x250x40xi32, #tpu.memory_space<hbm>> -> memref<250x40xi32, #tpu.memory_space<hbm>>
      %dma_start3A_334 = arith.constant 0 : i32
      %dma_start3A_335 = arith.constant 0 : i32
      %dma_start3A_336 = tpu.memref_slice %arg4[%add3A, %dma_start3A_334, %dma_start3A_335] : memref<32x250x40xi32, #tpu.memory_space<hbm>> -> memref<1x250x40xi32, #tpu.memory_space<hbm>>
      %dma_start3A_337 = tpu.memref_squeeze %dma_start3A_336 : memref<1x250x40xi32, #tpu.memory_space<hbm>> -> memref<250x40xi32, #tpu.memory_space<hbm>>
      tpu.enqueue_dma source(%dma_start3A_337 : memref<250x40xi32, #tpu.memory_space<hbm>>) target(%arg7 : memref<250x40xi32, #tpu.memory_space<vmem>>) target_semaphore(%run_scoped3A : memref<!tpu.dma_semaphore, #tpu.memory_space<semaphore_mem>>)
      %dma_wait3A_338 = arith.constant 0 : i32
      %dma_wait3A_339 = arith.constant 0 : i32
      %dma_wait3A_340 = tpu.memref_slice %arg4[%add3A, %dma_wait3A_338, %dma_wait3A_339] : memref<32x250x40xi32, #tpu.memory_space<hbm>> -> memref<1x250x40xi32, #tpu.memory_space<hbm>>
      %dma_wait3A_341 = tpu.memref_squeeze %dma_wait3A_340 : memref<1x250x40xi32, #tpu.memory_space<hbm>> -> memref<250x40xi32, #tpu.memory_space<hbm>>
      %dma_wait3A_342 = arith.constant 0 : i32
      %dma_wait3A_343 = arith.constant 0 : i32
      %dma_wait3A_344 = tpu.memref_slice %arg4[%add3A, %dma_wait3A_342, %dma_wait3A_343] : memref<32x250x40xi32, #tpu.memory_space<hbm>> -> memref<1x250x40xi32, #tpu.memory_space<hbm>>
      %dma_wait3A_345 = tpu.memref_squeeze %dma_wait3A_344 : memref<1x250x40xi32, #tpu.memory_space<hbm>> -> memref<250x40xi32, #tpu.memory_space<hbm>>
      tpu.wait_dma2 semaphore(%run_scoped3A : memref<!tpu.dma_semaphore, #tpu.memory_space<semaphore_mem>>) src(%dma_wait3A_345 : memref<250x40xi32, #tpu.memory_space<hbm>>) dst(%arg7 : memref<250x40xi32, #tpu.memory_space<vmem>>)
      tpu.yield
    }) : () -> ()
    %barrier3A = arith.constant 0 : index
    tpu.barrier barrier_id(%barrier3A)
    %dma_start3A = arith.constant 0 : i32
    %dma_start3A_42 = arith.constant 0 : i32
    %dma_start3A_43 = tpu.memref_slice %arg6[%dma_start3A, %dma_start3A_42] : memref<250x40xi32, #tpu.memory_space<vmem>> -> memref<1x40xi32, #tpu.memory_space<vmem>>
    %dma_start3A_44 = tpu.memref_squeeze %dma_start3A_43 : memref<1x40xi32, #tpu.memory_space<vmem>> -> memref<40xi32, #tpu.memory_space<vmem>>
    %dma_start3A_45 = arith.constant 0 : i32
    %dma_start3A_46 = arith.constant 0 : i32
    %dma_start3A_47 = tpu.memref_slice %arg2[%dma_start3A_45, %dma_start3A_46] : memref<10000x128xf32, #tpu.memory_space<hbm>> -> memref<10000x128xf32, #tpu.memory_space<hbm>>
    tpu.enqueue_indirect_dma source(%dma_start3A_47 : memref<10000x128xf32, #tpu.memory_space<hbm>>) target(%arg8 : memref<40x128xf32, #tpu.memory_space<vmem>>) offsets(%dma_start3A_44 : memref<40xi32, #tpu.memory_space<vmem>>) semaphore(%arg14 : memref<!tpu.dma_semaphore, #tpu.memory_space<semaphore_mem>>)
    %dma_start3A_48 = arith.constant 1 : i32
    %dma_start3A_49 = arith.constant 0 : i32
    %dma_start3A_50 = tpu.memref_slice %arg6[%dma_start3A_48, %dma_start3A_49] : memref<250x40xi32, #tpu.memory_space<vmem>> -> memref<1x40xi32, #tpu.memory_space<vmem>>
    %dma_start3A_51 = tpu.memref_squeeze %dma_start3A_50 : memref<1x40xi32, #tpu.memory_space<vmem>> -> memref<40xi32, #tpu.memory_space<vmem>>
    %dma_start3A_52 = arith.constant 0 : i32
    %dma_start3A_53 = arith.constant 0 : i32
    %dma_start3A_54 = tpu.memref_slice %arg2[%dma_start3A_52, %dma_start3A_53] : memref<10000x128xf32, #tpu.memory_space<hbm>> -> memref<10000x128xf32, #tpu.memory_space<hbm>>
    tpu.enqueue_indirect_dma source(%dma_start3A_54 : memref<10000x128xf32, #tpu.memory_space<hbm>>) target(%arg9 : memref<40x128xf32, #tpu.memory_space<vmem>>) offsets(%dma_start3A_51 : memref<40xi32, #tpu.memory_space<vmem>>) semaphore(%arg15 : memref<!tpu.dma_semaphore, #tpu.memory_space<semaphore_mem>>)
    %dma_start3A_55 = arith.constant 2 : i32
    %dma_start3A_56 = arith.constant 0 : i32
    %dma_start3A_57 = tpu.memref_slice %arg6[%dma_start3A_55, %dma_start3A_56] : memref<250x40xi32, #tpu.memory_space<vmem>> -> memref<1x40xi32, #tpu.memory_space<vmem>>
    %dma_start3A_58 = tpu.memref_squeeze %dma_start3A_57 : memref<1x40xi32, #tpu.memory_space<vmem>> -> memref<40xi32, #tpu.memory_space<vmem>>
    %dma_start3A_59 = arith.constant 0 : i32
    %dma_start3A_60 = arith.constant 0 : i32
    %dma_start3A_61 = tpu.memref_slice %arg2[%dma_start3A_59, %dma_start3A_60] : memref<10000x128xf32, #tpu.memory_space<hbm>> -> memref<10000x128xf32, #tpu.memory_space<hbm>>
    tpu.enqueue_indirect_dma source(%dma_start3A_61 : memref<10000x128xf32, #tpu.memory_space<hbm>>) target(%arg10 : memref<40x128xf32, #tpu.memory_space<vmem>>) offsets(%dma_start3A_58 : memref<40xi32, #tpu.memory_space<vmem>>) semaphore(%arg16 : memref<!tpu.dma_semaphore, #tpu.memory_space<semaphore_mem>>)
    %dma_start3A_62 = arith.constant 3 : i32
    %dma_start3A_63 = arith.constant 0 : i32
    %dma_start3A_64 = tpu.memref_slice %arg6[%dma_start3A_62, %dma_start3A_63] : memref<250x40xi32, #tpu.memory_space<vmem>> -> memref<1x40xi32, #tpu.memory_space<vmem>>
    %dma_start3A_65 = tpu.memref_squeeze %dma_start3A_64 : memref<1x40xi32, #tpu.memory_space<vmem>> -> memref<40xi32, #tpu.memory_space<vmem>>
    %dma_start3A_66 = arith.constant 0 : i32
    %dma_start3A_67 = arith.constant 0 : i32
    %dma_start3A_68 = tpu.memref_slice %arg2[%dma_start3A_66, %dma_start3A_67] : memref<10000x128xf32, #tpu.memory_space<hbm>> -> memref<10000x128xf32, #tpu.memory_space<hbm>>
    tpu.enqueue_indirect_dma source(%dma_start3A_68 : memref<10000x128xf32, #tpu.memory_space<hbm>>) target(%arg11 : memref<40x128xf32, #tpu.memory_space<vmem>>) offsets(%dma_start3A_65 : memref<40xi32, #tpu.memory_space<vmem>>) semaphore(%arg17 : memref<!tpu.dma_semaphore, #tpu.memory_space<semaphore_mem>>)
    %dma_wait3A = arith.constant 0 : i32
    %dma_wait3A_69 = arith.constant 0 : i32
    %dma_wait3A_70 = tpu.memref_slice %arg6[%dma_wait3A, %dma_wait3A_69] : memref<250x40xi32, #tpu.memory_space<vmem>> -> memref<1x40xi32, #tpu.memory_space<vmem>>
    %dma_wait3A_71 = tpu.memref_squeeze %dma_wait3A_70 : memref<1x40xi32, #tpu.memory_space<vmem>> -> memref<40xi32, #tpu.memory_space<vmem>>
    %dma_wait3A_72 = arith.constant 0 : i32
    %dma_wait3A_73 = arith.constant 0 : i32
    %dma_wait3A_74 = tpu.memref_slice %arg2[%dma_wait3A_72, %dma_wait3A_73] : memref<10000x128xf32, #tpu.memory_space<hbm>> -> memref<10000x128xf32, #tpu.memory_space<hbm>>
    tpu.wait_indirect_dma semaphore(%arg14 : memref<!tpu.dma_semaphore, #tpu.memory_space<semaphore_mem>>) src(%dma_wait3A_74 : memref<10000x128xf32, #tpu.memory_space<hbm>>) dst(%arg8 : memref<40x128xf32, #tpu.memory_space<vmem>>)
    %dma_start3A_75 = arith.constant 0 : i32
    %dma_start3A_76 = arith.constant 0 : i32
    %dma_start3A_77 = tpu.memref_slice %arg7[%dma_start3A_75, %dma_start3A_76] : memref<250x40xi32, #tpu.memory_space<vmem>> -> memref<1x40xi32, #tpu.memory_space<vmem>>
    %dma_start3A_78 = tpu.memref_squeeze %dma_start3A_77 : memref<1x40xi32, #tpu.memory_space<vmem>> -> memref<40xi32, #tpu.memory_space<vmem>>
    %dma_start3A_79 = arith.constant 0 : i32
    %dma_start3A_80 = arith.constant 0 : i32
    %dma_start3A_81 = tpu.memref_slice %arg13[%dma_start3A_79, %dma_start3A_80] : memref<10240x128xf32, #tpu.memory_space<vmem_shared>> -> memref<10240x128xf32, #tpu.memory_space<vmem_shared>>
    tpu.enqueue_indirect_dma source(%arg8 : memref<40x128xf32, #tpu.memory_space<vmem>>) target(%dma_start3A_81 : memref<10240x128xf32, #tpu.memory_space<vmem_shared>>) offsets(%dma_start3A_78 : memref<40xi32, #tpu.memory_space<vmem>>) semaphore(%arg19 : memref<!tpu.dma_semaphore, #tpu.memory_space<semaphore_mem>>) {add = true}
    %dma_start3A_82 = arith.constant 4 : i32
    %dma_start3A_83 = arith.constant 0 : i32
    %dma_start3A_84 = tpu.memref_slice %arg6[%dma_start3A_82, %dma_start3A_83] : memref<250x40xi32, #tpu.memory_space<vmem>> -> memref<1x40xi32, #tpu.memory_space<vmem>>
    %dma_start3A_85 = tpu.memref_squeeze %dma_start3A_84 : memref<1x40xi32, #tpu.memory_space<vmem>> -> memref<40xi32, #tpu.memory_space<vmem>>
    %dma_start3A_86 = arith.constant 0 : i32
    %dma_start3A_87 = arith.constant 0 : i32
    %dma_start3A_88 = tpu.memref_slice %arg2[%dma_start3A_86, %dma_start3A_87] : memref<10000x128xf32, #tpu.memory_space<hbm>> -> memref<10000x128xf32, #tpu.memory_space<hbm>>
    tpu.enqueue_indirect_dma source(%dma_start3A_88 : memref<10000x128xf32, #tpu.memory_space<hbm>>) target(%arg12 : memref<40x128xf32, #tpu.memory_space<vmem>>) offsets(%dma_start3A_85 : memref<40xi32, #tpu.memory_space<vmem>>) semaphore(%arg18 : memref<!tpu.dma_semaphore, #tpu.memory_space<semaphore_mem>>)
    %dma_wait3A_89 = arith.constant 1 : i32
    %dma_wait3A_90 = arith.constant 0 : i32
    %dma_wait3A_91 = tpu.memref_slice %arg6[%dma_wait3A_89, %dma_wait3A_90] : memref<250x40xi32, #tpu.memory_space<vmem>> -> memref<1x40xi32, #tpu.memory_space<vmem>>
    %dma_wait3A_92 = tpu.memref_squeeze %dma_wait3A_91 : memref<1x40xi32, #tpu.memory_space<vmem>> -> memref<40xi32, #tpu.memory_space<vmem>>
    %dma_wait3A_93 = arith.constant 0 : i32
    %dma_wait3A_94 = arith.constant 0 : i32
    %dma_wait3A_95 = tpu.memref_slice %arg2[%dma_wait3A_93, %dma_wait3A_94] : memref<10000x128xf32, #tpu.memory_space<hbm>> -> memref<10000x128xf32, #tpu.memory_space<hbm>>
    tpu.wait_indirect_dma semaphore(%arg15 : memref<!tpu.dma_semaphore, #tpu.memory_space<semaphore_mem>>) src(%dma_wait3A_95 : memref<10000x128xf32, #tpu.memory_space<hbm>>) dst(%arg9 : memref<40x128xf32, #tpu.memory_space<vmem>>)
    %dma_start3A_96 = arith.constant 1 : i32
    %dma_start3A_97 = arith.constant 0 : i32
    %dma_start3A_98 = tpu.memref_slice %arg7[%dma_start3A_96, %dma_start3A_97] : memref<250x40xi32, #tpu.memory_space<vmem>> -> memref<1x40xi32, #tpu.memory_space<vmem>>
    %dma_start3A_99 = tpu.memref_squeeze %dma_start3A_98 : memref<1x40xi32, #tpu.memory_space<vmem>> -> memref<40xi32, #tpu.memory_space<vmem>>
    %dma_start3A_100 = arith.constant 0 : i32
    %dma_start3A_101 = arith.constant 0 : i32
    %dma_start3A_102 = tpu.memref_slice %arg13[%dma_start3A_100, %dma_start3A_101] : memref<10240x128xf32, #tpu.memory_space<vmem_shared>> -> memref<10240x128xf32, #tpu.memory_space<vmem_shared>>
    tpu.enqueue_indirect_dma source(%arg9 : memref<40x128xf32, #tpu.memory_space<vmem>>) target(%dma_start3A_102 : memref<10240x128xf32, #tpu.memory_space<vmem_shared>>) offsets(%dma_start3A_99 : memref<40xi32, #tpu.memory_space<vmem>>) semaphore(%arg20 : memref<!tpu.dma_semaphore, #tpu.memory_space<semaphore_mem>>) {add = true}
    %dma_wait3A_103 = arith.constant 0 : i32
    %dma_wait3A_104 = arith.constant 0 : i32
    %dma_wait3A_105 = tpu.memref_slice %arg7[%dma_wait3A_103, %dma_wait3A_104] : memref<250x40xi32, #tpu.memory_space<vmem>> -> memref<1x40xi32, #tpu.memory_space<vmem>>
    %dma_wait3A_106 = tpu.memref_squeeze %dma_wait3A_105 : memref<1x40xi32, #tpu.memory_space<vmem>> -> memref<40xi32, #tpu.memory_space<vmem>>
    %dma_wait3A_107 = arith.constant 0 : i32
    %dma_wait3A_108 = arith.constant 0 : i32
    %dma_wait3A_109 = tpu.memref_slice %arg13[%dma_wait3A_107, %dma_wait3A_108] : memref<10240x128xf32, #tpu.memory_space<vmem_shared>> -> memref<10240x128xf32, #tpu.memory_space<vmem_shared>>
    tpu.wait_indirect_dma semaphore(%arg19 : memref<!tpu.dma_semaphore, #tpu.memory_space<semaphore_mem>>) src(%arg8 : memref<40x128xf32, #tpu.memory_space<vmem>>) dst(%dma_wait3A_109 : memref<10240x128xf32, #tpu.memory_space<vmem_shared>>)
    %dma_start3A_110 = arith.constant 5 : i32
    %dma_start3A_111 = arith.constant 0 : i32
    %dma_start3A_112 = tpu.memref_slice %arg6[%dma_start3A_110, %dma_start3A_111] : memref<250x40xi32, #tpu.memory_space<vmem>> -> memref<1x40xi32, #tpu.memory_space<vmem>>
    %dma_start3A_113 = tpu.memref_squeeze %dma_start3A_112 : memref<1x40xi32, #tpu.memory_space<vmem>> -> memref<40xi32, #tpu.memory_space<vmem>>
    %dma_start3A_114 = arith.constant 0 : i32
    %dma_start3A_115 = arith.constant 0 : i32
    %dma_start3A_116 = tpu.memref_slice %arg2[%dma_start3A_114, %dma_start3A_115] : memref<10000x128xf32, #tpu.memory_space<hbm>> -> memref<10000x128xf32, #tpu.memory_space<hbm>>
    tpu.enqueue_indirect_dma source(%dma_start3A_116 : memref<10000x128xf32, #tpu.memory_space<hbm>>) target(%arg8 : memref<40x128xf32, #tpu.memory_space<vmem>>) offsets(%dma_start3A_113 : memref<40xi32, #tpu.memory_space<vmem>>) semaphore(%arg14 : memref<!tpu.dma_semaphore, #tpu.memory_space<semaphore_mem>>)
    %dma_wait3A_117 = arith.constant 2 : i32
    %dma_wait3A_118 = arith.constant 0 : i32
    %dma_wait3A_119 = tpu.memref_slice %arg6[%dma_wait3A_117, %dma_wait3A_118] : memref<250x40xi32, #tpu.memory_space<vmem>> -> memref<1x40xi32, #tpu.memory_space<vmem>>
    %dma_wait3A_120 = tpu.memref_squeeze %dma_wait3A_119 : memref<1x40xi32, #tpu.memory_space<vmem>> -> memref<40xi32, #tpu.memory_space<vmem>>
    %dma_wait3A_121 = arith.constant 0 : i32
    %dma_wait3A_122 = arith.constant 0 : i32
    %dma_wait3A_123 = tpu.memref_slice %arg2[%dma_wait3A_121, %dma_wait3A_122] : memref<10000x128xf32, #tpu.memory_space<hbm>> -> memref<10000x128xf32, #tpu.memory_space<hbm>>
    tpu.wait_indirect_dma semaphore(%arg16 : memref<!tpu.dma_semaphore, #tpu.memory_space<semaphore_mem>>) src(%dma_wait3A_123 : memref<10000x128xf32, #tpu.memory_space<hbm>>) dst(%arg10 : memref<40x128xf32, #tpu.memory_space<vmem>>)
    %dma_start3A_124 = arith.constant 2 : i32
    %dma_start3A_125 = arith.constant 0 : i32
    %dma_start3A_126 = tpu.memref_slice %arg7[%dma_start3A_124, %dma_start3A_125] : memref<250x40xi32, #tpu.memory_space<vmem>> -> memref<1x40xi32, #tpu.memory_space<vmem>>
    %dma_start3A_127 = tpu.memref_squeeze %dma_start3A_126 : memref<1x40xi32, #tpu.memory_space<vmem>> -> memref<40xi32, #tpu.memory_space<vmem>>
    %dma_start3A_128 = arith.constant 0 : i32
    %dma_start3A_129 = arith.constant 0 : i32
    %dma_start3A_130 = tpu.memref_slice %arg13[%dma_start3A_128, %dma_start3A_129] : memref<10240x128xf32, #tpu.memory_space<vmem_shared>> -> memref<10240x128xf32, #tpu.memory_space<vmem_shared>>
    tpu.enqueue_indirect_dma source(%arg10 : memref<40x128xf32, #tpu.memory_space<vmem>>) target(%dma_start3A_130 : memref<10240x128xf32, #tpu.memory_space<vmem_shared>>) offsets(%dma_start3A_127 : memref<40xi32, #tpu.memory_space<vmem>>) semaphore(%arg21 : memref<!tpu.dma_semaphore, #tpu.memory_space<semaphore_mem>>) {add = true}
    %dma_wait3A_131 = arith.constant 1 : i32
    %dma_wait3A_132 = arith.constant 0 : i32
    %dma_wait3A_133 = tpu.memref_slice %arg7[%dma_wait3A_131, %dma_wait3A_132] : memref<250x40xi32, #tpu.memory_space<vmem>> -> memref<1x40xi32, #tpu.memory_space<vmem>>
    %dma_wait3A_134 = tpu.memref_squeeze %dma_wait3A_133 : memref<1x40xi32, #tpu.memory_space<vmem>> -> memref<40xi32, #tpu.memory_space<vmem>>
    %dma_wait3A_135 = arith.constant 0 : i32
    %dma_wait3A_136 = arith.constant 0 : i32
    %dma_wait3A_137 = tpu.memref_slice %arg13[%dma_wait3A_135, %dma_wait3A_136] : memref<10240x128xf32, #tpu.memory_space<vmem_shared>> -> memref<10240x128xf32, #tpu.memory_space<vmem_shared>>
    tpu.wait_indirect_dma semaphore(%arg20 : memref<!tpu.dma_semaphore, #tpu.memory_space<semaphore_mem>>) src(%arg9 : memref<40x128xf32, #tpu.memory_space<vmem>>) dst(%dma_wait3A_137 : memref<10240x128xf32, #tpu.memory_space<vmem_shared>>)
    %dma_start3A_138 = arith.constant 6 : i32
    %dma_start3A_139 = arith.constant 0 : i32
    %dma_start3A_140 = tpu.memref_slice %arg6[%dma_start3A_138, %dma_start3A_139] : memref<250x40xi32, #tpu.memory_space<vmem>> -> memref<1x40xi32, #tpu.memory_space<vmem>>
    %dma_start3A_141 = tpu.memref_squeeze %dma_start3A_140 : memref<1x40xi32, #tpu.memory_space<vmem>> -> memref<40xi32, #tpu.memory_space<vmem>>
    %dma_start3A_142 = arith.constant 0 : i32
    %dma_start3A_143 = arith.constant 0 : i32
    %dma_start3A_144 = tpu.memref_slice %arg2[%dma_start3A_142, %dma_start3A_143] : memref<10000x128xf32, #tpu.memory_space<hbm>> -> memref<10000x128xf32, #tpu.memory_space<hbm>>
    tpu.enqueue_indirect_dma source(%dma_start3A_144 : memref<10000x128xf32, #tpu.memory_space<hbm>>) target(%arg9 : memref<40x128xf32, #tpu.memory_space<vmem>>) offsets(%dma_start3A_141 : memref<40xi32, #tpu.memory_space<vmem>>) semaphore(%arg15 : memref<!tpu.dma_semaphore, #tpu.memory_space<semaphore_mem>>)
    %dma_wait3A_145 = arith.constant 3 : i32
    %dma_wait3A_146 = arith.constant 0 : i32
    %dma_wait3A_147 = tpu.memref_slice %arg6[%dma_wait3A_145, %dma_wait3A_146] : memref<250x40xi32, #tpu.memory_space<vmem>> -> memref<1x40xi32, #tpu.memory_space<vmem>>
    %dma_wait3A_148 = tpu.memref_squeeze %dma_wait3A_147 : memref<1x40xi32, #tpu.memory_space<vmem>> -> memref<40xi32, #tpu.memory_space<vmem>>
    %dma_wait3A_149 = arith.constant 0 : i32
    %dma_wait3A_150 = arith.constant 0 : i32
    %dma_wait3A_151 = tpu.memref_slice %arg2[%dma_wait3A_149, %dma_wait3A_150] : memref<10000x128xf32, #tpu.memory_space<hbm>> -> memref<10000x128xf32, #tpu.memory_space<hbm>>
    tpu.wait_indirect_dma semaphore(%arg17 : memref<!tpu.dma_semaphore, #tpu.memory_space<semaphore_mem>>) src(%dma_wait3A_151 : memref<10000x128xf32, #tpu.memory_space<hbm>>) dst(%arg11 : memref<40x128xf32, #tpu.memory_space<vmem>>)
    %dma_start3A_152 = arith.constant 3 : i32
    %dma_start3A_153 = arith.constant 0 : i32
    %dma_start3A_154 = tpu.memref_slice %arg7[%dma_start3A_152, %dma_start3A_153] : memref<250x40xi32, #tpu.memory_space<vmem>> -> memref<1x40xi32, #tpu.memory_space<vmem>>
    %dma_start3A_155 = tpu.memref_squeeze %dma_start3A_154 : memref<1x40xi32, #tpu.memory_space<vmem>> -> memref<40xi32, #tpu.memory_space<vmem>>
    %dma_start3A_156 = arith.constant 0 : i32
    %dma_start3A_157 = arith.constant 0 : i32
    %dma_start3A_158 = tpu.memref_slice %arg13[%dma_start3A_156, %dma_start3A_157] : memref<10240x128xf32, #tpu.memory_space<vmem_shared>> -> memref<10240x128xf32, #tpu.memory_space<vmem_shared>>
    tpu.enqueue_indirect_dma source(%arg11 : memref<40x128xf32, #tpu.memory_space<vmem>>) target(%dma_start3A_158 : memref<10240x128xf32, #tpu.memory_space<vmem_shared>>) offsets(%dma_start3A_155 : memref<40xi32, #tpu.memory_space<vmem>>) semaphore(%arg22 : memref<!tpu.dma_semaphore, #tpu.memory_space<semaphore_mem>>) {add = true}
    %dma_wait3A_159 = arith.constant 2 : i32
    %dma_wait3A_160 = arith.constant 0 : i32
    %dma_wait3A_161 = tpu.memref_slice %arg7[%dma_wait3A_159, %dma_wait3A_160] : memref<250x40xi32, #tpu.memory_space<vmem>> -> memref<1x40xi32, #tpu.memory_space<vmem>>
    %dma_wait3A_162 = tpu.memref_squeeze %dma_wait3A_161 : memref<1x40xi32, #tpu.memory_space<vmem>> -> memref<40xi32, #tpu.memory_space<vmem>>
    %dma_wait3A_163 = arith.constant 0 : i32
    %dma_wait3A_164 = arith.constant 0 : i32
    %dma_wait3A_165 = tpu.memref_slice %arg13[%dma_wait3A_163, %dma_wait3A_164] : memref<10240x128xf32, #tpu.memory_space<vmem_shared>> -> memref<10240x128xf32, #tpu.memory_space<vmem_shared>>
    tpu.wait_indirect_dma semaphore(%arg21 : memref<!tpu.dma_semaphore, #tpu.memory_space<semaphore_mem>>) src(%arg10 : memref<40x128xf32, #tpu.memory_space<vmem>>) dst(%dma_wait3A_165 : memref<10240x128xf32, #tpu.memory_space<vmem_shared>>)
    %dma_start3A_166 = arith.constant 7 : i32
    %dma_start3A_167 = arith.constant 0 : i32
    %dma_start3A_168 = tpu.memref_slice %arg6[%dma_start3A_166, %dma_start3A_167] : memref<250x40xi32, #tpu.memory_space<vmem>> -> memref<1x40xi32, #tpu.memory_space<vmem>>
    %dma_start3A_169 = tpu.memref_squeeze %dma_start3A_168 : memref<1x40xi32, #tpu.memory_space<vmem>> -> memref<40xi32, #tpu.memory_space<vmem>>
    %dma_start3A_170 = arith.constant 0 : i32
    %dma_start3A_171 = arith.constant 0 : i32
    %dma_start3A_172 = tpu.memref_slice %arg2[%dma_start3A_170, %dma_start3A_171] : memref<10000x128xf32, #tpu.memory_space<hbm>> -> memref<10000x128xf32, #tpu.memory_space<hbm>>
    tpu.enqueue_indirect_dma source(%dma_start3A_172 : memref<10000x128xf32, #tpu.memory_space<hbm>>) target(%arg10 : memref<40x128xf32, #tpu.memory_space<vmem>>) offsets(%dma_start3A_169 : memref<40xi32, #tpu.memory_space<vmem>>) semaphore(%arg16 : memref<!tpu.dma_semaphore, #tpu.memory_space<semaphore_mem>>)
    %dma_wait3A_173 = arith.constant 4 : i32
    %dma_wait3A_174 = arith.constant 0 : i32
    %dma_wait3A_175 = tpu.memref_slice %arg6[%dma_wait3A_173, %dma_wait3A_174] : memref<250x40xi32, #tpu.memory_space<vmem>> -> memref<1x40xi32, #tpu.memory_space<vmem>>
    %dma_wait3A_176 = tpu.memref_squeeze %dma_wait3A_175 : memref<1x40xi32, #tpu.memory_space<vmem>> -> memref<40xi32, #tpu.memory_space<vmem>>
    %dma_wait3A_177 = arith.constant 0 : i32
    %dma_wait3A_178 = arith.constant 0 : i32
    %dma_wait3A_179 = tpu.memref_slice %arg2[%dma_wait3A_177, %dma_wait3A_178] : memref<10000x128xf32, #tpu.memory_space<hbm>> -> memref<10000x128xf32, #tpu.memory_space<hbm>>
    tpu.wait_indirect_dma semaphore(%arg18 : memref<!tpu.dma_semaphore, #tpu.memory_space<semaphore_mem>>) src(%dma_wait3A_179 : memref<10000x128xf32, #tpu.memory_space<hbm>>) dst(%arg12 : memref<40x128xf32, #tpu.memory_space<vmem>>)
    %dma_start3A_180 = arith.constant 4 : i32
    %dma_start3A_181 = arith.constant 0 : i32
    %dma_start3A_182 = tpu.memref_slice %arg7[%dma_start3A_180, %dma_start3A_181] : memref<250x40xi32, #tpu.memory_space<vmem>> -> memref<1x40xi32, #tpu.memory_space<vmem>>
    %dma_start3A_183 = tpu.memref_squeeze %dma_start3A_182 : memref<1x40xi32, #tpu.memory_space<vmem>> -> memref<40xi32, #tpu.memory_space<vmem>>
    %dma_start3A_184 = arith.constant 0 : i32
    %dma_start3A_185 = arith.constant 0 : i32
    %dma_start3A_186 = tpu.memref_slice %arg13[%dma_start3A_184, %dma_start3A_185] : memref<10240x128xf32, #tpu.memory_space<vmem_shared>> -> memref<10240x128xf32, #tpu.memory_space<vmem_shared>>
    tpu.enqueue_indirect_dma source(%arg12 : memref<40x128xf32, #tpu.memory_space<vmem>>) target(%dma_start3A_186 : memref<10240x128xf32, #tpu.memory_space<vmem_shared>>) offsets(%dma_start3A_183 : memref<40xi32, #tpu.memory_space<vmem>>) semaphore(%arg23 : memref<!tpu.dma_semaphore, #tpu.memory_space<semaphore_mem>>) {add = true}
    %dma_wait3A_187 = arith.constant 3 : i32
    %dma_wait3A_188 = arith.constant 0 : i32
    %dma_wait3A_189 = tpu.memref_slice %arg7[%dma_wait3A_187, %dma_wait3A_188] : memref<250x40xi32, #tpu.memory_space<vmem>> -> memref<1x40xi32, #tpu.memory_space<vmem>>
    %dma_wait3A_190 = tpu.memref_squeeze %dma_wait3A_189 : memref<1x40xi32, #tpu.memory_space<vmem>> -> memref<40xi32, #tpu.memory_space<vmem>>
    %dma_wait3A_191 = arith.constant 0 : i32
    %dma_wait3A_192 = arith.constant 0 : i32
    %dma_wait3A_193 = tpu.memref_slice %arg13[%dma_wait3A_191, %dma_wait3A_192] : memref<10240x128xf32, #tpu.memory_space<vmem_shared>> -> memref<10240x128xf32, #tpu.memory_space<vmem_shared>>
    tpu.wait_indirect_dma semaphore(%arg22 : memref<!tpu.dma_semaphore, #tpu.memory_space<semaphore_mem>>) src(%arg11 : memref<40x128xf32, #tpu.memory_space<vmem>>) dst(%dma_wait3A_193 : memref<10240x128xf32, #tpu.memory_space<vmem_shared>>)
    %dma_start3A_194 = arith.constant 8 : i32
    %dma_start3A_195 = arith.constant 0 : i32
    %dma_start3A_196 = tpu.memref_slice %arg6[%dma_start3A_194, %dma_start3A_195] : memref<250x40xi32, #tpu.memory_space<vmem>> -> memref<1x40xi32, #tpu.memory_space<vmem>>
    %dma_start3A_197 = tpu.memref_squeeze %dma_start3A_196 : memref<1x40xi32, #tpu.memory_space<vmem>> -> memref<40xi32, #tpu.memory_space<vmem>>
    %dma_start3A_198 = arith.constant 0 : i32
    %dma_start3A_199 = arith.constant 0 : i32
    %dma_start3A_200 = tpu.memref_slice %arg2[%dma_start3A_198, %dma_start3A_199] : memref<10000x128xf32, #tpu.memory_space<hbm>> -> memref<10000x128xf32, #tpu.memory_space<hbm>>
    tpu.enqueue_indirect_dma source(%dma_start3A_200 : memref<10000x128xf32, #tpu.memory_space<hbm>>) target(%arg11 : memref<40x128xf32, #tpu.memory_space<vmem>>) offsets(%dma_start3A_197 : memref<40xi32, #tpu.memory_space<vmem>>) semaphore(%arg17 : memref<!tpu.dma_semaphore, #tpu.memory_space<semaphore_mem>>)
    %scan3A_201 = arith.constant 0 : i32
    %scan3A_202 = arith.constant 1 : i32
    %scan3A_203 = arith.constant 48 : i32
    %scan3A_204 = arith.addi %scan3A_202, %scan3A_203 : i32
    %scan3A_205 = arith.constant 1 : i32
    %scan3A_206 = scf.for %scan3A_330 = %scan3A_202 to %scan3A_204 step %scan3A_205 iter_args(%scan3A_331 = %scan3A_201) -> (i32)  : i32 {
      %mul3A_332 = arith.constant 5 : i32
      %mul3A_333 = arith.muli %mul3A_332, %scan3A_330 : i32
      %add3A_334 = arith.constant 0 : i32
      %add3A_335 = arith.addi %mul3A_333, %add3A_334 : i32
      %dma_wait3A_336 = arith.constant 0 : i32
      %dma_wait3A_337 = tpu.memref_slice %arg6[%add3A_335, %dma_wait3A_336] : memref<250x40xi32, #tpu.memory_space<vmem>> -> memref<1x40xi32, #tpu.memory_space<vmem>>
      %dma_wait3A_338 = tpu.memref_squeeze %dma_wait3A_337 : memref<1x40xi32, #tpu.memory_space<vmem>> -> memref<40xi32, #tpu.memory_space<vmem>>
      %dma_wait3A_339 = arith.constant 0 : i32
      %dma_wait3A_340 = arith.constant 0 : i32
      %dma_wait3A_341 = tpu.memref_slice %arg2[%dma_wait3A_339, %dma_wait3A_340] : memref<10000x128xf32, #tpu.memory_space<hbm>> -> memref<10000x128xf32, #tpu.memory_space<hbm>>
      tpu.wait_indirect_dma semaphore(%arg14 : memref<!tpu.dma_semaphore, #tpu.memory_space<semaphore_mem>>) src(%dma_wait3A_341 : memref<10000x128xf32, #tpu.memory_space<hbm>>) dst(%arg8 : memref<40x128xf32, #tpu.memory_space<vmem>>)
      %dma_start3A_342 = arith.constant 0 : i32
      %dma_start3A_343 = tpu.memref_slice %arg7[%add3A_335, %dma_start3A_342] : memref<250x40xi32, #tpu.memory_space<vmem>> -> memref<1x40xi32, #tpu.memory_space<vmem>>
      %dma_start3A_344 = tpu.memref_squeeze %dma_start3A_343 : memref<1x40xi32, #tpu.memory_space<vmem>> -> memref<40xi32, #tpu.memory_space<vmem>>
      %dma_start3A_345 = arith.constant 0 : i32
      %dma_start3A_346 = arith.constant 0 : i32
      %dma_start3A_347 = tpu.memref_slice %arg13[%dma_start3A_345, %dma_start3A_346] : memref<10240x128xf32, #tpu.memory_space<vmem_shared>> -> memref<10240x128xf32, #tpu.memory_space<vmem_shared>>
      tpu.enqueue_indirect_dma source(%arg8 : memref<40x128xf32, #tpu.memory_space<vmem>>) target(%dma_start3A_347 : memref<10240x128xf32, #tpu.memory_space<vmem_shared>>) offsets(%dma_start3A_344 : memref<40xi32, #tpu.memory_space<vmem>>) semaphore(%arg19 : memref<!tpu.dma_semaphore, #tpu.memory_space<semaphore_mem>>) {add = true}
      %sub3A = arith.constant 1 : i32
      %sub3A_348 = arith.subi %add3A_335, %sub3A : i32
      %dma_wait3A_349 = arith.constant 0 : i32
      %dma_wait3A_350 = tpu.memref_slice %arg7[%sub3A_348, %dma_wait3A_349] : memref<250x40xi32, #tpu.memory_space<vmem>> -> memref<1x40xi32, #tpu.memory_space<vmem>>
      %dma_wait3A_351 = tpu.memref_squeeze %dma_wait3A_350 : memref<1x40xi32, #tpu.memory_space<vmem>> -> memref<40xi32, #tpu.memory_space<vmem>>
      %dma_wait3A_352 = arith.constant 0 : i32
      %dma_wait3A_353 = arith.constant 0 : i32
      %dma_wait3A_354 = tpu.memref_slice %arg13[%dma_wait3A_352, %dma_wait3A_353] : memref<10240x128xf32, #tpu.memory_space<vmem_shared>> -> memref<10240x128xf32, #tpu.memory_space<vmem_shared>>
      tpu.wait_indirect_dma semaphore(%arg23 : memref<!tpu.dma_semaphore, #tpu.memory_space<semaphore_mem>>) src(%arg12 : memref<40x128xf32, #tpu.memory_space<vmem>>) dst(%dma_wait3A_354 : memref<10240x128xf32, #tpu.memory_space<vmem_shared>>)
      %add3A_355 = arith.constant 5 : i32
      %add3A_356 = arith.addi %add3A_335, %add3A_355 : i32
      %sub3A_357 = arith.constant 1 : i32
      %sub3A_358 = arith.subi %add3A_356, %sub3A_357 : i32
      %dma_start3A_359 = arith.constant 0 : i32
      %dma_start3A_360 = tpu.memref_slice %arg6[%sub3A_358, %dma_start3A_359] : memref<250x40xi32, #tpu.memory_space<vmem>> -> memref<1x40xi32, #tpu.memory_space<vmem>>
      %dma_start3A_361 = tpu.memref_squeeze %dma_start3A_360 : memref<1x40xi32, #tpu.memory_space<vmem>> -> memref<40xi32, #tpu.memory_space<vmem>>
      %dma_start3A_362 = arith.constant 0 : i32
      %dma_start3A_363 = arith.constant 0 : i32
      %dma_start3A_364 = tpu.memref_slice %arg2[%dma_start3A_362, %dma_start3A_363] : memref<10000x128xf32, #tpu.memory_space<hbm>> -> memref<10000x128xf32, #tpu.memory_space<hbm>>
      tpu.enqueue_indirect_dma source(%dma_start3A_364 : memref<10000x128xf32, #tpu.memory_space<hbm>>) target(%arg12 : memref<40x128xf32, #tpu.memory_space<vmem>>) offsets(%dma_start3A_361 : memref<40xi32, #tpu.memory_space<vmem>>) semaphore(%arg18 : memref<!tpu.dma_semaphore, #tpu.memory_space<semaphore_mem>>)
      %add3A_365 = arith.constant 1 : i32
      %add3A_366 = arith.addi %mul3A_333, %add3A_365 : i32
      %dma_wait3A_367 = arith.constant 0 : i32
      %dma_wait3A_368 = tpu.memref_slice %arg6[%add3A_366, %dma_wait3A_367] : memref<250x40xi32, #tpu.memory_space<vmem>> -> memref<1x40xi32, #tpu.memory_space<vmem>>
      %dma_wait3A_369 = tpu.memref_squeeze %dma_wait3A_368 : memref<1x40xi32, #tpu.memory_space<vmem>> -> memref<40xi32, #tpu.memory_space<vmem>>
      %dma_wait3A_370 = arith.constant 0 : i32
      %dma_wait3A_371 = arith.constant 0 : i32
      %dma_wait3A_372 = tpu.memref_slice %arg2[%dma_wait3A_370, %dma_wait3A_371] : memref<10000x128xf32, #tpu.memory_space<hbm>> -> memref<10000x128xf32, #tpu.memory_space<hbm>>
      tpu.wait_indirect_dma semaphore(%arg15 : memref<!tpu.dma_semaphore, #tpu.memory_space<semaphore_mem>>) src(%dma_wait3A_372 : memref<10000x128xf32, #tpu.memory_space<hbm>>) dst(%arg9 : memref<40x128xf32, #tpu.memory_space<vmem>>)
      %dma_start3A_373 = arith.constant 0 : i32
      %dma_start3A_374 = tpu.memref_slice %arg7[%add3A_366, %dma_start3A_373] : memref<250x40xi32, #tpu.memory_space<vmem>> -> memref<1x40xi32, #tpu.memory_space<vmem>>
      %dma_start3A_375 = tpu.memref_squeeze %dma_start3A_374 : memref<1x40xi32, #tpu.memory_space<vmem>> -> memref<40xi32, #tpu.memory_space<vmem>>
      %dma_start3A_376 = arith.constant 0 : i32
      %dma_start3A_377 = arith.constant 0 : i32
      %dma_start3A_378 = tpu.memref_slice %arg13[%dma_start3A_376, %dma_start3A_377] : memref<10240x128xf32, #tpu.memory_space<vmem_shared>> -> memref<10240x128xf32, #tpu.memory_space<vmem_shared>>
      tpu.enqueue_indirect_dma source(%arg9 : memref<40x128xf32, #tpu.memory_space<vmem>>) target(%dma_start3A_378 : memref<10240x128xf32, #tpu.memory_space<vmem_shared>>) offsets(%dma_start3A_375 : memref<40xi32, #tpu.memory_space<vmem>>) semaphore(%arg20 : memref<!tpu.dma_semaphore, #tpu.memory_space<semaphore_mem>>) {add = true}
      %sub3A_379 = arith.constant 1 : i32
      %sub3A_380 = arith.subi %add3A_366, %sub3A_379 : i32
      %dma_wait3A_381 = arith.constant 0 : i32
      %dma_wait3A_382 = tpu.memref_slice %arg7[%sub3A_380, %dma_wait3A_381] : memref<250x40xi32, #tpu.memory_space<vmem>> -> memref<1x40xi32, #tpu.memory_space<vmem>>
      %dma_wait3A_383 = tpu.memref_squeeze %dma_wait3A_382 : memref<1x40xi32, #tpu.memory_space<vmem>> -> memref<40xi32, #tpu.memory_space<vmem>>
      %dma_wait3A_384 = arith.constant 0 : i32
      %dma_wait3A_385 = arith.constant 0 : i32
      %dma_wait3A_386 = tpu.memref_slice %arg13[%dma_wait3A_384, %dma_wait3A_385] : memref<10240x128xf32, #tpu.memory_space<vmem_shared>> -> memref<10240x128xf32, #tpu.memory_space<vmem_shared>>
      tpu.wait_indirect_dma semaphore(%arg19 : memref<!tpu.dma_semaphore, #tpu.memory_space<semaphore_mem>>) src(%arg8 : memref<40x128xf32, #tpu.memory_space<vmem>>) dst(%dma_wait3A_386 : memref<10240x128xf32, #tpu.memory_space<vmem_shared>>)
      %add3A_387 = arith.constant 5 : i32
      %add3A_388 = arith.addi %add3A_366, %add3A_387 : i32
      %sub3A_389 = arith.constant 1 : i32
      %sub3A_390 = arith.subi %add3A_388, %sub3A_389 : i32
      %dma_start3A_391 = arith.constant 0 : i32
      %dma_start3A_392 = tpu.memref_slice %arg6[%sub3A_390, %dma_start3A_391] : memref<250x40xi32, #tpu.memory_space<vmem>> -> memref<1x40xi32, #tpu.memory_space<vmem>>
      %dma_start3A_393 = tpu.memref_squeeze %dma_start3A_392 : memref<1x40xi32, #tpu.memory_space<vmem>> -> memref<40xi32, #tpu.memory_space<vmem>>
      %dma_start3A_394 = arith.constant 0 : i32
      %dma_start3A_395 = arith.constant 0 : i32
      %dma_start3A_396 = tpu.memref_slice %arg2[%dma_start3A_394, %dma_start3A_395] : memref<10000x128xf32, #tpu.memory_space<hbm>> -> memref<10000x128xf32, #tpu.memory_space<hbm>>
      tpu.enqueue_indirect_dma source(%dma_start3A_396 : memref<10000x128xf32, #tpu.memory_space<hbm>>) target(%arg8 : memref<40x128xf32, #tpu.memory_space<vmem>>) offsets(%dma_start3A_393 : memref<40xi32, #tpu.memory_space<vmem>>) semaphore(%arg14 : memref<!tpu.dma_semaphore, #tpu.memory_space<semaphore_mem>>)
      %add3A_397 = arith.constant 2 : i32
      %add3A_398 = arith.addi %mul3A_333, %add3A_397 : i32
      %dma_wait3A_399 = arith.constant 0 : i32
      %dma_wait3A_400 = tpu.memref_slice %arg6[%add3A_398, %dma_wait3A_399] : memref<250x40xi32, #tpu.memory_space<vmem>> -> memref<1x40xi32, #tpu.memory_space<vmem>>
      %dma_wait3A_401 = tpu.memref_squeeze %dma_wait3A_400 : memref<1x40xi32, #tpu.memory_space<vmem>> -> memref<40xi32, #tpu.memory_space<vmem>>
      %dma_wait3A_402 = arith.constant 0 : i32
      %dma_wait3A_403 = arith.constant 0 : i32
      %dma_wait3A_404 = tpu.memref_slice %arg2[%dma_wait3A_402, %dma_wait3A_403] : memref<10000x128xf32, #tpu.memory_space<hbm>> -> memref<10000x128xf32, #tpu.memory_space<hbm>>
      tpu.wait_indirect_dma semaphore(%arg16 : memref<!tpu.dma_semaphore, #tpu.memory_space<semaphore_mem>>) src(%dma_wait3A_404 : memref<10000x128xf32, #tpu.memory_space<hbm>>) dst(%arg10 : memref<40x128xf32, #tpu.memory_space<vmem>>)
      %dma_start3A_405 = arith.constant 0 : i32
      %dma_start3A_406 = tpu.memref_slice %arg7[%add3A_398, %dma_start3A_405] : memref<250x40xi32, #tpu.memory_space<vmem>> -> memref<1x40xi32, #tpu.memory_space<vmem>>
      %dma_start3A_407 = tpu.memref_squeeze %dma_start3A_406 : memref<1x40xi32, #tpu.memory_space<vmem>> -> memref<40xi32, #tpu.memory_space<vmem>>
      %dma_start3A_408 = arith.constant 0 : i32
      %dma_start3A_409 = arith.constant 0 : i32
      %dma_start3A_410 = tpu.memref_slice %arg13[%dma_start3A_408, %dma_start3A_409] : memref<10240x128xf32, #tpu.memory_space<vmem_shared>> -> memref<10240x128xf32, #tpu.memory_space<vmem_shared>>
      tpu.enqueue_indirect_dma source(%arg10 : memref<40x128xf32, #tpu.memory_space<vmem>>) target(%dma_start3A_410 : memref<10240x128xf32, #tpu.memory_space<vmem_shared>>) offsets(%dma_start3A_407 : memref<40xi32, #tpu.memory_space<vmem>>) semaphore(%arg21 : memref<!tpu.dma_semaphore, #tpu.memory_space<semaphore_mem>>) {add = true}
      %sub3A_411 = arith.constant 1 : i32
      %sub3A_412 = arith.subi %add3A_398, %sub3A_411 : i32
      %dma_wait3A_413 = arith.constant 0 : i32
      %dma_wait3A_414 = tpu.memref_slice %arg7[%sub3A_412, %dma_wait3A_413] : memref<250x40xi32, #tpu.memory_space<vmem>> -> memref<1x40xi32, #tpu.memory_space<vmem>>
      %dma_wait3A_415 = tpu.memref_squeeze %dma_wait3A_414 : memref<1x40xi32, #tpu.memory_space<vmem>> -> memref<40xi32, #tpu.memory_space<vmem>>
      %dma_wait3A_416 = arith.constant 0 : i32
      %dma_wait3A_417 = arith.constant 0 : i32
      %dma_wait3A_418 = tpu.memref_slice %arg13[%dma_wait3A_416, %dma_wait3A_417] : memref<10240x128xf32, #tpu.memory_space<vmem_shared>> -> memref<10240x128xf32, #tpu.memory_space<vmem_shared>>
      tpu.wait_indirect_dma semaphore(%arg20 : memref<!tpu.dma_semaphore, #tpu.memory_space<semaphore_mem>>) src(%arg9 : memref<40x128xf32, #tpu.memory_space<vmem>>) dst(%dma_wait3A_418 : memref<10240x128xf32, #tpu.memory_space<vmem_shared>>)
      %add3A_419 = arith.constant 5 : i32
      %add3A_420 = arith.addi %add3A_398, %add3A_419 : i32
      %sub3A_421 = arith.constant 1 : i32
      %sub3A_422 = arith.subi %add3A_420, %sub3A_421 : i32
      %dma_start3A_423 = arith.constant 0 : i32
      %dma_start3A_424 = tpu.memref_slice %arg6[%sub3A_422, %dma_start3A_423] : memref<250x40xi32, #tpu.memory_space<vmem>> -> memref<1x40xi32, #tpu.memory_space<vmem>>
      %dma_start3A_425 = tpu.memref_squeeze %dma_start3A_424 : memref<1x40xi32, #tpu.memory_space<vmem>> -> memref<40xi32, #tpu.memory_space<vmem>>
      %dma_start3A_426 = arith.constant 0 : i32
      %dma_start3A_427 = arith.constant 0 : i32
      %dma_start3A_428 = tpu.memref_slice %arg2[%dma_start3A_426, %dma_start3A_427] : memref<10000x128xf32, #tpu.memory_space<hbm>> -> memref<10000x128xf32, #tpu.memory_space<hbm>>
      tpu.enqueue_indirect_dma source(%dma_start3A_428 : memref<10000x128xf32, #tpu.memory_space<hbm>>) target(%arg9 : memref<40x128xf32, #tpu.memory_space<vmem>>) offsets(%dma_start3A_425 : memref<40xi32, #tpu.memory_space<vmem>>) semaphore(%arg15 : memref<!tpu.dma_semaphore, #tpu.memory_space<semaphore_mem>>)
      %add3A_429 = arith.constant 3 : i32
      %add3A_430 = arith.addi %mul3A_333, %add3A_429 : i32
      %dma_wait3A_431 = arith.constant 0 : i32
      %dma_wait3A_432 = tpu.memref_slice %arg6[%add3A_430, %dma_wait3A_431] : memref<250x40xi32, #tpu.memory_space<vmem>> -> memref<1x40xi32, #tpu.memory_space<vmem>>
      %dma_wait3A_433 = tpu.memref_squeeze %dma_wait3A_432 : memref<1x40xi32, #tpu.memory_space<vmem>> -> memref<40xi32, #tpu.memory_space<vmem>>
      %dma_wait3A_434 = arith.constant 0 : i32
      %dma_wait3A_435 = arith.constant 0 : i32
      %dma_wait3A_436 = tpu.memref_slice %arg2[%dma_wait3A_434, %dma_wait3A_435] : memref<10000x128xf32, #tpu.memory_space<hbm>> -> memref<10000x128xf32, #tpu.memory_space<hbm>>
      tpu.wait_indirect_dma semaphore(%arg17 : memref<!tpu.dma_semaphore, #tpu.memory_space<semaphore_mem>>) src(%dma_wait3A_436 : memref<10000x128xf32, #tpu.memory_space<hbm>>) dst(%arg11 : memref<40x128xf32, #tpu.memory_space<vmem>>)
      %dma_start3A_437 = arith.constant 0 : i32
      %dma_start3A_438 = tpu.memref_slice %arg7[%add3A_430, %dma_start3A_437] : memref<250x40xi32, #tpu.memory_space<vmem>> -> memref<1x40xi32, #tpu.memory_space<vmem>>
      %dma_start3A_439 = tpu.memref_squeeze %dma_start3A_438 : memref<1x40xi32, #tpu.memory_space<vmem>> -> memref<40xi32, #tpu.memory_space<vmem>>
      %dma_start3A_440 = arith.constant 0 : i32
      %dma_start3A_441 = arith.constant 0 : i32
      %dma_start3A_442 = tpu.memref_slice %arg13[%dma_start3A_440, %dma_start3A_441] : memref<10240x128xf32, #tpu.memory_space<vmem_shared>> -> memref<10240x128xf32, #tpu.memory_space<vmem_shared>>
      tpu.enqueue_indirect_dma source(%arg11 : memref<40x128xf32, #tpu.memory_space<vmem>>) target(%dma_start3A_442 : memref<10240x128xf32, #tpu.memory_space<vmem_shared>>) offsets(%dma_start3A_439 : memref<40xi32, #tpu.memory_space<vmem>>) semaphore(%arg22 : memref<!tpu.dma_semaphore, #tpu.memory_space<semaphore_mem>>) {add = true}
      %sub3A_443 = arith.constant 1 : i32
      %sub3A_444 = arith.subi %add3A_430, %sub3A_443 : i32
      %dma_wait3A_445 = arith.constant 0 : i32
      %dma_wait3A_446 = tpu.memref_slice %arg7[%sub3A_444, %dma_wait3A_445] : memref<250x40xi32, #tpu.memory_space<vmem>> -> memref<1x40xi32, #tpu.memory_space<vmem>>
      %dma_wait3A_447 = tpu.memref_squeeze %dma_wait3A_446 : memref<1x40xi32, #tpu.memory_space<vmem>> -> memref<40xi32, #tpu.memory_space<vmem>>
      %dma_wait3A_448 = arith.constant 0 : i32
      %dma_wait3A_449 = arith.constant 0 : i32
      %dma_wait3A_450 = tpu.memref_slice %arg13[%dma_wait3A_448, %dma_wait3A_449] : memref<10240x128xf32, #tpu.memory_space<vmem_shared>> -> memref<10240x128xf32, #tpu.memory_space<vmem_shared>>
      tpu.wait_indirect_dma semaphore(%arg21 : memref<!tpu.dma_semaphore, #tpu.memory_space<semaphore_mem>>) src(%arg10 : memref<40x128xf32, #tpu.memory_space<vmem>>) dst(%dma_wait3A_450 : memref<10240x128xf32, #tpu.memory_space<vmem_shared>>)
      %add3A_451 = arith.constant 5 : i32
      %add3A_452 = arith.addi %add3A_430, %add3A_451 : i32
      %sub3A_453 = arith.constant 1 : i32
      %sub3A_454 = arith.subi %add3A_452, %sub3A_453 : i32
      %dma_start3A_455 = arith.constant 0 : i32
      %dma_start3A_456 = tpu.memref_slice %arg6[%sub3A_454, %dma_start3A_455] : memref<250x40xi32, #tpu.memory_space<vmem>> -> memref<1x40xi32, #tpu.memory_space<vmem>>
      %dma_start3A_457 = tpu.memref_squeeze %dma_start3A_456 : memref<1x40xi32, #tpu.memory_space<vmem>> -> memref<40xi32, #tpu.memory_space<vmem>>
      %dma_start3A_458 = arith.constant 0 : i32
      %dma_start3A_459 = arith.constant 0 : i32
      %dma_start3A_460 = tpu.memref_slice %arg2[%dma_start3A_458, %dma_start3A_459] : memref<10000x128xf32, #tpu.memory_space<hbm>> -> memref<10000x128xf32, #tpu.memory_space<hbm>>
      tpu.enqueue_indirect_dma source(%dma_start3A_460 : memref<10000x128xf32, #tpu.memory_space<hbm>>) target(%arg10 : memref<40x128xf32, #tpu.memory_space<vmem>>) offsets(%dma_start3A_457 : memref<40xi32, #tpu.memory_space<vmem>>) semaphore(%arg16 : memref<!tpu.dma_semaphore, #tpu.memory_space<semaphore_mem>>)
      %add3A_461 = arith.constant 4 : i32
      %add3A_462 = arith.addi %mul3A_333, %add3A_461 : i32
      %dma_wait3A_463 = arith.constant 0 : i32
      %dma_wait3A_464 = tpu.memref_slice %arg6[%add3A_462, %dma_wait3A_463] : memref<250x40xi32, #tpu.memory_space<vmem>> -> memref<1x40xi32, #tpu.memory_space<vmem>>
      %dma_wait3A_465 = tpu.memref_squeeze %dma_wait3A_464 : memref<1x40xi32, #tpu.memory_space<vmem>> -> memref<40xi32, #tpu.memory_space<vmem>>
      %dma_wait3A_466 = arith.constant 0 : i32
      %dma_wait3A_467 = arith.constant 0 : i32
      %dma_wait3A_468 = tpu.memref_slice %arg2[%dma_wait3A_466, %dma_wait3A_467] : memref<10000x128xf32, #tpu.memory_space<hbm>> -> memref<10000x128xf32, #tpu.memory_space<hbm>>
      tpu.wait_indirect_dma semaphore(%arg18 : memref<!tpu.dma_semaphore, #tpu.memory_space<semaphore_mem>>) src(%dma_wait3A_468 : memref<10000x128xf32, #tpu.memory_space<hbm>>) dst(%arg12 : memref<40x128xf32, #tpu.memory_space<vmem>>)
      %dma_start3A_469 = arith.constant 0 : i32
      %dma_start3A_470 = tpu.memref_slice %arg7[%add3A_462, %dma_start3A_469] : memref<250x40xi32, #tpu.memory_space<vmem>> -> memref<1x40xi32, #tpu.memory_space<vmem>>
      %dma_start3A_471 = tpu.memref_squeeze %dma_start3A_470 : memref<1x40xi32, #tpu.memory_space<vmem>> -> memref<40xi32, #tpu.memory_space<vmem>>
      %dma_start3A_472 = arith.constant 0 : i32
      %dma_start3A_473 = arith.constant 0 : i32
      %dma_start3A_474 = tpu.memref_slice %arg13[%dma_start3A_472, %dma_start3A_473] : memref<10240x128xf32, #tpu.memory_space<vmem_shared>> -> memref<10240x128xf32, #tpu.memory_space<vmem_shared>>
      tpu.enqueue_indirect_dma source(%arg12 : memref<40x128xf32, #tpu.memory_space<vmem>>) target(%dma_start3A_474 : memref<10240x128xf32, #tpu.memory_space<vmem_shared>>) offsets(%dma_start3A_471 : memref<40xi32, #tpu.memory_space<vmem>>) semaphore(%arg23 : memref<!tpu.dma_semaphore, #tpu.memory_space<semaphore_mem>>) {add = true}
      %sub3A_475 = arith.constant 1 : i32
      %sub3A_476 = arith.subi %add3A_462, %sub3A_475 : i32
      %dma_wait3A_477 = arith.constant 0 : i32
      %dma_wait3A_478 = tpu.memref_slice %arg7[%sub3A_476, %dma_wait3A_477] : memref<250x40xi32, #tpu.memory_space<vmem>> -> memref<1x40xi32, #tpu.memory_space<vmem>>
      %dma_wait3A_479 = tpu.memref_squeeze %dma_wait3A_478 : memref<1x40xi32, #tpu.memory_space<vmem>> -> memref<40xi32, #tpu.memory_space<vmem>>
      %dma_wait3A_480 = arith.constant 0 : i32
      %dma_wait3A_481 = arith.constant 0 : i32
      %dma_wait3A_482 = tpu.memref_slice %arg13[%dma_wait3A_480, %dma_wait3A_481] : memref<10240x128xf32, #tpu.memory_space<vmem_shared>> -> memref<10240x128xf32, #tpu.memory_space<vmem_shared>>
      tpu.wait_indirect_dma semaphore(%arg22 : memref<!tpu.dma_semaphore, #tpu.memory_space<semaphore_mem>>) src(%arg11 : memref<40x128xf32, #tpu.memory_space<vmem>>) dst(%dma_wait3A_482 : memref<10240x128xf32, #tpu.memory_space<vmem_shared>>)
      %add3A_483 = arith.constant 5 : i32
      %add3A_484 = arith.addi %add3A_462, %add3A_483 : i32
      %sub3A_485 = arith.constant 1 : i32
      %sub3A_486 = arith.subi %add3A_484, %sub3A_485 : i32
      %dma_start3A_487 = arith.constant 0 : i32
      %dma_start3A_488 = tpu.memref_slice %arg6[%sub3A_486, %dma_start3A_487] : memref<250x40xi32, #tpu.memory_space<vmem>> -> memref<1x40xi32, #tpu.memory_space<vmem>>
      %dma_start3A_489 = tpu.memref_squeeze %dma_start3A_488 : memref<1x40xi32, #tpu.memory_space<vmem>> -> memref<40xi32, #tpu.memory_space<vmem>>
      %dma_start3A_490 = arith.constant 0 : i32
      %dma_start3A_491 = arith.constant 0 : i32
      %dma_start3A_492 = tpu.memref_slice %arg2[%dma_start3A_490, %dma_start3A_491] : memref<10000x128xf32, #tpu.memory_space<hbm>> -> memref<10000x128xf32, #tpu.memory_space<hbm>>
      tpu.enqueue_indirect_dma source(%dma_start3A_492 : memref<10000x128xf32, #tpu.memory_space<hbm>>) target(%arg11 : memref<40x128xf32, #tpu.memory_space<vmem>>) offsets(%dma_start3A_489 : memref<40xi32, #tpu.memory_space<vmem>>) semaphore(%arg17 : memref<!tpu.dma_semaphore, #tpu.memory_space<semaphore_mem>>)
      %scan3A_493 = arith.constant 0 : i32
      scf.yield %scan3A_493 : i32
    }
    %scan3A_207 = arith.constant 48 : i32
    %dma_wait3A_208 = arith.constant 245 : i32
    %dma_wait3A_209 = arith.constant 0 : i32
    %dma_wait3A_210 = tpu.memref_slice %arg6[%dma_wait3A_208, %dma_wait3A_209] : memref<250x40xi32, #tpu.memory_space<vmem>> -> memref<1x40xi32, #tpu.memory_space<vmem>>
    %dma_wait3A_211 = tpu.memref_squeeze %dma_wait3A_210 : memref<1x40xi32, #tpu.memory_space<vmem>> -> memref<40xi32, #tpu.memory_space<vmem>>
    %dma_wait3A_212 = arith.constant 0 : i32
    %dma_wait3A_213 = arith.constant 0 : i32
    %dma_wait3A_214 = tpu.memref_slice %arg2[%dma_wait3A_212, %dma_wait3A_213] : memref<10000x128xf32, #tpu.memory_space<hbm>> -> memref<10000x128xf32, #tpu.memory_space<hbm>>
    tpu.wait_indirect_dma semaphore(%arg14 : memref<!tpu.dma_semaphore, #tpu.memory_space<semaphore_mem>>) src(%dma_wait3A_214 : memref<10000x128xf32, #tpu.memory_space<hbm>>) dst(%arg8 : memref<40x128xf32, #tpu.memory_space<vmem>>)
    %dma_start3A_215 = arith.constant 245 : i32
    %dma_start3A_216 = arith.constant 0 : i32
    %dma_start3A_217 = tpu.memref_slice %arg7[%dma_start3A_215, %dma_start3A_216] : memref<250x40xi32, #tpu.memory_space<vmem>> -> memref<1x40xi32, #tpu.memory_space<vmem>>
    %dma_start3A_218 = tpu.memref_squeeze %dma_start3A_217 : memref<1x40xi32, #tpu.memory_space<vmem>> -> memref<40xi32, #tpu.memory_space<vmem>>
    %dma_start3A_219 = arith.constant 0 : i32
    %dma_start3A_220 = arith.constant 0 : i32
    %dma_start3A_221 = tpu.memref_slice %arg13[%dma_start3A_219, %dma_start3A_220] : memref<10240x128xf32, #tpu.memory_space<vmem_shared>> -> memref<10240x128xf32, #tpu.memory_space<vmem_shared>>
    tpu.enqueue_indirect_dma source(%arg8 : memref<40x128xf32, #tpu.memory_space<vmem>>) target(%dma_start3A_221 : memref<10240x128xf32, #tpu.memory_space<vmem_shared>>) offsets(%dma_start3A_218 : memref<40xi32, #tpu.memory_space<vmem>>) semaphore(%arg19 : memref<!tpu.dma_semaphore, #tpu.memory_space<semaphore_mem>>) {add = true}
    %dma_wait3A_222 = arith.constant 244 : i32
    %dma_wait3A_223 = arith.constant 0 : i32
    %dma_wait3A_224 = tpu.memref_slice %arg7[%dma_wait3A_222, %dma_wait3A_223] : memref<250x40xi32, #tpu.memory_space<vmem>> -> memref<1x40xi32, #tpu.memory_space<vmem>>
    %dma_wait3A_225 = tpu.memref_squeeze %dma_wait3A_224 : memref<1x40xi32, #tpu.memory_space<vmem>> -> memref<40xi32, #tpu.memory_space<vmem>>
    %dma_wait3A_226 = arith.constant 0 : i32
    %dma_wait3A_227 = arith.constant 0 : i32
    %dma_wait3A_228 = tpu.memref_slice %arg13[%dma_wait3A_226, %dma_wait3A_227] : memref<10240x128xf32, #tpu.memory_space<vmem_shared>> -> memref<10240x128xf32, #tpu.memory_space<vmem_shared>>
    tpu.wait_indirect_dma semaphore(%arg23 : memref<!tpu.dma_semaphore, #tpu.memory_space<semaphore_mem>>) src(%arg12 : memref<40x128xf32, #tpu.memory_space<vmem>>) dst(%dma_wait3A_228 : memref<10240x128xf32, #tpu.memory_space<vmem_shared>>)
    %dma_start3A_229 = arith.constant 249 : i32
    %dma_start3A_230 = arith.constant 0 : i32
    %dma_start3A_231 = tpu.memref_slice %arg6[%dma_start3A_229, %dma_start3A_230] : memref<250x40xi32, #tpu.memory_space<vmem>> -> memref<1x40xi32, #tpu.memory_space<vmem>>
    %dma_start3A_232 = tpu.memref_squeeze %dma_start3A_231 : memref<1x40xi32, #tpu.memory_space<vmem>> -> memref<40xi32, #tpu.memory_space<vmem>>
    %dma_start3A_233 = arith.constant 0 : i32
    %dma_start3A_234 = arith.constant 0 : i32
    %dma_start3A_235 = tpu.memref_slice %arg2[%dma_start3A_233, %dma_start3A_234] : memref<10000x128xf32, #tpu.memory_space<hbm>> -> memref<10000x128xf32, #tpu.memory_space<hbm>>
    tpu.enqueue_indirect_dma source(%dma_start3A_235 : memref<10000x128xf32, #tpu.memory_space<hbm>>) target(%arg12 : memref<40x128xf32, #tpu.memory_space<vmem>>) offsets(%dma_start3A_232 : memref<40xi32, #tpu.memory_space<vmem>>) semaphore(%arg18 : memref<!tpu.dma_semaphore, #tpu.memory_space<semaphore_mem>>)
    %dma_wait3A_236 = arith.constant 246 : i32
    %dma_wait3A_237 = arith.constant 0 : i32
    %dma_wait3A_238 = tpu.memref_slice %arg6[%dma_wait3A_236, %dma_wait3A_237] : memref<250x40xi32, #tpu.memory_space<vmem>> -> memref<1x40xi32, #tpu.memory_space<vmem>>
    %dma_wait3A_239 = tpu.memref_squeeze %dma_wait3A_238 : memref<1x40xi32, #tpu.memory_space<vmem>> -> memref<40xi32, #tpu.memory_space<vmem>>
    %dma_wait3A_240 = arith.constant 0 : i32
    %dma_wait3A_241 = arith.constant 0 : i32
    %dma_wait3A_242 = tpu.memref_slice %arg2[%dma_wait3A_240, %dma_wait3A_241] : memref<10000x128xf32, #tpu.memory_space<hbm>> -> memref<10000x128xf32, #tpu.memory_space<hbm>>
    tpu.wait_indirect_dma semaphore(%arg15 : memref<!tpu.dma_semaphore, #tpu.memory_space<semaphore_mem>>) src(%dma_wait3A_242 : memref<10000x128xf32, #tpu.memory_space<hbm>>) dst(%arg9 : memref<40x128xf32, #tpu.memory_space<vmem>>)
    %dma_start3A_243 = arith.constant 246 : i32
    %dma_start3A_244 = arith.constant 0 : i32
    %dma_start3A_245 = tpu.memref_slice %arg7[%dma_start3A_243, %dma_start3A_244] : memref<250x40xi32, #tpu.memory_space<vmem>> -> memref<1x40xi32, #tpu.memory_space<vmem>>
    %dma_start3A_246 = tpu.memref_squeeze %dma_start3A_245 : memref<1x40xi32, #tpu.memory_space<vmem>> -> memref<40xi32, #tpu.memory_space<vmem>>
    %dma_start3A_247 = arith.constant 0 : i32
    %dma_start3A_248 = arith.constant 0 : i32
    %dma_start3A_249 = tpu.memref_slice %arg13[%dma_start3A_247, %dma_start3A_248] : memref<10240x128xf32, #tpu.memory_space<vmem_shared>> -> memref<10240x128xf32, #tpu.memory_space<vmem_shared>>
    tpu.enqueue_indirect_dma source(%arg9 : memref<40x128xf32, #tpu.memory_space<vmem>>) target(%dma_start3A_249 : memref<10240x128xf32, #tpu.memory_space<vmem_shared>>) offsets(%dma_start3A_246 : memref<40xi32, #tpu.memory_space<vmem>>) semaphore(%arg20 : memref<!tpu.dma_semaphore, #tpu.memory_space<semaphore_mem>>) {add = true}
    %dma_wait3A_250 = arith.constant 245 : i32
    %dma_wait3A_251 = arith.constant 0 : i32
    %dma_wait3A_252 = tpu.memref_slice %arg7[%dma_wait3A_250, %dma_wait3A_251] : memref<250x40xi32, #tpu.memory_space<vmem>> -> memref<1x40xi32, #tpu.memory_space<vmem>>
    %dma_wait3A_253 = tpu.memref_squeeze %dma_wait3A_252 : memref<1x40xi32, #tpu.memory_space<vmem>> -> memref<40xi32, #tpu.memory_space<vmem>>
    %dma_wait3A_254 = arith.constant 0 : i32
    %dma_wait3A_255 = arith.constant 0 : i32
    %dma_wait3A_256 = tpu.memref_slice %arg13[%dma_wait3A_254, %dma_wait3A_255] : memref<10240x128xf32, #tpu.memory_space<vmem_shared>> -> memref<10240x128xf32, #tpu.memory_space<vmem_shared>>
    tpu.wait_indirect_dma semaphore(%arg19 : memref<!tpu.dma_semaphore, #tpu.memory_space<semaphore_mem>>) src(%arg8 : memref<40x128xf32, #tpu.memory_space<vmem>>) dst(%dma_wait3A_256 : memref<10240x128xf32, #tpu.memory_space<vmem_shared>>)
    %dma_wait3A_257 = arith.constant 247 : i32
    %dma_wait3A_258 = arith.constant 0 : i32
    %dma_wait3A_259 = tpu.memref_slice %arg6[%dma_wait3A_257, %dma_wait3A_258] : memref<250x40xi32, #tpu.memory_space<vmem>> -> memref<1x40xi32, #tpu.memory_space<vmem>>
    %dma_wait3A_260 = tpu.memref_squeeze %dma_wait3A_259 : memref<1x40xi32, #tpu.memory_space<vmem>> -> memref<40xi32, #tpu.memory_space<vmem>>
    %dma_wait3A_261 = arith.constant 0 : i32
    %dma_wait3A_262 = arith.constant 0 : i32
    %dma_wait3A_263 = tpu.memref_slice %arg2[%dma_wait3A_261, %dma_wait3A_262] : memref<10000x128xf32, #tpu.memory_space<hbm>> -> memref<10000x128xf32, #tpu.memory_space<hbm>>
    tpu.wait_indirect_dma semaphore(%arg16 : memref<!tpu.dma_semaphore, #tpu.memory_space<semaphore_mem>>) src(%dma_wait3A_263 : memref<10000x128xf32, #tpu.memory_space<hbm>>) dst(%arg10 : memref<40x128xf32, #tpu.memory_space<vmem>>)
    %dma_start3A_264 = arith.constant 247 : i32
    %dma_start3A_265 = arith.constant 0 : i32
    %dma_start3A_266 = tpu.memref_slice %arg7[%dma_start3A_264, %dma_start3A_265] : memref<250x40xi32, #tpu.memory_space<vmem>> -> memref<1x40xi32, #tpu.memory_space<vmem>>
    %dma_start3A_267 = tpu.memref_squeeze %dma_start3A_266 : memref<1x40xi32, #tpu.memory_space<vmem>> -> memref<40xi32, #tpu.memory_space<vmem>>
    %dma_start3A_268 = arith.constant 0 : i32
    %dma_start3A_269 = arith.constant 0 : i32
    %dma_start3A_270 = tpu.memref_slice %arg13[%dma_start3A_268, %dma_start3A_269] : memref<10240x128xf32, #tpu.memory_space<vmem_shared>> -> memref<10240x128xf32, #tpu.memory_space<vmem_shared>>
    tpu.enqueue_indirect_dma source(%arg10 : memref<40x128xf32, #tpu.memory_space<vmem>>) target(%dma_start3A_270 : memref<10240x128xf32, #tpu.memory_space<vmem_shared>>) offsets(%dma_start3A_267 : memref<40xi32, #tpu.memory_space<vmem>>) semaphore(%arg21 : memref<!tpu.dma_semaphore, #tpu.memory_space<semaphore_mem>>) {add = true}
    %dma_wait3A_271 = arith.constant 246 : i32
    %dma_wait3A_272 = arith.constant 0 : i32
    %dma_wait3A_273 = tpu.memref_slice %arg7[%dma_wait3A_271, %dma_wait3A_272] : memref<250x40xi32, #tpu.memory_space<vmem>> -> memref<1x40xi32, #tpu.memory_space<vmem>>
    %dma_wait3A_274 = tpu.memref_squeeze %dma_wait3A_273 : memref<1x40xi32, #tpu.memory_space<vmem>> -> memref<40xi32, #tpu.memory_space<vmem>>
    %dma_wait3A_275 = arith.constant 0 : i32
    %dma_wait3A_276 = arith.constant 0 : i32
    %dma_wait3A_277 = tpu.memref_slice %arg13[%dma_wait3A_275, %dma_wait3A_276] : memref<10240x128xf32, #tpu.memory_space<vmem_shared>> -> memref<10240x128xf32, #tpu.memory_space<vmem_shared>>
    tpu.wait_indirect_dma semaphore(%arg20 : memref<!tpu.dma_semaphore, #tpu.memory_space<semaphore_mem>>) src(%arg9 : memref<40x128xf32, #tpu.memory_space<vmem>>) dst(%dma_wait3A_277 : memref<10240x128xf32, #tpu.memory_space<vmem_shared>>)
    %dma_wait3A_278 = arith.constant 248 : i32
    %dma_wait3A_279 = arith.constant 0 : i32
    %dma_wait3A_280 = tpu.memref_slice %arg6[%dma_wait3A_278, %dma_wait3A_279] : memref<250x40xi32, #tpu.memory_space<vmem>> -> memref<1x40xi32, #tpu.memory_space<vmem>>
    %dma_wait3A_281 = tpu.memref_squeeze %dma_wait3A_280 : memref<1x40xi32, #tpu.memory_space<vmem>> -> memref<40xi32, #tpu.memory_space<vmem>>
    %dma_wait3A_282 = arith.constant 0 : i32
    %dma_wait3A_283 = arith.constant 0 : i32
    %dma_wait3A_284 = tpu.memref_slice %arg2[%dma_wait3A_282, %dma_wait3A_283] : memref<10000x128xf32, #tpu.memory_space<hbm>> -> memref<10000x128xf32, #tpu.memory_space<hbm>>
    tpu.wait_indirect_dma semaphore(%arg17 : memref<!tpu.dma_semaphore, #tpu.memory_space<semaphore_mem>>) src(%dma_wait3A_284 : memref<10000x128xf32, #tpu.memory_space<hbm>>) dst(%arg11 : memref<40x128xf32, #tpu.memory_space<vmem>>)
    %dma_start3A_285 = arith.constant 248 : i32
    %dma_start3A_286 = arith.constant 0 : i32
    %dma_start3A_287 = tpu.memref_slice %arg7[%dma_start3A_285, %dma_start3A_286] : memref<250x40xi32, #tpu.memory_space<vmem>> -> memref<1x40xi32, #tpu.memory_space<vmem>>
    %dma_start3A_288 = tpu.memref_squeeze %dma_start3A_287 : memref<1x40xi32, #tpu.memory_space<vmem>> -> memref<40xi32, #tpu.memory_space<vmem>>
    %dma_start3A_289 = arith.constant 0 : i32
    %dma_start3A_290 = arith.constant 0 : i32
    %dma_start3A_291 = tpu.memref_slice %arg13[%dma_start3A_289, %dma_start3A_290] : memref<10240x128xf32, #tpu.memory_space<vmem_shared>> -> memref<10240x128xf32, #tpu.memory_space<vmem_shared>>
    tpu.enqueue_indirect_dma source(%arg11 : memref<40x128xf32, #tpu.memory_space<vmem>>) target(%dma_start3A_291 : memref<10240x128xf32, #tpu.memory_space<vmem_shared>>) offsets(%dma_start3A_288 : memref<40xi32, #tpu.memory_space<vmem>>) semaphore(%arg22 : memref<!tpu.dma_semaphore, #tpu.memory_space<semaphore_mem>>) {add = true}
    %dma_wait3A_292 = arith.constant 247 : i32
    %dma_wait3A_293 = arith.constant 0 : i32
    %dma_wait3A_294 = tpu.memref_slice %arg7[%dma_wait3A_292, %dma_wait3A_293] : memref<250x40xi32, #tpu.memory_space<vmem>> -> memref<1x40xi32, #tpu.memory_space<vmem>>
    %dma_wait3A_295 = tpu.memref_squeeze %dma_wait3A_294 : memref<1x40xi32, #tpu.memory_space<vmem>> -> memref<40xi32, #tpu.memory_space<vmem>>
    %dma_wait3A_296 = arith.constant 0 : i32
    %dma_wait3A_297 = arith.constant 0 : i32
    %dma_wait3A_298 = tpu.memref_slice %arg13[%dma_wait3A_296, %dma_wait3A_297] : memref<10240x128xf32, #tpu.memory_space<vmem_shared>> -> memref<10240x128xf32, #tpu.memory_space<vmem_shared>>
    tpu.wait_indirect_dma semaphore(%arg21 : memref<!tpu.dma_semaphore, #tpu.memory_space<semaphore_mem>>) src(%arg10 : memref<40x128xf32, #tpu.memory_space<vmem>>) dst(%dma_wait3A_298 : memref<10240x128xf32, #tpu.memory_space<vmem_shared>>)
    %dma_wait3A_299 = arith.constant 249 : i32
    %dma_wait3A_300 = arith.constant 0 : i32
    %dma_wait3A_301 = tpu.memref_slice %arg6[%dma_wait3A_299, %dma_wait3A_300] : memref<250x40xi32, #tpu.memory_space<vmem>> -> memref<1x40xi32, #tpu.memory_space<vmem>>
    %dma_wait3A_302 = tpu.memref_squeeze %dma_wait3A_301 : memref<1x40xi32, #tpu.memory_space<vmem>> -> memref<40xi32, #tpu.memory_space<vmem>>
    %dma_wait3A_303 = arith.constant 0 : i32
    %dma_wait3A_304 = arith.constant 0 : i32
    %dma_wait3A_305 = tpu.memref_slice %arg2[%dma_wait3A_303, %dma_wait3A_304] : memref<10000x128xf32, #tpu.memory_space<hbm>> -> memref<10000x128xf32, #tpu.memory_space<hbm>>
    tpu.wait_indirect_dma semaphore(%arg18 : memref<!tpu.dma_semaphore, #tpu.memory_space<semaphore_mem>>) src(%dma_wait3A_305 : memref<10000x128xf32, #tpu.memory_space<hbm>>) dst(%arg12 : memref<40x128xf32, #tpu.memory_space<vmem>>)
    %dma_start3A_306 = arith.constant 249 : i32
    %dma_start3A_307 = arith.constant 0 : i32
    %dma_start3A_308 = tpu.memref_slice %arg7[%dma_start3A_306, %dma_start3A_307] : memref<250x40xi32, #tpu.memory_space<vmem>> -> memref<1x40xi32, #tpu.memory_space<vmem>>
    %dma_start3A_309 = tpu.memref_squeeze %dma_start3A_308 : memref<1x40xi32, #tpu.memory_space<vmem>> -> memref<40xi32, #tpu.memory_space<vmem>>
    %dma_start3A_310 = arith.constant 0 : i32
    %dma_start3A_311 = arith.constant 0 : i32
    %dma_start3A_312 = tpu.memref_slice %arg13[%dma_start3A_310, %dma_start3A_311] : memref<10240x128xf32, #tpu.memory_space<vmem_shared>> -> memref<10240x128xf32, #tpu.memory_space<vmem_shared>>
    tpu.enqueue_indirect_dma source(%arg12 : memref<40x128xf32, #tpu.memory_space<vmem>>) target(%dma_start3A_312 : memref<10240x128xf32, #tpu.memory_space<vmem_shared>>) offsets(%dma_start3A_309 : memref<40xi32, #tpu.memory_space<vmem>>) semaphore(%arg23 : memref<!tpu.dma_semaphore, #tpu.memory_space<semaphore_mem>>) {add = true}
    %dma_wait3A_313 = arith.constant 248 : i32
    %dma_wait3A_314 = arith.constant 0 : i32
    %dma_wait3A_315 = tpu.memref_slice %arg7[%dma_wait3A_313, %dma_wait3A_314] : memref<250x40xi32, #tpu.memory_space<vmem>> -> memref<1x40xi32, #tpu.memory_space<vmem>>
    %dma_wait3A_316 = tpu.memref_squeeze %dma_wait3A_315 : memref<1x40xi32, #tpu.memory_space<vmem>> -> memref<40xi32, #tpu.memory_space<vmem>>
    %dma_wait3A_317 = arith.constant 0 : i32
    %dma_wait3A_318 = arith.constant 0 : i32
    %dma_wait3A_319 = tpu.memref_slice %arg13[%dma_wait3A_317, %dma_wait3A_318] : memref<10240x128xf32, #tpu.memory_space<vmem_shared>> -> memref<10240x128xf32, #tpu.memory_space<vmem_shared>>
    tpu.wait_indirect_dma semaphore(%arg22 : memref<!tpu.dma_semaphore, #tpu.memory_space<semaphore_mem>>) src(%arg11 : memref<40x128xf32, #tpu.memory_space<vmem>>) dst(%dma_wait3A_319 : memref<10240x128xf32, #tpu.memory_space<vmem_shared>>)
    %dma_wait3A_320 = arith.constant 249 : i32
    %dma_wait3A_321 = arith.constant 0 : i32
    %dma_wait3A_322 = tpu.memref_slice %arg7[%dma_wait3A_320, %dma_wait3A_321] : memref<250x40xi32, #tpu.memory_space<vmem>> -> memref<1x40xi32, #tpu.memory_space<vmem>>
    %dma_wait3A_323 = tpu.memref_squeeze %dma_wait3A_322 : memref<1x40xi32, #tpu.memory_space<vmem>> -> memref<40xi32, #tpu.memory_space<vmem>>
    %dma_wait3A_324 = arith.constant 0 : i32
    %dma_wait3A_325 = arith.constant 0 : i32
    %dma_wait3A_326 = tpu.memref_slice %arg13[%dma_wait3A_324, %dma_wait3A_325] : memref<10240x128xf32, #tpu.memory_space<vmem_shared>> -> memref<10240x128xf32, #tpu.memory_space<vmem_shared>>
    tpu.wait_indirect_dma semaphore(%arg23 : memref<!tpu.dma_semaphore, #tpu.memory_space<semaphore_mem>>) src(%arg12 : memref<40x128xf32, #tpu.memory_space<vmem>>) dst(%dma_wait3A_326 : memref<10240x128xf32, #tpu.memory_space<vmem_shared>>)
    %barrier3A_327 = arith.constant 0 : index
    tpu.barrier barrier_id(%barrier3A_327)
    %mul3A_328 = arith.constant 640 : i32
    %mul3A_329 = arith.muli %arg1, %mul3A_328 : i32
    "tpu.region"() ({
      %run_scoped3A = tpu.sem_alloc : memref<!tpu.dma_semaphore, #tpu.memory_space<semaphore_mem>>
      %dma_start3A_330 = arith.constant 0 : i32
      %dma_start3A_331 = arith.constant 0 : i32
      %dma_start3A_332 = tpu.memref_slice %arg5[%arg0, %dma_start3A_330, %dma_start3A_331] : memref<2x10240x128xf32, #tpu.memory_space<hbm>> -> memref<1x10240x128xf32, #tpu.memory_space<hbm>>
      %dma_start3A_333 = tpu.memref_squeeze %dma_start3A_332 : memref<1x10240x128xf32, #tpu.memory_space<hbm>> -> memref<10240x128xf32, #tpu.memory_space<hbm>>
      %dma_start3A_334 = arith.constant 0 : i32
      %dma_start3A_335 = tpu.memref_slice %dma_start3A_333[%mul3A_329, %dma_start3A_334] : memref<10240x128xf32, #tpu.memory_space<hbm>> -> memref<640x128xf32, #tpu.memory_space<hbm>>
      %dma_start3A_336 = arith.constant 0 : i32
      %dma_start3A_337 = tpu.memref_slice %arg13[%mul3A_329, %dma_start3A_336] : memref<10240x128xf32, #tpu.memory_space<vmem_shared>> -> memref<640x128xf32, #tpu.memory_space<vmem_shared>>
      tpu.enqueue_dma source(%dma_start3A_337 : memref<640x128xf32, #tpu.memory_space<vmem_shared>>) target(%dma_start3A_335 : memref<640x128xf32, #tpu.memory_space<hbm>>) target_semaphore(%run_scoped3A : memref<!tpu.dma_semaphore, #tpu.memory_space<semaphore_mem>>)
      %dma_wait3A_338 = arith.constant 0 : i32
      %dma_wait3A_339 = arith.constant 0 : i32
      %dma_wait3A_340 = tpu.memref_slice %arg5[%arg0, %dma_wait3A_338, %dma_wait3A_339] : memref<2x10240x128xf32, #tpu.memory_space<hbm>> -> memref<1x10240x128xf32, #tpu.memory_space<hbm>>
      %dma_wait3A_341 = tpu.memref_squeeze %dma_wait3A_340 : memref<1x10240x128xf32, #tpu.memory_space<hbm>> -> memref<10240x128xf32, #tpu.memory_space<hbm>>
      %dma_wait3A_342 = arith.constant 0 : i32
      %dma_wait3A_343 = tpu.memref_slice %dma_wait3A_341[%mul3A_329, %dma_wait3A_342] : memref<10240x128xf32, #tpu.memory_space<hbm>> -> memref<640x128xf32, #tpu.memory_space<hbm>>
      %dma_wait3A_344 = arith.constant 0 : i32
      %dma_wait3A_345 = tpu.memref_slice %arg13[%mul3A_329, %dma_wait3A_344] : memref<10240x128xf32, #tpu.memory_space<vmem_shared>> -> memref<640x128xf32, #tpu.memory_space<vmem_shared>>
      tpu.wait_dma2 semaphore(%run_scoped3A : memref<!tpu.dma_semaphore, #tpu.memory_space<semaphore_mem>>) src(%dma_wait3A_345 : memref<640x128xf32, #tpu.memory_space<vmem_shared>>) dst(%dma_wait3A_343 : memref<640x128xf32, #tpu.memory_space<hbm>>)
      tpu.yield
    }) : () -> ()
    return
  }
}

module attributes {stable_mosaic.version = 14 : i64} {
  func.func @_tc1_body(%arg0: i32, %arg1: memref<1000x128xf32, #tpu.memory_space<vmem>>, %arg2: memref<128x128xf32, #tpu.memory_space<vmem>>, %arg3: memref<1x1000x16xf32, #tpu.memory_space<vmem>>, %arg4: memref<1x1000x16xf32, #tpu.memory_space<vmem>>, %arg5: memref<1000x128xf32, #tpu.memory_space<vmem>>) attributes {dimension_semantics = [#tpu.dimension_semantics<arbitrary>], iteration_bounds = array<i64: 10>, scalar_prefetch = 0 : i64, scratch_operands = 0 : i64, tpu.core_type = #tpu.core_type<tc>, window_params = [{transform_indices = @transform_0, window_bounds = array<i64: 1000, 128>}, {pipeline_mode = #tpu.pipeline_mode<synchronous>, transform_indices = @transform_1, window_bounds = array<i64: 128, 128>}, {transform_indices = @transform_2, window_bounds = array<i64: 1, 1000, 16>}, {transform_indices = @transform_3, window_bounds = array<i64: 1, 1000, 16>}, {transform_indices = @transform_4, window_bounds = array<i64: 1000, 128>}]} {
    %get3A = arith.constant 0 : index
    %get3A_0 = arith.constant 0 : index
    %get3A_1 = arith.constant 0 : index
    %get3A_2 = vector.load %arg3[%get3A, %get3A_0, %get3A_1] : memref<1x1000x16xf32, #tpu.memory_space<vmem>>, vector<1x1000x1xf32>
    %get3A_3 = vector.shape_cast %get3A_2 : vector<1x1000x1xf32> to vector<1000x1xf32>
    %get3A_4 = arith.constant 0 : index
    %get3A_5 = arith.constant 0 : index
    %get3A_6 = arith.constant 0 : index
    %get3A_7 = vector.load %arg4[%get3A_4, %get3A_5, %get3A_6] : memref<1x1000x16xf32, #tpu.memory_space<vmem>>, vector<1x1000x1xf32>
    %get3A_8 = vector.shape_cast %get3A_7 : vector<1x1000x1xf32> to vector<1000x1xf32>
    %add3A = arith.addf %get3A_3, %get3A_8 : vector<1000x1xf32>
    %add3A_9 = arith.constant 1.000000e+00 : f32
    %add3A_10 = vector.broadcast %add3A_9 : f32 to vector<1000x1xf32>
    %add3A_11 = arith.addf %add3A, %add3A_10 : vector<1000x1xf32>
    %rsqrt3A = math.rsqrt %add3A_11 : vector<1000x1xf32>
    %get3A_12 = arith.constant 0 : index
    %get3A_13 = arith.constant 0 : index
    %get3A_14 = vector.load %arg1[%get3A_12, %get3A_13] : memref<1000x128xf32, #tpu.memory_space<vmem>>, vector<1000x128xf32>
    %get3A_15 = arith.constant 0 : index
    %get3A_16 = arith.constant 0 : index
    %get3A_17 = vector.load %arg2[%get3A_15, %get3A_16] : memref<128x128xf32, #tpu.memory_space<vmem>>, vector<128x128xf32>
    %dot_general3A = arith.constant dense<0.000000e+00> : vector<1000x128xf32>
    %dot_general3A_18 = tpu.matmul %get3A_14, %get3A_17, %dot_general3A {dimension_numbers = #tpu.dot_dimension_numbers<[1], [0], [0], [1], [0, 0, 1, 1], [], []>, transpose_lhs_hint = false} : vector<1000x128xf32>, vector<128x128xf32>, vector<1000x128xf32> -> vector<1000x128xf32>
    %mul3A = vector.broadcast %rsqrt3A : vector<1000x1xf32> to vector<1000x128xf32>
    %mul3A_19 = arith.mulf %dot_general3A_18, %mul3A : vector<1000x128xf32>
    %swap3A = arith.constant 0 : index
    %swap3A_20 = arith.constant 0 : index
    %swap3A_21 = vector.load %arg5[%swap3A, %swap3A_20] : memref<1000x128xf32, #tpu.memory_space<vmem>>, vector<1000x128xf32>
    tpu.vector_store %arg5[%swap3A, %swap3A_20], %mul3A_19 {strides = array<i32>} : memref<1000x128xf32, #tpu.memory_space<vmem>>, vector<1000x128xf32>,
    return
  }
  func.func @transform_0(%arg0: i32) -> (i32, i32) {
    %c0_i32 = arith.constant 0 : i32
    %c0_i32_0 = arith.constant 0 : i32
    return %arg0, %c0_i32 : i32, i32
  }
  func.func @transform_1(%arg0: i32) -> (i32, i32) {
    %c0_i32 = arith.constant 0 : i32
    %c0_i32_0 = arith.constant 0 : i32
    %c0_i32_1 = arith.constant 0 : i32
    return %c0_i32, %c0_i32_0 : i32, i32
  }
  func.func @transform_2(%arg0: i32) -> (i32, i32, i32) {
    %c0_i32 = arith.constant 0 : i32
    %c0_i32_0 = arith.constant 0 : i32
    %c0_i32_1 = arith.constant 0 : i32
    return %c0_i32, %arg0, %c0_i32_0 : i32, i32, i32
  }
  func.func @transform_3(%arg0: i32) -> (i32, i32, i32) {
    %c1_i32 = arith.constant 1 : i32
    %c0_i32 = arith.constant 0 : i32
    %c0_i32_0 = arith.constant 0 : i32
    return %c1_i32, %arg0, %c0_i32 : i32, i32, i32
  }
  func.func @transform_4(%arg0: i32) -> (i32, i32) {
    %c0_i32 = arith.constant 0 : i32
    %c0_i32_0 = arith.constant 0 : i32
    return %arg0, %c0_i32 : i32, i32
  }
}

module attributes {stable_mosaic.version = 14 : i64} {
  func.func @_tc2_body(%arg0: i32, %arg1: memref<1x1000x128xf32, #tpu.memory_space<vmem>>, %arg2: memref<1x1000x128xf32, #tpu.memory_space<vmem>>, %arg3: memref<1000x128xf32, #tpu.memory_space<vmem>>, %arg4: memref<1x1000x16xf32, #tpu.memory_space<vmem>>, %arg5: memref<1x1000x16xf32, #tpu.memory_space<vmem>>, %arg6: memref<128x64xf32, #tpu.memory_space<vmem>>, %arg7: memref<1x128xf32, #tpu.memory_space<vmem>>, %arg8: memref<1000x64xf32, #tpu.memory_space<vmem>>) attributes {dimension_semantics = [#tpu.dimension_semantics<arbitrary>], iteration_bounds = array<i64: 10>, scalar_prefetch = 0 : i64, scratch_operands = 0 : i64, tpu.core_type = #tpu.core_type<tc>, window_params = [{transform_indices = @transform_0, window_bounds = array<i64: 1, 1000, 128>}, {transform_indices = @transform_1, window_bounds = array<i64: 1, 1000, 128>}, {transform_indices = @transform_2, window_bounds = array<i64: 1000, 128>}, {transform_indices = @transform_3, window_bounds = array<i64: 1, 1000, 16>}, {transform_indices = @transform_4, window_bounds = array<i64: 1, 1000, 16>}, {pipeline_mode = #tpu.pipeline_mode<synchronous>, transform_indices = @transform_5, window_bounds = array<i64: 128, 64>}, {pipeline_mode = #tpu.pipeline_mode<synchronous>, transform_indices = @transform_6, window_bounds = array<i64: 1, 128>}, {transform_indices = @transform_7, window_bounds = array<i64: 1000, 64>}]} {
    %get3A = arith.constant 0 : index
    %get3A_0 = arith.constant 0 : index
    %get3A_1 = arith.constant 0 : index
    %get3A_2 = vector.load %arg4[%get3A, %get3A_0, %get3A_1] : memref<1x1000x16xf32, #tpu.memory_space<vmem>>, vector<1x1000x1xf32>
    %get3A_3 = vector.shape_cast %get3A_2 : vector<1x1000x1xf32> to vector<1000x1xf32>
    %get3A_4 = arith.constant 0 : index
    %get3A_5 = arith.constant 0 : index
    %get3A_6 = arith.constant 0 : index
    %get3A_7 = vector.load %arg5[%get3A_4, %get3A_5, %get3A_6] : memref<1x1000x16xf32, #tpu.memory_space<vmem>>, vector<1x1000x1xf32>
    %get3A_8 = vector.shape_cast %get3A_7 : vector<1x1000x1xf32> to vector<1000x1xf32>
    %add3A = arith.addf %get3A_3, %get3A_8 : vector<1000x1xf32>
    %add3A_9 = arith.constant 1.000000e+00 : f32
    %add3A_10 = vector.broadcast %add3A_9 : f32 to vector<1000x1xf32>
    %add3A_11 = arith.addf %add3A, %add3A_10 : vector<1000x1xf32>
    %rsqrt3A = math.rsqrt %add3A_11 : vector<1000x1xf32>
    %get3A_12 = arith.constant 0 : index
    %get3A_13 = arith.constant 0 : index
    %get3A_14 = arith.constant 0 : index
    %get3A_15 = vector.load %arg1[%get3A_12, %get3A_13, %get3A_14] : memref<1x1000x128xf32, #tpu.memory_space<vmem>>, vector<1x1000x128xf32>
    %get3A_16 = vector.shape_cast %get3A_15 : vector<1x1000x128xf32> to vector<1000x128xf32>
    %get3A_17 = arith.constant 0 : index
    %get3A_18 = arith.constant 0 : index
    %get3A_19 = arith.constant 0 : index
    %get3A_20 = vector.load %arg2[%get3A_17, %get3A_18, %get3A_19] : memref<1x1000x128xf32, #tpu.memory_space<vmem>>, vector<1x1000x128xf32>
    %get3A_21 = vector.shape_cast %get3A_20 : vector<1x1000x128xf32> to vector<1000x128xf32>
    %add3A_22 = arith.addf %get3A_16, %get3A_21 : vector<1000x128xf32>
    %get3A_23 = arith.constant 0 : index
    %get3A_24 = arith.constant 0 : index
    %get3A_25 = vector.load %arg3[%get3A_23, %get3A_24] : memref<1000x128xf32, #tpu.memory_space<vmem>>, vector<1000x128xf32>
    %add3A_26 = arith.addf %add3A_22, %get3A_25 : vector<1000x128xf32>
    %mul3A = vector.broadcast %rsqrt3A : vector<1000x1xf32> to vector<1000x128xf32>
    %mul3A_27 = arith.mulf %mul3A, %add3A_26 : vector<1000x128xf32>
    %get3A_28 = arith.constant 0 : index
    %get3A_29 = arith.constant 0 : index
    %get3A_30 = vector.load %arg7[%get3A_28, %get3A_29] : memref<1x128xf32, #tpu.memory_space<vmem>>, vector<1x128xf32>
    %add3A_31 = vector.broadcast %get3A_30 : vector<1x128xf32> to vector<1000x128xf32>
    %add3A_32 = arith.addf %mul3A_27, %add3A_31 : vector<1000x128xf32>
    %max3A = arith.constant 0.000000e+00 : f32
    %max3A_33 = vector.broadcast %max3A : f32 to vector<1000x128xf32>
    %max3A_34 = arith.maximumf %add3A_32, %max3A_33 : vector<1000x128xf32>
    %get3A_35 = arith.constant 0 : index
    %get3A_36 = arith.constant 0 : index
    %get3A_37 = vector.load %arg6[%get3A_35, %get3A_36] : memref<128x64xf32, #tpu.memory_space<vmem>>, vector<128x64xf32>
    %dot_general3A = arith.constant dense<0.000000e+00> : vector<1000x64xf32>
    %dot_general3A_38 = tpu.matmul %max3A_34, %get3A_37, %dot_general3A {dimension_numbers = #tpu.dot_dimension_numbers<[1], [0], [0], [1], [0, 0, 1, 1], [], []>, transpose_lhs_hint = false} : vector<1000x128xf32>, vector<128x64xf32>, vector<1000x64xf32> -> vector<1000x64xf32>
    %mul3A_39 = vector.broadcast %rsqrt3A : vector<1000x1xf32> to vector<1000x64xf32>
    %mul3A_40 = arith.mulf %dot_general3A_38, %mul3A_39 : vector<1000x64xf32>
    %swap3A = arith.constant 0 : index
    %swap3A_41 = arith.constant 0 : index
    %swap3A_42 = vector.load %arg8[%swap3A, %swap3A_41] : memref<1000x64xf32, #tpu.memory_space<vmem>>, vector<1000x64xf32>
    tpu.vector_store %arg8[%swap3A, %swap3A_41], %mul3A_40 {strides = array<i32>} : memref<1000x64xf32, #tpu.memory_space<vmem>>, vector<1000x64xf32>,
    return
  }
  func.func @transform_0(%arg0: i32) -> (i32, i32, i32) {
    %c0_i32 = arith.constant 0 : i32
    %c0_i32_0 = arith.constant 0 : i32
    %c0_i32_1 = arith.constant 0 : i32
    return %c0_i32, %arg0, %c0_i32_0 : i32, i32, i32
  }
  func.func @transform_1(%arg0: i32) -> (i32, i32, i32) {
    %c1_i32 = arith.constant 1 : i32
    %c0_i32 = arith.constant 0 : i32
    %c0_i32_0 = arith.constant 0 : i32
    return %c1_i32, %arg0, %c0_i32 : i32, i32, i32
  }
  func.func @transform_2(%arg0: i32) -> (i32, i32) {
    %c0_i32 = arith.constant 0 : i32
    %c0_i32_0 = arith.constant 0 : i32
    return %arg0, %c0_i32 : i32, i32
  }
  func.func @transform_3(%arg0: i32) -> (i32, i32, i32) {
    %c0_i32 = arith.constant 0 : i32
    %c0_i32_0 = arith.constant 0 : i32
    %c0_i32_1 = arith.constant 0 : i32
    return %c0_i32, %arg0, %c0_i32_0 : i32, i32, i32
  }
  func.func @transform_4(%arg0: i32) -> (i32, i32, i32) {
    %c1_i32 = arith.constant 1 : i32
    %c0_i32 = arith.constant 0 : i32
    %c0_i32_0 = arith.constant 0 : i32
    return %c1_i32, %arg0, %c0_i32 : i32, i32, i32
  }
  func.func @transform_5(%arg0: i32) -> (i32, i32) {
    %c0_i32 = arith.constant 0 : i32
    %c0_i32_0 = arith.constant 0 : i32
    %c0_i32_1 = arith.constant 0 : i32
    return %c0_i32, %c0_i32_0 : i32, i32
  }
  func.func @transform_6(%arg0: i32) -> (i32, i32) {
    %c0_i32 = arith.constant 0 : i32
    %c0_i32_0 = arith.constant 0 : i32
    %c0_i32_1 = arith.constant 0 : i32
    return %c0_i32, %c0_i32_0 : i32, i32
  }
  func.func @transform_7(%arg0: i32) -> (i32, i32) {
    %c0_i32 = arith.constant 0 : i32
    %c0_i32_0 = arith.constant 0 : i32
    return %arg0, %c0_i32 : i32, i32
  }
}

module attributes {stable_mosaic.version = 14 : i64} {
  func.func @_tc3_body(%arg0: i32, %arg1: memref<1x1000x64xf32, #tpu.memory_space<vmem>>, %arg2: memref<1x1000x64xf32, #tpu.memory_space<vmem>>, %arg3: memref<1000x64xf32, #tpu.memory_space<vmem>>, %arg4: memref<1x1000x16xf32, #tpu.memory_space<vmem>>, %arg5: memref<1x1000x16xf32, #tpu.memory_space<vmem>>, %arg6: memref<1x64xf32, #tpu.memory_space<vmem>>, %arg7: memref<1x64xf32, #tpu.memory_space<vmem>>, %arg8: memref<1000x8xf32, #tpu.memory_space<vmem>>) attributes {dimension_semantics = [#tpu.dimension_semantics<arbitrary>], iteration_bounds = array<i64: 10>, scalar_prefetch = 0 : i64, scratch_operands = 0 : i64, tpu.core_type = #tpu.core_type<tc>, window_params = [{transform_indices = @transform_0, window_bounds = array<i64: 1, 1000, 64>}, {transform_indices = @transform_1, window_bounds = array<i64: 1, 1000, 64>}, {transform_indices = @transform_2, window_bounds = array<i64: 1000, 64>}, {transform_indices = @transform_3, window_bounds = array<i64: 1, 1000, 16>}, {transform_indices = @transform_4, window_bounds = array<i64: 1, 1000, 16>}, {pipeline_mode = #tpu.pipeline_mode<synchronous>, transform_indices = @transform_5, window_bounds = array<i64: 1, 64>}, {pipeline_mode = #tpu.pipeline_mode<synchronous>, transform_indices = @transform_6, window_bounds = array<i64: 1, 64>}, {transform_indices = @transform_7, window_bounds = array<i64: 1000, 8>}]} {
    %get3A = arith.constant 0 : index
    %get3A_0 = arith.constant 0 : index
    %get3A_1 = arith.constant 0 : index
    %get3A_2 = vector.load %arg4[%get3A, %get3A_0, %get3A_1] : memref<1x1000x16xf32, #tpu.memory_space<vmem>>, vector<1x1000x1xf32>
    %get3A_3 = vector.shape_cast %get3A_2 : vector<1x1000x1xf32> to vector<1000x1xf32>
    %get3A_4 = arith.constant 0 : index
    %get3A_5 = arith.constant 0 : index
    %get3A_6 = arith.constant 0 : index
    %get3A_7 = vector.load %arg5[%get3A_4, %get3A_5, %get3A_6] : memref<1x1000x16xf32, #tpu.memory_space<vmem>>, vector<1x1000x1xf32>
    %get3A_8 = vector.shape_cast %get3A_7 : vector<1x1000x1xf32> to vector<1000x1xf32>
    %add3A = arith.addf %get3A_3, %get3A_8 : vector<1000x1xf32>
    %add3A_9 = arith.constant 1.000000e+00 : f32
    %add3A_10 = vector.broadcast %add3A_9 : f32 to vector<1000x1xf32>
    %add3A_11 = arith.addf %add3A, %add3A_10 : vector<1000x1xf32>
    %rsqrt3A = math.rsqrt %add3A_11 : vector<1000x1xf32>
    %get3A_12 = arith.constant 0 : index
    %get3A_13 = arith.constant 0 : index
    %get3A_14 = arith.constant 0 : index
    %get3A_15 = vector.load %arg1[%get3A_12, %get3A_13, %get3A_14] : memref<1x1000x64xf32, #tpu.memory_space<vmem>>, vector<1x1000x64xf32>
    %get3A_16 = vector.shape_cast %get3A_15 : vector<1x1000x64xf32> to vector<1000x64xf32>
    %get3A_17 = arith.constant 0 : index
    %get3A_18 = arith.constant 0 : index
    %get3A_19 = arith.constant 0 : index
    %get3A_20 = vector.load %arg2[%get3A_17, %get3A_18, %get3A_19] : memref<1x1000x64xf32, #tpu.memory_space<vmem>>, vector<1x1000x64xf32>
    %get3A_21 = vector.shape_cast %get3A_20 : vector<1x1000x64xf32> to vector<1000x64xf32>
    %add3A_22 = arith.addf %get3A_16, %get3A_21 : vector<1000x64xf32>
    %get3A_23 = arith.constant 0 : index
    %get3A_24 = arith.constant 0 : index
    %get3A_25 = vector.load %arg3[%get3A_23, %get3A_24] : memref<1000x64xf32, #tpu.memory_space<vmem>>, vector<1000x64xf32>
    %add3A_26 = arith.addf %add3A_22, %get3A_25 : vector<1000x64xf32>
    %mul3A = vector.broadcast %rsqrt3A : vector<1000x1xf32> to vector<1000x64xf32>
    %mul3A_27 = arith.mulf %mul3A, %add3A_26 : vector<1000x64xf32>
    %get3A_28 = arith.constant 0 : index
    %get3A_29 = arith.constant 0 : index
    %get3A_30 = vector.load %arg7[%get3A_28, %get3A_29] : memref<1x64xf32, #tpu.memory_space<vmem>>, vector<1x64xf32>
    %add3A_31 = vector.broadcast %get3A_30 : vector<1x64xf32> to vector<1000x64xf32>
    %add3A_32 = arith.addf %mul3A_27, %add3A_31 : vector<1000x64xf32>
    %max3A = arith.constant 0.000000e+00 : f32
    %max3A_33 = vector.broadcast %max3A : f32 to vector<1000x64xf32>
    %max3A_34 = arith.maximumf %add3A_32, %max3A_33 : vector<1000x64xf32>
    %get3A_35 = arith.constant 0 : index
    %get3A_36 = arith.constant 0 : index
    %get3A_37 = vector.load %arg6[%get3A_35, %get3A_36] : memref<1x64xf32, #tpu.memory_space<vmem>>, vector<1x64xf32>
    %mul3A_38 = vector.broadcast %get3A_37 : vector<1x64xf32> to vector<1000x64xf32>
    %mul3A_39 = arith.mulf %max3A_34, %mul3A_38 : vector<1000x64xf32>
    %reduce_sum3A = arith.constant dense<0.000000e+00> : vector<1000xf32>
    %reduce_sum3A_40 = vector.multi_reduction <add>, %mul3A_39, %reduce_sum3A [1] : vector<1000x64xf32> to vector<1000xf32>
    %broadcast_in_dim3A = vector.shape_cast %reduce_sum3A_40 : vector<1000xf32> to vector<1000x1xf32>
    %broadcast_in_dim3A_41 = vector.shape_cast %broadcast_in_dim3A : vector<1000x1xf32> to vector<1000x1xf32>
    %broadcast_in_dim3A_42 = vector.broadcast %broadcast_in_dim3A_41 : vector<1000x1xf32> to vector<1000x8xf32>
    %swap3A = arith.constant 0 : index
    %swap3A_43 = arith.constant 0 : index
    %swap3A_44 = vector.load %arg8[%swap3A, %swap3A_43] : memref<1000x8xf32, #tpu.memory_space<vmem>>, vector<1000x8xf32>
    tpu.vector_store %arg8[%swap3A, %swap3A_43], %broadcast_in_dim3A_42 {strides = array<i32>} : memref<1000x8xf32, #tpu.memory_space<vmem>>, vector<1000x8xf32>,
    return
  }
  func.func @transform_0(%arg0: i32) -> (i32, i32, i32) {
    %c0_i32 = arith.constant 0 : i32
    %c0_i32_0 = arith.constant 0 : i32
    %c0_i32_1 = arith.constant 0 : i32
    return %c0_i32, %arg0, %c0_i32_0 : i32, i32, i32
  }
  func.func @transform_1(%arg0: i32) -> (i32, i32, i32) {
    %c1_i32 = arith.constant 1 : i32
    %c0_i32 = arith.constant 0 : i32
    %c0_i32_0 = arith.constant 0 : i32
    return %c1_i32, %arg0, %c0_i32 : i32, i32, i32
  }
  func.func @transform_2(%arg0: i32) -> (i32, i32) {
    %c0_i32 = arith.constant 0 : i32
    %c0_i32_0 = arith.constant 0 : i32
    return %arg0, %c0_i32 : i32, i32
  }
  func.func @transform_3(%arg0: i32) -> (i32, i32, i32) {
    %c0_i32 = arith.constant 0 : i32
    %c0_i32_0 = arith.constant 0 : i32
    %c0_i32_1 = arith.constant 0 : i32
    return %c0_i32, %arg0, %c0_i32_0 : i32, i32, i32
  }
  func.func @transform_4(%arg0: i32) -> (i32, i32, i32) {
    %c1_i32 = arith.constant 1 : i32
    %c0_i32 = arith.constant 0 : i32
    %c0_i32_0 = arith.constant 0 : i32
    return %c1_i32, %arg0, %c0_i32 : i32, i32, i32
  }
  func.func @transform_5(%arg0: i32) -> (i32, i32) {
    %c0_i32 = arith.constant 0 : i32
    %c0_i32_0 = arith.constant 0 : i32
    %c0_i32_1 = arith.constant 0 : i32
    return %c0_i32, %c0_i32_0 : i32, i32
  }
  func.func @transform_6(%arg0: i32) -> (i32, i32) {
    %c0_i32 = arith.constant 0 : i32
    %c0_i32_0 = arith.constant 0 : i32
    %c0_i32_1 = arith.constant 0 : i32
    return %c0_i32, %c0_i32_0 : i32, i32
  }
  func.func @transform_7(%arg0: i32) -> (i32, i32) {
    %c0_i32 = arith.constant 0 : i32
    %c0_i32_0 = arith.constant 0 : i32
    return %arg0, %c0_i32 : i32, i32
  }
}

</mosaic_0001>

<sc_bundles>
// kernel: gcn_agg_128.3.cloned.1.call-start
scs
__scs_entry_jumppad:
0x0: {  	(pc) =	sbr.rel $0x88, $3  }
0x1: {  	(tag) =	ssettag $0x0;
	lr =	simm.s32 $0x1  }
0x2: {  	[smem:$0x3F99] =	sst lr;
	_ =	strace $0xD0000000  }
0x3: {  	_ = 	snop  }
0x4: {  	_ = 	snop  }
0x5: {  	_ = 	snop  }
0x6: {  	_ = 	snop  }
0x7: {  	_ = 	snop  }
__scs_overlays_trampoline_lowered:
0x8: {  	[smem:$0x3FA8] =	sst s0  }
0x9: {  	[smem:$0x3FA9] =	sst s1  }
0xa: {  	[smem:$0x3FAA] =	sst s2  }
0xb: {  	[smem:$0x3FAB] =	sst s3  }
0xc: {  	[smem:$0x3FAC] =	sst s4  }
0xd: {  	[smem:$0x3FAD] =	sst s5  }
0xe: {  	[smem:$0x3FAE] =	sst s6  }
0xf: {  	[smem:$0x3FAF] =	sst s7  }
0x10: {  	[smem:$0x3FB0] =	sst s8  }
0x11: {  	[smem:$0x3FB1] =	sst s9;
	s0 =	simm.s32 @!p0 $0x0  }
0x12: {  	s1 =	sld [smem:$0x3F97];
	s0 =	simm.s32 @p0 $0x1  }
0x13: {  	[smem:$0x3FB2] =	sst s0;
	s0 =	simm.s32 @!p1 $0x0  }
0x14: {  	s2 =	sld [smem:$0x3F96];
	s0 =	simm.s32 @p1 $0x1  }
0x15: {  	[smem:$0x3FB3] =	sst s0;
	s0 =	simm.s32 @!p2 $0x0  }
0x16: {  	s3 =	sld [smem:$0x3FDB];
	s0 =	simm.s32 @p2 $0x1  }
0x17: {  	s4 =	simm.s32 $0x1BF5;
	[smem:$0x3FB5] =	sst s0  }
0x18: {  	s0 =	sld [smem:$0x3F98];
	_ =	swait.ge [sflag:s4], $0x0  }
0x19: {  	s7 =	sld [smem:$0x3F99]  }
0x1a: {  	s8 =	sadd.s32 $0xFFFFE003, lr  }
0x1b: {  	s9 =	sadd.s32 $0xFFFFFEF7, lr;
	s5 =	simm.s32 $0xFFFFFFFF;
	p2 =	slt.u32 s8, $0xFFFFF086  }
0x1c: {  	p1 =	slt.u32 s9, $0xF7A;
	s5 =	simm.s32 @!p2 $0x0  }
0x1d: {  	s5 =	simm.s32 @p1 $0x1;
	p0 =	seq.s32 s7, s2  }
0x1e: {  	s7 =	smul.u32 @!p0 $0xF7A, s2;
	p2 =	seq.s32 @!p0 s5, $0x0  }
0x1f: {  	s9 =	smul.u32 $0xF7A, s1;
	s8 =	simm.s32 @!p0 $0x1BF5;
	p2 =	por !p2, p0  }
0x20: {  	[sflag:s8] =	ssyncset.s32 @!p0 $0xFFFFF086;
	s6 =	sadd.s32 @!p0 s3, s7;
	s7 =	simm.s32 @!p0 $0x108  }
0x21: {  	s3 =	sadd.s32 s3, s9;
	s6 =	sadd.s32 @!p0 $0x88, s6;
	s7 =	simm.s32 @p2 $0x1082  }
0x22: {  	[simem:s7], [sflag:s8] =	dma.local @!p0 [hbm:s6], $0xF7A  }
0x23: {  	s9 =	sor.u32 $0xD0000000, s2;
	s6 =	simm.s32 $0x108;
	_ =	swait.ge @!p0 [sflag:s8], $0x0  }
0x24: {  	s3 =	sadd.s32 $0x88, s3;
	s6 =	simm.s32 @!p1 $0x1082;
	[sflag:s4] =	ssyncset.s32 $0xFFFFF086  }
0x25: {  	[simem:s6], [sflag:s4] =	dma.local [hbm:s3], $0xF7A  }
0x26: {  	[smem:$0x3F99] =	sst s1;
	(tag) =	ssettag s2;
	_ =	strace s9  }
0x27: {  	s1 =	sld [smem:$0x3FA9]  }
0x28: {  	s2 =	sld [smem:$0x3FAA]  }
0x29: {  	s4 =	sld [smem:$0x3FAC]  }
0x2a: {  	p0 =	seq.s32 s5, $0x0;
	s5 =	sld [smem:$0x3FAD]  }
0x2b: {  	s6 =	sld [smem:$0x3FAE]  }
0x2c: {  	s7 =	sld [smem:$0x3FAF]  }
0x2d: {  	s3 =	simm.s32 $0x108;
	s8 =	sld [smem:$0x3FB0]  }
0x2e: {  	s3 =	simm.s32 @!p0 $0x1082;
	s9 =	sld [smem:$0x3FB1]  }
0x2f: {  	lr =	sadd.s32 s0, s3;
	s0 =	sld [smem:$0x3FA8]  }
0x30: {  	s3 =	sld [smem:$0x3FAB]  }
0x31: {  	[smem:$0x3FB4] =	sst s10  }
0x32: {  	s10 =	sld [smem:$0x3FB2];
	_ =	sdelay $0x3  }
0x33: {  	p0 =	seq.s32 s10, $0x1;
	s10 =	sld [smem:$0x3FB4];
	_ =	sdelay $0x3  }
0x34: {  	[smem:$0x3FB4] =	sst s10  }
0x35: {  	s10 =	sld [smem:$0x3FB3];
	_ =	sdelay $0x3  }
0x36: {  	p1 =	seq.s32 s10, $0x1;
	s10 =	sld [smem:$0x3FB4];
	_ =	sdelay $0x3  }
0x37: {  	[smem:$0x3FB4] =	sst s10  }
0x38: {  	s10 =	sld [smem:$0x3FB5]  }
0x39: {  	_ = 	snop;
	(pc) =	sbr.ind lr, $3  }
0x3a: {  	_ = 	snop  }
0x3b: {  	_ = 	snop  }
0x3c: {  	p2 =	seq.s32 s10, $0x1;
	s10 =	sld [smem:$0x3FB4]  }
0x3d: {  	_ =	shalt  }
0x3e: {  	_ =	shalt  }
0x3f: {  	_ =	shalt  }
0x40: {  	_ =	shalt  }
0x41: {  	_ =	shalt  }
0x42: {  	_ =	shalt  }
0x43: {  	_ =	shalt  }
0x44: {  	_ =	shalt  }
0x45: {  	_ =	shalt  }
0x46: {  	_ =	shalt  }
0x47: {  	_ =	shalt  }
0x48: {  	_ =	shalt  }
0x49: {  	_ =	shalt  }
0x4a: {  	_ =	shalt  }
0x4b: {  	_ =	shalt  }
0x4c: {  	_ =	shalt  }
0x4d: {  	_ =	shalt  }
0x4e: {  	_ =	shalt  }
0x4f: {  	_ =	shalt  }
0x50: {  	_ =	shalt  }
0x51: {  	_ =	shalt  }
0x52: {  	_ =	shalt  }
0x53: {  	_ =	shalt  }
0x54: {  	_ =	shalt  }
0x55: {  	_ =	shalt  }
0x56: {  	_ =	shalt  }
0x57: {  	_ =	shalt  }
0x58: {  	_ =	shalt  }
0x59: {  	_ =	shalt  }
0x5a: {  	_ =	shalt  }
0x5b: {  	_ =	shalt  }
0x5c: {  	_ =	shalt  }
0x5d: {  	_ =	shalt  }
0x5e: {  	_ =	shalt  }
0x5f: {  	_ =	shalt  }
0x60: {  	_ =	shalt  }
0x61: {  	_ =	shalt  }
0x62: {  	_ =	shalt  }
0x63: {  	_ =	shalt  }
0x64: {  	_ =	shalt  }
0x65: {  	_ =	shalt  }
0x66: {  	_ =	shalt  }
0x67: {  	_ =	shalt  }
0x68: {  	_ =	shalt  }
0x69: {  	_ =	shalt  }
0x6a: {  	_ =	shalt  }
0x6b: {  	_ =	shalt  }
0x6c: {  	_ =	shalt  }
0x6d: {  	_ =	shalt  }
0x6e: {  	_ =	shalt  }
0x6f: {  	_ =	shalt  }
0x70: {  	_ =	shalt  }
0x71: {  	_ =	shalt  }
0x72: {  	_ =	shalt  }
0x73: {  	_ =	shalt  }
0x74: {  	_ =	shalt  }
0x75: {  	_ =	shalt  }
0x76: {  	_ =	shalt  }
0x77: {  	_ =	shalt  }
0x78: {  	_ =	shalt  }
0x79: {  	_ =	shalt  }
0x7a: {  	_ =	shalt  }
0x7b: {  	_ =	shalt  }
0x7c: {  	_ =	shalt  }
0x7d: {  	_ =	shalt  }
0x7e: {  	_ =	shalt  }
0x7f: {  	_ =	shalt  }
0x80: {  	_ =	shalt  }
0x81: {  	_ =	shalt  }
0x82: {  	_ =	shalt  }
0x83: {  	_ =	shalt  }
0x84: {  	_ =	shalt  }
0x85: {  	_ =	shalt  }
0x86: {  	_ =	shalt  }
0x87: {  	_ =	shalt  }
.Lfunc_end0:
.L_simem_size_0:
called_computation.1_lowered:
.L_overlay_start_0:
0x88: {  	s2 =	sld [smem:$0x3FD9]  }
0x89: {  	s3 =	sld [smem:$0x3FFE];
	_ =	sdelay $0x1  }
0x8a: {  	s1 =	srdreg.scid  }
0x8b: {  	s0 =	sand.u32 $0x1, s1  }
0x8c: {  	s16 =	sshll.u32 s0, $0xA;
	s2 =	sadd.s32 s3, s2  }
0x8d: {  	s2 =	sadd.s32 s2, s16  }
0x8e: {  	[smem:$0x3FC0] =	sst s2  }
0x8f: {  	_ = 	snop  }
0x90: {  	(tm) =	ssettm $0x1  }
0x91: {  	s17 =	sld [smem:$0x3FFB];
	_ =	sdelay $0x3  }
0x92: {  	_ =	strace s17  }
0x93: {  	s2 =	sld [smem:$0x3FFC];
	_ =	sdelay $0x3  }
0x94: {  	_ =	strace s2  }
0x95: {  	s2 =	sld [smem:$0x3FFD];
	_ =	sdelay $0x3  }
0x96: {  	_ =	strace s2  }
0x97: {  	_ =	strace $0x8FFFFFFF  }
0x98: {  	s18 =	sld [smem:$0x3FDB];
	_ =	sdelay $0x1  }
0x99: {  	s19 =	simm.s32 $_scs_section_size  }
0x9a: {  	s4 =	simm.s32 $_size__tile_overlayer_lowered;
	s5 =	simm.s32 $_tile_overlayer_lowered  }
0x9b: {  	s22 =	simm.s32 $0x1BFF;
	s21 =	sshll.u32 s5, $0x1;
	s2 =	sadd.s32 s19, s18  }
0x9c: {  	s6 =	simm.s32 $0x0;
	s20 =	sshll.u32 s4, $0x1;
	s4 =	sadd.s32 s21, s2  }
0x9d: {  	[timem:s6], [sflag:s22] =	dma.local [hbm:s4], s20  }
0x9e: {  	_ =	swait.ge [sflag:s22], s20  }
0x9f: {  	s3 =	ssub.s32 $0x0, s20;
	[sflag:s22] =	ssyncset.done $0x0  }
0xa0: {  	[sflag:s22] =	ssyncadd.s32 s3;
	_ =	sdelay $0x1  }
0xa1: {  	s23 =	simm.s32 $0x1B8B  }
0xa2: {  	_ =	swait.ge [sflag:s23], $0x1  }
0xa3: {  	[sflag:s23] =	ssyncset.done $0x0  }
0xa4: {  	s25 =	simm.s32 $0x1B8E;
	s24 =	sld [smem:$0x3FFE];
	[sflag:s23] =	ssyncadd.s32 $0xFFFFFFFF  }
0xa5: {  	s26 =	simm.s32 $execute0_lowered;
	[smem:$0x3FD2] =	sst s25  }
0xa6: {  	s4 =	sshll.u32 s26, $0x1;
	_ =	strace $0x80000049;
	[dreg:$0x1] =	wrdreg $0xFFFFFFFF  }
0xa7: {  	s28 =	simm.s32 $_size_execute0_lowered;
	s2 =	sadd.s32 s2, s4;
	[dreg:$0x0] =	wrdreg $0x0  }
0xa8: {  	s4 =	sshll.u32 s28, $0x1;
	[dreg:$0x2] =	wrdreg s2  }
0xa9: {  	[dreg:$0x3] =	wrdreg s4  }
0xaa: {  	[dreg:$0x4] =	wrdreg $0xC0  }
0xab: {  	_ =	task [dreg:s6], $0x5FFFF  }
0xac: {  	[dreg:$0x1] =	wrdreg $0xFFFFFFFF  }
0xad: {  	[dreg:$0x0] =	wrdreg $0x60  }
0xae: {  	[dreg:$0x2] =	wrdreg s24  }
0xaf: {  	[dreg:$0x3] =	wrdreg $0xB2200  }
0xb0: {  	[dreg:$0x4] =	wrdreg $0x9  }
0xb1: {  	_ =	task.clear_ibuf [dreg:s6], $0x5FFFF;
	_ =	strace $0x90000049  }
0xb2: {  	s29 =	simm.s32 $0x9;
	_ =	strace $0x8000004B  }
0xb3: {  	_ =	swait.ge [sflag:s29], $0x1  }
0xb4: {  	[sflag:s29] =	ssyncadd.s32 $0xFFFFFFFF  }
0xb5: {  	_ =	strace $0x9000004B  }
0xb6: {  	_ =	sfence  }
0xb7: {  	s30 =	sld [smem:$0x0];
	_ =	sdelay $0x2  }
0xb8: {  	s31 =	sshll.u32 s1, $0xD;
	s1 =	sshrl.u32 s1, $0x2  }
0xb9: {  	s3 =	sand.u32 $0x4000, s31;
	s1 =	sadd.s32 s1, s30  }
0xba: {  	s0 =	sor.u32 s3, s0;
	s1 =	sshll.u32 s1, $0x11  }
0xbb: {  	s0 =	sor.u32 s1, s0  }
0xbc: {  	s0 =	sadd.s32 $0x8F2B, s0  }
0xbd: {  	[sflag:s0] =	ssyncadd.remote.s32 $0x1  }
0xbe: {  	_ =	sfence.sel $0xFFFF  }
0xbf: {  	[dreg:$0x0] =	wrdreg $0xFFFFFFFF;
	(pc) =	sbr.abs _section_cstart, $3  }
0xc0: {  	[dreg:$0x1] =	wrdreg $0xFFFFFFFF  }
0xc1: {  	_ =	task.clear_ibuf [dreg:s6], $0x2FFFF;
	_ =	strace $0x9FFFFFFF  }
0xc2: {  	(tm) =	ssettm $0x7FFFFFFF  }
0xc3: {  	_ =	shalt  }
tec
execute0_lowered:
.L_overlay_start_1:
0x0: {  	(tag) =	ssettag $0x1  }
0x1: {  	s0 =	srdreg.scid;
	s1 =	rddreg [dreg:$0x0]  }
0x2: {  	s7 =	stileid.u32;
	s2 =	rddreg [dreg:$0x1];
	s4 =	simm.s32 $0x0  }
0x3: {  	s28 =	simm.s32 $0x2710;
	s29 =	simm.s32 $0x28;
	s6 =	smul.u32 $0x50000, s7  }
0x4: {  	s30 =	simm.s32 $0x6220;
	s31 =	simm.s32 $0x8A20;
	s9 =	simm.s32 $0x7  }
0x5: {  	s10 =	simm.s32 $0x4;
	s11 =	simm.s32 $0x8;
	s6 =	sshrl.u32 s6, $0x2  }
0x6: {  	s0 =	sand.u32 $0x1, s0;
	[smem:$0x7FF] =	sst s4;
	s6 =	sadd.s32 s6, s2  }
0x7: {  	s4 =	sadd.s32 $0x65400, s1;
	s3 =	sshll.u32 s0, $0x4;
	s8 =	sadd.s32 $0x1400, s6  }
0x8: {  	_ =	strace $0x8000004A;
	s13 =	sadd.s32 $0x2800, s6;
	[dreg:$0x3] =	wrdreg s8  }
0x9: {  	s5 =	smul.u32 $0x28000, s0;
	s14 =	sadd.s32 $0x3C00, s6;
	[dreg:$0x4] =	wrdreg s13  }
0xa: {  	s0 =	ssub.s32 $0x2, s0;
	s15 =	sadd.s32 $0x5000, s6;
	[dreg:$0x5] =	wrdreg s14  }
0xb: {  	s3 =	sor.u32 s7, s3;
	s16 =	sadd.s32 $0x6400, s6;
	[dreg:$0x6] =	wrdreg s15  }
0xc: {  	s7 =	smul.u32 $0x14000, s7;
	s17 =	sadd.s32 $0x7800, s6;
	[dreg:$0x7] =	wrdreg s16  }
0xd: {  	s12 =	sshrl.u32 s0, $0x1;
	s18 =	sadd.s32 $0x8C00, s6;
	[dreg:$0x8] =	wrdreg s17  }
0xe: {  	s3 =	smul.u32 $0x4E2, s3;
	s19 =	sadd.s32 $0xA000, s6;
	[dreg:$0x9] =	wrdreg s18  }
0xf: {  	s0 =	ssub.s32 s0, s12;
	s20 =	sadd.s32 $0xB400, s6;
	[dreg:$0xa] =	wrdreg s19  }
0x10: {  	s12 =	simm.s32 $0x5;
	s21 =	sadd.s32 $0xC800, s6;
	[dreg:$0xb] =	wrdreg s20  }
0x11: {  	s22 =	sadd.s32 $0xDC00, s6;
	s23 =	sadd.s32 $0xF000, s6;
	[dreg:$0xc] =	wrdreg s21  }
0x12: {  	s24 =	sadd.s32 $0x10400, s6;
	s25 =	sadd.s32 $0x11800, s6;
	[dreg:$0xd] =	wrdreg s22  }
0x13: {  	s26 =	sshrl.u32 s7, $0x3;
	s3 =	sadd.s32 s3, s1;
	[dreg:$0xe] =	wrdreg s23  }
0x14: {  	s1 =	sadd.s32 s5, s1;
	s5 =	sadd.s32 s7, s2;
	[dreg:$0xf] =	wrdreg s24  }
0x15: {  	[dreg:$0x10] =	wrdreg s25;
	s20 =	sadd.s32 $0x12C00, s6;
	s23 =	smax.u32 s0, $0x1  }
0x16: {  	s25 =	simm.s32 $0x4E20;
	s0 =	simm.s32 $0x1;
	s6 =	simm.s32 $0x2  }
0x17: {  	s7 =	simm.s32 $0x6;
	s8 =	simm.s32 $0x3;
	s13 =	simm.s32 $0x9  }
0x18: {  	s14 =	simm.s32 $0xA;
	s15 =	simm.s32 $0x0;
	s21 =	sadd.s32 $0x1800, s3  }
0x19: {  	s1 =	sadd.s32 $0x8C600, s1;
	s22 =	sadd.s32 $0xB600, s3;
	s3 =	simm.s32 $0x9E20  }
0x1a: {  	v0 =	vimm.f32 $0.0e+00;
	s24 =	sadd.s32 s26, s1;
	s26 =	simm.s32 $0xB;
	s1 =	simm.s32 $0x7620  }
.LBB2_1:
0x1b: {  	s17 =	simm.s32 $0x0  }
0x1c: {  	s16 =	sand.u32 $0x7E00, s17  }
0x1d: {  	s17 =	sand.u32 $0x70, s17;
	s18 =	sshrl.u32 s16, $0x2  }
0x1e: {  	s16 =	simm.s32 $0x40;
	s18 =	sor.u32 s17, s18;
	s17 =	simm.s32 $0x0  }
.LBB2_2:
0x1f: {  	p0 =	sne.s32 s16, $0x4FC0  }
0x20: {  	[tilespmem:s18+$0x4E20] =	vst v0;
	s17 =	sadd.s32 $0x10, s17;
	s18 =	smov.u32 s16;
	s16 =	sadd.s32 $0x40, s16  }
.Ltmp0:
0x21: {  	(pc) =	sbr.rel @p0 .LBB2_2-.Ltmp0, $4  }
0x22: {  	_ = 	snop  }
0x23: {  	s18 =	sand.u32 $0x7E00, s18  }
0x24: {  	s19 =	sand.u32 $0x70, s17;
	s18 =	sshrl.u32 s18, $0x2  }
0x25: {  	s18 =	sor.u32 s19, s18  }
0x26: {  	[tilespmem:s18+$0x4E20] =	vst v0  }
0x27: {  	[spmem:s5] =	stream.linear.scatter [tilespmem:s25], [sflag:$0xB], $0x1400, $0x38;
	[tilespmem:$0x1F220] =	vst v63  }
0x28: {  	_ =	swait.ge [sflag:s26], $0x1400  }
0x29: {  	[sflag:s26] =	ssyncset.done $0x0  }
0x2a: {  	s16 =	rddreg [dreg:$0x3];
	[sflag:s26] =	ssyncadd.s32 $0xFFFFEC00  }
0x2b: {  	[spmem:s16] =	stream.linear.scatter [tilespmem:s25], [sflag:$0xB], $0x1400, $0x38;
	[tilespmem:$0x1F220] =	vst v63  }
0x2c: {  	_ =	swait.ge [sflag:s26], $0x1400  }
0x2d: {  	[sflag:s26] =	ssyncset.done $0x0  }
0x2e: {  	s19 =	rddreg [dreg:$0x4];
	[sflag:s26] =	ssyncadd.s32 $0xFFFFEC00  }
0x2f: {  	[spmem:s19] =	stream.linear.scatter [tilespmem:s25], [sflag:$0xB], $0x1400, $0x38;
	[tilespmem:$0x1F220] =	vst v63  }
0x30: {  	_ =	swait.ge [sflag:s26], $0x1400  }
0x31: {  	[sflag:s26] =	ssyncset.done $0x0  }
0x32: {  	s17 =	rddreg [dreg:$0x5];
	[sflag:s26] =	ssyncadd.s32 $0xFFFFEC00  }
0x33: {  	[spmem:s17] =	stream.linear.scatter [tilespmem:s25], [sflag:$0xB], $0x1400, $0x38;
	[tilespmem:$0x1F220] =	vst v63  }
0x34: {  	_ =	swait.ge [sflag:s26], $0x1400  }
0x35: {  	[sflag:s26] =	ssyncset.done $0x0  }
0x36: {  	s18 =	rddreg [dreg:$0x6];
	[sflag:s26] =	ssyncadd.s32 $0xFFFFEC00  }
0x37: {  	[spmem:s18] =	stream.linear.scatter [tilespmem:s25], [sflag:$0xB], $0x1400, $0x38;
	[tilespmem:$0x1F220] =	vst v63  }
0x38: {  	_ =	swait.ge [sflag:s26], $0x1400  }
0x39: {  	[sflag:s26] =	ssyncset.done $0x0  }
0x3a: {  	s19 =	rddreg [dreg:$0x7];
	[sflag:s26] =	ssyncadd.s32 $0xFFFFEC00  }
0x3b: {  	[spmem:s19] =	stream.linear.scatter [tilespmem:s25], [sflag:$0xB], $0x1400, $0x38;
	[tilespmem:$0x1F220] =	vst v63  }
0x3c: {  	_ =	swait.ge [sflag:s26], $0x1400  }
0x3d: {  	[sflag:s26] =	ssyncset.done $0x0  }
0x3e: {  	s17 =	rddreg [dreg:$0x8];
	[sflag:s26] =	ssyncadd.s32 $0xFFFFEC00  }
0x3f: {  	[spmem:s17] =	stream.linear.scatter [tilespmem:s25], [sflag:$0xB], $0x1400, $0x38;
	[tilespmem:$0x1F220] =	vst v63  }
0x40: {  	_ =	swait.ge [sflag:s26], $0x1400  }
0x41: {  	[sflag:s26] =	ssyncset.done $0x0  }
0x42: {  	s18 =	rddreg [dreg:$0x9];
	[sflag:s26] =	ssyncadd.s32 $0xFFFFEC00  }
0x43: {  	[spmem:s18] =	stream.linear.scatter [tilespmem:s25], [sflag:$0xB], $0x1400, $0x38;
	[tilespmem:$0x1F220] =	vst v63  }
0x44: {  	_ =	swait.ge [sflag:s26], $0x1400  }
0x45: {  	[sflag:s26] =	ssyncset.done $0x0  }
0x46: {  	s19 =	rddreg [dreg:$0xa];
	[sflag:s26] =	ssyncadd.s32 $0xFFFFEC00  }
0x47: {  	[spmem:s19] =	stream.linear.scatter [tilespmem:s25], [sflag:$0xB], $0x1400, $0x38;
	[tilespmem:$0x1F220] =	vst v63  }
0x48: {  	_ =	swait.ge [sflag:s26], $0x1400  }
0x49: {  	[sflag:s26] =	ssyncset.done $0x0  }
0x4a: {  	s17 =	rddreg [dreg:$0xb];
	[sflag:s26] =	ssyncadd.s32 $0xFFFFEC00  }
0x4b: {  	[spmem:s17] =	stream.linear.scatter [tilespmem:s25], [sflag:$0xB], $0x1400, $0x38;
	[tilespmem:$0x1F220] =	vst v63  }
0x4c: {  	_ =	swait.ge [sflag:s26], $0x1400  }
0x4d: {  	[sflag:s26] =	ssyncset.done $0x0  }
0x4e: {  	s18 =	rddreg [dreg:$0xc];
	[sflag:s26] =	ssyncadd.s32 $0xFFFFEC00  }
0x4f: {  	[spmem:s18] =	stream.linear.scatter [tilespmem:s25], [sflag:$0xB], $0x1400, $0x38;
	[tilespmem:$0x1F220] =	vst v63  }
0x50: {  	_ =	swait.ge [sflag:s26], $0x1400  }
0x51: {  	[sflag:s26] =	ssyncset.done $0x0  }
0x52: {  	s19 =	rddreg [dreg:$0xd];
	[sflag:s26] =	ssyncadd.s32 $0xFFFFEC00  }
0x53: {  	[spmem:s19] =	stream.linear.scatter [tilespmem:s25], [sflag:$0xB], $0x1400, $0x38;
	[tilespmem:$0x1F220] =	vst v63  }
0x54: {  	_ =	swait.ge [sflag:s26], $0x1400  }
0x55: {  	[sflag:s26] =	ssyncset.done $0x0  }
0x56: {  	s17 =	rddreg [dreg:$0xe];
	[sflag:s26] =	ssyncadd.s32 $0xFFFFEC00  }
0x57: {  	[spmem:s17] =	stream.linear.scatter [tilespmem:s25], [sflag:$0xB], $0x1400, $0x38;
	[tilespmem:$0x1F220] =	vst v63  }
0x58: {  	_ =	swait.ge [sflag:s26], $0x1400  }
0x59: {  	[sflag:s26] =	ssyncset.done $0x0  }
0x5a: {  	s18 =	rddreg [dreg:$0xf];
	[sflag:s26] =	ssyncadd.s32 $0xFFFFEC00  }
0x5b: {  	[spmem:s18] =	stream.linear.scatter [tilespmem:s25], [sflag:$0xB], $0x1400, $0x38;
	[tilespmem:$0x1F220] =	vst v63  }
0x5c: {  	_ =	swait.ge [sflag:s26], $0x1400  }
0x5d: {  	[sflag:s26] =	ssyncset.done $0x0  }
0x5e: {  	s19 =	rddreg [dreg:$0x10];
	[sflag:s26] =	ssyncadd.s32 $0xFFFFEC00  }
0x5f: {  	[spmem:s19] =	stream.linear.scatter [tilespmem:s25], [sflag:$0xB], $0x1400, $0x38;
	[tilespmem:$0x1F220] =	vst v63  }
0x60: {  	_ =	swait.ge [sflag:s26], $0x1400  }
0x61: {  	[sflag:s26] =	ssyncset.done $0x0  }
0x62: {  	[sflag:s26] =	ssyncadd.s32 $0xFFFFEC00  }
0x63: {  	[spmem:s20] =	stream.linear.scatter [tilespmem:s25], [sflag:$0xB], $0x1400, $0x38;
	[tilespmem:$0x1F220] =	vst v63  }
0x64: {  	_ =	swait.ge [sflag:s26], $0x1400  }
0x65: {  	[sflag:s26] =	ssyncset.done $0x0  }
0x66: {  	s17 =	simm.s32 $0x0;
	[sflag:s26] =	ssyncadd.s32 $0xFFFFEC00  }
0x67: {  	[tilespmem:s17], [sflag:$0xB] =	stream.linear.gather [hbm4b:s21+s17], $0x2710, $0x38;
	[tilespmem:$0x1F220] =	vst v63  }
0x68: {  	_ =	swait.ge [sflag:s26], $0x2710  }
0x69: {  	[sflag:s26] =	ssyncset.done $0x0  }
0x6a: {  	[sflag:s26] =	ssyncadd.s32 $0xFFFFD8F0  }
0x6b: {  	[tilespmem:s28], [sflag:$0xB] =	stream.linear.gather [hbm4b:s22+s17], $0x2710, $0x38;
	[tilespmem:$0x1F220] =	vst v63  }
0x6c: {  	_ =	swait.ge [sflag:s26], $0x2710  }
0x6d: {  	[sflag:s26] =	ssyncset.done $0x0  }
0x6e: {  	[sflag:s26] =	ssyncadd.s32 $0xFFFFD8F0  }
0x6f: {  	[bflag:$0x0] =	sbarrier.arrive $0xFFFF  }
0x70: {  	[tilespmem:s25], [sflag:$0x1] =	stream.indirect.gather [hbm4b:s4+s29], $0x80, s17, s29, $0xb8;
	[tilespmem:$0x1F220] =	vst v63  }
0x71: {  	_ = 	snop  }
0x72: {  	[tilespmem:s30], [sflag:$0x2] =	stream.indirect.gather [hbm4b:s4+s29], $0x80, s29, s29, $0xb8;
	[tilespmem:$0x1F220] =	vst v63  }
0x73: {  	s18 =	simm.s32 $0x50  }
0x74: {  	[tilespmem:s1], [sflag:$0x3] =	stream.indirect.gather [hbm4b:s4+s29], $0x80, s18, s29, $0xb8;
	[tilespmem:$0x1F220] =	vst v63  }
0x75: {  	s19 =	simm.s32 $0x78  }
0x76: {  	[tilespmem:s31], [sflag:$0x4] =	stream.indirect.gather [hbm4b:s4+s29], $0x80, s19, s29, $0xb8;
	[tilespmem:$0x1F220] =	vst v63  }
0x77: {  	_ =	swait.ge [sflag:s0], $0x1400  }
0x78: {  	[sflag:s0] =	ssyncset.done $0x0  }
0x79: {  	[sflag:s0] =	ssyncadd.s32 $0xFFFFEC00  }
0x7a: {  	[spmem:s2] =	stream.indirect.scatter.add.f32 [tilespmem:s25], [sflag:$0x6], $0x80, s28, s29, $0xb8;
	[tilespmem:$0x1F220] =	vst v63  }
0x7b: {  	s17 =	simm.s32 $0xA0  }
0x7c: {  	[tilespmem:s3], [sflag:$0x5] =	stream.indirect.gather [hbm4b:s4+s29], $0x80, s17, s29, $0xb8;
	[tilespmem:$0x1F220] =	vst v63  }
0x7d: {  	_ =	swait.ge [sflag:s6], $0x1400  }
0x7e: {  	[sflag:s6] =	ssyncset.done $0x0  }
0x7f: {  	s18 =	simm.s32 $0x2738;
	[sflag:s6] =	ssyncadd.s32 $0xFFFFEC00  }
0x80: {  	[spmem:s2] =	stream.indirect.scatter.add.f32 [tilespmem:s30], [sflag:$0x7], $0x80, s18, s29, $0xb8;
	[tilespmem:$0x1F220] =	vst v63  }
0x81: {  	_ =	swait.ge [sflag:s7], $0x1400  }
0x82: {  	[sflag:s7] =	ssyncset.done $0x0  }
0x83: {  	s19 =	simm.s32 $0xC8;
	[sflag:s7] =	ssyncadd.s32 $0xFFFFEC00  }
0x84: {  	[tilespmem:s25], [sflag:$0x1] =	stream.indirect.gather [hbm4b:s4+s29], $0x80, s19, s29, $0xb8;
	[tilespmem:$0x1F220] =	vst v63  }
0x85: {  	_ =	swait.ge [sflag:s8], $0x1400  }
0x86: {  	[sflag:s8] =	ssyncset.done $0x0  }
0x87: {  	s17 =	simm.s32 $0x2760;
	[sflag:s8] =	ssyncadd.s32 $0xFFFFEC00  }
0x88: {  	[spmem:s2] =	stream.indirect.scatter.add.f32 [tilespmem:s1], [sflag:$0x8], $0x80, s17, s29, $0xb8;
	[tilespmem:$0x1F220] =	vst v63  }
0x89: {  	_ =	swait.ge [sflag:s9], $0x1400  }
0x8a: {  	[sflag:s9] =	ssyncset.done $0x0  }
0x8b: {  	s18 =	simm.s32 $0xF0;
	[sflag:s9] =	ssyncadd.s32 $0xFFFFEC00  }
0x8c: {  	[tilespmem:s30], [sflag:$0x2] =	stream.indirect.gather [hbm4b:s4+s29], $0x80, s18, s29, $0xb8;
	[tilespmem:$0x1F220] =	vst v63  }
0x8d: {  	_ =	swait.ge [sflag:s10], $0x1400  }
0x8e: {  	[sflag:s10] =	ssyncset.done $0x0  }
0x8f: {  	s19 =	simm.s32 $0x2788;
	[sflag:s10] =	ssyncadd.s32 $0xFFFFEC00  }
0x90: {  	[spmem:s2] =	stream.indirect.scatter.add.f32 [tilespmem:s31], [sflag:$0x9], $0x80, s19, s29, $0xb8;
	[tilespmem:$0x1F220] =	vst v63  }
0x91: {  	_ =	swait.ge [sflag:s11], $0x1400  }
0x92: {  	[sflag:s11] =	ssyncset.done $0x0  }
0x93: {  	s17 =	simm.s32 $0x118;
	[sflag:s11] =	ssyncadd.s32 $0xFFFFEC00  }
0x94: {  	[tilespmem:s1], [sflag:$0x3] =	stream.indirect.gather [hbm4b:s4+s29], $0x80, s17, s29, $0xb8;
	[tilespmem:$0x1F220] =	vst v63  }
0x95: {  	_ =	swait.ge [sflag:s12], $0x1400  }
0x96: {  	[sflag:s12] =	ssyncset.done $0x0  }
0x97: {  	s18 =	simm.s32 $0x27B0;
	[sflag:s12] =	ssyncadd.s32 $0xFFFFEC00  }
0x98: {  	[spmem:s2] =	stream.indirect.scatter.add.f32 [tilespmem:s3], [sflag:$0xA], $0x80, s18, s29, $0xb8;
	[tilespmem:$0x1F220] =	vst v63  }
0x99: {  	_ =	swait.ge [sflag:s13], $0x1400  }
0x9a: {  	[sflag:s13] =	ssyncset.done $0x0  }
0x9b: {  	s19 =	simm.s32 $0x140;
	[sflag:s13] =	ssyncadd.s32 $0xFFFFEC00  }
0x9c: {  	[tilespmem:s31], [sflag:$0x4] =	stream.indirect.gather [hbm4b:s4+s29], $0x80, s19, s29, $0xb8;
	[tilespmem:$0x1F220] =	vst v63  }
0x9d: {  	_ =	swait.ge [sflag:s0], $0x1400  }
0x9e: {  	[sflag:s0] =	ssyncset.done $0x0  }
0x9f: {  	s17 =	simm.s32 $0x27D8;
	[sflag:s0] =	ssyncadd.s32 $0xFFFFEC00  }
0xa0: {  	[spmem:s2] =	stream.indirect.scatter.add.f32 [tilespmem:s25], [sflag:$0x6], $0x80, s17, s29, $0xb8;
	[tilespmem:$0x1F220] =	vst v63  }
0xa1: {  	_ =	swait.ge [sflag:s14], $0x1400  }
0xa2: {  	[sflag:s14] =	ssyncset.done $0x0  }
0xa3: {  	s18 =	simm.s32 $0x168;
	[sflag:s14] =	ssyncadd.s32 $0xFFFFEC00  }
0xa4: {  	[tilespmem:s3], [sflag:$0x5] =	stream.indirect.gather [hbm4b:s4+s29], $0x80, s18, s29, $0xb8;
	[tilespmem:$0x1F220] =	vst v63  }
0xa5: {  	_ =	swait.ge [sflag:s6], $0x1400  }
0xa6: {  	[sflag:s6] =	ssyncset.done $0x0  }
0xa7: {  	s19 =	simm.s32 $0x2800;
	[sflag:s6] =	ssyncadd.s32 $0xFFFFEC00  }
0xa8: {  	[spmem:s2] =	stream.indirect.scatter.add.f32 [tilespmem:s30], [sflag:$0x7], $0x80, s19, s29, $0xb8;
	[tilespmem:$0x1F220] =	vst v63  }
0xa9: {  	_ =	swait.ge [sflag:s7], $0x1400  }
0xaa: {  	[sflag:s7] =	ssyncset.done $0x0  }
0xab: {  	s17 =	simm.s32 $0x190;
	[sflag:s7] =	ssyncadd.s32 $0xFFFFEC00  }
0xac: {  	[tilespmem:s25], [sflag:$0x1] =	stream.indirect.gather [hbm4b:s4+s29], $0x80, s17, s29, $0xb8;
	[tilespmem:$0x1F220] =	vst v63  }
0xad: {  	_ =	swait.ge [sflag:s8], $0x1400  }
0xae: {  	[sflag:s8] =	ssyncset.done $0x0  }
0xaf: {  	s18 =	simm.s32 $0x2828;
	[sflag:s8] =	ssyncadd.s32 $0xFFFFEC00  }
0xb0: {  	[spmem:s2] =	stream.indirect.scatter.add.f32 [tilespmem:s1], [sflag:$0x8], $0x80, s18, s29, $0xb8;
	[tilespmem:$0x1F220] =	vst v63  }
0xb1: {  	_ =	swait.ge [sflag:s9], $0x1400  }
0xb2: {  	[sflag:s9] =	ssyncset.done $0x0  }
0xb3: {  	s19 =	simm.s32 $0x1B8;
	[sflag:s9] =	ssyncadd.s32 $0xFFFFEC00  }
0xb4: {  	[tilespmem:s30], [sflag:$0x2] =	stream.indirect.gather [hbm4b:s4+s29], $0x80, s19, s29, $0xb8;
	[tilespmem:$0x1F220] =	vst v63  }
0xb5: {  	_ =	swait.ge [sflag:s10], $0x1400  }
0xb6: {  	[sflag:s10] =	ssyncset.done $0x0  }
0xb7: {  	s17 =	simm.s32 $0x2850;
	[sflag:s10] =	ssyncadd.s32 $0xFFFFEC00  }
0xb8: {  	[spmem:s2] =	stream.indirect.scatter.add.f32 [tilespmem:s31], [sflag:$0x9], $0x80, s17, s29, $0xb8;
	[tilespmem:$0x1F220] =	vst v63  }
0xb9: {  	_ =	swait.ge [sflag:s11], $0x1400  }
0xba: {  	[sflag:s11] =	ssyncset.done $0x0  }
0xbb: {  	s18 =	simm.s32 $0x1E0;
	[sflag:s11] =	ssyncadd.s32 $0xFFFFEC00  }
0xbc: {  	[tilespmem:s1], [sflag:$0x3] =	stream.indirect.gather [hbm4b:s4+s29], $0x80, s18, s29, $0xb8;
	[tilespmem:$0x1F220] =	vst v63  }
0xbd: {  	_ =	swait.ge [sflag:s12], $0x1400  }
0xbe: {  	[sflag:s12] =	ssyncset.done $0x0  }
0xbf: {  	s19 =	simm.s32 $0x2878;
	[sflag:s12] =	ssyncadd.s32 $0xFFFFEC00  }
0xc0: {  	[spmem:s2] =	stream.indirect.scatter.add.f32 [tilespmem:s3], [sflag:$0xA], $0x80, s19, s29, $0xb8;
	[tilespmem:$0x1F220] =	vst v63  }
0xc1: {  	_ =	swait.ge [sflag:s13], $0x1400  }
0xc2: {  	[sflag:s13] =	ssyncset.done $0x0  }
0xc3: {  	s16 =	simm.s32 $0x320;
	s17 =	simm.s32 $0x208;
	[sflag:s13] =	ssyncadd.s32 $0xFFFFEC00  }
.LBB2_4:
0xc4: {  	[tilespmem:s31], [sflag:$0x4] =	stream.indirect.gather [hbm4b:s4+s29], $0x80, s17, s29, $0xb8;
	[tilespmem:$0x1F220] =	vst v63  }
0xc5: {  	s17 =	smov.u32 s16  }
0xc6: {  	p0 =	sne.s32 s16, $0x92E0;
	s16 =	sadd.s32 $0x320, s16;
	_ =	swait.ge [sflag:s0], $0x1400  }
0xc7: {  	s17 =	sshra.s32 s17, $0x2;
	[sflag:s0] =	ssyncset.done $0x0  }
0xc8: {  	s18 =	sadd.s32 $0x27D8, s17;
	[sflag:s0] =	ssyncadd.s32 $0xFFFFEC00  }
0xc9: {  	[spmem:s2] =	stream.indirect.scatter.add.f32 [tilespmem:s25], [sflag:$0x6], $0x80, s18, s29, $0xb8;
	[tilespmem:$0x1F220] =	vst v63  }
0xca: {  	_ =	swait.ge [sflag:s14], $0x1400  }
0xcb: {  	[sflag:s14] =	ssyncset.done $0x0  }
0xcc: {  	s18 =	sadd.s32 $0x168, s17;
	[sflag:s14] =	ssyncadd.s32 $0xFFFFEC00  }
0xcd: {  	[tilespmem:s3], [sflag:$0x5] =	stream.indirect.gather [hbm4b:s4+s29], $0x80, s18, s29, $0xb8;
	[tilespmem:$0x1F220] =	vst v63  }
0xce: {  	_ =	swait.ge [sflag:s6], $0x1400  }
0xcf: {  	[sflag:s6] =	ssyncset.done $0x0  }
0xd0: {  	s18 =	sadd.s32 $0x2800, s17;
	[sflag:s6] =	ssyncadd.s32 $0xFFFFEC00  }
0xd1: {  	[spmem:s2] =	stream.indirect.scatter.add.f32 [tilespmem:s30], [sflag:$0x7], $0x80, s18, s29, $0xb8;
	[tilespmem:$0x1F220] =	vst v63  }
0xd2: {  	_ =	swait.ge [sflag:s7], $0x1400  }
0xd3: {  	[sflag:s7] =	ssyncset.done $0x0  }
0xd4: {  	s18 =	sadd.s32 $0x190, s17;
	[sflag:s7] =	ssyncadd.s32 $0xFFFFEC00  }
0xd5: {  	[tilespmem:s25], [sflag:$0x1] =	stream.indirect.gather [hbm4b:s4+s29], $0x80, s18, s29, $0xb8;
	[tilespmem:$0x1F220] =	vst v63  }
0xd6: {  	_ =	swait.ge [sflag:s8], $0x1400  }
0xd7: {  	[sflag:s8] =	ssyncset.done $0x0  }
0xd8: {  	s18 =	sadd.s32 $0x2828, s17;
	[sflag:s8] =	ssyncadd.s32 $0xFFFFEC00  }
0xd9: {  	[spmem:s2] =	stream.indirect.scatter.add.f32 [tilespmem:s1], [sflag:$0x8], $0x80, s18, s29, $0xb8;
	[tilespmem:$0x1F220] =	vst v63  }
0xda: {  	_ =	swait.ge [sflag:s9], $0x1400  }
0xdb: {  	[sflag:s9] =	ssyncset.done $0x0  }
0xdc: {  	s18 =	sadd.s32 $0x1B8, s17;
	[sflag:s9] =	ssyncadd.s32 $0xFFFFEC00  }
0xdd: {  	[tilespmem:s30], [sflag:$0x2] =	stream.indirect.gather [hbm4b:s4+s29], $0x80, s18, s29, $0xb8;
	[tilespmem:$0x1F220] =	vst v63  }
0xde: {  	_ =	swait.ge [sflag:s10], $0x1400  }
0xdf: {  	[sflag:s10] =	ssyncset.done $0x0  }
0xe0: {  	s18 =	sadd.s32 $0x2850, s17;
	[sflag:s10] =	ssyncadd.s32 $0xFFFFEC00  }
0xe1: {  	[spmem:s2] =	stream.indirect.scatter.add.f32 [tilespmem:s31], [sflag:$0x9], $0x80, s18, s29, $0xb8;
	[tilespmem:$0x1F220] =	vst v63  }
0xe2: {  	_ =	swait.ge [sflag:s11], $0x1400  }
0xe3: {  	[sflag:s11] =	ssyncset.done $0x0  }
0xe4: {  	s18 =	sadd.s32 $0x1E0, s17;
	[sflag:s11] =	ssyncadd.s32 $0xFFFFEC00  }
0xe5: {  	[tilespmem:s1], [sflag:$0x3] =	stream.indirect.gather [hbm4b:s4+s29], $0x80, s18, s29, $0xb8;
	[tilespmem:$0x1F220] =	vst v63  }
0xe6: {  	_ =	swait.ge [sflag:s12], $0x1400  }
0xe7: {  	[sflag:s12] =	ssyncset.done $0x0  }
.Ltmp1:
0xe8: {  	s18 =	sadd.s32 $0x2878, s17;
	[sflag:s12] =	ssyncadd.s32 $0xFFFFEC00;
	(pc) =	sbr.rel @p0 .LBB2_4-.Ltmp1, $4  }
0xe9: {  	[spmem:s2] =	stream.indirect.scatter.add.f32 [tilespmem:s3], [sflag:$0xA], $0x80, s18, s29, $0xb8;
	[tilespmem:$0x1F220] =	vst v63  }
0xea: {  	_ =	swait.ge [sflag:s13], $0x1400  }
0xeb: {  	[sflag:s13] =	ssyncset.done $0x0  }
0xec: {  	s17 =	sadd.s32 $0x208, s17;
	[sflag:s13] =	ssyncadd.s32 $0xFFFFEC00  }
0xed: {  	[tilespmem:s31], [sflag:$0x4] =	stream.indirect.gather [hbm4b:s4+s29], $0x80, s17, s29, $0xb8;
	[tilespmem:$0x1F220] =	vst v63  }
0xee: {  	_ =	swait.ge [sflag:s0], $0x1400  }
0xef: {  	[sflag:s0] =	ssyncset.done $0x0  }
0xf0: {  	s16 =	simm.s32 $0x4D58;
	[sflag:s0] =	ssyncadd.s32 $0xFFFFEC00  }
0xf1: {  	[spmem:s2] =	stream.indirect.scatter.add.f32 [tilespmem:s25], [sflag:$0x6], $0x80, s16, s29, $0xb8;
	[tilespmem:$0x1F220] =	vst v63  }
0xf2: {  	_ =	swait.ge [sflag:s14], $0x1400  }
0xf3: {  	[sflag:s14] =	ssyncset.done $0x0  }
0xf4: {  	s19 =	simm.s32 $0x26E8;
	[sflag:s14] =	ssyncadd.s32 $0xFFFFEC00  }
0xf5: {  	[tilespmem:s3], [sflag:$0x5] =	stream.indirect.gather [hbm4b:s4+s29], $0x80, s19, s29, $0xb8;
	[tilespmem:$0x1F220] =	vst v63  }
0xf6: {  	_ =	swait.ge [sflag:s6], $0x1400  }
0xf7: {  	[sflag:s6] =	ssyncset.done $0x0  }
0xf8: {  	s17 =	simm.s32 $0x4D80;
	[sflag:s6] =	ssyncadd.s32 $0xFFFFEC00  }
0xf9: {  	[spmem:s2] =	stream.indirect.scatter.add.f32 [tilespmem:s30], [sflag:$0x7], $0x80, s17, s29, $0xb8;
	[tilespmem:$0x1F220] =	vst v63  }
0xfa: {  	_ =	swait.ge [sflag:s7], $0x1400  }
0xfb: {  	[sflag:s7] =	ssyncset.done $0x0  }
0xfc: {  	[sflag:s7] =	ssyncadd.s32 $0xFFFFEC00  }
0xfd: {  	_ =	swait.ge [sflag:s8], $0x1400  }
0xfe: {  	[sflag:s8] =	ssyncset.done $0x0  }
0xff: {  	s18 =	simm.s32 $0x4DA8;
	[sflag:s8] =	ssyncadd.s32 $0xFFFFEC00  }
0x100: {  	[spmem:s2] =	stream.indirect.scatter.add.f32 [tilespmem:s1], [sflag:$0x8], $0x80, s18, s29, $0xb8;
	[tilespmem:$0x1F220] =	vst v63  }
0x101: {  	_ =	swait.ge [sflag:s9], $0x1400  }
0x102: {  	[sflag:s9] =	ssyncset.done $0x0  }
0x103: {  	[sflag:s9] =	ssyncadd.s32 $0xFFFFEC00  }
0x104: {  	_ =	swait.ge [sflag:s10], $0x1400  }
0x105: {  	[sflag:s10] =	ssyncset.done $0x0  }
0x106: {  	s19 =	simm.s32 $0x4DD0;
	[sflag:s10] =	ssyncadd.s32 $0xFFFFEC00  }
0x107: {  	[spmem:s2] =	stream.indirect.scatter.add.f32 [tilespmem:s31], [sflag:$0x9], $0x80, s19, s29, $0xb8;
	[tilespmem:$0x1F220] =	vst v63  }
0x108: {  	_ =	swait.ge [sflag:s11], $0x1400  }
0x109: {  	[sflag:s11] =	ssyncset.done $0x0  }
0x10a: {  	[sflag:s11] =	ssyncadd.s32 $0xFFFFEC00  }
0x10b: {  	_ =	swait.ge [sflag:s12], $0x1400  }
0x10c: {  	[sflag:s12] =	ssyncset.done $0x0  }
0x10d: {  	s17 =	simm.s32 $0x4DF8;
	[sflag:s12] =	ssyncadd.s32 $0xFFFFEC00  }
0x10e: {  	[spmem:s2] =	stream.indirect.scatter.add.f32 [tilespmem:s3], [sflag:$0xA], $0x80, s17, s29, $0xb8;
	[tilespmem:$0x1F220] =	vst v63  }
0x10f: {  	_ =	swait.ge [sflag:s13], $0x1400  }
0x110: {  	[sflag:s13] =	ssyncset.done $0x0  }
0x111: {  	[sflag:s13] =	ssyncadd.s32 $0xFFFFEC00  }
0x112: {  	s18 =	stileid.u32;
	_ =	swait.ge [sflag:s14], $0x1400  }
0x113: {  	s15 =	sadd.s32 $0x1, s15;
	s16 =	sshll.u32 s18, $0x6;
	[sflag:s14] =	ssyncset.done $0x0  }
0x114: {  	p0 =	sne.s32 s15, s23;
	s16 =	sor.u32 $0x1C0B, s16;
	[sflag:s14] =	ssyncadd.s32 $0xFFFFEC00  }
.Ltmp2:
0x115: {  	s19 =	sshrl.u32 s5, $0x3;
	[bflag:$0x0] =	sbarrier.arrive $0xFFFF;
	(pc) =	sbr.rel @p0 .LBB2_1-.Ltmp2, $4  }
0x116: {  	[hbm:s24], [sflag:s16] =	dma.local [spmem:s19], $0x2800  }
0x117: {  	_ =	swait.ge [sflag:s26], $0x2800  }
0x118: {  	[sflag:s26] =	ssyncset.done $0x0  }
0x119: {  	[sflag:s26] =	ssyncadd.s32 $0xFFFFD800  }
0x11a: {  	_ =	sfence.sel $0x180000  }
0x11b: {  	[bflag:$0x0] =	sbarrier.arrive $0xFFFF  }
0x11c: {  	_ =	strace $0x9000004A  }
0x11d: {  	s0 =	stileid.u32;
	[bflag:$0x2] =	sbarrier.arrive $0xFFFF  }
0x11e: {  	p0 =	sne.s32 s0, $0x0;
	s0 =	rddreg [dreg:$0x2]  }
0x11f: {  	s0 =	sadd.s32 @!p0 $0x100000, s0  }
0x120: {  	[sflag:s0] =	ssyncadd.tile.s32 @!p0 $0x1;
	_ =	shalt  }
.Lfunc_end2:
_tile_overlayer_lowered:
.L_overlay_start_2:
0x121: {  	(tag) =	ssettag $0x2  }
0x122: {  	s0 =	rddreg [dreg:$0x0];
	s2 =	stileid.u32  }
0x123: {  	s1 =	rddreg [dreg:$0x1];
	p0 =	sne.s32 s2, $0x0  }
0x124: {  	s3 =	rddreg [dreg:$0x2];
	[bflag:$0x3] =	sbarrier.arrive $0xFFFF;
	s2 =	simm.s32 @!p0 $0x1C0B  }
0x125: {  	[timem:s3], [sflag:s2] =	dma.local @!p0 [hbm:s0], s1  }
0x126: {  	s0 =	simm.s32 @!p0 $0xB  }
0x127: {  	_ =	swait.ge @!p0 [sflag:s0], s1  }
0x128: {  	s1 =	ssub.s32 @!p0 $0x0, s1;
	[sflag:s0] =	ssyncset.done @!p0 $0x0  }
0x129: {  	[sflag:s0] =	ssyncadd.s32 @!p0 s1  }
0x12a: {  	[bflag:$0x3] =	sbarrier.arrive $0xFFFF  }
0x12b: {  	_ =	shalt  }

// kernel: gcn_agg_64.3.cloned.1.call-start
scs
__scs_entry_jumppad:
0x0: {  	(pc) =	sbr.rel $0x88, $3  }
0x1: {  	(tag) =	ssettag $0x0;
	lr =	simm.s32 $0x1  }
0x2: {  	[smem:$0x3F99] =	sst lr;
	_ =	strace $0xD0000000  }
0x3: {  	_ = 	snop  }
0x4: {  	_ = 	snop  }
0x5: {  	_ = 	snop  }
0x6: {  	_ = 	snop  }
0x7: {  	_ = 	snop  }
__scs_overlays_trampoline_lowered:
0x8: {  	[smem:$0x3FA8] =	sst s0  }
0x9: {  	[smem:$0x3FA9] =	sst s1  }
0xa: {  	[smem:$0x3FAA] =	sst s2  }
0xb: {  	[smem:$0x3FAB] =	sst s3  }
0xc: {  	[smem:$0x3FAC] =	sst s4  }
0xd: {  	[smem:$0x3FAD] =	sst s5  }
0xe: {  	[smem:$0x3FAE] =	sst s6  }
0xf: {  	[smem:$0x3FAF] =	sst s7  }
0x10: {  	[smem:$0x3FB0] =	sst s8  }
0x11: {  	[smem:$0x3FB1] =	sst s9;
	s0 =	simm.s32 @!p0 $0x0  }
0x12: {  	s1 =	sld [smem:$0x3F97];
	s0 =	simm.s32 @p0 $0x1  }
0x13: {  	[smem:$0x3FB2] =	sst s0;
	s0 =	simm.s32 @!p1 $0x0  }
0x14: {  	s2 =	sld [smem:$0x3F96];
	s0 =	simm.s32 @p1 $0x1  }
0x15: {  	[smem:$0x3FB3] =	sst s0;
	s0 =	simm.s32 @!p2 $0x0  }
0x16: {  	s3 =	sld [smem:$0x3FDB];
	s0 =	simm.s32 @p2 $0x1  }
0x17: {  	s4 =	simm.s32 $0x1BF5;
	[smem:$0x3FB5] =	sst s0  }
0x18: {  	s0 =	sld [smem:$0x3F98];
	_ =	swait.ge [sflag:s4], $0x0  }
0x19: {  	s7 =	sld [smem:$0x3F99]  }
0x1a: {  	s8 =	sadd.s32 $0xFFFFE003, lr  }
0x1b: {  	s9 =	sadd.s32 $0xFFFFFEF7, lr;
	s5 =	simm.s32 $0xFFFFFFFF;
	p2 =	slt.u32 s8, $0xFFFFF086  }
0x1c: {  	p1 =	slt.u32 s9, $0xF7A;
	s5 =	simm.s32 @!p2 $0x0  }
0x1d: {  	s5 =	simm.s32 @p1 $0x1;
	p0 =	seq.s32 s7, s2  }
0x1e: {  	s7 =	smul.u32 @!p0 $0xF7A, s2;
	p2 =	seq.s32 @!p0 s5, $0x0  }
0x1f: {  	s9 =	smul.u32 $0xF7A, s1;
	s8 =	simm.s32 @!p0 $0x1BF5;
	p2 =	por !p2, p0  }
0x20: {  	[sflag:s8] =	ssyncset.s32 @!p0 $0xFFFFF086;
	s6 =	sadd.s32 @!p0 s3, s7;
	s7 =	simm.s32 @!p0 $0x108  }
0x21: {  	s3 =	sadd.s32 s3, s9;
	s6 =	sadd.s32 @!p0 $0x88, s6;
	s7 =	simm.s32 @p2 $0x1082  }
0x22: {  	[simem:s7], [sflag:s8] =	dma.local @!p0 [hbm:s6], $0xF7A  }
0x23: {  	s9 =	sor.u32 $0xD0000000, s2;
	s6 =	simm.s32 $0x108;
	_ =	swait.ge @!p0 [sflag:s8], $0x0  }
0x24: {  	s3 =	sadd.s32 $0x88, s3;
	s6 =	simm.s32 @!p1 $0x1082;
	[sflag:s4] =	ssyncset.s32 $0xFFFFF086  }
0x25: {  	[simem:s6], [sflag:s4] =	dma.local [hbm:s3], $0xF7A  }
0x26: {  	[smem:$0x3F99] =	sst s1;
	(tag) =	ssettag s2;
	_ =	strace s9  }
0x27: {  	s1 =	sld [smem:$0x3FA9]  }
0x28: {  	s2 =	sld [smem:$0x3FAA]  }
0x29: {  	s4 =	sld [smem:$0x3FAC]  }
0x2a: {  	p0 =	seq.s32 s5, $0x0;
	s5 =	sld [smem:$0x3FAD]  }
0x2b: {  	s6 =	sld [smem:$0x3FAE]  }
0x2c: {  	s7 =	sld [smem:$0x3FAF]  }
0x2d: {  	s3 =	simm.s32 $0x108;
	s8 =	sld [smem:$0x3FB0]  }
0x2e: {  	s3 =	simm.s32 @!p0 $0x1082;
	s9 =	sld [smem:$0x3FB1]  }
0x2f: {  	lr =	sadd.s32 s0, s3;
	s0 =	sld [smem:$0x3FA8]  }
0x30: {  	s3 =	sld [smem:$0x3FAB]  }
0x31: {  	[smem:$0x3FB4] =	sst s10  }
0x32: {  	s10 =	sld [smem:$0x3FB2];
	_ =	sdelay $0x3  }
0x33: {  	p0 =	seq.s32 s10, $0x1;
	s10 =	sld [smem:$0x3FB4];
	_ =	sdelay $0x3  }
0x34: {  	[smem:$0x3FB4] =	sst s10  }
0x35: {  	s10 =	sld [smem:$0x3FB3];
	_ =	sdelay $0x3  }
0x36: {  	p1 =	seq.s32 s10, $0x1;
	s10 =	sld [smem:$0x3FB4];
	_ =	sdelay $0x3  }
0x37: {  	[smem:$0x3FB4] =	sst s10  }
0x38: {  	s10 =	sld [smem:$0x3FB5]  }
0x39: {  	_ = 	snop;
	(pc) =	sbr.ind lr, $3  }
0x3a: {  	_ = 	snop  }
0x3b: {  	_ = 	snop  }
0x3c: {  	p2 =	seq.s32 s10, $0x1;
	s10 =	sld [smem:$0x3FB4]  }
0x3d: {  	_ =	shalt  }
0x3e: {  	_ =	shalt  }
0x3f: {  	_ =	shalt  }
0x40: {  	_ =	shalt  }
0x41: {  	_ =	shalt  }
0x42: {  	_ =	shalt  }
0x43: {  	_ =	shalt  }
0x44: {  	_ =	shalt  }
0x45: {  	_ =	shalt  }
0x46: {  	_ =	shalt  }
0x47: {  	_ =	shalt  }
0x48: {  	_ =	shalt  }
0x49: {  	_ =	shalt  }
0x4a: {  	_ =	shalt  }
0x4b: {  	_ =	shalt  }
0x4c: {  	_ =	shalt  }
0x4d: {  	_ =	shalt  }
0x4e: {  	_ =	shalt  }
0x4f: {  	_ =	shalt  }
0x50: {  	_ =	shalt  }
0x51: {  	_ =	shalt  }
0x52: {  	_ =	shalt  }
0x53: {  	_ =	shalt  }
0x54: {  	_ =	shalt  }
0x55: {  	_ =	shalt  }
0x56: {  	_ =	shalt  }
0x57: {  	_ =	shalt  }
0x58: {  	_ =	shalt  }
0x59: {  	_ =	shalt  }
0x5a: {  	_ =	shalt  }
0x5b: {  	_ =	shalt  }
0x5c: {  	_ =	shalt  }
0x5d: {  	_ =	shalt  }
0x5e: {  	_ =	shalt  }
0x5f: {  	_ =	shalt  }
0x60: {  	_ =	shalt  }
0x61: {  	_ =	shalt  }
0x62: {  	_ =	shalt  }
0x63: {  	_ =	shalt  }
0x64: {  	_ =	shalt  }
0x65: {  	_ =	shalt  }
0x66: {  	_ =	shalt  }
0x67: {  	_ =	shalt  }
0x68: {  	_ =	shalt  }
0x69: {  	_ =	shalt  }
0x6a: {  	_ =	shalt  }
0x6b: {  	_ =	shalt  }
0x6c: {  	_ =	shalt  }
0x6d: {  	_ =	shalt  }
0x6e: {  	_ =	shalt  }
0x6f: {  	_ =	shalt  }
0x70: {  	_ =	shalt  }
0x71: {  	_ =	shalt  }
0x72: {  	_ =	shalt  }
0x73: {  	_ =	shalt  }
0x74: {  	_ =	shalt  }
0x75: {  	_ =	shalt  }
0x76: {  	_ =	shalt  }
0x77: {  	_ =	shalt  }
0x78: {  	_ =	shalt  }
0x79: {  	_ =	shalt  }
0x7a: {  	_ =	shalt  }
0x7b: {  	_ =	shalt  }
0x7c: {  	_ =	shalt  }
0x7d: {  	_ =	shalt  }
0x7e: {  	_ =	shalt  }
0x7f: {  	_ =	shalt  }
0x80: {  	_ =	shalt  }
0x81: {  	_ =	shalt  }
0x82: {  	_ =	shalt  }
0x83: {  	_ =	shalt  }
0x84: {  	_ =	shalt  }
0x85: {  	_ =	shalt  }
0x86: {  	_ =	shalt  }
0x87: {  	_ =	shalt  }
.Lfunc_end0:
.L_simem_size_0:
called_computation.2_lowered:
.L_overlay_start_0:
0x88: {  	s2 =	sld [smem:$0x3FD9]  }
0x89: {  	s3 =	sld [smem:$0x3FFE];
	_ =	sdelay $0x1  }
0x8a: {  	s1 =	srdreg.scid  }
0x8b: {  	s0 =	sand.u32 $0x1, s1  }
0x8c: {  	s16 =	sshll.u32 s0, $0xA;
	s2 =	sadd.s32 s3, s2  }
0x8d: {  	s2 =	sadd.s32 s2, s16  }
0x8e: {  	[smem:$0x3FC0] =	sst s2  }
0x8f: {  	_ = 	snop  }
0x90: {  	(tm) =	ssettm $0x1  }
0x91: {  	s17 =	sld [smem:$0x3FFB];
	_ =	sdelay $0x3  }
0x92: {  	_ =	strace s17  }
0x93: {  	s2 =	sld [smem:$0x3FFC];
	_ =	sdelay $0x3  }
0x94: {  	_ =	strace s2  }
0x95: {  	s2 =	sld [smem:$0x3FFD];
	_ =	sdelay $0x3  }
0x96: {  	_ =	strace s2  }
0x97: {  	_ =	strace $0x8FFFFFFF  }
0x98: {  	s18 =	sld [smem:$0x3FDB];
	_ =	sdelay $0x1  }
0x99: {  	s19 =	simm.s32 $_scs_section_size  }
0x9a: {  	s4 =	simm.s32 $_size__tile_overlayer_lowered;
	s5 =	simm.s32 $_tile_overlayer_lowered  }
0x9b: {  	s22 =	simm.s32 $0x1BFF;
	s21 =	sshll.u32 s5, $0x1;
	s2 =	sadd.s32 s19, s18  }
0x9c: {  	s6 =	simm.s32 $0x0;
	s20 =	sshll.u32 s4, $0x1;
	s4 =	sadd.s32 s21, s2  }
0x9d: {  	[timem:s6], [sflag:s22] =	dma.local [hbm:s4], s20  }
0x9e: {  	_ =	swait.ge [sflag:s22], s20  }
0x9f: {  	s3 =	ssub.s32 $0x0, s20;
	[sflag:s22] =	ssyncset.done $0x0  }
0xa0: {  	[sflag:s22] =	ssyncadd.s32 s3;
	_ =	sdelay $0x1  }
0xa1: {  	s23 =	simm.s32 $0x1B8B  }
0xa2: {  	_ =	swait.ge [sflag:s23], $0x1  }
0xa3: {  	[sflag:s23] =	ssyncset.done $0x0  }
0xa4: {  	s25 =	simm.s32 $0x1B8E;
	s24 =	sld [smem:$0x3FFE];
	[sflag:s23] =	ssyncadd.s32 $0xFFFFFFFF  }
0xa5: {  	s26 =	simm.s32 $execute0_lowered;
	[smem:$0x3FD2] =	sst s25  }
0xa6: {  	s4 =	sshll.u32 s26, $0x1;
	_ =	strace $0x8000004C;
	[dreg:$0x1] =	wrdreg $0xFFFFFFFF  }
0xa7: {  	s28 =	simm.s32 $_size_execute0_lowered;
	s2 =	sadd.s32 s2, s4;
	[dreg:$0x0] =	wrdreg $0x0  }
0xa8: {  	s4 =	sshll.u32 s28, $0x1;
	[dreg:$0x2] =	wrdreg s2  }
0xa9: {  	[dreg:$0x3] =	wrdreg s4  }
0xaa: {  	[dreg:$0x4] =	wrdreg $0xC0  }
0xab: {  	_ =	task [dreg:s6], $0x5FFFF  }
0xac: {  	[dreg:$0x1] =	wrdreg $0xFFFFFFFF  }
0xad: {  	[dreg:$0x0] =	wrdreg $0x60  }
0xae: {  	[dreg:$0x2] =	wrdreg s24  }
0xaf: {  	[dreg:$0x3] =	wrdreg $0x80200  }
0xb0: {  	[dreg:$0x4] =	wrdreg $0x9  }
0xb1: {  	_ =	task.clear_ibuf [dreg:s6], $0x5FFFF;
	_ =	strace $0x9000004C  }
0xb2: {  	s29 =	simm.s32 $0x9;
	_ =	strace $0x8000004E  }
0xb3: {  	_ =	swait.ge [sflag:s29], $0x1  }
0xb4: {  	[sflag:s29] =	ssyncadd.s32 $0xFFFFFFFF  }
0xb5: {  	_ =	strace $0x9000004E  }
0xb6: {  	_ =	sfence  }
0xb7: {  	s30 =	sld [smem:$0x0];
	_ =	sdelay $0x2  }
0xb8: {  	s31 =	sshll.u32 s1, $0xD;
	s1 =	sshrl.u32 s1, $0x2  }
0xb9: {  	s3 =	sand.u32 $0x4000, s31;
	s1 =	sadd.s32 s1, s30  }
0xba: {  	s0 =	sor.u32 s3, s0;
	s1 =	sshll.u32 s1, $0x11  }
0xbb: {  	s0 =	sor.u32 s1, s0  }
0xbc: {  	s0 =	sadd.s32 $0x8F2B, s0  }
0xbd: {  	[sflag:s0] =	ssyncadd.remote.s32 $0x1  }
0xbe: {  	_ =	sfence.sel $0xFFFF  }
0xbf: {  	[dreg:$0x0] =	wrdreg $0xFFFFFFFF;
	(pc) =	sbr.abs _section_cstart, $3  }
0xc0: {  	[dreg:$0x1] =	wrdreg $0xFFFFFFFF  }
0xc1: {  	_ =	task.clear_ibuf [dreg:s6], $0x2FFFF;
	_ =	strace $0x9FFFFFFF  }
0xc2: {  	(tm) =	ssettm $0x7FFFFFFF  }
0xc3: {  	_ =	shalt  }
tec
execute0_lowered:
.L_overlay_start_1:
0x0: {  	(tag) =	ssettag $0x1  }
0x1: {  	s0 =	srdreg.scid;
	s1 =	rddreg [dreg:$0x0]  }
0x2: {  	s7 =	stileid.u32;
	s2 =	rddreg [dreg:$0x1];
	s4 =	simm.s32 $0x0  }
0x3: {  	s28 =	simm.s32 $0x2710;
	s29 =	simm.s32 $0x28;
	s6 =	smul.u32 $0x28000, s7  }
0x4: {  	s30 =	simm.s32 $0x5820;
	s31 =	simm.s32 $0x6C20;
	s9 =	simm.s32 $0x7  }
0x5: {  	s10 =	simm.s32 $0x4;
	s11 =	simm.s32 $0x8;
	s6 =	sshrl.u32 s6, $0x2  }
0x6: {  	s0 =	sand.u32 $0x1, s0;
	[smem:$0x7FF] =	sst s4;
	s6 =	sadd.s32 s6, s2  }
0x7: {  	s4 =	sadd.s32 $0x65400, s1;
	s3 =	sshll.u32 s0, $0x4;
	s8 =	sadd.s32 $0xA00, s6  }
0x8: {  	_ =	strace $0x8000004D;
	s13 =	sadd.s32 $0x1400, s6;
	[dreg:$0x3] =	wrdreg s8  }
0x9: {  	s5 =	smul.u32 $0x14000, s0;
	s14 =	sadd.s32 $0x1E00, s6;
	[dreg:$0x4] =	wrdreg s13  }
0xa: {  	s0 =	ssub.s32 $0x2, s0;
	s15 =	sadd.s32 $0x2800, s6;
	[dreg:$0x5] =	wrdreg s14  }
0xb: {  	s3 =	sor.u32 s7, s3;
	s16 =	sadd.s32 $0x3200, s6;
	[dreg:$0x6] =	wrdreg s15  }
0xc: {  	s7 =	smul.u32 $0xA000, s7;
	s17 =	sadd.s32 $0x3C00, s6;
	[dreg:$0x7] =	wrdreg s16  }
0xd: {  	s12 =	sshrl.u32 s0, $0x1;
	s18 =	sadd.s32 $0x4600, s6;
	[dreg:$0x8] =	wrdreg s17  }
0xe: {  	s3 =	smul.u32 $0x4E2, s3;
	s19 =	sadd.s32 $0x5000, s6;
	[dreg:$0x9] =	wrdreg s18  }
0xf: {  	s0 =	ssub.s32 s0, s12;
	s20 =	sadd.s32 $0x5A00, s6;
	[dreg:$0xa] =	wrdreg s19  }
0x10: {  	s12 =	simm.s32 $0x5;
	s21 =	sadd.s32 $0x6400, s6;
	[dreg:$0xb] =	wrdreg s20  }
0x11: {  	s22 =	sadd.s32 $0x6E00, s6;
	s23 =	sadd.s32 $0x7800, s6;
	[dreg:$0xc] =	wrdreg s21  }
0x12: {  	s24 =	sadd.s32 $0x8200, s6;
	s25 =	sadd.s32 $0x8C00, s6;
	[dreg:$0xd] =	wrdreg s22  }
0x13: {  	s26 =	sshrl.u32 s7, $0x3;
	s3 =	sadd.s32 s3, s1;
	[dreg:$0xe] =	wrdreg s23  }
0x14: {  	s1 =	sadd.s32 s5, s1;
	s5 =	sadd.s32 s7, s2;
	[dreg:$0xf] =	wrdreg s24  }
0x15: {  	[dreg:$0x10] =	wrdreg s25;
	s20 =	sadd.s32 $0x9600, s6;
	s23 =	smax.u32 s0, $0x1  }
0x16: {  	s25 =	simm.s32 $0x4E20;
	s0 =	simm.s32 $0x1;
	s6 =	simm.s32 $0x2  }
0x17: {  	s7 =	simm.s32 $0x6;
	s8 =	simm.s32 $0x3;
	s13 =	simm.s32 $0x9  }
0x18: {  	s14 =	simm.s32 $0xA;
	s15 =	simm.s32 $0x0;
	s21 =	sadd.s32 $0x1800, s3  }
0x19: {  	s1 =	sadd.s32 $0x78E00, s1;
	s22 =	sadd.s32 $0xB600, s3;
	s3 =	simm.s32 $0x7620  }
0x1a: {  	v0 =	vimm.f32 $0.0e+00;
	s24 =	sadd.s32 s26, s1;
	s26 =	simm.s32 $0xB;
	s1 =	simm.s32 $0x6220  }
.LBB2_1:
0x1b: {  	s17 =	simm.s32 $0x0  }
0x1c: {  	s16 =	sand.u32 $0x3F00, s17  }
0x1d: {  	s17 =	sand.u32 $0x30, s17;
	s18 =	sshrl.u32 s16, $0x2  }
0x1e: {  	s16 =	simm.s32 $0x40;
	s18 =	sor.u32 s17, s18;
	s17 =	simm.s32 $0x0  }
.LBB2_2:
0x1f: {  	p0 =	sne.s32 s16, $0x27C0  }
0x20: {  	[tilespmem:s18+$0x4E20] =	vst v0;
	s17 =	sadd.s32 $0x10, s17;
	s18 =	smov.u32 s16;
	s16 =	sadd.s32 $0x40, s16  }
.Ltmp0:
0x21: {  	(pc) =	sbr.rel @p0 .LBB2_2-.Ltmp0, $4  }
0x22: {  	_ = 	snop  }
0x23: {  	s18 =	sand.u32 $0x3F00, s18  }
0x24: {  	s19 =	sand.u32 $0x30, s17;
	s18 =	sshrl.u32 s18, $0x2  }
0x25: {  	s18 =	sor.u32 s19, s18  }
0x26: {  	[tilespmem:s18+$0x4E20] =	vst v0  }
0x27: {  	[spmem:s5] =	stream.linear.scatter [tilespmem:s25], [sflag:$0xB], $0xA00, $0x38;
	[tilespmem:$0x12020] =	vst v63  }
0x28: {  	_ =	swait.ge [sflag:s26], $0xA00  }
0x29: {  	[sflag:s26] =	ssyncset.done $0x0  }
0x2a: {  	s16 =	rddreg [dreg:$0x3];
	[sflag:s26] =	ssyncadd.s32 $0xFFFFF600  }
0x2b: {  	[spmem:s16] =	stream.linear.scatter [tilespmem:s25], [sflag:$0xB], $0xA00, $0x38;
	[tilespmem:$0x12020] =	vst v63  }
0x2c: {  	_ =	swait.ge [sflag:s26], $0xA00  }
0x2d: {  	[sflag:s26] =	ssyncset.done $0x0  }
0x2e: {  	s19 =	rddreg [dreg:$0x4];
	[sflag:s26] =	ssyncadd.s32 $0xFFFFF600  }
0x2f: {  	[spmem:s19] =	stream.linear.scatter [tilespmem:s25], [sflag:$0xB], $0xA00, $0x38;
	[tilespmem:$0x12020] =	vst v63  }
0x30: {  	_ =	swait.ge [sflag:s26], $0xA00  }
0x31: {  	[sflag:s26] =	ssyncset.done $0x0  }
0x32: {  	s17 =	rddreg [dreg:$0x5];
	[sflag:s26] =	ssyncadd.s32 $0xFFFFF600  }
0x33: {  	[spmem:s17] =	stream.linear.scatter [tilespmem:s25], [sflag:$0xB], $0xA00, $0x38;
	[tilespmem:$0x12020] =	vst v63  }
0x34: {  	_ =	swait.ge [sflag:s26], $0xA00  }
0x35: {  	[sflag:s26] =	ssyncset.done $0x0  }
0x36: {  	s18 =	rddreg [dreg:$0x6];
	[sflag:s26] =	ssyncadd.s32 $0xFFFFF600  }
0x37: {  	[spmem:s18] =	stream.linear.scatter [tilespmem:s25], [sflag:$0xB], $0xA00, $0x38;
	[tilespmem:$0x12020] =	vst v63  }
0x38: {  	_ =	swait.ge [sflag:s26], $0xA00  }
0x39: {  	[sflag:s26] =	ssyncset.done $0x0  }
0x3a: {  	s19 =	rddreg [dreg:$0x7];
	[sflag:s26] =	ssyncadd.s32 $0xFFFFF600  }
0x3b: {  	[spmem:s19] =	stream.linear.scatter [tilespmem:s25], [sflag:$0xB], $0xA00, $0x38;
	[tilespmem:$0x12020] =	vst v63  }
0x3c: {  	_ =	swait.ge [sflag:s26], $0xA00  }
0x3d: {  	[sflag:s26] =	ssyncset.done $0x0  }
0x3e: {  	s17 =	rddreg [dreg:$0x8];
	[sflag:s26] =	ssyncadd.s32 $0xFFFFF600  }
0x3f: {  	[spmem:s17] =	stream.linear.scatter [tilespmem:s25], [sflag:$0xB], $0xA00, $0x38;
	[tilespmem:$0x12020] =	vst v63  }
0x40: {  	_ =	swait.ge [sflag:s26], $0xA00  }
0x41: {  	[sflag:s26] =	ssyncset.done $0x0  }
0x42: {  	s18 =	rddreg [dreg:$0x9];
	[sflag:s26] =	ssyncadd.s32 $0xFFFFF600  }
0x43: {  	[spmem:s18] =	stream.linear.scatter [tilespmem:s25], [sflag:$0xB], $0xA00, $0x38;
	[tilespmem:$0x12020] =	vst v63  }
0x44: {  	_ =	swait.ge [sflag:s26], $0xA00  }
0x45: {  	[sflag:s26] =	ssyncset.done $0x0  }
0x46: {  	s19 =	rddreg [dreg:$0xa];
	[sflag:s26] =	ssyncadd.s32 $0xFFFFF600  }
0x47: {  	[spmem:s19] =	stream.linear.scatter [tilespmem:s25], [sflag:$0xB], $0xA00, $0x38;
	[tilespmem:$0x12020] =	vst v63  }
0x48: {  	_ =	swait.ge [sflag:s26], $0xA00  }
0x49: {  	[sflag:s26] =	ssyncset.done $0x0  }
0x4a: {  	s17 =	rddreg [dreg:$0xb];
	[sflag:s26] =	ssyncadd.s32 $0xFFFFF600  }
0x4b: {  	[spmem:s17] =	stream.linear.scatter [tilespmem:s25], [sflag:$0xB], $0xA00, $0x38;
	[tilespmem:$0x12020] =	vst v63  }
0x4c: {  	_ =	swait.ge [sflag:s26], $0xA00  }
0x4d: {  	[sflag:s26] =	ssyncset.done $0x0  }
0x4e: {  	s18 =	rddreg [dreg:$0xc];
	[sflag:s26] =	ssyncadd.s32 $0xFFFFF600  }
0x4f: {  	[spmem:s18] =	stream.linear.scatter [tilespmem:s25], [sflag:$0xB], $0xA00, $0x38;
	[tilespmem:$0x12020] =	vst v63  }
0x50: {  	_ =	swait.ge [sflag:s26], $0xA00  }
0x51: {  	[sflag:s26] =	ssyncset.done $0x0  }
0x52: {  	s19 =	rddreg [dreg:$0xd];
	[sflag:s26] =	ssyncadd.s32 $0xFFFFF600  }
0x53: {  	[spmem:s19] =	stream.linear.scatter [tilespmem:s25], [sflag:$0xB], $0xA00, $0x38;
	[tilespmem:$0x12020] =	vst v63  }
0x54: {  	_ =	swait.ge [sflag:s26], $0xA00  }
0x55: {  	[sflag:s26] =	ssyncset.done $0x0  }
0x56: {  	s17 =	rddreg [dreg:$0xe];
	[sflag:s26] =	ssyncadd.s32 $0xFFFFF600  }
0x57: {  	[spmem:s17] =	stream.linear.scatter [tilespmem:s25], [sflag:$0xB], $0xA00, $0x38;
	[tilespmem:$0x12020] =	vst v63  }
0x58: {  	_ =	swait.ge [sflag:s26], $0xA00  }
0x59: {  	[sflag:s26] =	ssyncset.done $0x0  }
0x5a: {  	s18 =	rddreg [dreg:$0xf];
	[sflag:s26] =	ssyncadd.s32 $0xFFFFF600  }
0x5b: {  	[spmem:s18] =	stream.linear.scatter [tilespmem:s25], [sflag:$0xB], $0xA00, $0x38;
	[tilespmem:$0x12020] =	vst v63  }
0x5c: {  	_ =	swait.ge [sflag:s26], $0xA00  }
0x5d: {  	[sflag:s26] =	ssyncset.done $0x0  }
0x5e: {  	s19 =	rddreg [dreg:$0x10];
	[sflag:s26] =	ssyncadd.s32 $0xFFFFF600  }
0x5f: {  	[spmem:s19] =	stream.linear.scatter [tilespmem:s25], [sflag:$0xB], $0xA00, $0x38;
	[tilespmem:$0x12020] =	vst v63  }
0x60: {  	_ =	swait.ge [sflag:s26], $0xA00  }
0x61: {  	[sflag:s26] =	ssyncset.done $0x0  }
0x62: {  	[sflag:s26] =	ssyncadd.s32 $0xFFFFF600  }
0x63: {  	[spmem:s20] =	stream.linear.scatter [tilespmem:s25], [sflag:$0xB], $0xA00, $0x38;
	[tilespmem:$0x12020] =	vst v63  }
0x64: {  	_ =	swait.ge [sflag:s26], $0xA00  }
0x65: {  	[sflag:s26] =	ssyncset.done $0x0  }
0x66: {  	s17 =	simm.s32 $0x0;
	[sflag:s26] =	ssyncadd.s32 $0xFFFFF600  }
0x67: {  	[tilespmem:s17], [sflag:$0xB] =	stream.linear.gather [hbm4b:s21+s17], $0x2710, $0x38;
	[tilespmem:$0x12020] =	vst v63  }
0x68: {  	_ =	swait.ge [sflag:s26], $0x2710  }
0x69: {  	[sflag:s26] =	ssyncset.done $0x0  }
0x6a: {  	[sflag:s26] =	ssyncadd.s32 $0xFFFFD8F0  }
0x6b: {  	[tilespmem:s28], [sflag:$0xB] =	stream.linear.gather [hbm4b:s22+s17], $0x2710, $0x38;
	[tilespmem:$0x12020] =	vst v63  }
0x6c: {  	_ =	swait.ge [sflag:s26], $0x2710  }
0x6d: {  	[sflag:s26] =	ssyncset.done $0x0  }
0x6e: {  	[sflag:s26] =	ssyncadd.s32 $0xFFFFD8F0  }
0x6f: {  	[bflag:$0x0] =	sbarrier.arrive $0xFFFF  }
0x70: {  	[tilespmem:s25], [sflag:$0x1] =	stream.indirect.gather [hbm4b:s4+s29], $0x40, s17, s29, $0xb8;
	[tilespmem:$0x12020] =	vst v63  }
0x71: {  	_ = 	snop  }
0x72: {  	[tilespmem:s30], [sflag:$0x2] =	stream.indirect.gather [hbm4b:s4+s29], $0x40, s29, s29, $0xb8;
	[tilespmem:$0x12020] =	vst v63  }
0x73: {  	s18 =	simm.s32 $0x50  }
0x74: {  	[tilespmem:s1], [sflag:$0x3] =	stream.indirect.gather [hbm4b:s4+s29], $0x40, s18, s29, $0xb8;
	[tilespmem:$0x12020] =	vst v63  }
0x75: {  	s19 =	simm.s32 $0x78  }
0x76: {  	[tilespmem:s31], [sflag:$0x4] =	stream.indirect.gather [hbm4b:s4+s29], $0x40, s19, s29, $0xb8;
	[tilespmem:$0x12020] =	vst v63  }
0x77: {  	_ =	swait.ge [sflag:s0], $0xA00  }
0x78: {  	[sflag:s0] =	ssyncset.done $0x0  }
0x79: {  	[sflag:s0] =	ssyncadd.s32 $0xFFFFF600  }
0x7a: {  	[spmem:s2] =	stream.indirect.scatter.add.f32 [tilespmem:s25], [sflag:$0x6], $0x40, s28, s29, $0xb8;
	[tilespmem:$0x12020] =	vst v63  }
0x7b: {  	s17 =	simm.s32 $0xA0  }
0x7c: {  	[tilespmem:s3], [sflag:$0x5] =	stream.indirect.gather [hbm4b:s4+s29], $0x40, s17, s29, $0xb8;
	[tilespmem:$0x12020] =	vst v63  }
0x7d: {  	_ =	swait.ge [sflag:s6], $0xA00  }
0x7e: {  	[sflag:s6] =	ssyncset.done $0x0  }
0x7f: {  	s18 =	simm.s32 $0x2738;
	[sflag:s6] =	ssyncadd.s32 $0xFFFFF600  }
0x80: {  	[spmem:s2] =	stream.indirect.scatter.add.f32 [tilespmem:s30], [sflag:$0x7], $0x40, s18, s29, $0xb8;
	[tilespmem:$0x12020] =	vst v63  }
0x81: {  	_ =	swait.ge [sflag:s7], $0xA00  }
0x82: {  	[sflag:s7] =	ssyncset.done $0x0  }
0x83: {  	s19 =	simm.s32 $0xC8;
	[sflag:s7] =	ssyncadd.s32 $0xFFFFF600  }
0x84: {  	[tilespmem:s25], [sflag:$0x1] =	stream.indirect.gather [hbm4b:s4+s29], $0x40, s19, s29, $0xb8;
	[tilespmem:$0x12020] =	vst v63  }
0x85: {  	_ =	swait.ge [sflag:s8], $0xA00  }
0x86: {  	[sflag:s8] =	ssyncset.done $0x0  }
0x87: {  	s17 =	simm.s32 $0x2760;
	[sflag:s8] =	ssyncadd.s32 $0xFFFFF600  }
0x88: {  	[spmem:s2] =	stream.indirect.scatter.add.f32 [tilespmem:s1], [sflag:$0x8], $0x40, s17, s29, $0xb8;
	[tilespmem:$0x12020] =	vst v63  }
0x89: {  	_ =	swait.ge [sflag:s9], $0xA00  }
0x8a: {  	[sflag:s9] =	ssyncset.done $0x0  }
0x8b: {  	s18 =	simm.s32 $0xF0;
	[sflag:s9] =	ssyncadd.s32 $0xFFFFF600  }
0x8c: {  	[tilespmem:s30], [sflag:$0x2] =	stream.indirect.gather [hbm4b:s4+s29], $0x40, s18, s29, $0xb8;
	[tilespmem:$0x12020] =	vst v63  }
0x8d: {  	_ =	swait.ge [sflag:s10], $0xA00  }
0x8e: {  	[sflag:s10] =	ssyncset.done $0x0  }
0x8f: {  	s19 =	simm.s32 $0x2788;
	[sflag:s10] =	ssyncadd.s32 $0xFFFFF600  }
0x90: {  	[spmem:s2] =	stream.indirect.scatter.add.f32 [tilespmem:s31], [sflag:$0x9], $0x40, s19, s29, $0xb8;
	[tilespmem:$0x12020] =	vst v63  }
0x91: {  	_ =	swait.ge [sflag:s11], $0xA00  }
0x92: {  	[sflag:s11] =	ssyncset.done $0x0  }
0x93: {  	s17 =	simm.s32 $0x118;
	[sflag:s11] =	ssyncadd.s32 $0xFFFFF600  }
0x94: {  	[tilespmem:s1], [sflag:$0x3] =	stream.indirect.gather [hbm4b:s4+s29], $0x40, s17, s29, $0xb8;
	[tilespmem:$0x12020] =	vst v63  }
0x95: {  	_ =	swait.ge [sflag:s12], $0xA00  }
0x96: {  	[sflag:s12] =	ssyncset.done $0x0  }
0x97: {  	s18 =	simm.s32 $0x27B0;
	[sflag:s12] =	ssyncadd.s32 $0xFFFFF600  }
0x98: {  	[spmem:s2] =	stream.indirect.scatter.add.f32 [tilespmem:s3], [sflag:$0xA], $0x40, s18, s29, $0xb8;
	[tilespmem:$0x12020] =	vst v63  }
0x99: {  	_ =	swait.ge [sflag:s13], $0xA00  }
0x9a: {  	[sflag:s13] =	ssyncset.done $0x0  }
0x9b: {  	s19 =	simm.s32 $0x140;
	[sflag:s13] =	ssyncadd.s32 $0xFFFFF600  }
0x9c: {  	[tilespmem:s31], [sflag:$0x4] =	stream.indirect.gather [hbm4b:s4+s29], $0x40, s19, s29, $0xb8;
	[tilespmem:$0x12020] =	vst v63  }
0x9d: {  	_ =	swait.ge [sflag:s0], $0xA00  }
0x9e: {  	[sflag:s0] =	ssyncset.done $0x0  }
0x9f: {  	s17 =	simm.s32 $0x27D8;
	[sflag:s0] =	ssyncadd.s32 $0xFFFFF600  }
0xa0: {  	[spmem:s2] =	stream.indirect.scatter.add.f32 [tilespmem:s25], [sflag:$0x6], $0x40, s17, s29, $0xb8;
	[tilespmem:$0x12020] =	vst v63  }
0xa1: {  	_ =	swait.ge [sflag:s14], $0xA00  }
0xa2: {  	[sflag:s14] =	ssyncset.done $0x0  }
0xa3: {  	s18 =	simm.s32 $0x168;
	[sflag:s14] =	ssyncadd.s32 $0xFFFFF600  }
0xa4: {  	[tilespmem:s3], [sflag:$0x5] =	stream.indirect.gather [hbm4b:s4+s29], $0x40, s18, s29, $0xb8;
	[tilespmem:$0x12020] =	vst v63  }
0xa5: {  	_ =	swait.ge [sflag:s6], $0xA00  }
0xa6: {  	[sflag:s6] =	ssyncset.done $0x0  }
0xa7: {  	s19 =	simm.s32 $0x2800;
	[sflag:s6] =	ssyncadd.s32 $0xFFFFF600  }
0xa8: {  	[spmem:s2] =	stream.indirect.scatter.add.f32 [tilespmem:s30], [sflag:$0x7], $0x40, s19, s29, $0xb8;
	[tilespmem:$0x12020] =	vst v63  }
0xa9: {  	_ =	swait.ge [sflag:s7], $0xA00  }
0xaa: {  	[sflag:s7] =	ssyncset.done $0x0  }
0xab: {  	s17 =	simm.s32 $0x190;
	[sflag:s7] =	ssyncadd.s32 $0xFFFFF600  }
0xac: {  	[tilespmem:s25], [sflag:$0x1] =	stream.indirect.gather [hbm4b:s4+s29], $0x40, s17, s29, $0xb8;
	[tilespmem:$0x12020] =	vst v63  }
0xad: {  	_ =	swait.ge [sflag:s8], $0xA00  }
0xae: {  	[sflag:s8] =	ssyncset.done $0x0  }
0xaf: {  	s18 =	simm.s32 $0x2828;
	[sflag:s8] =	ssyncadd.s32 $0xFFFFF600  }
0xb0: {  	[spmem:s2] =	stream.indirect.scatter.add.f32 [tilespmem:s1], [sflag:$0x8], $0x40, s18, s29, $0xb8;
	[tilespmem:$0x12020] =	vst v63  }
0xb1: {  	_ =	swait.ge [sflag:s9], $0xA00  }
0xb2: {  	[sflag:s9] =	ssyncset.done $0x0  }
0xb3: {  	s19 =	simm.s32 $0x1B8;
	[sflag:s9] =	ssyncadd.s32 $0xFFFFF600  }
0xb4: {  	[tilespmem:s30], [sflag:$0x2] =	stream.indirect.gather [hbm4b:s4+s29], $0x40, s19, s29, $0xb8;
	[tilespmem:$0x12020] =	vst v63  }
0xb5: {  	_ =	swait.ge [sflag:s10], $0xA00  }
0xb6: {  	[sflag:s10] =	ssyncset.done $0x0  }
0xb7: {  	s17 =	simm.s32 $0x2850;
	[sflag:s10] =	ssyncadd.s32 $0xFFFFF600  }
0xb8: {  	[spmem:s2] =	stream.indirect.scatter.add.f32 [tilespmem:s31], [sflag:$0x9], $0x40, s17, s29, $0xb8;
	[tilespmem:$0x12020] =	vst v63  }
0xb9: {  	_ =	swait.ge [sflag:s11], $0xA00  }
0xba: {  	[sflag:s11] =	ssyncset.done $0x0  }
0xbb: {  	s18 =	simm.s32 $0x1E0;
	[sflag:s11] =	ssyncadd.s32 $0xFFFFF600  }
0xbc: {  	[tilespmem:s1], [sflag:$0x3] =	stream.indirect.gather [hbm4b:s4+s29], $0x40, s18, s29, $0xb8;
	[tilespmem:$0x12020] =	vst v63  }
0xbd: {  	_ =	swait.ge [sflag:s12], $0xA00  }
0xbe: {  	[sflag:s12] =	ssyncset.done $0x0  }
0xbf: {  	s19 =	simm.s32 $0x2878;
	[sflag:s12] =	ssyncadd.s32 $0xFFFFF600  }
0xc0: {  	[spmem:s2] =	stream.indirect.scatter.add.f32 [tilespmem:s3], [sflag:$0xA], $0x40, s19, s29, $0xb8;
	[tilespmem:$0x12020] =	vst v63  }
0xc1: {  	_ =	swait.ge [sflag:s13], $0xA00  }
0xc2: {  	[sflag:s13] =	ssyncset.done $0x0  }
0xc3: {  	s16 =	simm.s32 $0x320;
	s17 =	simm.s32 $0x208;
	[sflag:s13] =	ssyncadd.s32 $0xFFFFF600  }
.LBB2_4:
0xc4: {  	[tilespmem:s31], [sflag:$0x4] =	stream.indirect.gather [hbm4b:s4+s29], $0x40, s17, s29, $0xb8;
	[tilespmem:$0x12020] =	vst v63  }
0xc5: {  	s17 =	smov.u32 s16  }
0xc6: {  	p0 =	sne.s32 s16, $0x92E0;
	s16 =	sadd.s32 $0x320, s16;
	_ =	swait.ge [sflag:s0], $0xA00  }
0xc7: {  	s17 =	sshra.s32 s17, $0x2;
	[sflag:s0] =	ssyncset.done $0x0  }
0xc8: {  	s18 =	sadd.s32 $0x27D8, s17;
	[sflag:s0] =	ssyncadd.s32 $0xFFFFF600  }
0xc9: {  	[spmem:s2] =	stream.indirect.scatter.add.f32 [tilespmem:s25], [sflag:$0x6], $0x40, s18, s29, $0xb8;
	[tilespmem:$0x12020] =	vst v63  }
0xca: {  	_ =	swait.ge [sflag:s14], $0xA00  }
0xcb: {  	[sflag:s14] =	ssyncset.done $0x0  }
0xcc: {  	s18 =	sadd.s32 $0x168, s17;
	[sflag:s14] =	ssyncadd.s32 $0xFFFFF600  }
0xcd: {  	[tilespmem:s3], [sflag:$0x5] =	stream.indirect.gather [hbm4b:s4+s29], $0x40, s18, s29, $0xb8;
	[tilespmem:$0x12020] =	vst v63  }
0xce: {  	_ =	swait.ge [sflag:s6], $0xA00  }
0xcf: {  	[sflag:s6] =	ssyncset.done $0x0  }
0xd0: {  	s18 =	sadd.s32 $0x2800, s17;
	[sflag:s6] =	ssyncadd.s32 $0xFFFFF600  }
0xd1: {  	[spmem:s2] =	stream.indirect.scatter.add.f32 [tilespmem:s30], [sflag:$0x7], $0x40, s18, s29, $0xb8;
	[tilespmem:$0x12020] =	vst v63  }
0xd2: {  	_ =	swait.ge [sflag:s7], $0xA00  }
0xd3: {  	[sflag:s7] =	ssyncset.done $0x0  }
0xd4: {  	s18 =	sadd.s32 $0x190, s17;
	[sflag:s7] =	ssyncadd.s32 $0xFFFFF600  }
0xd5: {  	[tilespmem:s25], [sflag:$0x1] =	stream.indirect.gather [hbm4b:s4+s29], $0x40, s18, s29, $0xb8;
	[tilespmem:$0x12020] =	vst v63  }
0xd6: {  	_ =	swait.ge [sflag:s8], $0xA00  }
0xd7: {  	[sflag:s8] =	ssyncset.done $0x0  }
0xd8: {  	s18 =	sadd.s32 $0x2828, s17;
	[sflag:s8] =	ssyncadd.s32 $0xFFFFF600  }
0xd9: {  	[spmem:s2] =	stream.indirect.scatter.add.f32 [tilespmem:s1], [sflag:$0x8], $0x40, s18, s29, $0xb8;
	[tilespmem:$0x12020] =	vst v63  }
0xda: {  	_ =	swait.ge [sflag:s9], $0xA00  }
0xdb: {  	[sflag:s9] =	ssyncset.done $0x0  }
0xdc: {  	s18 =	sadd.s32 $0x1B8, s17;
	[sflag:s9] =	ssyncadd.s32 $0xFFFFF600  }
0xdd: {  	[tilespmem:s30], [sflag:$0x2] =	stream.indirect.gather [hbm4b:s4+s29], $0x40, s18, s29, $0xb8;
	[tilespmem:$0x12020] =	vst v63  }
0xde: {  	_ =	swait.ge [sflag:s10], $0xA00  }
0xdf: {  	[sflag:s10] =	ssyncset.done $0x0  }
0xe0: {  	s18 =	sadd.s32 $0x2850, s17;
	[sflag:s10] =	ssyncadd.s32 $0xFFFFF600  }
0xe1: {  	[spmem:s2] =	stream.indirect.scatter.add.f32 [tilespmem:s31], [sflag:$0x9], $0x40, s18, s29, $0xb8;
	[tilespmem:$0x12020] =	vst v63  }
0xe2: {  	_ =	swait.ge [sflag:s11], $0xA00  }
0xe3: {  	[sflag:s11] =	ssyncset.done $0x0  }
0xe4: {  	s18 =	sadd.s32 $0x1E0, s17;
	[sflag:s11] =	ssyncadd.s32 $0xFFFFF600  }
0xe5: {  	[tilespmem:s1], [sflag:$0x3] =	stream.indirect.gather [hbm4b:s4+s29], $0x40, s18, s29, $0xb8;
	[tilespmem:$0x12020] =	vst v63  }
0xe6: {  	_ =	swait.ge [sflag:s12], $0xA00  }
0xe7: {  	[sflag:s12] =	ssyncset.done $0x0  }
.Ltmp1:
0xe8: {  	s18 =	sadd.s32 $0x2878, s17;
	[sflag:s12] =	ssyncadd.s32 $0xFFFFF600;
	(pc) =	sbr.rel @p0 .LBB2_4-.Ltmp1, $4  }
0xe9: {  	[spmem:s2] =	stream.indirect.scatter.add.f32 [tilespmem:s3], [sflag:$0xA], $0x40, s18, s29, $0xb8;
	[tilespmem:$0x12020] =	vst v63  }
0xea: {  	_ =	swait.ge [sflag:s13], $0xA00  }
0xeb: {  	[sflag:s13] =	ssyncset.done $0x0  }
0xec: {  	s17 =	sadd.s32 $0x208, s17;
	[sflag:s13] =	ssyncadd.s32 $0xFFFFF600  }
0xed: {  	[tilespmem:s31], [sflag:$0x4] =	stream.indirect.gather [hbm4b:s4+s29], $0x40, s17, s29, $0xb8;
	[tilespmem:$0x12020] =	vst v63  }
0xee: {  	_ =	swait.ge [sflag:s0], $0xA00  }
0xef: {  	[sflag:s0] =	ssyncset.done $0x0  }
0xf0: {  	s16 =	simm.s32 $0x4D58;
	[sflag:s0] =	ssyncadd.s32 $0xFFFFF600  }
0xf1: {  	[spmem:s2] =	stream.indirect.scatter.add.f32 [tilespmem:s25], [sflag:$0x6], $0x40, s16, s29, $0xb8;
	[tilespmem:$0x12020] =	vst v63  }
0xf2: {  	_ =	swait.ge [sflag:s14], $0xA00  }
0xf3: {  	[sflag:s14] =	ssyncset.done $0x0  }
0xf4: {  	s19 =	simm.s32 $0x26E8;
	[sflag:s14] =	ssyncadd.s32 $0xFFFFF600  }
0xf5: {  	[tilespmem:s3], [sflag:$0x5] =	stream.indirect.gather [hbm4b:s4+s29], $0x40, s19, s29, $0xb8;
	[tilespmem:$0x12020] =	vst v63  }
0xf6: {  	_ =	swait.ge [sflag:s6], $0xA00  }
0xf7: {  	[sflag:s6] =	ssyncset.done $0x0  }
0xf8: {  	s17 =	simm.s32 $0x4D80;
	[sflag:s6] =	ssyncadd.s32 $0xFFFFF600  }
0xf9: {  	[spmem:s2] =	stream.indirect.scatter.add.f32 [tilespmem:s30], [sflag:$0x7], $0x40, s17, s29, $0xb8;
	[tilespmem:$0x12020] =	vst v63  }
0xfa: {  	_ =	swait.ge [sflag:s7], $0xA00  }
0xfb: {  	[sflag:s7] =	ssyncset.done $0x0  }
0xfc: {  	[sflag:s7] =	ssyncadd.s32 $0xFFFFF600  }
0xfd: {  	_ =	swait.ge [sflag:s8], $0xA00  }
0xfe: {  	[sflag:s8] =	ssyncset.done $0x0  }
0xff: {  	s18 =	simm.s32 $0x4DA8;
	[sflag:s8] =	ssyncadd.s32 $0xFFFFF600  }
0x100: {  	[spmem:s2] =	stream.indirect.scatter.add.f32 [tilespmem:s1], [sflag:$0x8], $0x40, s18, s29, $0xb8;
	[tilespmem:$0x12020] =	vst v63  }
0x101: {  	_ =	swait.ge [sflag:s9], $0xA00  }
0x102: {  	[sflag:s9] =	ssyncset.done $0x0  }
0x103: {  	[sflag:s9] =	ssyncadd.s32 $0xFFFFF600  }
0x104: {  	_ =	swait.ge [sflag:s10], $0xA00  }
0x105: {  	[sflag:s10] =	ssyncset.done $0x0  }
0x106: {  	s19 =	simm.s32 $0x4DD0;
	[sflag:s10] =	ssyncadd.s32 $0xFFFFF600  }
0x107: {  	[spmem:s2] =	stream.indirect.scatter.add.f32 [tilespmem:s31], [sflag:$0x9], $0x40, s19, s29, $0xb8;
	[tilespmem:$0x12020] =	vst v63  }
0x108: {  	_ =	swait.ge [sflag:s11], $0xA00  }
0x109: {  	[sflag:s11] =	ssyncset.done $0x0  }
0x10a: {  	[sflag:s11] =	ssyncadd.s32 $0xFFFFF600  }
0x10b: {  	_ =	swait.ge [sflag:s12], $0xA00  }
0x10c: {  	[sflag:s12] =	ssyncset.done $0x0  }
0x10d: {  	s17 =	simm.s32 $0x4DF8;
	[sflag:s12] =	ssyncadd.s32 $0xFFFFF600  }
0x10e: {  	[spmem:s2] =	stream.indirect.scatter.add.f32 [tilespmem:s3], [sflag:$0xA], $0x40, s17, s29, $0xb8;
	[tilespmem:$0x12020] =	vst v63  }
0x10f: {  	_ =	swait.ge [sflag:s13], $0xA00  }
0x110: {  	[sflag:s13] =	ssyncset.done $0x0  }
0x111: {  	[sflag:s13] =	ssyncadd.s32 $0xFFFFF600  }
0x112: {  	s18 =	stileid.u32;
	_ =	swait.ge [sflag:s14], $0xA00  }
0x113: {  	s15 =	sadd.s32 $0x1, s15;
	s16 =	sshll.u32 s18, $0x6;
	[sflag:s14] =	ssyncset.done $0x0  }
0x114: {  	p0 =	sne.s32 s15, s23;
	s16 =	sor.u32 $0x1C0B, s16;
	[sflag:s14] =	ssyncadd.s32 $0xFFFFF600  }
.Ltmp2:
0x115: {  	s19 =	sshrl.u32 s5, $0x3;
	[bflag:$0x0] =	sbarrier.arrive $0xFFFF;
	(pc) =	sbr.rel @p0 .LBB2_1-.Ltmp2, $4  }
0x116: {  	[hbm:s24], [sflag:s16] =	dma.local [spmem:s19], $0x1400  }
0x117: {  	_ =	swait.ge [sflag:s26], $0x1400  }
0x118: {  	[sflag:s26] =	ssyncset.done $0x0  }
0x119: {  	[sflag:s26] =	ssyncadd.s32 $0xFFFFEC00  }
0x11a: {  	_ =	sfence.sel $0x180000  }
0x11b: {  	[bflag:$0x0] =	sbarrier.arrive $0xFFFF  }
0x11c: {  	_ =	strace $0x9000004D  }
0x11d: {  	s0 =	stileid.u32;
	[bflag:$0x2] =	sbarrier.arrive $0xFFFF  }
0x11e: {  	p0 =	sne.s32 s0, $0x0;
	s0 =	rddreg [dreg:$0x2]  }
0x11f: {  	s0 =	sadd.s32 @!p0 $0x100000, s0  }
0x120: {  	[sflag:s0] =	ssyncadd.tile.s32 @!p0 $0x1;
	_ =	shalt  }
.Lfunc_end2:
_tile_overlayer_lowered:
.L_overlay_start_2:
0x121: {  	(tag) =	ssettag $0x2  }
0x122: {  	s0 =	rddreg [dreg:$0x0];
	s2 =	stileid.u32  }
0x123: {  	s1 =	rddreg [dreg:$0x1];
	p0 =	sne.s32 s2, $0x0  }
0x124: {  	s3 =	rddreg [dreg:$0x2];
	[bflag:$0x3] =	sbarrier.arrive $0xFFFF;
	s2 =	simm.s32 @!p0 $0x1C0B  }
0x125: {  	[timem:s3], [sflag:s2] =	dma.local @!p0 [hbm:s0], s1  }
0x126: {  	s0 =	simm.s32 @!p0 $0xB  }
0x127: {  	_ =	swait.ge @!p0 [sflag:s0], s1  }
0x128: {  	s1 =	ssub.s32 @!p0 $0x0, s1;
	[sflag:s0] =	ssyncset.done @!p0 $0x0  }
0x129: {  	[sflag:s0] =	ssyncadd.s32 @!p0 s1  }
0x12a: {  	[bflag:$0x3] =	sbarrier.arrive $0xFFFF  }
0x12b: {  	_ =	shalt  }

// kernel: gcn_deg.3.cloned.1.call-start
scs
__scs_entry_jumppad:
0x0: {  	(pc) =	sbr.rel $0x88, $3  }
0x1: {  	(tag) =	ssettag $0x0;
	lr =	simm.s32 $0x1  }
0x2: {  	[smem:$0x3F99] =	sst lr;
	_ =	strace $0xD0000000  }
0x3: {  	_ = 	snop  }
0x4: {  	_ = 	snop  }
0x5: {  	_ = 	snop  }
0x6: {  	_ = 	snop  }
0x7: {  	_ = 	snop  }
__scs_overlays_trampoline_lowered:
0x8: {  	[smem:$0x3FA8] =	sst s0  }
0x9: {  	[smem:$0x3FA9] =	sst s1  }
0xa: {  	[smem:$0x3FAA] =	sst s2  }
0xb: {  	[smem:$0x3FAB] =	sst s3  }
0xc: {  	[smem:$0x3FAC] =	sst s4  }
0xd: {  	[smem:$0x3FAD] =	sst s5  }
0xe: {  	[smem:$0x3FAE] =	sst s6  }
0xf: {  	[smem:$0x3FAF] =	sst s7  }
0x10: {  	[smem:$0x3FB0] =	sst s8  }
0x11: {  	[smem:$0x3FB1] =	sst s9;
	s0 =	simm.s32 @!p0 $0x0  }
0x12: {  	s1 =	sld [smem:$0x3F97];
	s0 =	simm.s32 @p0 $0x1  }
0x13: {  	[smem:$0x3FB2] =	sst s0;
	s0 =	simm.s32 @!p1 $0x0  }
0x14: {  	s2 =	sld [smem:$0x3F96];
	s0 =	simm.s32 @p1 $0x1  }
0x15: {  	[smem:$0x3FB3] =	sst s0;
	s0 =	simm.s32 @!p2 $0x0  }
0x16: {  	s3 =	sld [smem:$0x3FDB];
	s0 =	simm.s32 @p2 $0x1  }
0x17: {  	s4 =	simm.s32 $0x1BF5;
	[smem:$0x3FB5] =	sst s0  }
0x18: {  	s0 =	sld [smem:$0x3F98];
	_ =	swait.ge [sflag:s4], $0x0  }
0x19: {  	s7 =	sld [smem:$0x3F99]  }
0x1a: {  	s8 =	sadd.s32 $0xFFFFE003, lr  }
0x1b: {  	s9 =	sadd.s32 $0xFFFFFEF7, lr;
	s5 =	simm.s32 $0xFFFFFFFF;
	p2 =	slt.u32 s8, $0xFFFFF086  }
0x1c: {  	p1 =	slt.u32 s9, $0xF7A;
	s5 =	simm.s32 @!p2 $0x0  }
0x1d: {  	s5 =	simm.s32 @p1 $0x1;
	p0 =	seq.s32 s7, s2  }
0x1e: {  	s7 =	smul.u32 @!p0 $0xF7A, s2;
	p2 =	seq.s32 @!p0 s5, $0x0  }
0x1f: {  	s9 =	smul.u32 $0xF7A, s1;
	s8 =	simm.s32 @!p0 $0x1BF5;
	p2 =	por !p2, p0  }
0x20: {  	[sflag:s8] =	ssyncset.s32 @!p0 $0xFFFFF086;
	s6 =	sadd.s32 @!p0 s3, s7;
	s7 =	simm.s32 @!p0 $0x108  }
0x21: {  	s3 =	sadd.s32 s3, s9;
	s6 =	sadd.s32 @!p0 $0x88, s6;
	s7 =	simm.s32 @p2 $0x1082  }
0x22: {  	[simem:s7], [sflag:s8] =	dma.local @!p0 [hbm:s6], $0xF7A  }
0x23: {  	s9 =	sor.u32 $0xD0000000, s2;
	s6 =	simm.s32 $0x108;
	_ =	swait.ge @!p0 [sflag:s8], $0x0  }
0x24: {  	s3 =	sadd.s32 $0x88, s3;
	s6 =	simm.s32 @!p1 $0x1082;
	[sflag:s4] =	ssyncset.s32 $0xFFFFF086  }
0x25: {  	[simem:s6], [sflag:s4] =	dma.local [hbm:s3], $0xF7A  }
0x26: {  	[smem:$0x3F99] =	sst s1;
	(tag) =	ssettag s2;
	_ =	strace s9  }
0x27: {  	s1 =	sld [smem:$0x3FA9]  }
0x28: {  	s2 =	sld [smem:$0x3FAA]  }
0x29: {  	s4 =	sld [smem:$0x3FAC]  }
0x2a: {  	p0 =	seq.s32 s5, $0x0;
	s5 =	sld [smem:$0x3FAD]  }
0x2b: {  	s6 =	sld [smem:$0x3FAE]  }
0x2c: {  	s7 =	sld [smem:$0x3FAF]  }
0x2d: {  	s3 =	simm.s32 $0x108;
	s8 =	sld [smem:$0x3FB0]  }
0x2e: {  	s3 =	simm.s32 @!p0 $0x1082;
	s9 =	sld [smem:$0x3FB1]  }
0x2f: {  	lr =	sadd.s32 s0, s3;
	s0 =	sld [smem:$0x3FA8]  }
0x30: {  	s3 =	sld [smem:$0x3FAB]  }
0x31: {  	[smem:$0x3FB4] =	sst s10  }
0x32: {  	s10 =	sld [smem:$0x3FB2];
	_ =	sdelay $0x3  }
0x33: {  	p0 =	seq.s32 s10, $0x1;
	s10 =	sld [smem:$0x3FB4];
	_ =	sdelay $0x3  }
0x34: {  	[smem:$0x3FB4] =	sst s10  }
0x35: {  	s10 =	sld [smem:$0x3FB3];
	_ =	sdelay $0x3  }
0x36: {  	p1 =	seq.s32 s10, $0x1;
	s10 =	sld [smem:$0x3FB4];
	_ =	sdelay $0x3  }
0x37: {  	[smem:$0x3FB4] =	sst s10  }
0x38: {  	s10 =	sld [smem:$0x3FB5]  }
0x39: {  	_ = 	snop;
	(pc) =	sbr.ind lr, $3  }
0x3a: {  	_ = 	snop  }
0x3b: {  	_ = 	snop  }
0x3c: {  	p2 =	seq.s32 s10, $0x1;
	s10 =	sld [smem:$0x3FB4]  }
0x3d: {  	_ =	shalt  }
0x3e: {  	_ =	shalt  }
0x3f: {  	_ =	shalt  }
0x40: {  	_ =	shalt  }
0x41: {  	_ =	shalt  }
0x42: {  	_ =	shalt  }
0x43: {  	_ =	shalt  }
0x44: {  	_ =	shalt  }
0x45: {  	_ =	shalt  }
0x46: {  	_ =	shalt  }
0x47: {  	_ =	shalt  }
0x48: {  	_ =	shalt  }
0x49: {  	_ =	shalt  }
0x4a: {  	_ =	shalt  }
0x4b: {  	_ =	shalt  }
0x4c: {  	_ =	shalt  }
0x4d: {  	_ =	shalt  }
0x4e: {  	_ =	shalt  }
0x4f: {  	_ =	shalt  }
0x50: {  	_ =	shalt  }
0x51: {  	_ =	shalt  }
0x52: {  	_ =	shalt  }
0x53: {  	_ =	shalt  }
0x54: {  	_ =	shalt  }
0x55: {  	_ =	shalt  }
0x56: {  	_ =	shalt  }
0x57: {  	_ =	shalt  }
0x58: {  	_ =	shalt  }
0x59: {  	_ =	shalt  }
0x5a: {  	_ =	shalt  }
0x5b: {  	_ =	shalt  }
0x5c: {  	_ =	shalt  }
0x5d: {  	_ =	shalt  }
0x5e: {  	_ =	shalt  }
0x5f: {  	_ =	shalt  }
0x60: {  	_ =	shalt  }
0x61: {  	_ =	shalt  }
0x62: {  	_ =	shalt  }
0x63: {  	_ =	shalt  }
0x64: {  	_ =	shalt  }
0x65: {  	_ =	shalt  }
0x66: {  	_ =	shalt  }
0x67: {  	_ =	shalt  }
0x68: {  	_ =	shalt  }
0x69: {  	_ =	shalt  }
0x6a: {  	_ =	shalt  }
0x6b: {  	_ =	shalt  }
0x6c: {  	_ =	shalt  }
0x6d: {  	_ =	shalt  }
0x6e: {  	_ =	shalt  }
0x6f: {  	_ =	shalt  }
0x70: {  	_ =	shalt  }
0x71: {  	_ =	shalt  }
0x72: {  	_ =	shalt  }
0x73: {  	_ =	shalt  }
0x74: {  	_ =	shalt  }
0x75: {  	_ =	shalt  }
0x76: {  	_ =	shalt  }
0x77: {  	_ =	shalt  }
0x78: {  	_ =	shalt  }
0x79: {  	_ =	shalt  }
0x7a: {  	_ =	shalt  }
0x7b: {  	_ =	shalt  }
0x7c: {  	_ =	shalt  }
0x7d: {  	_ =	shalt  }
0x7e: {  	_ =	shalt  }
0x7f: {  	_ =	shalt  }
0x80: {  	_ =	shalt  }
0x81: {  	_ =	shalt  }
0x82: {  	_ =	shalt  }
0x83: {  	_ =	shalt  }
0x84: {  	_ =	shalt  }
0x85: {  	_ =	shalt  }
0x86: {  	_ =	shalt  }
0x87: {  	_ =	shalt  }
.Lfunc_end0:
.L_simem_size_0:
called_computation_lowered:
.L_overlay_start_0:
0x88: {  	s2 =	sld [smem:$0x3FD9]  }
0x89: {  	s3 =	sld [smem:$0x3FFE];
	_ =	sdelay $0x1  }
0x8a: {  	s1 =	srdreg.scid  }
0x8b: {  	s0 =	sand.u32 $0x1, s1  }
0x8c: {  	s16 =	sshll.u32 s0, $0xA;
	s2 =	sadd.s32 s3, s2  }
0x8d: {  	s2 =	sadd.s32 s2, s16  }
0x8e: {  	[smem:$0x3FC0] =	sst s2  }
0x8f: {  	_ = 	snop  }
0x90: {  	(tm) =	ssettm $0x1  }
0x91: {  	s17 =	sld [smem:$0x3FFB];
	_ =	sdelay $0x3  }
0x92: {  	_ =	strace s17  }
0x93: {  	s2 =	sld [smem:$0x3FFC];
	_ =	sdelay $0x3  }
0x94: {  	_ =	strace s2  }
0x95: {  	s2 =	sld [smem:$0x3FFD];
	_ =	sdelay $0x3  }
0x96: {  	_ =	strace s2  }
0x97: {  	_ =	strace $0x8FFFFFFF  }
0x98: {  	s18 =	sld [smem:$0x3FDB];
	_ =	sdelay $0x1  }
0x99: {  	s19 =	simm.s32 $_scs_section_size  }
0x9a: {  	s4 =	simm.s32 $_size__tile_overlayer_lowered;
	s5 =	simm.s32 $_tile_overlayer_lowered  }
0x9b: {  	s22 =	simm.s32 $0x1BFF;
	s21 =	sshll.u32 s5, $0x1;
	s2 =	sadd.s32 s19, s18  }
0x9c: {  	s6 =	simm.s32 $0x0;
	s20 =	sshll.u32 s4, $0x1;
	s4 =	sadd.s32 s21, s2  }
0x9d: {  	[timem:s6], [sflag:s22] =	dma.local [hbm:s4], s20  }
0x9e: {  	_ =	swait.ge [sflag:s22], s20  }
0x9f: {  	s3 =	ssub.s32 $0x0, s20;
	[sflag:s22] =	ssyncset.done $0x0  }
0xa0: {  	[sflag:s22] =	ssyncadd.s32 s3;
	_ =	sdelay $0x1  }
0xa1: {  	s23 =	simm.s32 $0x1B8B  }
0xa2: {  	_ =	swait.ge [sflag:s23], $0x1  }
0xa3: {  	[sflag:s23] =	ssyncset.done $0x0  }
0xa4: {  	s25 =	simm.s32 $0x1B8E;
	s24 =	sld [smem:$0x3FFE];
	[sflag:s23] =	ssyncadd.s32 $0xFFFFFFFF  }
0xa5: {  	s26 =	simm.s32 $execute0_lowered;
	[smem:$0x3FD2] =	sst s25  }
0xa6: {  	s4 =	sshll.u32 s26, $0x1;
	_ =	strace $0x80000046;
	[dreg:$0x1] =	wrdreg $0xFFFFFFFF  }
0xa7: {  	s28 =	simm.s32 $_size_execute0_lowered;
	s2 =	sadd.s32 s2, s4;
	[dreg:$0x0] =	wrdreg $0x0  }
0xa8: {  	s4 =	sshll.u32 s28, $0x1;
	[dreg:$0x2] =	wrdreg s2  }
0xa9: {  	[dreg:$0x3] =	wrdreg s4  }
0xaa: {  	[dreg:$0x4] =	wrdreg $0xC0  }
0xab: {  	_ =	task [dreg:s6], $0x5FFFF  }
0xac: {  	[dreg:$0x1] =	wrdreg $0xFFFFFFFF  }
0xad: {  	[dreg:$0x0] =	wrdreg $0x60  }
0xae: {  	[dreg:$0x2] =	wrdreg s24  }
0xaf: {  	[dreg:$0x3] =	wrdreg $0x31900  }
0xb0: {  	[dreg:$0x4] =	wrdreg $0x9  }
0xb1: {  	_ =	task.clear_ibuf [dreg:s6], $0x5FFFF;
	_ =	strace $0x90000046  }
0xb2: {  	s29 =	simm.s32 $0x9;
	_ =	strace $0x80000048  }
0xb3: {  	_ =	swait.ge [sflag:s29], $0x1  }
0xb4: {  	[sflag:s29] =	ssyncadd.s32 $0xFFFFFFFF  }
0xb5: {  	_ =	strace $0x90000048  }
0xb6: {  	_ =	sfence  }
0xb7: {  	s30 =	sld [smem:$0x0];
	_ =	sdelay $0x2  }
0xb8: {  	s31 =	sshll.u32 s1, $0xD;
	s1 =	sshrl.u32 s1, $0x2  }
0xb9: {  	s3 =	sand.u32 $0x4000, s31;
	s1 =	sadd.s32 s1, s30  }
0xba: {  	s0 =	sor.u32 s3, s0;
	s1 =	sshll.u32 s1, $0x11  }
0xbb: {  	s0 =	sor.u32 s1, s0  }
0xbc: {  	s0 =	sadd.s32 $0x8F2B, s0  }
0xbd: {  	[sflag:s0] =	ssyncadd.remote.s32 $0x1  }
0xbe: {  	_ =	sfence.sel $0xFFFF  }
0xbf: {  	[dreg:$0x0] =	wrdreg $0xFFFFFFFF;
	(pc) =	sbr.abs _section_cstart, $3  }
0xc0: {  	[dreg:$0x1] =	wrdreg $0xFFFFFFFF  }
0xc1: {  	_ =	task.clear_ibuf [dreg:s6], $0x2FFFF;
	_ =	strace $0x9FFFFFFF  }
0xc2: {  	(tm) =	ssettm $0x7FFFFFFF  }
0xc3: {  	_ =	shalt  }
tec
execute0_lowered:
.L_overlay_start_1:
0x0: {  	(tag) =	ssettag $0x1  }
0x1: {  	s0 =	srdreg.scid;
	s4 =	rddreg [dreg:$0x0]  }
0x2: {  	s2 =	rddreg [dreg:$0x1];
	s1 =	stileid.u32  }
0x3: {  	s3 =	simm.s32 $0x0;
	s13 =	simm.s32 $0x28;
	s14 =	simm.s32 $0x2710  }
0x4: {  	s15 =	simm.s32 $0x50;
	s16 =	simm.s32 $0x78;
	s17 =	simm.s32 $0x1  }
0x5: {  	s5 =	sand.u32 $0x1, s0;
	s0 =	rddreg [dreg:$0x2];
	s7 =	smul.u32 $0xA000, s1  }
0x6: {  	s21 =	simm.s32 $0x0;
	[smem:$0x7FF] =	sst s3;
	s10 =	smul.u32 $0x2800, s1  }
0x7: {  	s31 =	sshll.u32 s1, $0x6;
	s6 =	sshll.u32 s5, $0x4;
	_ =	strace $0x80000047  }
0x8: {  	s29 =	smul.u32 $0x5000, s5;
	s5 =	ssub.s32 $0x2, s5;
	s6 =	sor.u32 s1, s6  }
0x9: {  	s8 =	sshrl.u32 s5, $0x1;
	s7 =	sshrl.u32 s7, $0x2;
	s19 =	sshrl.u32 s10, $0x3  }
0xa: {  	s6 =	smul.u32 $0x4E2, s6;
	s11 =	sadd.s32 s29, s4;
	s30 =	sadd.s32 s7, s2  }
0xb: {  	s12 =	ssub.s32 s5, s8;
	s5 =	sadd.s32 $0x800, s30;
	s7 =	sadd.s32 $0x1800, s30  }
0xc: {  	s8 =	sadd.s32 $0x2000, s30;
	s18 =	sadd.s32 $0x15400, s11;
	s11 =	simm.s32 $0x2990  }
0xd: {  	s9 =	sadd.s32 s6, s4;
	s4 =	sadd.s32 s10, s2;
	s6 =	sadd.s32 $0x1000, s30  }
0xe: {  	s10 =	smax.u32 s12, $0x1;
	s12 =	simm.s32 $0x2;
	s18 =	sadd.s32 s19, s18  }
0xf: {  	v0 =	vimm.f32 $0.0e+00;
	v1 =	vimm.f32 $1.000000000e+00;
	s19 =	sor.u32 $0x1C02, s31;
	s9 =	sadd.s32 $0xB600, s9;
	s20 =	sshrl.u32 s4, $0x3  }
.LBB2_1:
0x10: {  	s22 =	simm.s32 $0x40;
	s23 =	simm.s32 $0x0  }
.LBB2_2:
0x11: {  	p0 =	sne.s32 s22, $0x1FC0;
	[tilespmem:s23+$0x2990] =	vst v0;
	s23 =	smov.u32 s22;
	s22 =	sadd.s32 $0x40, s22  }
.Ltmp0:
0x12: {  	(pc) =	sbr.rel @p0 .LBB2_2-.Ltmp0, $2  }
0x13: {  	_ =	sdelay $0x2  }
0x14: {  	s23 =	sshra.s32 s23, $0x2  }
0x15: {  	[tilespmem:s23+$0x2990] =	vst v0  }
0x16: {  	[spmem:s4] =	stream.linear.scatter [tilespmem:s11], [sflag:$0x2], $0x800, $0x38;
	[tilespmem:$0x5990] =	vst v63  }
0x17: {  	_ =	swait.ge [sflag:s12], $0x800  }
0x18: {  	[sflag:s12] =	ssyncset.done $0x0  }
0x19: {  	[sflag:s12] =	ssyncadd.s32 $0xFFFFF800  }
0x1a: {  	[spmem:s5] =	stream.linear.scatter [tilespmem:s11], [sflag:$0x2], $0x800, $0x38;
	[tilespmem:$0x5990] =	vst v63  }
0x1b: {  	_ =	swait.ge [sflag:s12], $0x800  }
0x1c: {  	[sflag:s12] =	ssyncset.done $0x0  }
0x1d: {  	[sflag:s12] =	ssyncadd.s32 $0xFFFFF800  }
0x1e: {  	[spmem:s6] =	stream.linear.scatter [tilespmem:s11], [sflag:$0x2], $0x800, $0x38;
	[tilespmem:$0x5990] =	vst v63  }
0x1f: {  	_ =	swait.ge [sflag:s12], $0x800  }
0x20: {  	[sflag:s12] =	ssyncset.done $0x0  }
0x21: {  	[sflag:s12] =	ssyncadd.s32 $0xFFFFF800  }
0x22: {  	[spmem:s7] =	stream.linear.scatter [tilespmem:s11], [sflag:$0x2], $0x800, $0x38;
	[tilespmem:$0x5990] =	vst v63  }
0x23: {  	_ =	swait.ge [sflag:s12], $0x800  }
0x24: {  	[sflag:s12] =	ssyncset.done $0x0  }
0x25: {  	[sflag:s12] =	ssyncadd.s32 $0xFFFFF800  }
0x26: {  	[spmem:s8] =	stream.linear.scatter [tilespmem:s11], [sflag:$0x2], $0x800, $0x38;
	[tilespmem:$0x5990] =	vst v63  }
0x27: {  	_ =	swait.ge [sflag:s12], $0x800  }
0x28: {  	[sflag:s12] =	ssyncset.done $0x0  }
0x29: {  	[sflag:s12] =	ssyncadd.s32 $0xFFFFF800  }
0x2a: {  	[tilespmem:$0x2710] =	vst v1  }
0x2b: {  	[tilespmem:$0x2720] =	vst v1  }
0x2c: {  	[tilespmem:$0x2730] =	vst v1  }
0x2d: {  	[tilespmem:$0x2740] =	vst v1  }
0x2e: {  	[tilespmem:$0x2750] =	vst v1  }
0x2f: {  	[tilespmem:$0x2760] =	vst v1  }
0x30: {  	[tilespmem:$0x2770] =	vst v1  }
0x31: {  	[tilespmem:$0x2780] =	vst v1  }
0x32: {  	[tilespmem:$0x2790] =	vst v1  }
0x33: {  	[tilespmem:$0x27A0] =	vst v1  }
0x34: {  	[tilespmem:$0x27B0] =	vst v1  }
0x35: {  	[tilespmem:$0x27C0] =	vst v1  }
0x36: {  	[tilespmem:$0x27D0] =	vst v1  }
0x37: {  	[tilespmem:$0x27E0] =	vst v1  }
0x38: {  	[tilespmem:$0x27F0] =	vst v1  }
0x39: {  	[tilespmem:$0x2800] =	vst v1  }
0x3a: {  	[tilespmem:$0x2810] =	vst v1  }
0x3b: {  	[tilespmem:$0x2820] =	vst v1  }
0x3c: {  	[tilespmem:$0x2830] =	vst v1  }
0x3d: {  	[tilespmem:$0x2840] =	vst v1  }
0x3e: {  	[tilespmem:$0x2850] =	vst v1  }
0x3f: {  	[tilespmem:$0x2860] =	vst v1  }
0x40: {  	[tilespmem:$0x2870] =	vst v1  }
0x41: {  	[tilespmem:$0x2880] =	vst v1  }
0x42: {  	[tilespmem:$0x2890] =	vst v1  }
0x43: {  	[tilespmem:$0x28A0] =	vst v1  }
0x44: {  	[tilespmem:$0x28B0] =	vst v1  }
0x45: {  	[tilespmem:$0x28C0] =	vst v1  }
0x46: {  	[tilespmem:$0x28D0] =	vst v1  }
0x47: {  	[tilespmem:$0x28E0] =	vst v1  }
0x48: {  	[tilespmem:$0x28F0] =	vst v1  }
0x49: {  	[tilespmem:$0x2900] =	vst v1  }
0x4a: {  	[tilespmem:$0x2910] =	vst v1  }
0x4b: {  	[tilespmem:$0x2920] =	vst v1  }
0x4c: {  	[tilespmem:$0x2930] =	vst v1  }
0x4d: {  	[tilespmem:$0x2940] =	vst v1  }
0x4e: {  	[tilespmem:$0x2950] =	vst v1  }
0x4f: {  	[tilespmem:$0x2960] =	vst v1  }
0x50: {  	[tilespmem:$0x2970] =	vst v1  }
0x51: {  	[tilespmem:$0x2980] =	vst v1  }
0x52: {  	[tilespmem:s3], [sflag:$0x2] =	stream.linear.gather [hbm4b:s9+s3], $0x2710, $0x38;
	[tilespmem:$0x5990] =	vst v63  }
0x53: {  	_ =	swait.ge [sflag:s12], $0x2710  }
0x54: {  	[sflag:s12] =	ssyncset.done $0x0  }
0x55: {  	[sflag:s12] =	ssyncadd.s32 $0xFFFFD8F0  }
0x56: {  	[bflag:$0x0] =	sbarrier.arrive $0xFFFF  }
0x57: {  	[spmem:s2] =	stream.indirect.scatter.add.f32 [tilespmem:s14], [sflag:$0x1], $0x10, s3, s13, $0xb8;
	[tilespmem:$0x5990] =	vst v63  }
0x58: {  	_ = 	snop  }
0x59: {  	[spmem:s2] =	stream.indirect.scatter.add.f32 [tilespmem:s14], [sflag:$0x1], $0x10, s13, s13, $0xb8;
	[tilespmem:$0x5990] =	vst v63  }
0x5a: {  	_ = 	snop  }
0x5b: {  	[spmem:s2] =	stream.indirect.scatter.add.f32 [tilespmem:s14], [sflag:$0x1], $0x10, s15, s13, $0xb8;
	[tilespmem:$0x5990] =	vst v63  }
0x5c: {  	_ = 	snop  }
0x5d: {  	[spmem:s2] =	stream.indirect.scatter.add.f32 [tilespmem:s14], [sflag:$0x1], $0x10, s16, s13, $0xb8;
	[tilespmem:$0x5990] =	vst v63  }
0x5e: {  	s22 =	simm.s32 $0xA0  }
0x5f: {  	[spmem:s2] =	stream.indirect.scatter.add.f32 [tilespmem:s14], [sflag:$0x1], $0x10, s22, s13, $0xb8;
	[tilespmem:$0x5990] =	vst v63  }
0x60: {  	_ =	swait.ge [sflag:s17], $0x280  }
0x61: {  	s22 =	simm.s32 $0x320;
	[sflag:s17] =	ssyncset.done $0x0  }
.LBB2_4:
0x62: {  	s23 =	sshra.s32 s22, $0x2;
	[sflag:s17] =	ssyncadd.s32 $0xFFFFFD80;
	p0 =	sne.s32 s22, $0x9BA0  }
0x63: {  	[spmem:s2] =	stream.indirect.scatter.add.f32 [tilespmem:s14], [sflag:$0x1], $0x10, s23, s13, $0xb8;
	[tilespmem:$0x5990] =	vst v63  }
.Ltmp1:
0x64: {  	_ = 	snop;
	(pc) =	sbr.rel @p0 .LBB2_4-.Ltmp1, $4  }
0x65: {  	_ = 	snop  }
0x66: {  	s22 =	sadd.s32 $0xA0, s22  }
0x67: {  	_ =	swait.ge [sflag:s17], $0x280  }
0x68: {  	[sflag:s17] =	ssyncset.done $0x0  }
0x69: {  	[sflag:s17] =	ssyncadd.s32 $0xFFFFFD80  }
0x6a: {  	_ =	swait.ge [sflag:s17], $0x280  }
0x6b: {  	[sflag:s17] =	ssyncset.done $0x0  }
0x6c: {  	[sflag:s17] =	ssyncadd.s32 $0xFFFFFD80  }
0x6d: {  	_ =	swait.ge [sflag:s17], $0x280  }
0x6e: {  	[sflag:s17] =	ssyncset.done $0x0  }
0x6f: {  	[sflag:s17] =	ssyncadd.s32 $0xFFFFFD80  }
0x70: {  	_ =	swait.ge [sflag:s17], $0x280  }
0x71: {  	[sflag:s17] =	ssyncset.done $0x0  }
0x72: {  	[sflag:s17] =	ssyncadd.s32 $0xFFFFFD80  }
0x73: {  	_ =	swait.ge [sflag:s17], $0x280  }
0x74: {  	s21 =	sadd.s32 $0x1, s21;
	[sflag:s17] =	ssyncset.done $0x0  }
0x75: {  	p0 =	sne.s32 s21, s10;
	[sflag:s17] =	ssyncadd.s32 $0xFFFFFD80  }
.Ltmp2:
0x76: {  	[bflag:$0x0] =	sbarrier.arrive $0xFFFF;
	(pc) =	sbr.rel @p0 .LBB2_1-.Ltmp2, $4  }
0x77: {  	[hbm:s18], [sflag:s19] =	dma.local [spmem:s20], $0x500  }
0x78: {  	_ =	swait.ge [sflag:s12], $0x500  }
0x79: {  	[sflag:s12] =	ssyncset.done $0x0  }
0x7a: {  	[sflag:s12] =	ssyncadd.s32 $0xFFFFFB00  }
0x7b: {  	_ =	sfence.sel $0x180000  }
0x7c: {  	[bflag:$0x0] =	sbarrier.arrive $0xFFFF  }
0x7d: {  	p0 =	sne.s32 s1, $0x0;
	_ =	strace $0x90000047  }
0x7e: {  	s0 =	sadd.s32 @!p0 $0x100000, s0;
	[bflag:$0x2] =	sbarrier.arrive $0xFFFF  }
0x7f: {  	[sflag:s0] =	ssyncadd.tile.s32 @!p0 $0x1;
	_ =	shalt  }
.Lfunc_end2:
_tile_overlayer_lowered:
.L_overlay_start_2:
0x80: {  	(tag) =	ssettag $0x2  }
0x81: {  	s0 =	rddreg [dreg:$0x0];
	s2 =	stileid.u32  }
0x82: {  	s1 =	rddreg [dreg:$0x1];
	p0 =	sne.s32 s2, $0x0  }
0x83: {  	s3 =	rddreg [dreg:$0x2];
	[bflag:$0x3] =	sbarrier.arrive $0xFFFF;
	s2 =	simm.s32 @!p0 $0x1C02  }
0x84: {  	[timem:s3], [sflag:s2] =	dma.local @!p0 [hbm:s0], s1  }
0x85: {  	s0 =	simm.s32 @!p0 $0x2  }
0x86: {  	_ =	swait.ge @!p0 [sflag:s0], s1  }
0x87: {  	s1 =	ssub.s32 @!p0 $0x0, s1;
	[sflag:s0] =	ssyncset.done @!p0 $0x0  }
0x88: {  	[sflag:s0] =	ssyncadd.s32 @!p0 s1  }
0x89: {  	[bflag:$0x3] =	sbarrier.arrive $0xFFFF  }
0x8a: {  	_ =	shalt  }

</sc_bundles>
